<compile_context>
chip_gen: v7x
topology: tpu7x:2x2x1
jax: 0.10.2.dev20260603
libtpu: 0.0.44.dev20260713+nightly
codegen_flags: <defaults>
</compile_context>

<pallas_src>
import functools

import jax
import jax.numpy as jnp
from jax import lax
from jax.experimental import pallas as pl
from jax.experimental.pallas import tpu as pltpu
from jax.experimental.pallas import tpu_sc as plsc

NC = 2
NS = 16
NW = NC * NS


def _deg_call(n, epw):
    @functools.partial(
        pl.kernel,
        out_type=jax.ShapeDtypeStruct((NW, n), jnp.float32),
        mesh=plsc.VectorSubcoreMesh(core_axis_name="c", subcore_axis_name="s"),
        scratch_types=[
            pltpu.VMEM((epw,), jnp.int32),
            pltpu.VMEM((n,), jnp.float32),
        ],
        compiler_params=pltpu.CompilerParams(needs_layout_passes=False),
    )
    def deg_kernel(dst_hbm, out_hbm, idx_v, hist_v):
        c = lax.axis_index("c")
        s = lax.axis_index("s")
        wid = c * NS + s
        pltpu.sync_copy(dst_hbm.at[wid], idx_v)
        zeros16 = jnp.zeros((16,), jnp.float32)

        def zbody(i, carry):
            hist_v[pl.ds(i * 16, 16)] = zeros16
            return carry

        lax.fori_loop(0, n // 16, zbody, 0)
        ones16 = jnp.ones((16,), jnp.float32)

        def body(i, carry):
            idx16 = idx_v[pl.ds(i * 16, 16)]
            plsc.addupdate_scatter(hist_v, [idx16], ones16)
            return carry

        lax.fori_loop(0, epw // 16, body, 0)
        pltpu.sync_copy(hist_v, out_hbm.at[wid])

    return deg_kernel


def _agg_call(n, d, nch, ch, np_, gc):
    ng = nch // gc
    rpt = np_ // NS

    @functools.partial(
        pl.kernel,
        out_type=jax.ShapeDtypeStruct((NC, np_, d), jnp.float32),
        mesh=plsc.VectorSubcoreMesh(core_axis_name="c", subcore_axis_name="s"),
        scratch_types=[
            pltpu.VMEM((gc, ch), jnp.int32),
            pltpu.VMEM((gc, ch), jnp.int32),
            pltpu.VMEM((3, ch, d), jnp.float32),
            pltpu.VMEM_SHARED((np_, d), jnp.float32),
            pltpu.SemaphoreType.DMA,
            pltpu.SemaphoreType.DMA,
            pltpu.SemaphoreType.DMA,
        ],
        compiler_params=pltpu.CompilerParams(needs_layout_passes=False),
    )
    def agg_kernel(src_hbm, dst_hbm, g_hbm, out_hbm,
                   src_v, dst_v, rows_v, acc_sh, sem_a, sem_b, sem_c):
        c = lax.axis_index("c")
        s = lax.axis_index("s")
        wid = c * NS + s

        zeros16 = jnp.zeros((16,), jnp.float32)
        vpr = d // 16

        def zb(i, carry):
            rows_v[0, i // vpr, pl.ds((i % vpr) * 16, 16)] = zeros16
            return carry

        lax.fori_loop(0, ch * vpr, zb, 0)

        def zc(i, carry):
            pltpu.sync_copy(rows_v.at[0],
                            acc_sh.at[pl.ds(s * rpt + i * ch, ch)])
            return carry

        lax.fori_loop(0, rpt // ch, zc, 0)
        plsc.subcore_barrier()

        nb = 3
        sems = (sem_a, sem_b, sem_c)
        for grp in range(ng):
            pltpu.sync_copy(src_hbm.at[wid, grp], src_v)
            pltpu.sync_copy(dst_hbm.at[wid, grp], dst_v)
            for t in range(nb):
                pltpu.async_copy(g_hbm.at[src_v.at[t]], rows_v.at[t],
                                 sems[t])

            def body(k, carry):
                for t in range(nb):
                    j = nb * k + t
                    pltpu.make_async_copy(g_hbm.at[src_v.at[j]],
                                          rows_v.at[t], sems[t]).wait()
                    pltpu.sync_copy(rows_v.at[t], acc_sh.at[dst_v.at[j]],
                                    add=True)

                    @pl.when(j + nb < gc)
                    def _():
                        pltpu.async_copy(g_hbm.at[src_v.at[j + nb]],
                                         rows_v.at[t], sems[t])

                return carry

            lax.fori_loop(0, gc // nb, body, 0)
            for j in range(nb * (gc // nb), gc):
                t = j % nb
                pltpu.make_async_copy(g_hbm.at[src_v.at[j]],
                                      rows_v.at[t], sems[t]).wait()
                pltpu.sync_copy(rows_v.at[t], acc_sh.at[dst_v.at[j]],
                                add=True)
        plsc.subcore_barrier()
        pltpu.sync_copy(acc_sh.at[pl.ds(s * rpt, rpt)],
                        out_hbm.at[c, pl.ds(s * rpt, rpt)])

    return agg_kernel


def _tc1_body(x_ref, w_ref, degp_ref, g_ref):
    deg = jnp.sum(degp_ref[...], axis=0)
    inv = lax.rsqrt(jnp.maximum(deg, 1.0))
    h = lax.dot_general(x_ref[...], w_ref[...], (((1,), (1,)), ((), ())),
                        preferred_element_type=jnp.float32)
    g_ref[...] = h * inv[:, None]


def _tc2_body(p_ref, degp_ref, o_ref):
    deg = jnp.sum(degp_ref[...], axis=0)
    inv = lax.rsqrt(jnp.maximum(deg, 1.0))
    o_ref[...] = (p_ref[0, :deg.shape[0]] + p_ref[1, :deg.shape[0]]) * inv[:, None]


def kernel(x, edge_index, W):
    n, d = x.shape
    e = edge_index.shape[1]
    epw = e // NW
    ch = 80
    nch = epw // ch
    gc = 25
    quantum = NS * ch
    while quantum % 8:
        quantum *= 2
    np_ = ((n + quantum - 1) // quantum) * quantum

    src_r = edge_index[0].reshape(NW, nch // gc, gc, ch)
    dst_r = edge_index[1].reshape(NW, nch // gc, gc, ch)
    dst_flat = edge_index[1].reshape(NW, epw)

    degp = _deg_call(n, epw)(dst_flat)

    g = pl.pallas_call(
        _tc1_body,
        out_shape=jax.ShapeDtypeStruct((n, d), jnp.float32),
    )(x, W, degp)

    partials = _agg_call(n, d, nch, ch, np_, gc)(src_r, dst_r, g)

    out = pl.pallas_call(
        _tc2_body,
        out_shape=jax.ShapeDtypeStruct((n, d), jnp.float32),
    )(partials, degp)

    return out

# --- scband reference (transcript-rebuilt; emitter-appended) ---
"""Pipeline reference for scband-gcnlayer-85701777424615 (READ-ONLY COPY).

The authoritative reference and input builder live on the scoring server;
editing this copy changes nothing except your own understanding.
"""

import jax, jax.numpy as jnp
import numpy as np

N = 10000
E = 320000
D = 128

def setup_inputs(seed: int = 0):
    key = jax.random.key(seed)
    k1, k2, k3 = jax.random.split(key, 3)
    x = jax.random.normal(k1, (N, D), dtype=jnp.float32)
    edge_index = jax.random.randint(k2, (2, E), 0, N, dtype=jnp.int32)
    W = jax.random.normal(k3, (D, D), dtype=jnp.float32) * 0.05
    return {"x": x, "edge_index": edge_index, "W": W}

def reference(x, edge_index, W):
    # Linear transform (nn.Linear with bias=False): h = x @ W^T
    h = x @ W.T
    src = edge_index[0]
    dst = edge_index[1]
    # graph_norm=True -> symmetric degree normalization (GCN norm)
    deg = jnp.zeros((N,), dtype=jnp.float32).at[dst].add(1.0)
    deg = jnp.clip(deg, 1.0, None)
    inv_sqrt = jax.lax.rsqrt(deg)
    norm = inv_sqrt[src] * inv_sqrt[dst]
    # gather messages from source nodes, scale, scatter-add to destination nodes
    msg = h[src] * norm[:, None]
    out = jnp.zeros((N, D), dtype=h.dtype).at[dst].add(msg)
    # activation=None, batch_norm=False, pair_norm=False, residual=False, dropout=0
    return out

if __name__ == "__main__":
    import jax
    _d = setup_inputs()
    print(jax.jit(kernel)(*tuple(_d.values())))

</pallas_src>

<mosaic_0001>
#map = affine_map<(d0, d1) -> (0, 0)>
module attributes {stable_mosaic.version = 14 : i64} {
  func.func @deg_kernel(%arg0: i32, %arg1: i32, %arg2: memref<32x10000xi32, #tpu.memory_space<hbm>>, %arg3: memref<32x10000xf32, #tpu.memory_space<hbm>>, %arg4: memref<10000xi32, #tpu.memory_space<vmem>>, %arg5: memref<10000xf32, #tpu.memory_space<vmem>>) attributes {dimension_semantics = [#tpu.dimension_semantics<core_parallel>, #tpu.dimension_semantics<subcore_parallel>], iteration_bounds = array<i64: 2, 16>, scalar_prefetch = 0 : i64, scratch_operands = 2 : i64, tpu.core_type = #tpu.core_type<sc_vector_subcore>, window_params = [{transform_indices = #map}, {transform_indices = #map}]} {
    %mul3A = arith.constant 16 : i32
    %mul3A_0 = arith.muli %arg0, %mul3A : i32
    %add3A = arith.addi %mul3A_0, %arg1 : i32
    "tpu.region"() ({
      %run_scoped3A = tpu.sem_alloc : memref<!tpu.dma_semaphore, #tpu.memory_space<semaphore_mem>>
      %dma_start3A = arith.constant 0 : i32
      %dma_start3A_15 = tpu.memref_slice %arg2[%add3A, %dma_start3A] : memref<32x10000xi32, #tpu.memory_space<hbm>> -> memref<1x10000xi32, #tpu.memory_space<hbm>>
      %dma_start3A_16 = tpu.memref_squeeze %dma_start3A_15 : memref<1x10000xi32, #tpu.memory_space<hbm>> -> memref<10000xi32, #tpu.memory_space<hbm>>
      %dma_start3A_17 = arith.constant 0 : i32
      %dma_start3A_18 = tpu.memref_slice %arg2[%add3A, %dma_start3A_17] : memref<32x10000xi32, #tpu.memory_space<hbm>> -> memref<1x10000xi32, #tpu.memory_space<hbm>>
      %dma_start3A_19 = tpu.memref_squeeze %dma_start3A_18 : memref<1x10000xi32, #tpu.memory_space<hbm>> -> memref<10000xi32, #tpu.memory_space<hbm>>
      tpu.enqueue_dma source(%dma_start3A_19 : memref<10000xi32, #tpu.memory_space<hbm>>) target(%arg4 : memref<10000xi32, #tpu.memory_space<vmem>>) target_semaphore(%run_scoped3A : memref<!tpu.dma_semaphore, #tpu.memory_space<semaphore_mem>>)
      %dma_wait3A = arith.constant 0 : i32
      %dma_wait3A_20 = tpu.memref_slice %arg2[%add3A, %dma_wait3A] : memref<32x10000xi32, #tpu.memory_space<hbm>> -> memref<1x10000xi32, #tpu.memory_space<hbm>>
      %dma_wait3A_21 = tpu.memref_squeeze %dma_wait3A_20 : memref<1x10000xi32, #tpu.memory_space<hbm>> -> memref<10000xi32, #tpu.memory_space<hbm>>
      %dma_wait3A_22 = arith.constant 0 : i32
      %dma_wait3A_23 = tpu.memref_slice %arg2[%add3A, %dma_wait3A_22] : memref<32x10000xi32, #tpu.memory_space<hbm>> -> memref<1x10000xi32, #tpu.memory_space<hbm>>
      %dma_wait3A_24 = tpu.memref_squeeze %dma_wait3A_23 : memref<1x10000xi32, #tpu.memory_space<hbm>> -> memref<10000xi32, #tpu.memory_space<hbm>>
      tpu.wait_dma2 semaphore(%run_scoped3A : memref<!tpu.dma_semaphore, #tpu.memory_space<semaphore_mem>>) src(%dma_wait3A_24 : memref<10000xi32, #tpu.memory_space<hbm>>) dst(%arg4 : memref<10000xi32, #tpu.memory_space<vmem>>)
      tpu.yield
    }) : () -> ()
    %broadcast_in_dim3A = arith.constant 0.000000e+00 : f32
    %broadcast_in_dim3A_1 = vector.broadcast %broadcast_in_dim3A : f32 to vector<16xf32>
    %scan3A = arith.constant 0 : i32
    %scan3A_2 = arith.constant 0 : i32
    %scan3A_3 = arith.constant 625 : i32
    %scan3A_4 = arith.addi %scan3A_2, %scan3A_3 : i32
    %scan3A_5 = arith.constant 1 : i32
    scf.for %scan3A_15 = %scan3A_2 to %scan3A_4 step %scan3A_5  : i32 {
      %mul3A_16 = arith.constant 16 : i32
      %mul3A_17 = arith.muli %scan3A_15, %mul3A_16 : i32
      %swap3A = arith.index_cast %mul3A_17 : i32 to index
      %swap3A_18 = tpu.vector_load %arg5[%swap3A] {strides = array<i32>} : memref<10000xf32, #tpu.memory_space<vmem>>, vector<16xf32>,
      tpu.vector_store %arg5[%swap3A], %broadcast_in_dim3A_1 {strides = array<i32>} : memref<10000xf32, #tpu.memory_space<vmem>>, vector<16xf32>,
    }
    %scan3A_6 = arith.constant 625 : i32
    %broadcast_in_dim3A_7 = arith.constant 1.000000e+00 : f32
    %broadcast_in_dim3A_8 = vector.broadcast %broadcast_in_dim3A_7 : f32 to vector<16xf32>
    %scan3A_9 = arith.constant 0 : i32
    %scan3A_10 = arith.constant 0 : i32
    %scan3A_11 = arith.constant 625 : i32
    %scan3A_12 = arith.addi %scan3A_10, %scan3A_11 : i32
    %scan3A_13 = arith.constant 1 : i32
    scf.for %scan3A_15 = %scan3A_10 to %scan3A_12 step %scan3A_13  : i32 {
      %mul3A_16 = arith.constant 16 : i32
      %mul3A_17 = arith.muli %scan3A_15, %mul3A_16 : i32
      %get3A = arith.index_cast %mul3A_17 : i32 to index
      %get3A_18 = tpu.vector_load %arg4[%get3A] {strides = array<i32>} : memref<10000xi32, #tpu.memory_space<vmem>>, vector<16xi32>,
      tpu.vector_store_idx %arg5[%get3A_18], %broadcast_in_dim3A_8 {add = true} : memref<10000xf32, #tpu.memory_space<vmem>>[vector<16xi32>], vector<16xf32>,
    }
    %scan3A_14 = arith.constant 625 : i32
    "tpu.region"() ({
      %run_scoped3A = tpu.sem_alloc : memref<!tpu.dma_semaphore, #tpu.memory_space<semaphore_mem>>
      %dma_start3A = arith.constant 0 : i32
      %dma_start3A_15 = tpu.memref_slice %arg3[%add3A, %dma_start3A] : memref<32x10000xf32, #tpu.memory_space<hbm>> -> memref<1x10000xf32, #tpu.memory_space<hbm>>
      %dma_start3A_16 = tpu.memref_squeeze %dma_start3A_15 : memref<1x10000xf32, #tpu.memory_space<hbm>> -> memref<10000xf32, #tpu.memory_space<hbm>>
      %dma_start3A_17 = arith.constant 0 : i32
      %dma_start3A_18 = tpu.memref_slice %arg3[%add3A, %dma_start3A_17] : memref<32x10000xf32, #tpu.memory_space<hbm>> -> memref<1x10000xf32, #tpu.memory_space<hbm>>
      %dma_start3A_19 = tpu.memref_squeeze %dma_start3A_18 : memref<1x10000xf32, #tpu.memory_space<hbm>> -> memref<10000xf32, #tpu.memory_space<hbm>>
      tpu.enqueue_dma source(%arg5 : memref<10000xf32, #tpu.memory_space<vmem>>) target(%dma_start3A_19 : memref<10000xf32, #tpu.memory_space<hbm>>) target_semaphore(%run_scoped3A : memref<!tpu.dma_semaphore, #tpu.memory_space<semaphore_mem>>)
      %dma_wait3A = arith.constant 0 : i32
      %dma_wait3A_20 = tpu.memref_slice %arg3[%add3A, %dma_wait3A] : memref<32x10000xf32, #tpu.memory_space<hbm>> -> memref<1x10000xf32, #tpu.memory_space<hbm>>
      %dma_wait3A_21 = tpu.memref_squeeze %dma_wait3A_20 : memref<1x10000xf32, #tpu.memory_space<hbm>> -> memref<10000xf32, #tpu.memory_space<hbm>>
      %dma_wait3A_22 = arith.constant 0 : i32
      %dma_wait3A_23 = tpu.memref_slice %arg3[%add3A, %dma_wait3A_22] : memref<32x10000xf32, #tpu.memory_space<hbm>> -> memref<1x10000xf32, #tpu.memory_space<hbm>>
      %dma_wait3A_24 = tpu.memref_squeeze %dma_wait3A_23 : memref<1x10000xf32, #tpu.memory_space<hbm>> -> memref<10000xf32, #tpu.memory_space<hbm>>
      tpu.wait_dma2 semaphore(%run_scoped3A : memref<!tpu.dma_semaphore, #tpu.memory_space<semaphore_mem>>) src(%arg5 : memref<10000xf32, #tpu.memory_space<vmem>>) dst(%dma_wait3A_24 : memref<10000xf32, #tpu.memory_space<hbm>>)
      tpu.yield
    }) : () -> ()
    return
  }
}

#map = affine_map<(d0, d1) -> (0, 0, 0, 0)>
#map1 = affine_map<(d0, d1) -> (0, 0)>
#map2 = affine_map<(d0, d1) -> (0, 0, 0)>
module attributes {stable_mosaic.version = 14 : i64} {
  func.func @agg_kernel(%arg0: i32, %arg1: i32, %arg2: memref<32x5x25x80xi32, #tpu.memory_space<hbm>>, %arg3: memref<32x5x25x80xi32, #tpu.memory_space<hbm>>, %arg4: memref<10000x128xf32, #tpu.memory_space<hbm>>, %arg5: memref<2x10240x128xf32, #tpu.memory_space<hbm>>, %arg6: memref<25x80xi32, #tpu.memory_space<vmem>>, %arg7: memref<25x80xi32, #tpu.memory_space<vmem>>, %arg8: memref<3x80x128xf32, #tpu.memory_space<vmem>>, %arg9: memref<10240x128xf32, #tpu.memory_space<vmem_shared>>, %arg10: memref<!tpu.dma_semaphore, #tpu.memory_space<semaphore_mem>>, %arg11: memref<!tpu.dma_semaphore, #tpu.memory_space<semaphore_mem>>, %arg12: memref<!tpu.dma_semaphore, #tpu.memory_space<semaphore_mem>>) attributes {dimension_semantics = [#tpu.dimension_semantics<core_parallel>, #tpu.dimension_semantics<subcore_parallel>], iteration_bounds = array<i64: 2, 16>, scalar_prefetch = 0 : i64, scratch_operands = 7 : i64, tpu.core_type = #tpu.core_type<sc_vector_subcore>, window_params = [{transform_indices = #map}, {transform_indices = #map}, {transform_indices = #map1}, {transform_indices = #map2}]} {
    %mul3A = arith.constant 16 : i32
    %mul3A_0 = arith.muli %arg0, %mul3A : i32
    %add3A = arith.addi %mul3A_0, %arg1 : i32
    %broadcast_in_dim3A = arith.constant 0.000000e+00 : f32
    %broadcast_in_dim3A_1 = vector.broadcast %broadcast_in_dim3A : f32 to vector<16xf32>
    %scan3A = arith.constant 0 : i32
    %scan3A_2 = arith.constant 0 : i32
    %scan3A_3 = arith.constant 640 : i32
    %scan3A_4 = arith.addi %scan3A_2, %scan3A_3 : i32
    %scan3A_5 = arith.constant 1 : i32
    scf.for %scan3A_305 = %scan3A_2 to %scan3A_4 step %scan3A_5  : i32 {
      %jit3A = arith.constant 8 : i32
      %div3A = arith.divsi %scan3A_305, %jit3A : i32
      %sign3A = arith.constant 0 : i32
      %sign3A_306 = arith.cmpi sgt, %scan3A_305, %sign3A : i32
      %sign3A_307 = arith.extui %sign3A_306 : i1 to i32
      %sign3A_308 = arith.constant 0 : i32
      %sign3A_309 = arith.cmpi slt, %scan3A_305, %sign3A_308 : i32
      %sign3A_310 = arith.extui %sign3A_309 : i1 to i32
      %sign3A_311 = arith.subi %sign3A_307, %sign3A_310 : i32
      %sign3A_312 = arith.constant 0 : i32
      %sign3A_313 = arith.cmpi sgt, %jit3A, %sign3A_312 : i32
      %sign3A_314 = arith.extui %sign3A_313 : i1 to i32
      %sign3A_315 = arith.constant 0 : i32
      %sign3A_316 = arith.cmpi slt, %jit3A, %sign3A_315 : i32
      %sign3A_317 = arith.extui %sign3A_316 : i1 to i32
      %sign3A_318 = arith.subi %sign3A_314, %sign3A_317 : i32
      %ne3A = arith.cmpi ne, %sign3A_311, %sign3A_318 : i32
      %rem3A = arith.remsi %scan3A_305, %jit3A : i32
      %ne3A_319 = arith.constant 0 : i32
      %ne3A_320 = arith.cmpi ne, %rem3A, %ne3A_319 : i32
      %and3A = arith.andi %ne3A, %ne3A_320 : i1
      %sub3A = arith.constant 1 : i32
      %sub3A_321 = arith.subi %div3A, %sub3A : i32
      %select_n3A = arith.select %and3A, %sub3A_321, %div3A : i32
      %jit3A_322 = arith.constant 8 : i32
      %eq3A = arith.constant 0 : i32
      %eq3A_323 = arith.cmpi eq, %jit3A_322, %eq3A : i32
      %jit3A_324 = arith.constant 1 : i32
      %select_n3A_325 = arith.select %eq3A_323, %jit3A_324, %jit3A_322 : i32
      %rem3A_326 = arith.remsi %scan3A_305, %select_n3A_325 : i32
      %ne3A_327 = arith.constant 0 : i32
      %ne3A_328 = arith.cmpi ne, %rem3A_326, %ne3A_327 : i32
      %lt3A = arith.constant 0 : i32
      %lt3A_329 = arith.cmpi slt, %rem3A_326, %lt3A : i32
      %lt3A_330 = arith.constant 0 : i32
      %lt3A_331 = arith.cmpi slt, %select_n3A_325, %lt3A_330 : i32
      %ne3A_332 = arith.xori %lt3A_329, %lt3A_331 : i1
      %and3A_333 = arith.andi %ne3A_332, %ne3A_328 : i1
      %add3A_334 = arith.addi %rem3A_326, %select_n3A_325 : i32
      %select_n3A_335 = arith.select %and3A_333, %add3A_334, %rem3A_326 : i32
      %mul3A_336 = arith.constant 16 : i32
      %mul3A_337 = arith.muli %select_n3A_335, %mul3A_336 : i32
      %swap3A = arith.constant 0 : i32
      %swap3A_338 = arith.index_cast %swap3A : i32 to index
      %swap3A_339 = arith.index_cast %select_n3A : i32 to index
      %swap3A_340 = arith.index_cast %mul3A_337 : i32 to index
      %swap3A_341 = tpu.vector_load %arg8[%swap3A_338, %swap3A_339, %swap3A_340] {strides = array<i32>} : memref<3x80x128xf32, #tpu.memory_space<vmem>>, vector<16xf32>,
      tpu.vector_store %arg8[%swap3A_338, %swap3A_339, %swap3A_340], %broadcast_in_dim3A_1 {strides = array<i32>} : memref<3x80x128xf32, #tpu.memory_space<vmem>>, vector<16xf32>,
    }
    %scan3A_6 = arith.constant 640 : i32
    %scan3A_7 = arith.constant 0 : i32
    %scan3A_8 = arith.constant 0 : i32
    %scan3A_9 = arith.constant 8 : i32
    %scan3A_10 = arith.addi %scan3A_8, %scan3A_9 : i32
    %scan3A_11 = arith.constant 1 : i32
    scf.for %scan3A_305 = %scan3A_8 to %scan3A_10 step %scan3A_11  : i32 {
      %mul3A_306 = arith.constant 640 : i32
      %mul3A_307 = arith.muli %arg1, %mul3A_306 : i32
      %mul3A_308 = arith.constant 80 : i32
      %mul3A_309 = arith.muli %scan3A_305, %mul3A_308 : i32
      %add3A_310 = arith.addi %mul3A_307, %mul3A_309 : i32
      %run_scoped3A_311 = arith.constant 0 : i32
      "tpu.region"() ({
        %run_scoped3A_312 = tpu.sem_alloc : memref<!tpu.dma_semaphore, #tpu.memory_space<semaphore_mem>>
        %dma_start3A_313 = arith.constant 0 : i32
        %dma_start3A_314 = arith.constant 0 : i32
        %dma_start3A_315 = tpu.memref_slice %arg8[%run_scoped3A_311, %dma_start3A_313, %dma_start3A_314] : memref<3x80x128xf32, #tpu.memory_space<vmem>> -> memref<1x80x128xf32, #tpu.memory_space<vmem>>
        %dma_start3A_316 = tpu.memref_squeeze %dma_start3A_315 : memref<1x80x128xf32, #tpu.memory_space<vmem>> -> memref<80x128xf32, #tpu.memory_space<vmem>>
        %dma_start3A_317 = arith.constant 0 : i32
        %dma_start3A_318 = tpu.memref_slice %arg9[%add3A_310, %dma_start3A_317] : memref<10240x128xf32, #tpu.memory_space<vmem_shared>> -> memref<80x128xf32, #tpu.memory_space<vmem_shared>>
        %dma_start3A_319 = arith.constant 0 : i32
        %dma_start3A_320 = tpu.memref_slice %arg9[%add3A_310, %dma_start3A_319] : memref<10240x128xf32, #tpu.memory_space<vmem_shared>> -> memref<80x128xf32, #tpu.memory_space<vmem_shared>>
        %dma_start3A_321 = arith.constant 0 : i32
        %dma_start3A_322 = arith.constant 0 : i32
        %dma_start3A_323 = tpu.memref_slice %arg8[%run_scoped3A_311, %dma_start3A_321, %dma_start3A_322] : memref<3x80x128xf32, #tpu.memory_space<vmem>> -> memref<1x80x128xf32, #tpu.memory_space<vmem>>
        %dma_start3A_324 = tpu.memref_squeeze %dma_start3A_323 : memref<1x80x128xf32, #tpu.memory_space<vmem>> -> memref<80x128xf32, #tpu.memory_space<vmem>>
        tpu.enqueue_dma source(%dma_start3A_324 : memref<80x128xf32, #tpu.memory_space<vmem>>) target(%dma_start3A_320 : memref<80x128xf32, #tpu.memory_space<vmem_shared>>) target_semaphore(%run_scoped3A_312 : memref<!tpu.dma_semaphore, #tpu.memory_space<semaphore_mem>>)
        %dma_wait3A_325 = arith.constant 0 : i32
        %dma_wait3A_326 = arith.constant 0 : i32
        %dma_wait3A_327 = tpu.memref_slice %arg8[%run_scoped3A_311, %dma_wait3A_325, %dma_wait3A_326] : memref<3x80x128xf32, #tpu.memory_space<vmem>> -> memref<1x80x128xf32, #tpu.memory_space<vmem>>
        %dma_wait3A_328 = tpu.memref_squeeze %dma_wait3A_327 : memref<1x80x128xf32, #tpu.memory_space<vmem>> -> memref<80x128xf32, #tpu.memory_space<vmem>>
        %dma_wait3A_329 = arith.constant 0 : i32
        %dma_wait3A_330 = tpu.memref_slice %arg9[%add3A_310, %dma_wait3A_329] : memref<10240x128xf32, #tpu.memory_space<vmem_shared>> -> memref<80x128xf32, #tpu.memory_space<vmem_shared>>
        %dma_wait3A_331 = arith.constant 0 : i32
        %dma_wait3A_332 = tpu.memref_slice %arg9[%add3A_310, %dma_wait3A_331] : memref<10240x128xf32, #tpu.memory_space<vmem_shared>> -> memref<80x128xf32, #tpu.memory_space<vmem_shared>>
        %dma_wait3A_333 = arith.constant 0 : i32
        %dma_wait3A_334 = arith.constant 0 : i32
        %dma_wait3A_335 = tpu.memref_slice %arg8[%run_scoped3A_311, %dma_wait3A_333, %dma_wait3A_334] : memref<3x80x128xf32, #tpu.memory_space<vmem>> -> memref<1x80x128xf32, #tpu.memory_space<vmem>>
        %dma_wait3A_336 = tpu.memref_squeeze %dma_wait3A_335 : memref<1x80x128xf32, #tpu.memory_space<vmem>> -> memref<80x128xf32, #tpu.memory_space<vmem>>
        tpu.wait_dma2 semaphore(%run_scoped3A_312 : memref<!tpu.dma_semaphore, #tpu.memory_space<semaphore_mem>>) src(%dma_wait3A_336 : memref<80x128xf32, #tpu.memory_space<vmem>>) dst(%dma_wait3A_332 : memref<80x128xf32, #tpu.memory_space<vmem_shared>>)
        tpu.yield
      }) : () -> ()
    }
    %scan3A_12 = arith.constant 8 : i32
    %barrier3A = arith.constant 0 : index
    tpu.barrier barrier_id(%barrier3A)
    %run_scoped3A = arith.constant 0 : i32
    "tpu.region"() ({
      %run_scoped3A_305 = tpu.sem_alloc : memref<!tpu.dma_semaphore, #tpu.memory_space<semaphore_mem>>
      %dma_start3A_306 = arith.constant 0 : i32
      %dma_start3A_307 = arith.constant 0 : i32
      %dma_start3A_308 = tpu.memref_slice %arg2[%add3A, %run_scoped3A, %dma_start3A_306, %dma_start3A_307] : memref<32x5x25x80xi32, #tpu.memory_space<hbm>> -> memref<1x1x25x80xi32, #tpu.memory_space<hbm>>
      %dma_start3A_309 = tpu.memref_squeeze %dma_start3A_308 : memref<1x1x25x80xi32, #tpu.memory_space<hbm>> -> memref<25x80xi32, #tpu.memory_space<hbm>>
      %dma_start3A_310 = arith.constant 0 : i32
      %dma_start3A_311 = arith.constant 0 : i32
      %dma_start3A_312 = tpu.memref_slice %arg2[%add3A, %run_scoped3A, %dma_start3A_310, %dma_start3A_311] : memref<32x5x25x80xi32, #tpu.memory_space<hbm>> -> memref<1x1x25x80xi32, #tpu.memory_space<hbm>>
      %dma_start3A_313 = tpu.memref_squeeze %dma_start3A_312 : memref<1x1x25x80xi32, #tpu.memory_space<hbm>> -> memref<25x80xi32, #tpu.memory_space<hbm>>
      tpu.enqueue_dma source(%dma_start3A_313 : memref<25x80xi32, #tpu.memory_space<hbm>>) target(%arg6 : memref<25x80xi32, #tpu.memory_space<vmem>>) target_semaphore(%run_scoped3A_305 : memref<!tpu.dma_semaphore, #tpu.memory_space<semaphore_mem>>)
      %dma_wait3A_314 = arith.constant 0 : i32
      %dma_wait3A_315 = arith.constant 0 : i32
      %dma_wait3A_316 = tpu.memref_slice %arg2[%add3A, %run_scoped3A, %dma_wait3A_314, %dma_wait3A_315] : memref<32x5x25x80xi32, #tpu.memory_space<hbm>> -> memref<1x1x25x80xi32, #tpu.memory_space<hbm>>
      %dma_wait3A_317 = tpu.memref_squeeze %dma_wait3A_316 : memref<1x1x25x80xi32, #tpu.memory_space<hbm>> -> memref<25x80xi32, #tpu.memory_space<hbm>>
      %dma_wait3A_318 = arith.constant 0 : i32
      %dma_wait3A_319 = arith.constant 0 : i32
      %dma_wait3A_320 = tpu.memref_slice %arg2[%add3A, %run_scoped3A, %dma_wait3A_318, %dma_wait3A_319] : memref<32x5x25x80xi32, #tpu.memory_space<hbm>> -> memref<1x1x25x80xi32, #tpu.memory_space<hbm>>
      %dma_wait3A_321 = tpu.memref_squeeze %dma_wait3A_320 : memref<1x1x25x80xi32, #tpu.memory_space<hbm>> -> memref<25x80xi32, #tpu.memory_space<hbm>>
      tpu.wait_dma2 semaphore(%run_scoped3A_305 : memref<!tpu.dma_semaphore, #tpu.memory_space<semaphore_mem>>) src(%dma_wait3A_321 : memref<25x80xi32, #tpu.memory_space<hbm>>) dst(%arg6 : memref<25x80xi32, #tpu.memory_space<vmem>>)
      tpu.yield
    }) : () -> ()
    %run_scoped3A_13 = arith.constant 0 : i32
    "tpu.region"() ({
      %run_scoped3A_305 = tpu.sem_alloc : memref<!tpu.dma_semaphore, #tpu.memory_space<semaphore_mem>>
      %dma_start3A_306 = arith.constant 0 : i32
      %dma_start3A_307 = arith.constant 0 : i32
      %dma_start3A_308 = tpu.memref_slice %arg3[%add3A, %run_scoped3A_13, %dma_start3A_306, %dma_start3A_307] : memref<32x5x25x80xi32, #tpu.memory_space<hbm>> -> memref<1x1x25x80xi32, #tpu.memory_space<hbm>>
      %dma_start3A_309 = tpu.memref_squeeze %dma_start3A_308 : memref<1x1x25x80xi32, #tpu.memory_space<hbm>> -> memref<25x80xi32, #tpu.memory_space<hbm>>
      %dma_start3A_310 = arith.constant 0 : i32
      %dma_start3A_311 = arith.constant 0 : i32
      %dma_start3A_312 = tpu.memref_slice %arg3[%add3A, %run_scoped3A_13, %dma_start3A_310, %dma_start3A_311] : memref<32x5x25x80xi32, #tpu.memory_space<hbm>> -> memref<1x1x25x80xi32, #tpu.memory_space<hbm>>
      %dma_start3A_313 = tpu.memref_squeeze %dma_start3A_312 : memref<1x1x25x80xi32, #tpu.memory_space<hbm>> -> memref<25x80xi32, #tpu.memory_space<hbm>>
      tpu.enqueue_dma source(%dma_start3A_313 : memref<25x80xi32, #tpu.memory_space<hbm>>) target(%arg7 : memref<25x80xi32, #tpu.memory_space<vmem>>) target_semaphore(%run_scoped3A_305 : memref<!tpu.dma_semaphore, #tpu.memory_space<semaphore_mem>>)
      %dma_wait3A_314 = arith.constant 0 : i32
      %dma_wait3A_315 = arith.constant 0 : i32
      %dma_wait3A_316 = tpu.memref_slice %arg3[%add3A, %run_scoped3A_13, %dma_wait3A_314, %dma_wait3A_315] : memref<32x5x25x80xi32, #tpu.memory_space<hbm>> -> memref<1x1x25x80xi32, #tpu.memory_space<hbm>>
      %dma_wait3A_317 = tpu.memref_squeeze %dma_wait3A_316 : memref<1x1x25x80xi32, #tpu.memory_space<hbm>> -> memref<25x80xi32, #tpu.memory_space<hbm>>
      %dma_wait3A_318 = arith.constant 0 : i32
      %dma_wait3A_319 = arith.constant 0 : i32
      %dma_wait3A_320 = tpu.memref_slice %arg3[%add3A, %run_scoped3A_13, %dma_wait3A_318, %dma_wait3A_319] : memref<32x5x25x80xi32, #tpu.memory_space<hbm>> -> memref<1x1x25x80xi32, #tpu.memory_space<hbm>>
      %dma_wait3A_321 = tpu.memref_squeeze %dma_wait3A_320 : memref<1x1x25x80xi32, #tpu.memory_space<hbm>> -> memref<25x80xi32, #tpu.memory_space<hbm>>
      tpu.wait_dma2 semaphore(%run_scoped3A_305 : memref<!tpu.dma_semaphore, #tpu.memory_space<semaphore_mem>>) src(%dma_wait3A_321 : memref<25x80xi32, #tpu.memory_space<hbm>>) dst(%arg7 : memref<25x80xi32, #tpu.memory_space<vmem>>)
      tpu.yield
    }) : () -> ()
    %dma_start3A = arith.constant 0 : i32
    %dma_start3A_14 = arith.constant 0 : i32
    %dma_start3A_15 = arith.constant 0 : i32
    %dma_start3A_16 = arith.constant 0 : i32
    %dma_start3A_17 = tpu.memref_slice %arg8[%dma_start3A_14, %dma_start3A_15, %dma_start3A_16] : memref<3x80x128xf32, #tpu.memory_space<vmem>> -> memref<1x80x128xf32, #tpu.memory_space<vmem>>
    %dma_start3A_18 = tpu.memref_squeeze %dma_start3A_17 : memref<1x80x128xf32, #tpu.memory_space<vmem>> -> memref<80x128xf32, #tpu.memory_space<vmem>>
    %dma_start3A_19 = arith.constant 0 : i32
    %dma_start3A_20 = tpu.memref_slice %arg6[%dma_start3A, %dma_start3A_19] : memref<25x80xi32, #tpu.memory_space<vmem>> -> memref<1x80xi32, #tpu.memory_space<vmem>>
    %dma_start3A_21 = tpu.memref_squeeze %dma_start3A_20 : memref<1x80xi32, #tpu.memory_space<vmem>> -> memref<80xi32, #tpu.memory_space<vmem>>
    %dma_start3A_22 = arith.constant 0 : i32
    %dma_start3A_23 = arith.constant 0 : i32
    %dma_start3A_24 = tpu.memref_slice %arg4[%dma_start3A_22, %dma_start3A_23] : memref<10000x128xf32, #tpu.memory_space<hbm>> -> memref<10000x128xf32, #tpu.memory_space<hbm>>
    tpu.enqueue_indirect_dma source(%dma_start3A_24 : memref<10000x128xf32, #tpu.memory_space<hbm>>) target(%dma_start3A_18 : memref<80x128xf32, #tpu.memory_space<vmem>>) offsets(%dma_start3A_21 : memref<80xi32, #tpu.memory_space<vmem>>) semaphore(%arg10 : memref<!tpu.dma_semaphore, #tpu.memory_space<semaphore_mem>>)
    %dma_start3A_25 = arith.constant 1 : i32
    %dma_start3A_26 = arith.constant 1 : i32
    %dma_start3A_27 = arith.constant 0 : i32
    %dma_start3A_28 = arith.constant 0 : i32
    %dma_start3A_29 = tpu.memref_slice %arg8[%dma_start3A_26, %dma_start3A_27, %dma_start3A_28] : memref<3x80x128xf32, #tpu.memory_space<vmem>> -> memref<1x80x128xf32, #tpu.memory_space<vmem>>
    %dma_start3A_30 = tpu.memref_squeeze %dma_start3A_29 : memref<1x80x128xf32, #tpu.memory_space<vmem>> -> memref<80x128xf32, #tpu.memory_space<vmem>>
    %dma_start3A_31 = arith.constant 0 : i32
    %dma_start3A_32 = tpu.memref_slice %arg6[%dma_start3A_25, %dma_start3A_31] : memref<25x80xi32, #tpu.memory_space<vmem>> -> memref<1x80xi32, #tpu.memory_space<vmem>>
    %dma_start3A_33 = tpu.memref_squeeze %dma_start3A_32 : memref<1x80xi32, #tpu.memory_space<vmem>> -> memref<80xi32, #tpu.memory_space<vmem>>
    %dma_start3A_34 = arith.constant 0 : i32
    %dma_start3A_35 = arith.constant 0 : i32
    %dma_start3A_36 = tpu.memref_slice %arg4[%dma_start3A_34, %dma_start3A_35] : memref<10000x128xf32, #tpu.memory_space<hbm>> -> memref<10000x128xf32, #tpu.memory_space<hbm>>
    tpu.enqueue_indirect_dma source(%dma_start3A_36 : memref<10000x128xf32, #tpu.memory_space<hbm>>) target(%dma_start3A_30 : memref<80x128xf32, #tpu.memory_space<vmem>>) offsets(%dma_start3A_33 : memref<80xi32, #tpu.memory_space<vmem>>) semaphore(%arg11 : memref<!tpu.dma_semaphore, #tpu.memory_space<semaphore_mem>>)
    %dma_start3A_37 = arith.constant 2 : i32
    %dma_start3A_38 = arith.constant 2 : i32
    %dma_start3A_39 = arith.constant 0 : i32
    %dma_start3A_40 = arith.constant 0 : i32
    %dma_start3A_41 = tpu.memref_slice %arg8[%dma_start3A_38, %dma_start3A_39, %dma_start3A_40] : memref<3x80x128xf32, #tpu.memory_space<vmem>> -> memref<1x80x128xf32, #tpu.memory_space<vmem>>
    %dma_start3A_42 = tpu.memref_squeeze %dma_start3A_41 : memref<1x80x128xf32, #tpu.memory_space<vmem>> -> memref<80x128xf32, #tpu.memory_space<vmem>>
    %dma_start3A_43 = arith.constant 0 : i32
    %dma_start3A_44 = tpu.memref_slice %arg6[%dma_start3A_37, %dma_start3A_43] : memref<25x80xi32, #tpu.memory_space<vmem>> -> memref<1x80xi32, #tpu.memory_space<vmem>>
    %dma_start3A_45 = tpu.memref_squeeze %dma_start3A_44 : memref<1x80xi32, #tpu.memory_space<vmem>> -> memref<80xi32, #tpu.memory_space<vmem>>
    %dma_start3A_46 = arith.constant 0 : i32
    %dma_start3A_47 = arith.constant 0 : i32
    %dma_start3A_48 = tpu.memref_slice %arg4[%dma_start3A_46, %dma_start3A_47] : memref<10000x128xf32, #tpu.memory_space<hbm>> -> memref<10000x128xf32, #tpu.memory_space<hbm>>
    tpu.enqueue_indirect_dma source(%dma_start3A_48 : memref<10000x128xf32, #tpu.memory_space<hbm>>) target(%dma_start3A_42 : memref<80x128xf32, #tpu.memory_space<vmem>>) offsets(%dma_start3A_45 : memref<80xi32, #tpu.memory_space<vmem>>) semaphore(%arg12 : memref<!tpu.dma_semaphore, #tpu.memory_space<semaphore_mem>>)
    %scan3A_49 = arith.constant 0 : i32
    %scan3A_50 = arith.constant 0 : i32
    %scan3A_51 = arith.constant 8 : i32
    %scan3A_52 = arith.addi %scan3A_50, %scan3A_51 : i32
    %scan3A_53 = arith.constant 1 : i32
    scf.for %scan3A_305 = %scan3A_50 to %scan3A_52 step %scan3A_53  : i32 {
      %mul3A_306 = arith.constant 3 : i32
      %mul3A_307 = arith.muli %mul3A_306, %scan3A_305 : i32
      %add3A_308 = arith.constant 0 : i32
      %add3A_309 = arith.addi %mul3A_307, %add3A_308 : i32
      %dma_wait3A_310 = arith.constant 0 : i32
      %dma_wait3A_311 = arith.constant 0 : i32
      %dma_wait3A_312 = arith.constant 0 : i32
      %dma_wait3A_313 = tpu.memref_slice %arg8[%dma_wait3A_310, %dma_wait3A_311, %dma_wait3A_312] : memref<3x80x128xf32, #tpu.memory_space<vmem>> -> memref<1x80x128xf32, #tpu.memory_space<vmem>>
      %dma_wait3A_314 = tpu.memref_squeeze %dma_wait3A_313 : memref<1x80x128xf32, #tpu.memory_space<vmem>> -> memref<80x128xf32, #tpu.memory_space<vmem>>
      %dma_wait3A_315 = arith.constant 0 : i32
      %dma_wait3A_316 = tpu.memref_slice %arg6[%add3A_309, %dma_wait3A_315] : memref<25x80xi32, #tpu.memory_space<vmem>> -> memref<1x80xi32, #tpu.memory_space<vmem>>
      %dma_wait3A_317 = tpu.memref_squeeze %dma_wait3A_316 : memref<1x80xi32, #tpu.memory_space<vmem>> -> memref<80xi32, #tpu.memory_space<vmem>>
      %dma_wait3A_318 = arith.constant 0 : i32
      %dma_wait3A_319 = arith.constant 0 : i32
      %dma_wait3A_320 = tpu.memref_slice %arg4[%dma_wait3A_318, %dma_wait3A_319] : memref<10000x128xf32, #tpu.memory_space<hbm>> -> memref<10000x128xf32, #tpu.memory_space<hbm>>
      tpu.wait_indirect_dma semaphore(%arg10 : memref<!tpu.dma_semaphore, #tpu.memory_space<semaphore_mem>>) src(%dma_wait3A_320 : memref<10000x128xf32, #tpu.memory_space<hbm>>) dst(%dma_wait3A_314 : memref<80x128xf32, #tpu.memory_space<vmem>>)
      %run_scoped3A_321 = arith.constant 0 : i32
      "tpu.region"() ({
        %run_scoped3A_372 = tpu.sem_alloc : memref<!tpu.dma_semaphore, #tpu.memory_space<semaphore_mem>>
        %dma_start3A_373 = arith.constant 0 : i32
        %dma_start3A_374 = arith.constant 0 : i32
        %dma_start3A_375 = tpu.memref_slice %arg8[%run_scoped3A_321, %dma_start3A_373, %dma_start3A_374] : memref<3x80x128xf32, #tpu.memory_space<vmem>> -> memref<1x80x128xf32, #tpu.memory_space<vmem>>
        %dma_start3A_376 = tpu.memref_squeeze %dma_start3A_375 : memref<1x80x128xf32, #tpu.memory_space<vmem>> -> memref<80x128xf32, #tpu.memory_space<vmem>>
        %dma_start3A_377 = arith.constant 0 : i32
        %dma_start3A_378 = tpu.memref_slice %arg7[%add3A_309, %dma_start3A_377] : memref<25x80xi32, #tpu.memory_space<vmem>> -> memref<1x80xi32, #tpu.memory_space<vmem>>
        %dma_start3A_379 = tpu.memref_squeeze %dma_start3A_378 : memref<1x80xi32, #tpu.memory_space<vmem>> -> memref<80xi32, #tpu.memory_space<vmem>>
        %dma_start3A_380 = arith.constant 0 : i32
        %dma_start3A_381 = arith.constant 0 : i32
        %dma_start3A_382 = tpu.memref_slice %arg9[%dma_start3A_380, %dma_start3A_381] : memref<10240x128xf32, #tpu.memory_space<vmem_shared>> -> memref<10240x128xf32, #tpu.memory_space<vmem_shared>>
        tpu.enqueue_indirect_dma source(%dma_start3A_376 : memref<80x128xf32, #tpu.memory_space<vmem>>) target(%dma_start3A_382 : memref<10240x128xf32, #tpu.memory_space<vmem_shared>>) offsets(%dma_start3A_379 : memref<80xi32, #tpu.memory_space<vmem>>) semaphore(%run_scoped3A_372 : memref<!tpu.dma_semaphore, #tpu.memory_space<semaphore_mem>>) {add = true}
        %dma_wait3A_383 = arith.constant 0 : i32
        %dma_wait3A_384 = arith.constant 0 : i32
        %dma_wait3A_385 = tpu.memref_slice %arg8[%run_scoped3A_321, %dma_wait3A_383, %dma_wait3A_384] : memref<3x80x128xf32, #tpu.memory_space<vmem>> -> memref<1x80x128xf32, #tpu.memory_space<vmem>>
        %dma_wait3A_386 = tpu.memref_squeeze %dma_wait3A_385 : memref<1x80x128xf32, #tpu.memory_space<vmem>> -> memref<80x128xf32, #tpu.memory_space<vmem>>
        %dma_wait3A_387 = arith.constant 0 : i32
        %dma_wait3A_388 = tpu.memref_slice %arg7[%add3A_309, %dma_wait3A_387] : memref<25x80xi32, #tpu.memory_space<vmem>> -> memref<1x80xi32, #tpu.memory_space<vmem>>
        %dma_wait3A_389 = tpu.memref_squeeze %dma_wait3A_388 : memref<1x80xi32, #tpu.memory_space<vmem>> -> memref<80xi32, #tpu.memory_space<vmem>>
        %dma_wait3A_390 = arith.constant 0 : i32
        %dma_wait3A_391 = arith.constant 0 : i32
        %dma_wait3A_392 = tpu.memref_slice %arg9[%dma_wait3A_390, %dma_wait3A_391] : memref<10240x128xf32, #tpu.memory_space<vmem_shared>> -> memref<10240x128xf32, #tpu.memory_space<vmem_shared>>
        tpu.wait_indirect_dma semaphore(%run_scoped3A_372 : memref<!tpu.dma_semaphore, #tpu.memory_space<semaphore_mem>>) src(%dma_wait3A_386 : memref<80x128xf32, #tpu.memory_space<vmem>>) dst(%dma_wait3A_392 : memref<10240x128xf32, #tpu.memory_space<vmem_shared>>)
        tpu.yield
      }) : () -> ()
      %add3A_322 = arith.constant 3 : i32
      %add3A_323 = arith.addi %add3A_309, %add3A_322 : i32
      %lt3A = arith.constant 25 : i32
      %lt3A_324 = arith.cmpi slt, %add3A_323, %lt3A : i32
      %convert_element_type3A = arith.extui %lt3A_324 : i1 to i32
      %cond3A = arith.constant 0 : i32
      %cond3A_325 = arith.cmpi ne, %convert_element_type3A, %cond3A : i32
      scf.if %cond3A_325 {
        %add3A_372 = arith.constant 3 : i32
        %add3A_373 = arith.addi %add3A_309, %add3A_372 : i32
        %dma_start3A_374 = arith.constant 0 : i32
        %dma_start3A_375 = arith.constant 0 : i32
        %dma_start3A_376 = arith.constant 0 : i32
        %dma_start3A_377 = tpu.memref_slice %arg8[%dma_start3A_374, %dma_start3A_375, %dma_start3A_376] : memref<3x80x128xf32, #tpu.memory_space<vmem>> -> memref<1x80x128xf32, #tpu.memory_space<vmem>>
        %dma_start3A_378 = tpu.memref_squeeze %dma_start3A_377 : memref<1x80x128xf32, #tpu.memory_space<vmem>> -> memref<80x128xf32, #tpu.memory_space<vmem>>
        %dma_start3A_379 = arith.constant 0 : i32
        %dma_start3A_380 = tpu.memref_slice %arg6[%add3A_373, %dma_start3A_379] : memref<25x80xi32, #tpu.memory_space<vmem>> -> memref<1x80xi32, #tpu.memory_space<vmem>>
        %dma_start3A_381 = tpu.memref_squeeze %dma_start3A_380 : memref<1x80xi32, #tpu.memory_space<vmem>> -> memref<80xi32, #tpu.memory_space<vmem>>
        %dma_start3A_382 = arith.constant 0 : i32
        %dma_start3A_383 = arith.constant 0 : i32
        %dma_start3A_384 = tpu.memref_slice %arg4[%dma_start3A_382, %dma_start3A_383] : memref<10000x128xf32, #tpu.memory_space<hbm>> -> memref<10000x128xf32, #tpu.memory_space<hbm>>
        tpu.enqueue_indirect_dma source(%dma_start3A_384 : memref<10000x128xf32, #tpu.memory_space<hbm>>) target(%dma_start3A_378 : memref<80x128xf32, #tpu.memory_space<vmem>>) offsets(%dma_start3A_381 : memref<80xi32, #tpu.memory_space<vmem>>) semaphore(%arg10 : memref<!tpu.dma_semaphore, #tpu.memory_space<semaphore_mem>>)
      } else {
      }
      %mul3A_326 = arith.constant 3 : i32
      %mul3A_327 = arith.muli %mul3A_326, %scan3A_305 : i32
      %add3A_328 = arith.constant 1 : i32
      %add3A_329 = arith.addi %mul3A_327, %add3A_328 : i32
      %dma_wait3A_330 = arith.constant 1 : i32
      %dma_wait3A_331 = arith.constant 0 : i32
      %dma_wait3A_332 = arith.constant 0 : i32
      %dma_wait3A_333 = tpu.memref_slice %arg8[%dma_wait3A_330, %dma_wait3A_331, %dma_wait3A_332] : memref<3x80x128xf32, #tpu.memory_space<vmem>> -> memref<1x80x128xf32, #tpu.memory_space<vmem>>
      %dma_wait3A_334 = tpu.memref_squeeze %dma_wait3A_333 : memref<1x80x128xf32, #tpu.memory_space<vmem>> -> memref<80x128xf32, #tpu.memory_space<vmem>>
      %dma_wait3A_335 = arith.constant 0 : i32
      %dma_wait3A_336 = tpu.memref_slice %arg6[%add3A_329, %dma_wait3A_335] : memref<25x80xi32, #tpu.memory_space<vmem>> -> memref<1x80xi32, #tpu.memory_space<vmem>>
      %dma_wait3A_337 = tpu.memref_squeeze %dma_wait3A_336 : memref<1x80xi32, #tpu.memory_space<vmem>> -> memref<80xi32, #tpu.memory_space<vmem>>
      %dma_wait3A_338 = arith.constant 0 : i32
      %dma_wait3A_339 = arith.constant 0 : i32
      %dma_wait3A_340 = tpu.memref_slice %arg4[%dma_wait3A_338, %dma_wait3A_339] : memref<10000x128xf32, #tpu.memory_space<hbm>> -> memref<10000x128xf32, #tpu.memory_space<hbm>>
      tpu.wait_indirect_dma semaphore(%arg11 : memref<!tpu.dma_semaphore, #tpu.memory_space<semaphore_mem>>) src(%dma_wait3A_340 : memref<10000x128xf32, #tpu.memory_space<hbm>>) dst(%dma_wait3A_334 : memref<80x128xf32, #tpu.memory_space<vmem>>)
      %run_scoped3A_341 = arith.constant 1 : i32
      "tpu.region"() ({
        %run_scoped3A_372 = tpu.sem_alloc : memref<!tpu.dma_semaphore, #tpu.memory_space<semaphore_mem>>
        %dma_start3A_373 = arith.constant 0 : i32
        %dma_start3A_374 = arith.constant 0 : i32
        %dma_start3A_375 = tpu.memref_slice %arg8[%run_scoped3A_341, %dma_start3A_373, %dma_start3A_374] : memref<3x80x128xf32, #tpu.memory_space<vmem>> -> memref<1x80x128xf32, #tpu.memory_space<vmem>>
        %dma_start3A_376 = tpu.memref_squeeze %dma_start3A_375 : memref<1x80x128xf32, #tpu.memory_space<vmem>> -> memref<80x128xf32, #tpu.memory_space<vmem>>
        %dma_start3A_377 = arith.constant 0 : i32
        %dma_start3A_378 = tpu.memref_slice %arg7[%add3A_329, %dma_start3A_377] : memref<25x80xi32, #tpu.memory_space<vmem>> -> memref<1x80xi32, #tpu.memory_space<vmem>>
        %dma_start3A_379 = tpu.memref_squeeze %dma_start3A_378 : memref<1x80xi32, #tpu.memory_space<vmem>> -> memref<80xi32, #tpu.memory_space<vmem>>
        %dma_start3A_380 = arith.constant 0 : i32
        %dma_start3A_381 = arith.constant 0 : i32
        %dma_start3A_382 = tpu.memref_slice %arg9[%dma_start3A_380, %dma_start3A_381] : memref<10240x128xf32, #tpu.memory_space<vmem_shared>> -> memref<10240x128xf32, #tpu.memory_space<vmem_shared>>
        tpu.enqueue_indirect_dma source(%dma_start3A_376 : memref<80x128xf32, #tpu.memory_space<vmem>>) target(%dma_start3A_382 : memref<10240x128xf32, #tpu.memory_space<vmem_shared>>) offsets(%dma_start3A_379 : memref<80xi32, #tpu.memory_space<vmem>>) semaphore(%run_scoped3A_372 : memref<!tpu.dma_semaphore, #tpu.memory_space<semaphore_mem>>) {add = true}
        %dma_wait3A_383 = arith.constant 0 : i32
        %dma_wait3A_384 = arith.constant 0 : i32
        %dma_wait3A_385 = tpu.memref_slice %arg8[%run_scoped3A_341, %dma_wait3A_383, %dma_wait3A_384] : memref<3x80x128xf32, #tpu.memory_space<vmem>> -> memref<1x80x128xf32, #tpu.memory_space<vmem>>
        %dma_wait3A_386 = tpu.memref_squeeze %dma_wait3A_385 : memref<1x80x128xf32, #tpu.memory_space<vmem>> -> memref<80x128xf32, #tpu.memory_space<vmem>>
        %dma_wait3A_387 = arith.constant 0 : i32
        %dma_wait3A_388 = tpu.memref_slice %arg7[%add3A_329, %dma_wait3A_387] : memref<25x80xi32, #tpu.memory_space<vmem>> -> memref<1x80xi32, #tpu.memory_space<vmem>>
        %dma_wait3A_389 = tpu.memref_squeeze %dma_wait3A_388 : memref<1x80xi32, #tpu.memory_space<vmem>> -> memref<80xi32, #tpu.memory_space<vmem>>
        %dma_wait3A_390 = arith.constant 0 : i32
        %dma_wait3A_391 = arith.constant 0 : i32
        %dma_wait3A_392 = tpu.memref_slice %arg9[%dma_wait3A_390, %dma_wait3A_391] : memref<10240x128xf32, #tpu.memory_space<vmem_shared>> -> memref<10240x128xf32, #tpu.memory_space<vmem_shared>>
        tpu.wait_indirect_dma semaphore(%run_scoped3A_372 : memref<!tpu.dma_semaphore, #tpu.memory_space<semaphore_mem>>) src(%dma_wait3A_386 : memref<80x128xf32, #tpu.memory_space<vmem>>) dst(%dma_wait3A_392 : memref<10240x128xf32, #tpu.memory_space<vmem_shared>>)
        tpu.yield
      }) : () -> ()
      %add3A_342 = arith.constant 3 : i32
      %add3A_343 = arith.addi %add3A_329, %add3A_342 : i32
      %lt3A_344 = arith.constant 25 : i32
      %lt3A_345 = arith.cmpi slt, %add3A_343, %lt3A_344 : i32
      %convert_element_type3A_346 = arith.extui %lt3A_345 : i1 to i32
      %cond3A_347 = arith.constant 0 : i32
      %cond3A_348 = arith.cmpi ne, %convert_element_type3A_346, %cond3A_347 : i32
      scf.if %cond3A_348 {
        %add3A_372 = arith.constant 3 : i32
        %add3A_373 = arith.addi %add3A_329, %add3A_372 : i32
        %dma_start3A_374 = arith.constant 1 : i32
        %dma_start3A_375 = arith.constant 0 : i32
        %dma_start3A_376 = arith.constant 0 : i32
        %dma_start3A_377 = tpu.memref_slice %arg8[%dma_start3A_374, %dma_start3A_375, %dma_start3A_376] : memref<3x80x128xf32, #tpu.memory_space<vmem>> -> memref<1x80x128xf32, #tpu.memory_space<vmem>>
        %dma_start3A_378 = tpu.memref_squeeze %dma_start3A_377 : memref<1x80x128xf32, #tpu.memory_space<vmem>> -> memref<80x128xf32, #tpu.memory_space<vmem>>
        %dma_start3A_379 = arith.constant 0 : i32
        %dma_start3A_380 = tpu.memref_slice %arg6[%add3A_373, %dma_start3A_379] : memref<25x80xi32, #tpu.memory_space<vmem>> -> memref<1x80xi32, #tpu.memory_space<vmem>>
        %dma_start3A_381 = tpu.memref_squeeze %dma_start3A_380 : memref<1x80xi32, #tpu.memory_space<vmem>> -> memref<80xi32, #tpu.memory_space<vmem>>
        %dma_start3A_382 = arith.constant 0 : i32
        %dma_start3A_383 = arith.constant 0 : i32
        %dma_start3A_384 = tpu.memref_slice %arg4[%dma_start3A_382, %dma_start3A_383] : memref<10000x128xf32, #tpu.memory_space<hbm>> -> memref<10000x128xf32, #tpu.memory_space<hbm>>
        tpu.enqueue_indirect_dma source(%dma_start3A_384 : memref<10000x128xf32, #tpu.memory_space<hbm>>) target(%dma_start3A_378 : memref<80x128xf32, #tpu.memory_space<vmem>>) offsets(%dma_start3A_381 : memref<80xi32, #tpu.memory_space<vmem>>) semaphore(%arg11 : memref<!tpu.dma_semaphore, #tpu.memory_space<semaphore_mem>>)
      } else {
      }
      %mul3A_349 = arith.constant 3 : i32
      %mul3A_350 = arith.muli %mul3A_349, %scan3A_305 : i32
      %add3A_351 = arith.constant 2 : i32
      %add3A_352 = arith.addi %mul3A_350, %add3A_351 : i32
      %dma_wait3A_353 = arith.constant 2 : i32
      %dma_wait3A_354 = arith.constant 0 : i32
      %dma_wait3A_355 = arith.constant 0 : i32
      %dma_wait3A_356 = tpu.memref_slice %arg8[%dma_wait3A_353, %dma_wait3A_354, %dma_wait3A_355] : memref<3x80x128xf32, #tpu.memory_space<vmem>> -> memref<1x80x128xf32, #tpu.memory_space<vmem>>
      %dma_wait3A_357 = tpu.memref_squeeze %dma_wait3A_356 : memref<1x80x128xf32, #tpu.memory_space<vmem>> -> memref<80x128xf32, #tpu.memory_space<vmem>>
      %dma_wait3A_358 = arith.constant 0 : i32
      %dma_wait3A_359 = tpu.memref_slice %arg6[%add3A_352, %dma_wait3A_358] : memref<25x80xi32, #tpu.memory_space<vmem>> -> memref<1x80xi32, #tpu.memory_space<vmem>>
      %dma_wait3A_360 = tpu.memref_squeeze %dma_wait3A_359 : memref<1x80xi32, #tpu.memory_space<vmem>> -> memref<80xi32, #tpu.memory_space<vmem>>
      %dma_wait3A_361 = arith.constant 0 : i32
      %dma_wait3A_362 = arith.constant 0 : i32
      %dma_wait3A_363 = tpu.memref_slice %arg4[%dma_wait3A_361, %dma_wait3A_362] : memref<10000x128xf32, #tpu.memory_space<hbm>> -> memref<10000x128xf32, #tpu.memory_space<hbm>>
      tpu.wait_indirect_dma semaphore(%arg12 : memref<!tpu.dma_semaphore, #tpu.memory_space<semaphore_mem>>) src(%dma_wait3A_363 : memref<10000x128xf32, #tpu.memory_space<hbm>>) dst(%dma_wait3A_357 : memref<80x128xf32, #tpu.memory_space<vmem>>)
      %run_scoped3A_364 = arith.constant 2 : i32
      "tpu.region"() ({
        %run_scoped3A_372 = tpu.sem_alloc : memref<!tpu.dma_semaphore, #tpu.memory_space<semaphore_mem>>
        %dma_start3A_373 = arith.constant 0 : i32
        %dma_start3A_374 = arith.constant 0 : i32
        %dma_start3A_375 = tpu.memref_slice %arg8[%run_scoped3A_364, %dma_start3A_373, %dma_start3A_374] : memref<3x80x128xf32, #tpu.memory_space<vmem>> -> memref<1x80x128xf32, #tpu.memory_space<vmem>>
        %dma_start3A_376 = tpu.memref_squeeze %dma_start3A_375 : memref<1x80x128xf32, #tpu.memory_space<vmem>> -> memref<80x128xf32, #tpu.memory_space<vmem>>
        %dma_start3A_377 = arith.constant 0 : i32
        %dma_start3A_378 = tpu.memref_slice %arg7[%add3A_352, %dma_start3A_377] : memref<25x80xi32, #tpu.memory_space<vmem>> -> memref<1x80xi32, #tpu.memory_space<vmem>>
        %dma_start3A_379 = tpu.memref_squeeze %dma_start3A_378 : memref<1x80xi32, #tpu.memory_space<vmem>> -> memref<80xi32, #tpu.memory_space<vmem>>
        %dma_start3A_380 = arith.constant 0 : i32
        %dma_start3A_381 = arith.constant 0 : i32
        %dma_start3A_382 = tpu.memref_slice %arg9[%dma_start3A_380, %dma_start3A_381] : memref<10240x128xf32, #tpu.memory_space<vmem_shared>> -> memref<10240x128xf32, #tpu.memory_space<vmem_shared>>
        tpu.enqueue_indirect_dma source(%dma_start3A_376 : memref<80x128xf32, #tpu.memory_space<vmem>>) target(%dma_start3A_382 : memref<10240x128xf32, #tpu.memory_space<vmem_shared>>) offsets(%dma_start3A_379 : memref<80xi32, #tpu.memory_space<vmem>>) semaphore(%run_scoped3A_372 : memref<!tpu.dma_semaphore, #tpu.memory_space<semaphore_mem>>) {add = true}
        %dma_wait3A_383 = arith.constant 0 : i32
        %dma_wait3A_384 = arith.constant 0 : i32
        %dma_wait3A_385 = tpu.memref_slice %arg8[%run_scoped3A_364, %dma_wait3A_383, %dma_wait3A_384] : memref<3x80x128xf32, #tpu.memory_space<vmem>> -> memref<1x80x128xf32, #tpu.memory_space<vmem>>
        %dma_wait3A_386 = tpu.memref_squeeze %dma_wait3A_385 : memref<1x80x128xf32, #tpu.memory_space<vmem>> -> memref<80x128xf32, #tpu.memory_space<vmem>>
        %dma_wait3A_387 = arith.constant 0 : i32
        %dma_wait3A_388 = tpu.memref_slice %arg7[%add3A_352, %dma_wait3A_387] : memref<25x80xi32, #tpu.memory_space<vmem>> -> memref<1x80xi32, #tpu.memory_space<vmem>>
        %dma_wait3A_389 = tpu.memref_squeeze %dma_wait3A_388 : memref<1x80xi32, #tpu.memory_space<vmem>> -> memref<80xi32, #tpu.memory_space<vmem>>
        %dma_wait3A_390 = arith.constant 0 : i32
        %dma_wait3A_391 = arith.constant 0 : i32
        %dma_wait3A_392 = tpu.memref_slice %arg9[%dma_wait3A_390, %dma_wait3A_391] : memref<10240x128xf32, #tpu.memory_space<vmem_shared>> -> memref<10240x128xf32, #tpu.memory_space<vmem_shared>>
        tpu.wait_indirect_dma semaphore(%run_scoped3A_372 : memref<!tpu.dma_semaphore, #tpu.memory_space<semaphore_mem>>) src(%dma_wait3A_386 : memref<80x128xf32, #tpu.memory_space<vmem>>) dst(%dma_wait3A_392 : memref<10240x128xf32, #tpu.memory_space<vmem_shared>>)
        tpu.yield
      }) : () -> ()
      %add3A_365 = arith.constant 3 : i32
      %add3A_366 = arith.addi %add3A_352, %add3A_365 : i32
      %lt3A_367 = arith.constant 25 : i32
      %lt3A_368 = arith.cmpi slt, %add3A_366, %lt3A_367 : i32
      %convert_element_type3A_369 = arith.extui %lt3A_368 : i1 to i32
      %cond3A_370 = arith.constant 0 : i32
      %cond3A_371 = arith.cmpi ne, %convert_element_type3A_369, %cond3A_370 : i32
      scf.if %cond3A_371 {
        %add3A_372 = arith.constant 3 : i32
        %add3A_373 = arith.addi %add3A_352, %add3A_372 : i32
        %dma_start3A_374 = arith.constant 2 : i32
        %dma_start3A_375 = arith.constant 0 : i32
        %dma_start3A_376 = arith.constant 0 : i32
        %dma_start3A_377 = tpu.memref_slice %arg8[%dma_start3A_374, %dma_start3A_375, %dma_start3A_376] : memref<3x80x128xf32, #tpu.memory_space<vmem>> -> memref<1x80x128xf32, #tpu.memory_space<vmem>>
        %dma_start3A_378 = tpu.memref_squeeze %dma_start3A_377 : memref<1x80x128xf32, #tpu.memory_space<vmem>> -> memref<80x128xf32, #tpu.memory_space<vmem>>
        %dma_start3A_379 = arith.constant 0 : i32
        %dma_start3A_380 = tpu.memref_slice %arg6[%add3A_373, %dma_start3A_379] : memref<25x80xi32, #tpu.memory_space<vmem>> -> memref<1x80xi32, #tpu.memory_space<vmem>>
        %dma_start3A_381 = tpu.memref_squeeze %dma_start3A_380 : memref<1x80xi32, #tpu.memory_space<vmem>> -> memref<80xi32, #tpu.memory_space<vmem>>
        %dma_start3A_382 = arith.constant 0 : i32
        %dma_start3A_383 = arith.constant 0 : i32
        %dma_start3A_384 = tpu.memref_slice %arg4[%dma_start3A_382, %dma_start3A_383] : memref<10000x128xf32, #tpu.memory_space<hbm>> -> memref<10000x128xf32, #tpu.memory_space<hbm>>
        tpu.enqueue_indirect_dma source(%dma_start3A_384 : memref<10000x128xf32, #tpu.memory_space<hbm>>) target(%dma_start3A_378 : memref<80x128xf32, #tpu.memory_space<vmem>>) offsets(%dma_start3A_381 : memref<80xi32, #tpu.memory_space<vmem>>) semaphore(%arg12 : memref<!tpu.dma_semaphore, #tpu.memory_space<semaphore_mem>>)
      } else {
      }
    }
    %scan3A_54 = arith.constant 8 : i32
    %dma_wait3A = arith.constant 24 : i32
    %dma_wait3A_55 = arith.constant 0 : i32
    %dma_wait3A_56 = arith.constant 0 : i32
    %dma_wait3A_57 = arith.constant 0 : i32
    %dma_wait3A_58 = tpu.memref_slice %arg8[%dma_wait3A_55, %dma_wait3A_56, %dma_wait3A_57] : memref<3x80x128xf32, #tpu.memory_space<vmem>> -> memref<1x80x128xf32, #tpu.memory_space<vmem>>
    %dma_wait3A_59 = tpu.memref_squeeze %dma_wait3A_58 : memref<1x80x128xf32, #tpu.memory_space<vmem>> -> memref<80x128xf32, #tpu.memory_space<vmem>>
    %dma_wait3A_60 = arith.constant 0 : i32
    %dma_wait3A_61 = tpu.memref_slice %arg6[%dma_wait3A, %dma_wait3A_60] : memref<25x80xi32, #tpu.memory_space<vmem>> -> memref<1x80xi32, #tpu.memory_space<vmem>>
    %dma_wait3A_62 = tpu.memref_squeeze %dma_wait3A_61 : memref<1x80xi32, #tpu.memory_space<vmem>> -> memref<80xi32, #tpu.memory_space<vmem>>
    %dma_wait3A_63 = arith.constant 0 : i32
    %dma_wait3A_64 = arith.constant 0 : i32
    %dma_wait3A_65 = tpu.memref_slice %arg4[%dma_wait3A_63, %dma_wait3A_64] : memref<10000x128xf32, #tpu.memory_space<hbm>> -> memref<10000x128xf32, #tpu.memory_space<hbm>>
    tpu.wait_indirect_dma semaphore(%arg10 : memref<!tpu.dma_semaphore, #tpu.memory_space<semaphore_mem>>) src(%dma_wait3A_65 : memref<10000x128xf32, #tpu.memory_space<hbm>>) dst(%dma_wait3A_59 : memref<80x128xf32, #tpu.memory_space<vmem>>)
    %run_scoped3A_66 = arith.constant 0 : i32
    %run_scoped3A_67 = arith.constant 24 : i32
    "tpu.region"() ({
      %run_scoped3A_305 = tpu.sem_alloc : memref<!tpu.dma_semaphore, #tpu.memory_space<semaphore_mem>>
      %dma_start3A_306 = arith.constant 0 : i32
      %dma_start3A_307 = arith.constant 0 : i32
      %dma_start3A_308 = tpu.memref_slice %arg8[%run_scoped3A_66, %dma_start3A_306, %dma_start3A_307] : memref<3x80x128xf32, #tpu.memory_space<vmem>> -> memref<1x80x128xf32, #tpu.memory_space<vmem>>
      %dma_start3A_309 = tpu.memref_squeeze %dma_start3A_308 : memref<1x80x128xf32, #tpu.memory_space<vmem>> -> memref<80x128xf32, #tpu.memory_space<vmem>>
      %dma_start3A_310 = arith.constant 0 : i32
      %dma_start3A_311 = tpu.memref_slice %arg7[%run_scoped3A_67, %dma_start3A_310] : memref<25x80xi32, #tpu.memory_space<vmem>> -> memref<1x80xi32, #tpu.memory_space<vmem>>
      %dma_start3A_312 = tpu.memref_squeeze %dma_start3A_311 : memref<1x80xi32, #tpu.memory_space<vmem>> -> memref<80xi32, #tpu.memory_space<vmem>>
      %dma_start3A_313 = arith.constant 0 : i32
      %dma_start3A_314 = arith.constant 0 : i32
      %dma_start3A_315 = tpu.memref_slice %arg9[%dma_start3A_313, %dma_start3A_314] : memref<10240x128xf32, #tpu.memory_space<vmem_shared>> -> memref<10240x128xf32, #tpu.memory_space<vmem_shared>>
      tpu.enqueue_indirect_dma source(%dma_start3A_309 : memref<80x128xf32, #tpu.memory_space<vmem>>) target(%dma_start3A_315 : memref<10240x128xf32, #tpu.memory_space<vmem_shared>>) offsets(%dma_start3A_312 : memref<80xi32, #tpu.memory_space<vmem>>) semaphore(%run_scoped3A_305 : memref<!tpu.dma_semaphore, #tpu.memory_space<semaphore_mem>>) {add = true}
      %dma_wait3A_316 = arith.constant 0 : i32
      %dma_wait3A_317 = arith.constant 0 : i32
      %dma_wait3A_318 = tpu.memref_slice %arg8[%run_scoped3A_66, %dma_wait3A_316, %dma_wait3A_317] : memref<3x80x128xf32, #tpu.memory_space<vmem>> -> memref<1x80x128xf32, #tpu.memory_space<vmem>>
      %dma_wait3A_319 = tpu.memref_squeeze %dma_wait3A_318 : memref<1x80x128xf32, #tpu.memory_space<vmem>> -> memref<80x128xf32, #tpu.memory_space<vmem>>
      %dma_wait3A_320 = arith.constant 0 : i32
      %dma_wait3A_321 = tpu.memref_slice %arg7[%run_scoped3A_67, %dma_wait3A_320] : memref<25x80xi32, #tpu.memory_space<vmem>> -> memref<1x80xi32, #tpu.memory_space<vmem>>
      %dma_wait3A_322 = tpu.memref_squeeze %dma_wait3A_321 : memref<1x80xi32, #tpu.memory_space<vmem>> -> memref<80xi32, #tpu.memory_space<vmem>>
      %dma_wait3A_323 = arith.constant 0 : i32
      %dma_wait3A_324 = arith.constant 0 : i32
      %dma_wait3A_325 = tpu.memref_slice %arg9[%dma_wait3A_323, %dma_wait3A_324] : memref<10240x128xf32, #tpu.memory_space<vmem_shared>> -> memref<10240x128xf32, #tpu.memory_space<vmem_shared>>
      tpu.wait_indirect_dma semaphore(%run_scoped3A_305 : memref<!tpu.dma_semaphore, #tpu.memory_space<semaphore_mem>>) src(%dma_wait3A_319 : memref<80x128xf32, #tpu.memory_space<vmem>>) dst(%dma_wait3A_325 : memref<10240x128xf32, #tpu.memory_space<vmem_shared>>)
      tpu.yield
    }) : () -> ()
    %run_scoped3A_68 = arith.constant 1 : i32
    "tpu.region"() ({
      %run_scoped3A_305 = tpu.sem_alloc : memref<!tpu.dma_semaphore, #tpu.memory_space<semaphore_mem>>
      %dma_start3A_306 = arith.constant 0 : i32
      %dma_start3A_307 = arith.constant 0 : i32
      %dma_start3A_308 = tpu.memref_slice %arg2[%add3A, %run_scoped3A_68, %dma_start3A_306, %dma_start3A_307] : memref<32x5x25x80xi32, #tpu.memory_space<hbm>> -> memref<1x1x25x80xi32, #tpu.memory_space<hbm>>
      %dma_start3A_309 = tpu.memref_squeeze %dma_start3A_308 : memref<1x1x25x80xi32, #tpu.memory_space<hbm>> -> memref<25x80xi32, #tpu.memory_space<hbm>>
      %dma_start3A_310 = arith.constant 0 : i32
      %dma_start3A_311 = arith.constant 0 : i32
      %dma_start3A_312 = tpu.memref_slice %arg2[%add3A, %run_scoped3A_68, %dma_start3A_310, %dma_start3A_311] : memref<32x5x25x80xi32, #tpu.memory_space<hbm>> -> memref<1x1x25x80xi32, #tpu.memory_space<hbm>>
      %dma_start3A_313 = tpu.memref_squeeze %dma_start3A_312 : memref<1x1x25x80xi32, #tpu.memory_space<hbm>> -> memref<25x80xi32, #tpu.memory_space<hbm>>
      tpu.enqueue_dma source(%dma_start3A_313 : memref<25x80xi32, #tpu.memory_space<hbm>>) target(%arg6 : memref<25x80xi32, #tpu.memory_space<vmem>>) target_semaphore(%run_scoped3A_305 : memref<!tpu.dma_semaphore, #tpu.memory_space<semaphore_mem>>)
      %dma_wait3A_314 = arith.constant 0 : i32
      %dma_wait3A_315 = arith.constant 0 : i32
      %dma_wait3A_316 = tpu.memref_slice %arg2[%add3A, %run_scoped3A_68, %dma_wait3A_314, %dma_wait3A_315] : memref<32x5x25x80xi32, #tpu.memory_space<hbm>> -> memref<1x1x25x80xi32, #tpu.memory_space<hbm>>
      %dma_wait3A_317 = tpu.memref_squeeze %dma_wait3A_316 : memref<1x1x25x80xi32, #tpu.memory_space<hbm>> -> memref<25x80xi32, #tpu.memory_space<hbm>>
      %dma_wait3A_318 = arith.constant 0 : i32
      %dma_wait3A_319 = arith.constant 0 : i32
      %dma_wait3A_320 = tpu.memref_slice %arg2[%add3A, %run_scoped3A_68, %dma_wait3A_318, %dma_wait3A_319] : memref<32x5x25x80xi32, #tpu.memory_space<hbm>> -> memref<1x1x25x80xi32, #tpu.memory_space<hbm>>
      %dma_wait3A_321 = tpu.memref_squeeze %dma_wait3A_320 : memref<1x1x25x80xi32, #tpu.memory_space<hbm>> -> memref<25x80xi32, #tpu.memory_space<hbm>>
      tpu.wait_dma2 semaphore(%run_scoped3A_305 : memref<!tpu.dma_semaphore, #tpu.memory_space<semaphore_mem>>) src(%dma_wait3A_321 : memref<25x80xi32, #tpu.memory_space<hbm>>) dst(%arg6 : memref<25x80xi32, #tpu.memory_space<vmem>>)
      tpu.yield
    }) : () -> ()
    %run_scoped3A_69 = arith.constant 1 : i32
    "tpu.region"() ({
      %run_scoped3A_305 = tpu.sem_alloc : memref<!tpu.dma_semaphore, #tpu.memory_space<semaphore_mem>>
      %dma_start3A_306 = arith.constant 0 : i32
      %dma_start3A_307 = arith.constant 0 : i32
      %dma_start3A_308 = tpu.memref_slice %arg3[%add3A, %run_scoped3A_69, %dma_start3A_306, %dma_start3A_307] : memref<32x5x25x80xi32, #tpu.memory_space<hbm>> -> memref<1x1x25x80xi32, #tpu.memory_space<hbm>>
      %dma_start3A_309 = tpu.memref_squeeze %dma_start3A_308 : memref<1x1x25x80xi32, #tpu.memory_space<hbm>> -> memref<25x80xi32, #tpu.memory_space<hbm>>
      %dma_start3A_310 = arith.constant 0 : i32
      %dma_start3A_311 = arith.constant 0 : i32
      %dma_start3A_312 = tpu.memref_slice %arg3[%add3A, %run_scoped3A_69, %dma_start3A_310, %dma_start3A_311] : memref<32x5x25x80xi32, #tpu.memory_space<hbm>> -> memref<1x1x25x80xi32, #tpu.memory_space<hbm>>
      %dma_start3A_313 = tpu.memref_squeeze %dma_start3A_312 : memref<1x1x25x80xi32, #tpu.memory_space<hbm>> -> memref<25x80xi32, #tpu.memory_space<hbm>>
      tpu.enqueue_dma source(%dma_start3A_313 : memref<25x80xi32, #tpu.memory_space<hbm>>) target(%arg7 : memref<25x80xi32, #tpu.memory_space<vmem>>) target_semaphore(%run_scoped3A_305 : memref<!tpu.dma_semaphore, #tpu.memory_space<semaphore_mem>>)
      %dma_wait3A_314 = arith.constant 0 : i32
      %dma_wait3A_315 = arith.constant 0 : i32
      %dma_wait3A_316 = tpu.memref_slice %arg3[%add3A, %run_scoped3A_69, %dma_wait3A_314, %dma_wait3A_315] : memref<32x5x25x80xi32, #tpu.memory_space<hbm>> -> memref<1x1x25x80xi32, #tpu.memory_space<hbm>>
      %dma_wait3A_317 = tpu.memref_squeeze %dma_wait3A_316 : memref<1x1x25x80xi32, #tpu.memory_space<hbm>> -> memref<25x80xi32, #tpu.memory_space<hbm>>
      %dma_wait3A_318 = arith.constant 0 : i32
      %dma_wait3A_319 = arith.constant 0 : i32
      %dma_wait3A_320 = tpu.memref_slice %arg3[%add3A, %run_scoped3A_69, %dma_wait3A_318, %dma_wait3A_319] : memref<32x5x25x80xi32, #tpu.memory_space<hbm>> -> memref<1x1x25x80xi32, #tpu.memory_space<hbm>>
      %dma_wait3A_321 = tpu.memref_squeeze %dma_wait3A_320 : memref<1x1x25x80xi32, #tpu.memory_space<hbm>> -> memref<25x80xi32, #tpu.memory_space<hbm>>
      tpu.wait_dma2 semaphore(%run_scoped3A_305 : memref<!tpu.dma_semaphore, #tpu.memory_space<semaphore_mem>>) src(%dma_wait3A_321 : memref<25x80xi32, #tpu.memory_space<hbm>>) dst(%arg7 : memref<25x80xi32, #tpu.memory_space<vmem>>)
      tpu.yield
    }) : () -> ()
    %dma_start3A_70 = arith.constant 0 : i32
    %dma_start3A_71 = arith.constant 0 : i32
    %dma_start3A_72 = arith.constant 0 : i32
    %dma_start3A_73 = arith.constant 0 : i32
    %dma_start3A_74 = tpu.memref_slice %arg8[%dma_start3A_71, %dma_start3A_72, %dma_start3A_73] : memref<3x80x128xf32, #tpu.memory_space<vmem>> -> memref<1x80x128xf32, #tpu.memory_space<vmem>>
    %dma_start3A_75 = tpu.memref_squeeze %dma_start3A_74 : memref<1x80x128xf32, #tpu.memory_space<vmem>> -> memref<80x128xf32, #tpu.memory_space<vmem>>
    %dma_start3A_76 = arith.constant 0 : i32
    %dma_start3A_77 = tpu.memref_slice %arg6[%dma_start3A_70, %dma_start3A_76] : memref<25x80xi32, #tpu.memory_space<vmem>> -> memref<1x80xi32, #tpu.memory_space<vmem>>
    %dma_start3A_78 = tpu.memref_squeeze %dma_start3A_77 : memref<1x80xi32, #tpu.memory_space<vmem>> -> memref<80xi32, #tpu.memory_space<vmem>>
    %dma_start3A_79 = arith.constant 0 : i32
    %dma_start3A_80 = arith.constant 0 : i32
    %dma_start3A_81 = tpu.memref_slice %arg4[%dma_start3A_79, %dma_start3A_80] : memref<10000x128xf32, #tpu.memory_space<hbm>> -> memref<10000x128xf32, #tpu.memory_space<hbm>>
    tpu.enqueue_indirect_dma source(%dma_start3A_81 : memref<10000x128xf32, #tpu.memory_space<hbm>>) target(%dma_start3A_75 : memref<80x128xf32, #tpu.memory_space<vmem>>) offsets(%dma_start3A_78 : memref<80xi32, #tpu.memory_space<vmem>>) semaphore(%arg10 : memref<!tpu.dma_semaphore, #tpu.memory_space<semaphore_mem>>)
    %dma_start3A_82 = arith.constant 1 : i32
    %dma_start3A_83 = arith.constant 1 : i32
    %dma_start3A_84 = arith.constant 0 : i32
    %dma_start3A_85 = arith.constant 0 : i32
    %dma_start3A_86 = tpu.memref_slice %arg8[%dma_start3A_83, %dma_start3A_84, %dma_start3A_85] : memref<3x80x128xf32, #tpu.memory_space<vmem>> -> memref<1x80x128xf32, #tpu.memory_space<vmem>>
    %dma_start3A_87 = tpu.memref_squeeze %dma_start3A_86 : memref<1x80x128xf32, #tpu.memory_space<vmem>> -> memref<80x128xf32, #tpu.memory_space<vmem>>
    %dma_start3A_88 = arith.constant 0 : i32
    %dma_start3A_89 = tpu.memref_slice %arg6[%dma_start3A_82, %dma_start3A_88] : memref<25x80xi32, #tpu.memory_space<vmem>> -> memref<1x80xi32, #tpu.memory_space<vmem>>
    %dma_start3A_90 = tpu.memref_squeeze %dma_start3A_89 : memref<1x80xi32, #tpu.memory_space<vmem>> -> memref<80xi32, #tpu.memory_space<vmem>>
    %dma_start3A_91 = arith.constant 0 : i32
    %dma_start3A_92 = arith.constant 0 : i32
    %dma_start3A_93 = tpu.memref_slice %arg4[%dma_start3A_91, %dma_start3A_92] : memref<10000x128xf32, #tpu.memory_space<hbm>> -> memref<10000x128xf32, #tpu.memory_space<hbm>>
    tpu.enqueue_indirect_dma source(%dma_start3A_93 : memref<10000x128xf32, #tpu.memory_space<hbm>>) target(%dma_start3A_87 : memref<80x128xf32, #tpu.memory_space<vmem>>) offsets(%dma_start3A_90 : memref<80xi32, #tpu.memory_space<vmem>>) semaphore(%arg11 : memref<!tpu.dma_semaphore, #tpu.memory_space<semaphore_mem>>)
    %dma_start3A_94 = arith.constant 2 : i32
    %dma_start3A_95 = arith.constant 2 : i32
    %dma_start3A_96 = arith.constant 0 : i32
    %dma_start3A_97 = arith.constant 0 : i32
    %dma_start3A_98 = tpu.memref_slice %arg8[%dma_start3A_95, %dma_start3A_96, %dma_start3A_97] : memref<3x80x128xf32, #tpu.memory_space<vmem>> -> memref<1x80x128xf32, #tpu.memory_space<vmem>>
    %dma_start3A_99 = tpu.memref_squeeze %dma_start3A_98 : memref<1x80x128xf32, #tpu.memory_space<vmem>> -> memref<80x128xf32, #tpu.memory_space<vmem>>
    %dma_start3A_100 = arith.constant 0 : i32
    %dma_start3A_101 = tpu.memref_slice %arg6[%dma_start3A_94, %dma_start3A_100] : memref<25x80xi32, #tpu.memory_space<vmem>> -> memref<1x80xi32, #tpu.memory_space<vmem>>
    %dma_start3A_102 = tpu.memref_squeeze %dma_start3A_101 : memref<1x80xi32, #tpu.memory_space<vmem>> -> memref<80xi32, #tpu.memory_space<vmem>>
    %dma_start3A_103 = arith.constant 0 : i32
    %dma_start3A_104 = arith.constant 0 : i32
    %dma_start3A_105 = tpu.memref_slice %arg4[%dma_start3A_103, %dma_start3A_104] : memref<10000x128xf32, #tpu.memory_space<hbm>> -> memref<10000x128xf32, #tpu.memory_space<hbm>>
    tpu.enqueue_indirect_dma source(%dma_start3A_105 : memref<10000x128xf32, #tpu.memory_space<hbm>>) target(%dma_start3A_99 : memref<80x128xf32, #tpu.memory_space<vmem>>) offsets(%dma_start3A_102 : memref<80xi32, #tpu.memory_space<vmem>>) semaphore(%arg12 : memref<!tpu.dma_semaphore, #tpu.memory_space<semaphore_mem>>)
    %scan3A_106 = arith.constant 0 : i32
    %scan3A_107 = arith.constant 0 : i32
    %scan3A_108 = arith.constant 8 : i32
    %scan3A_109 = arith.addi %scan3A_107, %scan3A_108 : i32
    %scan3A_110 = arith.constant 1 : i32
    scf.for %scan3A_305 = %scan3A_107 to %scan3A_109 step %scan3A_110  : i32 {
      %mul3A_306 = arith.constant 3 : i32
      %mul3A_307 = arith.muli %mul3A_306, %scan3A_305 : i32
      %add3A_308 = arith.constant 0 : i32
      %add3A_309 = arith.addi %mul3A_307, %add3A_308 : i32
      %dma_wait3A_310 = arith.constant 0 : i32
      %dma_wait3A_311 = arith.constant 0 : i32
      %dma_wait3A_312 = arith.constant 0 : i32
      %dma_wait3A_313 = tpu.memref_slice %arg8[%dma_wait3A_310, %dma_wait3A_311, %dma_wait3A_312] : memref<3x80x128xf32, #tpu.memory_space<vmem>> -> memref<1x80x128xf32, #tpu.memory_space<vmem>>
      %dma_wait3A_314 = tpu.memref_squeeze %dma_wait3A_313 : memref<1x80x128xf32, #tpu.memory_space<vmem>> -> memref<80x128xf32, #tpu.memory_space<vmem>>
      %dma_wait3A_315 = arith.constant 0 : i32
      %dma_wait3A_316 = tpu.memref_slice %arg6[%add3A_309, %dma_wait3A_315] : memref<25x80xi32, #tpu.memory_space<vmem>> -> memref<1x80xi32, #tpu.memory_space<vmem>>
      %dma_wait3A_317 = tpu.memref_squeeze %dma_wait3A_316 : memref<1x80xi32, #tpu.memory_space<vmem>> -> memref<80xi32, #tpu.memory_space<vmem>>
      %dma_wait3A_318 = arith.constant 0 : i32
      %dma_wait3A_319 = arith.constant 0 : i32
      %dma_wait3A_320 = tpu.memref_slice %arg4[%dma_wait3A_318, %dma_wait3A_319] : memref<10000x128xf32, #tpu.memory_space<hbm>> -> memref<10000x128xf32, #tpu.memory_space<hbm>>
      tpu.wait_indirect_dma semaphore(%arg10 : memref<!tpu.dma_semaphore, #tpu.memory_space<semaphore_mem>>) src(%dma_wait3A_320 : memref<10000x128xf32, #tpu.memory_space<hbm>>) dst(%dma_wait3A_314 : memref<80x128xf32, #tpu.memory_space<vmem>>)
      %run_scoped3A_321 = arith.constant 0 : i32
      "tpu.region"() ({
        %run_scoped3A_372 = tpu.sem_alloc : memref<!tpu.dma_semaphore, #tpu.memory_space<semaphore_mem>>
        %dma_start3A_373 = arith.constant 0 : i32
        %dma_start3A_374 = arith.constant 0 : i32
        %dma_start3A_375 = tpu.memref_slice %arg8[%run_scoped3A_321, %dma_start3A_373, %dma_start3A_374] : memref<3x80x128xf32, #tpu.memory_space<vmem>> -> memref<1x80x128xf32, #tpu.memory_space<vmem>>
        %dma_start3A_376 = tpu.memref_squeeze %dma_start3A_375 : memref<1x80x128xf32, #tpu.memory_space<vmem>> -> memref<80x128xf32, #tpu.memory_space<vmem>>
        %dma_start3A_377 = arith.constant 0 : i32
        %dma_start3A_378 = tpu.memref_slice %arg7[%add3A_309, %dma_start3A_377] : memref<25x80xi32, #tpu.memory_space<vmem>> -> memref<1x80xi32, #tpu.memory_space<vmem>>
        %dma_start3A_379 = tpu.memref_squeeze %dma_start3A_378 : memref<1x80xi32, #tpu.memory_space<vmem>> -> memref<80xi32, #tpu.memory_space<vmem>>
        %dma_start3A_380 = arith.constant 0 : i32
        %dma_start3A_381 = arith.constant 0 : i32
        %dma_start3A_382 = tpu.memref_slice %arg9[%dma_start3A_380, %dma_start3A_381] : memref<10240x128xf32, #tpu.memory_space<vmem_shared>> -> memref<10240x128xf32, #tpu.memory_space<vmem_shared>>
        tpu.enqueue_indirect_dma source(%dma_start3A_376 : memref<80x128xf32, #tpu.memory_space<vmem>>) target(%dma_start3A_382 : memref<10240x128xf32, #tpu.memory_space<vmem_shared>>) offsets(%dma_start3A_379 : memref<80xi32, #tpu.memory_space<vmem>>) semaphore(%run_scoped3A_372 : memref<!tpu.dma_semaphore, #tpu.memory_space<semaphore_mem>>) {add = true}
        %dma_wait3A_383 = arith.constant 0 : i32
        %dma_wait3A_384 = arith.constant 0 : i32
        %dma_wait3A_385 = tpu.memref_slice %arg8[%run_scoped3A_321, %dma_wait3A_383, %dma_wait3A_384] : memref<3x80x128xf32, #tpu.memory_space<vmem>> -> memref<1x80x128xf32, #tpu.memory_space<vmem>>
        %dma_wait3A_386 = tpu.memref_squeeze %dma_wait3A_385 : memref<1x80x128xf32, #tpu.memory_space<vmem>> -> memref<80x128xf32, #tpu.memory_space<vmem>>
        %dma_wait3A_387 = arith.constant 0 : i32
        %dma_wait3A_388 = tpu.memref_slice %arg7[%add3A_309, %dma_wait3A_387] : memref<25x80xi32, #tpu.memory_space<vmem>> -> memref<1x80xi32, #tpu.memory_space<vmem>>
        %dma_wait3A_389 = tpu.memref_squeeze %dma_wait3A_388 : memref<1x80xi32, #tpu.memory_space<vmem>> -> memref<80xi32, #tpu.memory_space<vmem>>
        %dma_wait3A_390 = arith.constant 0 : i32
        %dma_wait3A_391 = arith.constant 0 : i32
        %dma_wait3A_392 = tpu.memref_slice %arg9[%dma_wait3A_390, %dma_wait3A_391] : memref<10240x128xf32, #tpu.memory_space<vmem_shared>> -> memref<10240x128xf32, #tpu.memory_space<vmem_shared>>
        tpu.wait_indirect_dma semaphore(%run_scoped3A_372 : memref<!tpu.dma_semaphore, #tpu.memory_space<semaphore_mem>>) src(%dma_wait3A_386 : memref<80x128xf32, #tpu.memory_space<vmem>>) dst(%dma_wait3A_392 : memref<10240x128xf32, #tpu.memory_space<vmem_shared>>)
        tpu.yield
      }) : () -> ()
      %add3A_322 = arith.constant 3 : i32
      %add3A_323 = arith.addi %add3A_309, %add3A_322 : i32
      %lt3A = arith.constant 25 : i32
      %lt3A_324 = arith.cmpi slt, %add3A_323, %lt3A : i32
      %convert_element_type3A = arith.extui %lt3A_324 : i1 to i32
      %cond3A = arith.constant 0 : i32
      %cond3A_325 = arith.cmpi ne, %convert_element_type3A, %cond3A : i32
      scf.if %cond3A_325 {
        %add3A_372 = arith.constant 3 : i32
        %add3A_373 = arith.addi %add3A_309, %add3A_372 : i32
        %dma_start3A_374 = arith.constant 0 : i32
        %dma_start3A_375 = arith.constant 0 : i32
        %dma_start3A_376 = arith.constant 0 : i32
        %dma_start3A_377 = tpu.memref_slice %arg8[%dma_start3A_374, %dma_start3A_375, %dma_start3A_376] : memref<3x80x128xf32, #tpu.memory_space<vmem>> -> memref<1x80x128xf32, #tpu.memory_space<vmem>>
        %dma_start3A_378 = tpu.memref_squeeze %dma_start3A_377 : memref<1x80x128xf32, #tpu.memory_space<vmem>> -> memref<80x128xf32, #tpu.memory_space<vmem>>
        %dma_start3A_379 = arith.constant 0 : i32
        %dma_start3A_380 = tpu.memref_slice %arg6[%add3A_373, %dma_start3A_379] : memref<25x80xi32, #tpu.memory_space<vmem>> -> memref<1x80xi32, #tpu.memory_space<vmem>>
        %dma_start3A_381 = tpu.memref_squeeze %dma_start3A_380 : memref<1x80xi32, #tpu.memory_space<vmem>> -> memref<80xi32, #tpu.memory_space<vmem>>
        %dma_start3A_382 = arith.constant 0 : i32
        %dma_start3A_383 = arith.constant 0 : i32
        %dma_start3A_384 = tpu.memref_slice %arg4[%dma_start3A_382, %dma_start3A_383] : memref<10000x128xf32, #tpu.memory_space<hbm>> -> memref<10000x128xf32, #tpu.memory_space<hbm>>
        tpu.enqueue_indirect_dma source(%dma_start3A_384 : memref<10000x128xf32, #tpu.memory_space<hbm>>) target(%dma_start3A_378 : memref<80x128xf32, #tpu.memory_space<vmem>>) offsets(%dma_start3A_381 : memref<80xi32, #tpu.memory_space<vmem>>) semaphore(%arg10 : memref<!tpu.dma_semaphore, #tpu.memory_space<semaphore_mem>>)
      } else {
      }
      %mul3A_326 = arith.constant 3 : i32
      %mul3A_327 = arith.muli %mul3A_326, %scan3A_305 : i32
      %add3A_328 = arith.constant 1 : i32
      %add3A_329 = arith.addi %mul3A_327, %add3A_328 : i32
      %dma_wait3A_330 = arith.constant 1 : i32
      %dma_wait3A_331 = arith.constant 0 : i32
      %dma_wait3A_332 = arith.constant 0 : i32
      %dma_wait3A_333 = tpu.memref_slice %arg8[%dma_wait3A_330, %dma_wait3A_331, %dma_wait3A_332] : memref<3x80x128xf32, #tpu.memory_space<vmem>> -> memref<1x80x128xf32, #tpu.memory_space<vmem>>
      %dma_wait3A_334 = tpu.memref_squeeze %dma_wait3A_333 : memref<1x80x128xf32, #tpu.memory_space<vmem>> -> memref<80x128xf32, #tpu.memory_space<vmem>>
      %dma_wait3A_335 = arith.constant 0 : i32
      %dma_wait3A_336 = tpu.memref_slice %arg6[%add3A_329, %dma_wait3A_335] : memref<25x80xi32, #tpu.memory_space<vmem>> -> memref<1x80xi32, #tpu.memory_space<vmem>>
      %dma_wait3A_337 = tpu.memref_squeeze %dma_wait3A_336 : memref<1x80xi32, #tpu.memory_space<vmem>> -> memref<80xi32, #tpu.memory_space<vmem>>
      %dma_wait3A_338 = arith.constant 0 : i32
      %dma_wait3A_339 = arith.constant 0 : i32
      %dma_wait3A_340 = tpu.memref_slice %arg4[%dma_wait3A_338, %dma_wait3A_339] : memref<10000x128xf32, #tpu.memory_space<hbm>> -> memref<10000x128xf32, #tpu.memory_space<hbm>>
      tpu.wait_indirect_dma semaphore(%arg11 : memref<!tpu.dma_semaphore, #tpu.memory_space<semaphore_mem>>) src(%dma_wait3A_340 : memref<10000x128xf32, #tpu.memory_space<hbm>>) dst(%dma_wait3A_334 : memref<80x128xf32, #tpu.memory_space<vmem>>)
      %run_scoped3A_341 = arith.constant 1 : i32
      "tpu.region"() ({
        %run_scoped3A_372 = tpu.sem_alloc : memref<!tpu.dma_semaphore, #tpu.memory_space<semaphore_mem>>
        %dma_start3A_373 = arith.constant 0 : i32
        %dma_start3A_374 = arith.constant 0 : i32
        %dma_start3A_375 = tpu.memref_slice %arg8[%run_scoped3A_341, %dma_start3A_373, %dma_start3A_374] : memref<3x80x128xf32, #tpu.memory_space<vmem>> -> memref<1x80x128xf32, #tpu.memory_space<vmem>>
        %dma_start3A_376 = tpu.memref_squeeze %dma_start3A_375 : memref<1x80x128xf32, #tpu.memory_space<vmem>> -> memref<80x128xf32, #tpu.memory_space<vmem>>
        %dma_start3A_377 = arith.constant 0 : i32
        %dma_start3A_378 = tpu.memref_slice %arg7[%add3A_329, %dma_start3A_377] : memref<25x80xi32, #tpu.memory_space<vmem>> -> memref<1x80xi32, #tpu.memory_space<vmem>>
        %dma_start3A_379 = tpu.memref_squeeze %dma_start3A_378 : memref<1x80xi32, #tpu.memory_space<vmem>> -> memref<80xi32, #tpu.memory_space<vmem>>
        %dma_start3A_380 = arith.constant 0 : i32
        %dma_start3A_381 = arith.constant 0 : i32
        %dma_start3A_382 = tpu.memref_slice %arg9[%dma_start3A_380, %dma_start3A_381] : memref<10240x128xf32, #tpu.memory_space<vmem_shared>> -> memref<10240x128xf32, #tpu.memory_space<vmem_shared>>
        tpu.enqueue_indirect_dma source(%dma_start3A_376 : memref<80x128xf32, #tpu.memory_space<vmem>>) target(%dma_start3A_382 : memref<10240x128xf32, #tpu.memory_space<vmem_shared>>) offsets(%dma_start3A_379 : memref<80xi32, #tpu.memory_space<vmem>>) semaphore(%run_scoped3A_372 : memref<!tpu.dma_semaphore, #tpu.memory_space<semaphore_mem>>) {add = true}
        %dma_wait3A_383 = arith.constant 0 : i32
        %dma_wait3A_384 = arith.constant 0 : i32
        %dma_wait3A_385 = tpu.memref_slice %arg8[%run_scoped3A_341, %dma_wait3A_383, %dma_wait3A_384] : memref<3x80x128xf32, #tpu.memory_space<vmem>> -> memref<1x80x128xf32, #tpu.memory_space<vmem>>
        %dma_wait3A_386 = tpu.memref_squeeze %dma_wait3A_385 : memref<1x80x128xf32, #tpu.memory_space<vmem>> -> memref<80x128xf32, #tpu.memory_space<vmem>>
        %dma_wait3A_387 = arith.constant 0 : i32
        %dma_wait3A_388 = tpu.memref_slice %arg7[%add3A_329, %dma_wait3A_387] : memref<25x80xi32, #tpu.memory_space<vmem>> -> memref<1x80xi32, #tpu.memory_space<vmem>>
        %dma_wait3A_389 = tpu.memref_squeeze %dma_wait3A_388 : memref<1x80xi32, #tpu.memory_space<vmem>> -> memref<80xi32, #tpu.memory_space<vmem>>
        %dma_wait3A_390 = arith.constant 0 : i32
        %dma_wait3A_391 = arith.constant 0 : i32
        %dma_wait3A_392 = tpu.memref_slice %arg9[%dma_wait3A_390, %dma_wait3A_391] : memref<10240x128xf32, #tpu.memory_space<vmem_shared>> -> memref<10240x128xf32, #tpu.memory_space<vmem_shared>>
        tpu.wait_indirect_dma semaphore(%run_scoped3A_372 : memref<!tpu.dma_semaphore, #tpu.memory_space<semaphore_mem>>) src(%dma_wait3A_386 : memref<80x128xf32, #tpu.memory_space<vmem>>) dst(%dma_wait3A_392 : memref<10240x128xf32, #tpu.memory_space<vmem_shared>>)
        tpu.yield
      }) : () -> ()
      %add3A_342 = arith.constant 3 : i32
      %add3A_343 = arith.addi %add3A_329, %add3A_342 : i32
      %lt3A_344 = arith.constant 25 : i32
      %lt3A_345 = arith.cmpi slt, %add3A_343, %lt3A_344 : i32
      %convert_element_type3A_346 = arith.extui %lt3A_345 : i1 to i32
      %cond3A_347 = arith.constant 0 : i32
      %cond3A_348 = arith.cmpi ne, %convert_element_type3A_346, %cond3A_347 : i32
      scf.if %cond3A_348 {
        %add3A_372 = arith.constant 3 : i32
        %add3A_373 = arith.addi %add3A_329, %add3A_372 : i32
        %dma_start3A_374 = arith.constant 1 : i32
        %dma_start3A_375 = arith.constant 0 : i32
        %dma_start3A_376 = arith.constant 0 : i32
        %dma_start3A_377 = tpu.memref_slice %arg8[%dma_start3A_374, %dma_start3A_375, %dma_start3A_376] : memref<3x80x128xf32, #tpu.memory_space<vmem>> -> memref<1x80x128xf32, #tpu.memory_space<vmem>>
        %dma_start3A_378 = tpu.memref_squeeze %dma_start3A_377 : memref<1x80x128xf32, #tpu.memory_space<vmem>> -> memref<80x128xf32, #tpu.memory_space<vmem>>
        %dma_start3A_379 = arith.constant 0 : i32
        %dma_start3A_380 = tpu.memref_slice %arg6[%add3A_373, %dma_start3A_379] : memref<25x80xi32, #tpu.memory_space<vmem>> -> memref<1x80xi32, #tpu.memory_space<vmem>>
        %dma_start3A_381 = tpu.memref_squeeze %dma_start3A_380 : memref<1x80xi32, #tpu.memory_space<vmem>> -> memref<80xi32, #tpu.memory_space<vmem>>
        %dma_start3A_382 = arith.constant 0 : i32
        %dma_start3A_383 = arith.constant 0 : i32
        %dma_start3A_384 = tpu.memref_slice %arg4[%dma_start3A_382, %dma_start3A_383] : memref<10000x128xf32, #tpu.memory_space<hbm>> -> memref<10000x128xf32, #tpu.memory_space<hbm>>
        tpu.enqueue_indirect_dma source(%dma_start3A_384 : memref<10000x128xf32, #tpu.memory_space<hbm>>) target(%dma_start3A_378 : memref<80x128xf32, #tpu.memory_space<vmem>>) offsets(%dma_start3A_381 : memref<80xi32, #tpu.memory_space<vmem>>) semaphore(%arg11 : memref<!tpu.dma_semaphore, #tpu.memory_space<semaphore_mem>>)
      } else {
      }
      %mul3A_349 = arith.constant 3 : i32
      %mul3A_350 = arith.muli %mul3A_349, %scan3A_305 : i32
      %add3A_351 = arith.constant 2 : i32
      %add3A_352 = arith.addi %mul3A_350, %add3A_351 : i32
      %dma_wait3A_353 = arith.constant 2 : i32
      %dma_wait3A_354 = arith.constant 0 : i32
      %dma_wait3A_355 = arith.constant 0 : i32
      %dma_wait3A_356 = tpu.memref_slice %arg8[%dma_wait3A_353, %dma_wait3A_354, %dma_wait3A_355] : memref<3x80x128xf32, #tpu.memory_space<vmem>> -> memref<1x80x128xf32, #tpu.memory_space<vmem>>
      %dma_wait3A_357 = tpu.memref_squeeze %dma_wait3A_356 : memref<1x80x128xf32, #tpu.memory_space<vmem>> -> memref<80x128xf32, #tpu.memory_space<vmem>>
      %dma_wait3A_358 = arith.constant 0 : i32
      %dma_wait3A_359 = tpu.memref_slice %arg6[%add3A_352, %dma_wait3A_358] : memref<25x80xi32, #tpu.memory_space<vmem>> -> memref<1x80xi32, #tpu.memory_space<vmem>>
      %dma_wait3A_360 = tpu.memref_squeeze %dma_wait3A_359 : memref<1x80xi32, #tpu.memory_space<vmem>> -> memref<80xi32, #tpu.memory_space<vmem>>
      %dma_wait3A_361 = arith.constant 0 : i32
      %dma_wait3A_362 = arith.constant 0 : i32
      %dma_wait3A_363 = tpu.memref_slice %arg4[%dma_wait3A_361, %dma_wait3A_362] : memref<10000x128xf32, #tpu.memory_space<hbm>> -> memref<10000x128xf32, #tpu.memory_space<hbm>>
      tpu.wait_indirect_dma semaphore(%arg12 : memref<!tpu.dma_semaphore, #tpu.memory_space<semaphore_mem>>) src(%dma_wait3A_363 : memref<10000x128xf32, #tpu.memory_space<hbm>>) dst(%dma_wait3A_357 : memref<80x128xf32, #tpu.memory_space<vmem>>)
      %run_scoped3A_364 = arith.constant 2 : i32
      "tpu.region"() ({
        %run_scoped3A_372 = tpu.sem_alloc : memref<!tpu.dma_semaphore, #tpu.memory_space<semaphore_mem>>
        %dma_start3A_373 = arith.constant 0 : i32
        %dma_start3A_374 = arith.constant 0 : i32
        %dma_start3A_375 = tpu.memref_slice %arg8[%run_scoped3A_364, %dma_start3A_373, %dma_start3A_374] : memref<3x80x128xf32, #tpu.memory_space<vmem>> -> memref<1x80x128xf32, #tpu.memory_space<vmem>>
        %dma_start3A_376 = tpu.memref_squeeze %dma_start3A_375 : memref<1x80x128xf32, #tpu.memory_space<vmem>> -> memref<80x128xf32, #tpu.memory_space<vmem>>
        %dma_start3A_377 = arith.constant 0 : i32
        %dma_start3A_378 = tpu.memref_slice %arg7[%add3A_352, %dma_start3A_377] : memref<25x80xi32, #tpu.memory_space<vmem>> -> memref<1x80xi32, #tpu.memory_space<vmem>>
        %dma_start3A_379 = tpu.memref_squeeze %dma_start3A_378 : memref<1x80xi32, #tpu.memory_space<vmem>> -> memref<80xi32, #tpu.memory_space<vmem>>
        %dma_start3A_380 = arith.constant 0 : i32
        %dma_start3A_381 = arith.constant 0 : i32
        %dma_start3A_382 = tpu.memref_slice %arg9[%dma_start3A_380, %dma_start3A_381] : memref<10240x128xf32, #tpu.memory_space<vmem_shared>> -> memref<10240x128xf32, #tpu.memory_space<vmem_shared>>
        tpu.enqueue_indirect_dma source(%dma_start3A_376 : memref<80x128xf32, #tpu.memory_space<vmem>>) target(%dma_start3A_382 : memref<10240x128xf32, #tpu.memory_space<vmem_shared>>) offsets(%dma_start3A_379 : memref<80xi32, #tpu.memory_space<vmem>>) semaphore(%run_scoped3A_372 : memref<!tpu.dma_semaphore, #tpu.memory_space<semaphore_mem>>) {add = true}
        %dma_wait3A_383 = arith.constant 0 : i32
        %dma_wait3A_384 = arith.constant 0 : i32
        %dma_wait3A_385 = tpu.memref_slice %arg8[%run_scoped3A_364, %dma_wait3A_383, %dma_wait3A_384] : memref<3x80x128xf32, #tpu.memory_space<vmem>> -> memref<1x80x128xf32, #tpu.memory_space<vmem>>
        %dma_wait3A_386 = tpu.memref_squeeze %dma_wait3A_385 : memref<1x80x128xf32, #tpu.memory_space<vmem>> -> memref<80x128xf32, #tpu.memory_space<vmem>>
        %dma_wait3A_387 = arith.constant 0 : i32
        %dma_wait3A_388 = tpu.memref_slice %arg7[%add3A_352, %dma_wait3A_387] : memref<25x80xi32, #tpu.memory_space<vmem>> -> memref<1x80xi32, #tpu.memory_space<vmem>>
        %dma_wait3A_389 = tpu.memref_squeeze %dma_wait3A_388 : memref<1x80xi32, #tpu.memory_space<vmem>> -> memref<80xi32, #tpu.memory_space<vmem>>
        %dma_wait3A_390 = arith.constant 0 : i32
        %dma_wait3A_391 = arith.constant 0 : i32
        %dma_wait3A_392 = tpu.memref_slice %arg9[%dma_wait3A_390, %dma_wait3A_391] : memref<10240x128xf32, #tpu.memory_space<vmem_shared>> -> memref<10240x128xf32, #tpu.memory_space<vmem_shared>>
        tpu.wait_indirect_dma semaphore(%run_scoped3A_372 : memref<!tpu.dma_semaphore, #tpu.memory_space<semaphore_mem>>) src(%dma_wait3A_386 : memref<80x128xf32, #tpu.memory_space<vmem>>) dst(%dma_wait3A_392 : memref<10240x128xf32, #tpu.memory_space<vmem_shared>>)
        tpu.yield
      }) : () -> ()
      %add3A_365 = arith.constant 3 : i32
      %add3A_366 = arith.addi %add3A_352, %add3A_365 : i32
      %lt3A_367 = arith.constant 25 : i32
      %lt3A_368 = arith.cmpi slt, %add3A_366, %lt3A_367 : i32
      %convert_element_type3A_369 = arith.extui %lt3A_368 : i1 to i32
      %cond3A_370 = arith.constant 0 : i32
      %cond3A_371 = arith.cmpi ne, %convert_element_type3A_369, %cond3A_370 : i32
      scf.if %cond3A_371 {
        %add3A_372 = arith.constant 3 : i32
        %add3A_373 = arith.addi %add3A_352, %add3A_372 : i32
        %dma_start3A_374 = arith.constant 2 : i32
        %dma_start3A_375 = arith.constant 0 : i32
        %dma_start3A_376 = arith.constant 0 : i32
        %dma_start3A_377 = tpu.memref_slice %arg8[%dma_start3A_374, %dma_start3A_375, %dma_start3A_376] : memref<3x80x128xf32, #tpu.memory_space<vmem>> -> memref<1x80x128xf32, #tpu.memory_space<vmem>>
        %dma_start3A_378 = tpu.memref_squeeze %dma_start3A_377 : memref<1x80x128xf32, #tpu.memory_space<vmem>> -> memref<80x128xf32, #tpu.memory_space<vmem>>
        %dma_start3A_379 = arith.constant 0 : i32
        %dma_start3A_380 = tpu.memref_slice %arg6[%add3A_373, %dma_start3A_379] : memref<25x80xi32, #tpu.memory_space<vmem>> -> memref<1x80xi32, #tpu.memory_space<vmem>>
        %dma_start3A_381 = tpu.memref_squeeze %dma_start3A_380 : memref<1x80xi32, #tpu.memory_space<vmem>> -> memref<80xi32, #tpu.memory_space<vmem>>
        %dma_start3A_382 = arith.constant 0 : i32
        %dma_start3A_383 = arith.constant 0 : i32
        %dma_start3A_384 = tpu.memref_slice %arg4[%dma_start3A_382, %dma_start3A_383] : memref<10000x128xf32, #tpu.memory_space<hbm>> -> memref<10000x128xf32, #tpu.memory_space<hbm>>
        tpu.enqueue_indirect_dma source(%dma_start3A_384 : memref<10000x128xf32, #tpu.memory_space<hbm>>) target(%dma_start3A_378 : memref<80x128xf32, #tpu.memory_space<vmem>>) offsets(%dma_start3A_381 : memref<80xi32, #tpu.memory_space<vmem>>) semaphore(%arg12 : memref<!tpu.dma_semaphore, #tpu.memory_space<semaphore_mem>>)
      } else {
      }
    }
    %scan3A_111 = arith.constant 8 : i32
    %dma_wait3A_112 = arith.constant 24 : i32
    %dma_wait3A_113 = arith.constant 0 : i32
    %dma_wait3A_114 = arith.constant 0 : i32
    %dma_wait3A_115 = arith.constant 0 : i32
    %dma_wait3A_116 = tpu.memref_slice %arg8[%dma_wait3A_113, %dma_wait3A_114, %dma_wait3A_115] : memref<3x80x128xf32, #tpu.memory_space<vmem>> -> memref<1x80x128xf32, #tpu.memory_space<vmem>>
    %dma_wait3A_117 = tpu.memref_squeeze %dma_wait3A_116 : memref<1x80x128xf32, #tpu.memory_space<vmem>> -> memref<80x128xf32, #tpu.memory_space<vmem>>
    %dma_wait3A_118 = arith.constant 0 : i32
    %dma_wait3A_119 = tpu.memref_slice %arg6[%dma_wait3A_112, %dma_wait3A_118] : memref<25x80xi32, #tpu.memory_space<vmem>> -> memref<1x80xi32, #tpu.memory_space<vmem>>
    %dma_wait3A_120 = tpu.memref_squeeze %dma_wait3A_119 : memref<1x80xi32, #tpu.memory_space<vmem>> -> memref<80xi32, #tpu.memory_space<vmem>>
    %dma_wait3A_121 = arith.constant 0 : i32
    %dma_wait3A_122 = arith.constant 0 : i32
    %dma_wait3A_123 = tpu.memref_slice %arg4[%dma_wait3A_121, %dma_wait3A_122] : memref<10000x128xf32, #tpu.memory_space<hbm>> -> memref<10000x128xf32, #tpu.memory_space<hbm>>
    tpu.wait_indirect_dma semaphore(%arg10 : memref<!tpu.dma_semaphore, #tpu.memory_space<semaphore_mem>>) src(%dma_wait3A_123 : memref<10000x128xf32, #tpu.memory_space<hbm>>) dst(%dma_wait3A_117 : memref<80x128xf32, #tpu.memory_space<vmem>>)
    %run_scoped3A_124 = arith.constant 0 : i32
    %run_scoped3A_125 = arith.constant 24 : i32
    "tpu.region"() ({
      %run_scoped3A_305 = tpu.sem_alloc : memref<!tpu.dma_semaphore, #tpu.memory_space<semaphore_mem>>
      %dma_start3A_306 = arith.constant 0 : i32
      %dma_start3A_307 = arith.constant 0 : i32
      %dma_start3A_308 = tpu.memref_slice %arg8[%run_scoped3A_124, %dma_start3A_306, %dma_start3A_307] : memref<3x80x128xf32, #tpu.memory_space<vmem>> -> memref<1x80x128xf32, #tpu.memory_space<vmem>>
      %dma_start3A_309 = tpu.memref_squeeze %dma_start3A_308 : memref<1x80x128xf32, #tpu.memory_space<vmem>> -> memref<80x128xf32, #tpu.memory_space<vmem>>
      %dma_start3A_310 = arith.constant 0 : i32
      %dma_start3A_311 = tpu.memref_slice %arg7[%run_scoped3A_125, %dma_start3A_310] : memref<25x80xi32, #tpu.memory_space<vmem>> -> memref<1x80xi32, #tpu.memory_space<vmem>>
      %dma_start3A_312 = tpu.memref_squeeze %dma_start3A_311 : memref<1x80xi32, #tpu.memory_space<vmem>> -> memref<80xi32, #tpu.memory_space<vmem>>
      %dma_start3A_313 = arith.constant 0 : i32
      %dma_start3A_314 = arith.constant 0 : i32
      %dma_start3A_315 = tpu.memref_slice %arg9[%dma_start3A_313, %dma_start3A_314] : memref<10240x128xf32, #tpu.memory_space<vmem_shared>> -> memref<10240x128xf32, #tpu.memory_space<vmem_shared>>
      tpu.enqueue_indirect_dma source(%dma_start3A_309 : memref<80x128xf32, #tpu.memory_space<vmem>>) target(%dma_start3A_315 : memref<10240x128xf32, #tpu.memory_space<vmem_shared>>) offsets(%dma_start3A_312 : memref<80xi32, #tpu.memory_space<vmem>>) semaphore(%run_scoped3A_305 : memref<!tpu.dma_semaphore, #tpu.memory_space<semaphore_mem>>) {add = true}
      %dma_wait3A_316 = arith.constant 0 : i32
      %dma_wait3A_317 = arith.constant 0 : i32
      %dma_wait3A_318 = tpu.memref_slice %arg8[%run_scoped3A_124, %dma_wait3A_316, %dma_wait3A_317] : memref<3x80x128xf32, #tpu.memory_space<vmem>> -> memref<1x80x128xf32, #tpu.memory_space<vmem>>
      %dma_wait3A_319 = tpu.memref_squeeze %dma_wait3A_318 : memref<1x80x128xf32, #tpu.memory_space<vmem>> -> memref<80x128xf32, #tpu.memory_space<vmem>>
      %dma_wait3A_320 = arith.constant 0 : i32
      %dma_wait3A_321 = tpu.memref_slice %arg7[%run_scoped3A_125, %dma_wait3A_320] : memref<25x80xi32, #tpu.memory_space<vmem>> -> memref<1x80xi32, #tpu.memory_space<vmem>>
      %dma_wait3A_322 = tpu.memref_squeeze %dma_wait3A_321 : memref<1x80xi32, #tpu.memory_space<vmem>> -> memref<80xi32, #tpu.memory_space<vmem>>
      %dma_wait3A_323 = arith.constant 0 : i32
      %dma_wait3A_324 = arith.constant 0 : i32
      %dma_wait3A_325 = tpu.memref_slice %arg9[%dma_wait3A_323, %dma_wait3A_324] : memref<10240x128xf32, #tpu.memory_space<vmem_shared>> -> memref<10240x128xf32, #tpu.memory_space<vmem_shared>>
      tpu.wait_indirect_dma semaphore(%run_scoped3A_305 : memref<!tpu.dma_semaphore, #tpu.memory_space<semaphore_mem>>) src(%dma_wait3A_319 : memref<80x128xf32, #tpu.memory_space<vmem>>) dst(%dma_wait3A_325 : memref<10240x128xf32, #tpu.memory_space<vmem_shared>>)
      tpu.yield
    }) : () -> ()
    %run_scoped3A_126 = arith.constant 2 : i32
    "tpu.region"() ({
      %run_scoped3A_305 = tpu.sem_alloc : memref<!tpu.dma_semaphore, #tpu.memory_space<semaphore_mem>>
      %dma_start3A_306 = arith.constant 0 : i32
      %dma_start3A_307 = arith.constant 0 : i32
      %dma_start3A_308 = tpu.memref_slice %arg2[%add3A, %run_scoped3A_126, %dma_start3A_306, %dma_start3A_307] : memref<32x5x25x80xi32, #tpu.memory_space<hbm>> -> memref<1x1x25x80xi32, #tpu.memory_space<hbm>>
      %dma_start3A_309 = tpu.memref_squeeze %dma_start3A_308 : memref<1x1x25x80xi32, #tpu.memory_space<hbm>> -> memref<25x80xi32, #tpu.memory_space<hbm>>
      %dma_start3A_310 = arith.constant 0 : i32
      %dma_start3A_311 = arith.constant 0 : i32
      %dma_start3A_312 = tpu.memref_slice %arg2[%add3A, %run_scoped3A_126, %dma_start3A_310, %dma_start3A_311] : memref<32x5x25x80xi32, #tpu.memory_space<hbm>> -> memref<1x1x25x80xi32, #tpu.memory_space<hbm>>
      %dma_start3A_313 = tpu.memref_squeeze %dma_start3A_312 : memref<1x1x25x80xi32, #tpu.memory_space<hbm>> -> memref<25x80xi32, #tpu.memory_space<hbm>>
      tpu.enqueue_dma source(%dma_start3A_313 : memref<25x80xi32, #tpu.memory_space<hbm>>) target(%arg6 : memref<25x80xi32, #tpu.memory_space<vmem>>) target_semaphore(%run_scoped3A_305 : memref<!tpu.dma_semaphore, #tpu.memory_space<semaphore_mem>>)
      %dma_wait3A_314 = arith.constant 0 : i32
      %dma_wait3A_315 = arith.constant 0 : i32
      %dma_wait3A_316 = tpu.memref_slice %arg2[%add3A, %run_scoped3A_126, %dma_wait3A_314, %dma_wait3A_315] : memref<32x5x25x80xi32, #tpu.memory_space<hbm>> -> memref<1x1x25x80xi32, #tpu.memory_space<hbm>>
      %dma_wait3A_317 = tpu.memref_squeeze %dma_wait3A_316 : memref<1x1x25x80xi32, #tpu.memory_space<hbm>> -> memref<25x80xi32, #tpu.memory_space<hbm>>
      %dma_wait3A_318 = arith.constant 0 : i32
      %dma_wait3A_319 = arith.constant 0 : i32
      %dma_wait3A_320 = tpu.memref_slice %arg2[%add3A, %run_scoped3A_126, %dma_wait3A_318, %dma_wait3A_319] : memref<32x5x25x80xi32, #tpu.memory_space<hbm>> -> memref<1x1x25x80xi32, #tpu.memory_space<hbm>>
      %dma_wait3A_321 = tpu.memref_squeeze %dma_wait3A_320 : memref<1x1x25x80xi32, #tpu.memory_space<hbm>> -> memref<25x80xi32, #tpu.memory_space<hbm>>
      tpu.wait_dma2 semaphore(%run_scoped3A_305 : memref<!tpu.dma_semaphore, #tpu.memory_space<semaphore_mem>>) src(%dma_wait3A_321 : memref<25x80xi32, #tpu.memory_space<hbm>>) dst(%arg6 : memref<25x80xi32, #tpu.memory_space<vmem>>)
      tpu.yield
    }) : () -> ()
    %run_scoped3A_127 = arith.constant 2 : i32
    "tpu.region"() ({
      %run_scoped3A_305 = tpu.sem_alloc : memref<!tpu.dma_semaphore, #tpu.memory_space<semaphore_mem>>
      %dma_start3A_306 = arith.constant 0 : i32
      %dma_start3A_307 = arith.constant 0 : i32
      %dma_start3A_308 = tpu.memref_slice %arg3[%add3A, %run_scoped3A_127, %dma_start3A_306, %dma_start3A_307] : memref<32x5x25x80xi32, #tpu.memory_space<hbm>> -> memref<1x1x25x80xi32, #tpu.memory_space<hbm>>
      %dma_start3A_309 = tpu.memref_squeeze %dma_start3A_308 : memref<1x1x25x80xi32, #tpu.memory_space<hbm>> -> memref<25x80xi32, #tpu.memory_space<hbm>>
      %dma_start3A_310 = arith.constant 0 : i32
      %dma_start3A_311 = arith.constant 0 : i32
      %dma_start3A_312 = tpu.memref_slice %arg3[%add3A, %run_scoped3A_127, %dma_start3A_310, %dma_start3A_311] : memref<32x5x25x80xi32, #tpu.memory_space<hbm>> -> memref<1x1x25x80xi32, #tpu.memory_space<hbm>>
      %dma_start3A_313 = tpu.memref_squeeze %dma_start3A_312 : memref<1x1x25x80xi32, #tpu.memory_space<hbm>> -> memref<25x80xi32, #tpu.memory_space<hbm>>
      tpu.enqueue_dma source(%dma_start3A_313 : memref<25x80xi32, #tpu.memory_space<hbm>>) target(%arg7 : memref<25x80xi32, #tpu.memory_space<vmem>>) target_semaphore(%run_scoped3A_305 : memref<!tpu.dma_semaphore, #tpu.memory_space<semaphore_mem>>)
      %dma_wait3A_314 = arith.constant 0 : i32
      %dma_wait3A_315 = arith.constant 0 : i32
      %dma_wait3A_316 = tpu.memref_slice %arg3[%add3A, %run_scoped3A_127, %dma_wait3A_314, %dma_wait3A_315] : memref<32x5x25x80xi32, #tpu.memory_space<hbm>> -> memref<1x1x25x80xi32, #tpu.memory_space<hbm>>
      %dma_wait3A_317 = tpu.memref_squeeze %dma_wait3A_316 : memref<1x1x25x80xi32, #tpu.memory_space<hbm>> -> memref<25x80xi32, #tpu.memory_space<hbm>>
      %dma_wait3A_318 = arith.constant 0 : i32
      %dma_wait3A_319 = arith.constant 0 : i32
      %dma_wait3A_320 = tpu.memref_slice %arg3[%add3A, %run_scoped3A_127, %dma_wait3A_318, %dma_wait3A_319] : memref<32x5x25x80xi32, #tpu.memory_space<hbm>> -> memref<1x1x25x80xi32, #tpu.memory_space<hbm>>
      %dma_wait3A_321 = tpu.memref_squeeze %dma_wait3A_320 : memref<1x1x25x80xi32, #tpu.memory_space<hbm>> -> memref<25x80xi32, #tpu.memory_space<hbm>>
      tpu.wait_dma2 semaphore(%run_scoped3A_305 : memref<!tpu.dma_semaphore, #tpu.memory_space<semaphore_mem>>) src(%dma_wait3A_321 : memref<25x80xi32, #tpu.memory_space<hbm>>) dst(%arg7 : memref<25x80xi32, #tpu.memory_space<vmem>>)
      tpu.yield
    }) : () -> ()
    %dma_start3A_128 = arith.constant 0 : i32
    %dma_start3A_129 = arith.constant 0 : i32
    %dma_start3A_130 = arith.constant 0 : i32
    %dma_start3A_131 = arith.constant 0 : i32
    %dma_start3A_132 = tpu.memref_slice %arg8[%dma_start3A_129, %dma_start3A_130, %dma_start3A_131] : memref<3x80x128xf32, #tpu.memory_space<vmem>> -> memref<1x80x128xf32, #tpu.memory_space<vmem>>
    %dma_start3A_133 = tpu.memref_squeeze %dma_start3A_132 : memref<1x80x128xf32, #tpu.memory_space<vmem>> -> memref<80x128xf32, #tpu.memory_space<vmem>>
    %dma_start3A_134 = arith.constant 0 : i32
    %dma_start3A_135 = tpu.memref_slice %arg6[%dma_start3A_128, %dma_start3A_134] : memref<25x80xi32, #tpu.memory_space<vmem>> -> memref<1x80xi32, #tpu.memory_space<vmem>>
    %dma_start3A_136 = tpu.memref_squeeze %dma_start3A_135 : memref<1x80xi32, #tpu.memory_space<vmem>> -> memref<80xi32, #tpu.memory_space<vmem>>
    %dma_start3A_137 = arith.constant 0 : i32
    %dma_start3A_138 = arith.constant 0 : i32
    %dma_start3A_139 = tpu.memref_slice %arg4[%dma_start3A_137, %dma_start3A_138] : memref<10000x128xf32, #tpu.memory_space<hbm>> -> memref<10000x128xf32, #tpu.memory_space<hbm>>
    tpu.enqueue_indirect_dma source(%dma_start3A_139 : memref<10000x128xf32, #tpu.memory_space<hbm>>) target(%dma_start3A_133 : memref<80x128xf32, #tpu.memory_space<vmem>>) offsets(%dma_start3A_136 : memref<80xi32, #tpu.memory_space<vmem>>) semaphore(%arg10 : memref<!tpu.dma_semaphore, #tpu.memory_space<semaphore_mem>>)
    %dma_start3A_140 = arith.constant 1 : i32
    %dma_start3A_141 = arith.constant 1 : i32
    %dma_start3A_142 = arith.constant 0 : i32
    %dma_start3A_143 = arith.constant 0 : i32
    %dma_start3A_144 = tpu.memref_slice %arg8[%dma_start3A_141, %dma_start3A_142, %dma_start3A_143] : memref<3x80x128xf32, #tpu.memory_space<vmem>> -> memref<1x80x128xf32, #tpu.memory_space<vmem>>
    %dma_start3A_145 = tpu.memref_squeeze %dma_start3A_144 : memref<1x80x128xf32, #tpu.memory_space<vmem>> -> memref<80x128xf32, #tpu.memory_space<vmem>>
    %dma_start3A_146 = arith.constant 0 : i32
    %dma_start3A_147 = tpu.memref_slice %arg6[%dma_start3A_140, %dma_start3A_146] : memref<25x80xi32, #tpu.memory_space<vmem>> -> memref<1x80xi32, #tpu.memory_space<vmem>>
    %dma_start3A_148 = tpu.memref_squeeze %dma_start3A_147 : memref<1x80xi32, #tpu.memory_space<vmem>> -> memref<80xi32, #tpu.memory_space<vmem>>
    %dma_start3A_149 = arith.constant 0 : i32
    %dma_start3A_150 = arith.constant 0 : i32
    %dma_start3A_151 = tpu.memref_slice %arg4[%dma_start3A_149, %dma_start3A_150] : memref<10000x128xf32, #tpu.memory_space<hbm>> -> memref<10000x128xf32, #tpu.memory_space<hbm>>
    tpu.enqueue_indirect_dma source(%dma_start3A_151 : memref<10000x128xf32, #tpu.memory_space<hbm>>) target(%dma_start3A_145 : memref<80x128xf32, #tpu.memory_space<vmem>>) offsets(%dma_start3A_148 : memref<80xi32, #tpu.memory_space<vmem>>) semaphore(%arg11 : memref<!tpu.dma_semaphore, #tpu.memory_space<semaphore_mem>>)
    %dma_start3A_152 = arith.constant 2 : i32
    %dma_start3A_153 = arith.constant 2 : i32
    %dma_start3A_154 = arith.constant 0 : i32
    %dma_start3A_155 = arith.constant 0 : i32
    %dma_start3A_156 = tpu.memref_slice %arg8[%dma_start3A_153, %dma_start3A_154, %dma_start3A_155] : memref<3x80x128xf32, #tpu.memory_space<vmem>> -> memref<1x80x128xf32, #tpu.memory_space<vmem>>
    %dma_start3A_157 = tpu.memref_squeeze %dma_start3A_156 : memref<1x80x128xf32, #tpu.memory_space<vmem>> -> memref<80x128xf32, #tpu.memory_space<vmem>>
    %dma_start3A_158 = arith.constant 0 : i32
    %dma_start3A_159 = tpu.memref_slice %arg6[%dma_start3A_152, %dma_start3A_158] : memref<25x80xi32, #tpu.memory_space<vmem>> -> memref<1x80xi32, #tpu.memory_space<vmem>>
    %dma_start3A_160 = tpu.memref_squeeze %dma_start3A_159 : memref<1x80xi32, #tpu.memory_space<vmem>> -> memref<80xi32, #tpu.memory_space<vmem>>
    %dma_start3A_161 = arith.constant 0 : i32
    %dma_start3A_162 = arith.constant 0 : i32
    %dma_start3A_163 = tpu.memref_slice %arg4[%dma_start3A_161, %dma_start3A_162] : memref<10000x128xf32, #tpu.memory_space<hbm>> -> memref<10000x128xf32, #tpu.memory_space<hbm>>
    tpu.enqueue_indirect_dma source(%dma_start3A_163 : memref<10000x128xf32, #tpu.memory_space<hbm>>) target(%dma_start3A_157 : memref<80x128xf32, #tpu.memory_space<vmem>>) offsets(%dma_start3A_160 : memref<80xi32, #tpu.memory_space<vmem>>) semaphore(%arg12 : memref<!tpu.dma_semaphore, #tpu.memory_space<semaphore_mem>>)
    %scan3A_164 = arith.constant 0 : i32
    %scan3A_165 = arith.constant 0 : i32
    %scan3A_166 = arith.constant 8 : i32
    %scan3A_167 = arith.addi %scan3A_165, %scan3A_166 : i32
    %scan3A_168 = arith.constant 1 : i32
    scf.for %scan3A_305 = %scan3A_165 to %scan3A_167 step %scan3A_168  : i32 {
      %mul3A_306 = arith.constant 3 : i32
      %mul3A_307 = arith.muli %mul3A_306, %scan3A_305 : i32
      %add3A_308 = arith.constant 0 : i32
      %add3A_309 = arith.addi %mul3A_307, %add3A_308 : i32
      %dma_wait3A_310 = arith.constant 0 : i32
      %dma_wait3A_311 = arith.constant 0 : i32
      %dma_wait3A_312 = arith.constant 0 : i32
      %dma_wait3A_313 = tpu.memref_slice %arg8[%dma_wait3A_310, %dma_wait3A_311, %dma_wait3A_312] : memref<3x80x128xf32, #tpu.memory_space<vmem>> -> memref<1x80x128xf32, #tpu.memory_space<vmem>>
      %dma_wait3A_314 = tpu.memref_squeeze %dma_wait3A_313 : memref<1x80x128xf32, #tpu.memory_space<vmem>> -> memref<80x128xf32, #tpu.memory_space<vmem>>
      %dma_wait3A_315 = arith.constant 0 : i32
      %dma_wait3A_316 = tpu.memref_slice %arg6[%add3A_309, %dma_wait3A_315] : memref<25x80xi32, #tpu.memory_space<vmem>> -> memref<1x80xi32, #tpu.memory_space<vmem>>
      %dma_wait3A_317 = tpu.memref_squeeze %dma_wait3A_316 : memref<1x80xi32, #tpu.memory_space<vmem>> -> memref<80xi32, #tpu.memory_space<vmem>>
      %dma_wait3A_318 = arith.constant 0 : i32
      %dma_wait3A_319 = arith.constant 0 : i32
      %dma_wait3A_320 = tpu.memref_slice %arg4[%dma_wait3A_318, %dma_wait3A_319] : memref<10000x128xf32, #tpu.memory_space<hbm>> -> memref<10000x128xf32, #tpu.memory_space<hbm>>
      tpu.wait_indirect_dma semaphore(%arg10 : memref<!tpu.dma_semaphore, #tpu.memory_space<semaphore_mem>>) src(%dma_wait3A_320 : memref<10000x128xf32, #tpu.memory_space<hbm>>) dst(%dma_wait3A_314 : memref<80x128xf32, #tpu.memory_space<vmem>>)
      %run_scoped3A_321 = arith.constant 0 : i32
      "tpu.region"() ({
        %run_scoped3A_372 = tpu.sem_alloc : memref<!tpu.dma_semaphore, #tpu.memory_space<semaphore_mem>>
        %dma_start3A_373 = arith.constant 0 : i32
        %dma_start3A_374 = arith.constant 0 : i32
        %dma_start3A_375 = tpu.memref_slice %arg8[%run_scoped3A_321, %dma_start3A_373, %dma_start3A_374] : memref<3x80x128xf32, #tpu.memory_space<vmem>> -> memref<1x80x128xf32, #tpu.memory_space<vmem>>
        %dma_start3A_376 = tpu.memref_squeeze %dma_start3A_375 : memref<1x80x128xf32, #tpu.memory_space<vmem>> -> memref<80x128xf32, #tpu.memory_space<vmem>>
        %dma_start3A_377 = arith.constant 0 : i32
        %dma_start3A_378 = tpu.memref_slice %arg7[%add3A_309, %dma_start3A_377] : memref<25x80xi32, #tpu.memory_space<vmem>> -> memref<1x80xi32, #tpu.memory_space<vmem>>
        %dma_start3A_379 = tpu.memref_squeeze %dma_start3A_378 : memref<1x80xi32, #tpu.memory_space<vmem>> -> memref<80xi32, #tpu.memory_space<vmem>>
        %dma_start3A_380 = arith.constant 0 : i32
        %dma_start3A_381 = arith.constant 0 : i32
        %dma_start3A_382 = tpu.memref_slice %arg9[%dma_start3A_380, %dma_start3A_381] : memref<10240x128xf32, #tpu.memory_space<vmem_shared>> -> memref<10240x128xf32, #tpu.memory_space<vmem_shared>>
        tpu.enqueue_indirect_dma source(%dma_start3A_376 : memref<80x128xf32, #tpu.memory_space<vmem>>) target(%dma_start3A_382 : memref<10240x128xf32, #tpu.memory_space<vmem_shared>>) offsets(%dma_start3A_379 : memref<80xi32, #tpu.memory_space<vmem>>) semaphore(%run_scoped3A_372 : memref<!tpu.dma_semaphore, #tpu.memory_space<semaphore_mem>>) {add = true}
        %dma_wait3A_383 = arith.constant 0 : i32
        %dma_wait3A_384 = arith.constant 0 : i32
        %dma_wait3A_385 = tpu.memref_slice %arg8[%run_scoped3A_321, %dma_wait3A_383, %dma_wait3A_384] : memref<3x80x128xf32, #tpu.memory_space<vmem>> -> memref<1x80x128xf32, #tpu.memory_space<vmem>>
        %dma_wait3A_386 = tpu.memref_squeeze %dma_wait3A_385 : memref<1x80x128xf32, #tpu.memory_space<vmem>> -> memref<80x128xf32, #tpu.memory_space<vmem>>
        %dma_wait3A_387 = arith.constant 0 : i32
        %dma_wait3A_388 = tpu.memref_slice %arg7[%add3A_309, %dma_wait3A_387] : memref<25x80xi32, #tpu.memory_space<vmem>> -> memref<1x80xi32, #tpu.memory_space<vmem>>
        %dma_wait3A_389 = tpu.memref_squeeze %dma_wait3A_388 : memref<1x80xi32, #tpu.memory_space<vmem>> -> memref<80xi32, #tpu.memory_space<vmem>>
        %dma_wait3A_390 = arith.constant 0 : i32
        %dma_wait3A_391 = arith.constant 0 : i32
        %dma_wait3A_392 = tpu.memref_slice %arg9[%dma_wait3A_390, %dma_wait3A_391] : memref<10240x128xf32, #tpu.memory_space<vmem_shared>> -> memref<10240x128xf32, #tpu.memory_space<vmem_shared>>
        tpu.wait_indirect_dma semaphore(%run_scoped3A_372 : memref<!tpu.dma_semaphore, #tpu.memory_space<semaphore_mem>>) src(%dma_wait3A_386 : memref<80x128xf32, #tpu.memory_space<vmem>>) dst(%dma_wait3A_392 : memref<10240x128xf32, #tpu.memory_space<vmem_shared>>)
        tpu.yield
      }) : () -> ()
      %add3A_322 = arith.constant 3 : i32
      %add3A_323 = arith.addi %add3A_309, %add3A_322 : i32
      %lt3A = arith.constant 25 : i32
      %lt3A_324 = arith.cmpi slt, %add3A_323, %lt3A : i32
      %convert_element_type3A = arith.extui %lt3A_324 : i1 to i32
      %cond3A = arith.constant 0 : i32
      %cond3A_325 = arith.cmpi ne, %convert_element_type3A, %cond3A : i32
      scf.if %cond3A_325 {
        %add3A_372 = arith.constant 3 : i32
        %add3A_373 = arith.addi %add3A_309, %add3A_372 : i32
        %dma_start3A_374 = arith.constant 0 : i32
        %dma_start3A_375 = arith.constant 0 : i32
        %dma_start3A_376 = arith.constant 0 : i32
        %dma_start3A_377 = tpu.memref_slice %arg8[%dma_start3A_374, %dma_start3A_375, %dma_start3A_376] : memref<3x80x128xf32, #tpu.memory_space<vmem>> -> memref<1x80x128xf32, #tpu.memory_space<vmem>>
        %dma_start3A_378 = tpu.memref_squeeze %dma_start3A_377 : memref<1x80x128xf32, #tpu.memory_space<vmem>> -> memref<80x128xf32, #tpu.memory_space<vmem>>
        %dma_start3A_379 = arith.constant 0 : i32
        %dma_start3A_380 = tpu.memref_slice %arg6[%add3A_373, %dma_start3A_379] : memref<25x80xi32, #tpu.memory_space<vmem>> -> memref<1x80xi32, #tpu.memory_space<vmem>>
        %dma_start3A_381 = tpu.memref_squeeze %dma_start3A_380 : memref<1x80xi32, #tpu.memory_space<vmem>> -> memref<80xi32, #tpu.memory_space<vmem>>
        %dma_start3A_382 = arith.constant 0 : i32
        %dma_start3A_383 = arith.constant 0 : i32
        %dma_start3A_384 = tpu.memref_slice %arg4[%dma_start3A_382, %dma_start3A_383] : memref<10000x128xf32, #tpu.memory_space<hbm>> -> memref<10000x128xf32, #tpu.memory_space<hbm>>
        tpu.enqueue_indirect_dma source(%dma_start3A_384 : memref<10000x128xf32, #tpu.memory_space<hbm>>) target(%dma_start3A_378 : memref<80x128xf32, #tpu.memory_space<vmem>>) offsets(%dma_start3A_381 : memref<80xi32, #tpu.memory_space<vmem>>) semaphore(%arg10 : memref<!tpu.dma_semaphore, #tpu.memory_space<semaphore_mem>>)
      } else {
      }
      %mul3A_326 = arith.constant 3 : i32
      %mul3A_327 = arith.muli %mul3A_326, %scan3A_305 : i32
      %add3A_328 = arith.constant 1 : i32
      %add3A_329 = arith.addi %mul3A_327, %add3A_328 : i32
      %dma_wait3A_330 = arith.constant 1 : i32
      %dma_wait3A_331 = arith.constant 0 : i32
      %dma_wait3A_332 = arith.constant 0 : i32
      %dma_wait3A_333 = tpu.memref_slice %arg8[%dma_wait3A_330, %dma_wait3A_331, %dma_wait3A_332] : memref<3x80x128xf32, #tpu.memory_space<vmem>> -> memref<1x80x128xf32, #tpu.memory_space<vmem>>
      %dma_wait3A_334 = tpu.memref_squeeze %dma_wait3A_333 : memref<1x80x128xf32, #tpu.memory_space<vmem>> -> memref<80x128xf32, #tpu.memory_space<vmem>>
      %dma_wait3A_335 = arith.constant 0 : i32
      %dma_wait3A_336 = tpu.memref_slice %arg6[%add3A_329, %dma_wait3A_335] : memref<25x80xi32, #tpu.memory_space<vmem>> -> memref<1x80xi32, #tpu.memory_space<vmem>>
      %dma_wait3A_337 = tpu.memref_squeeze %dma_wait3A_336 : memref<1x80xi32, #tpu.memory_space<vmem>> -> memref<80xi32, #tpu.memory_space<vmem>>
      %dma_wait3A_338 = arith.constant 0 : i32
      %dma_wait3A_339 = arith.constant 0 : i32
      %dma_wait3A_340 = tpu.memref_slice %arg4[%dma_wait3A_338, %dma_wait3A_339] : memref<10000x128xf32, #tpu.memory_space<hbm>> -> memref<10000x128xf32, #tpu.memory_space<hbm>>
      tpu.wait_indirect_dma semaphore(%arg11 : memref<!tpu.dma_semaphore, #tpu.memory_space<semaphore_mem>>) src(%dma_wait3A_340 : memref<10000x128xf32, #tpu.memory_space<hbm>>) dst(%dma_wait3A_334 : memref<80x128xf32, #tpu.memory_space<vmem>>)
      %run_scoped3A_341 = arith.constant 1 : i32
      "tpu.region"() ({
        %run_scoped3A_372 = tpu.sem_alloc : memref<!tpu.dma_semaphore, #tpu.memory_space<semaphore_mem>>
        %dma_start3A_373 = arith.constant 0 : i32
        %dma_start3A_374 = arith.constant 0 : i32
        %dma_start3A_375 = tpu.memref_slice %arg8[%run_scoped3A_341, %dma_start3A_373, %dma_start3A_374] : memref<3x80x128xf32, #tpu.memory_space<vmem>> -> memref<1x80x128xf32, #tpu.memory_space<vmem>>
        %dma_start3A_376 = tpu.memref_squeeze %dma_start3A_375 : memref<1x80x128xf32, #tpu.memory_space<vmem>> -> memref<80x128xf32, #tpu.memory_space<vmem>>
        %dma_start3A_377 = arith.constant 0 : i32
        %dma_start3A_378 = tpu.memref_slice %arg7[%add3A_329, %dma_start3A_377] : memref<25x80xi32, #tpu.memory_space<vmem>> -> memref<1x80xi32, #tpu.memory_space<vmem>>
        %dma_start3A_379 = tpu.memref_squeeze %dma_start3A_378 : memref<1x80xi32, #tpu.memory_space<vmem>> -> memref<80xi32, #tpu.memory_space<vmem>>
        %dma_start3A_380 = arith.constant 0 : i32
        %dma_start3A_381 = arith.constant 0 : i32
        %dma_start3A_382 = tpu.memref_slice %arg9[%dma_start3A_380, %dma_start3A_381] : memref<10240x128xf32, #tpu.memory_space<vmem_shared>> -> memref<10240x128xf32, #tpu.memory_space<vmem_shared>>
        tpu.enqueue_indirect_dma source(%dma_start3A_376 : memref<80x128xf32, #tpu.memory_space<vmem>>) target(%dma_start3A_382 : memref<10240x128xf32, #tpu.memory_space<vmem_shared>>) offsets(%dma_start3A_379 : memref<80xi32, #tpu.memory_space<vmem>>) semaphore(%run_scoped3A_372 : memref<!tpu.dma_semaphore, #tpu.memory_space<semaphore_mem>>) {add = true}
        %dma_wait3A_383 = arith.constant 0 : i32
        %dma_wait3A_384 = arith.constant 0 : i32
        %dma_wait3A_385 = tpu.memref_slice %arg8[%run_scoped3A_341, %dma_wait3A_383, %dma_wait3A_384] : memref<3x80x128xf32, #tpu.memory_space<vmem>> -> memref<1x80x128xf32, #tpu.memory_space<vmem>>
        %dma_wait3A_386 = tpu.memref_squeeze %dma_wait3A_385 : memref<1x80x128xf32, #tpu.memory_space<vmem>> -> memref<80x128xf32, #tpu.memory_space<vmem>>
        %dma_wait3A_387 = arith.constant 0 : i32
        %dma_wait3A_388 = tpu.memref_slice %arg7[%add3A_329, %dma_wait3A_387] : memref<25x80xi32, #tpu.memory_space<vmem>> -> memref<1x80xi32, #tpu.memory_space<vmem>>
        %dma_wait3A_389 = tpu.memref_squeeze %dma_wait3A_388 : memref<1x80xi32, #tpu.memory_space<vmem>> -> memref<80xi32, #tpu.memory_space<vmem>>
        %dma_wait3A_390 = arith.constant 0 : i32
        %dma_wait3A_391 = arith.constant 0 : i32
        %dma_wait3A_392 = tpu.memref_slice %arg9[%dma_wait3A_390, %dma_wait3A_391] : memref<10240x128xf32, #tpu.memory_space<vmem_shared>> -> memref<10240x128xf32, #tpu.memory_space<vmem_shared>>
        tpu.wait_indirect_dma semaphore(%run_scoped3A_372 : memref<!tpu.dma_semaphore, #tpu.memory_space<semaphore_mem>>) src(%dma_wait3A_386 : memref<80x128xf32, #tpu.memory_space<vmem>>) dst(%dma_wait3A_392 : memref<10240x128xf32, #tpu.memory_space<vmem_shared>>)
        tpu.yield
      }) : () -> ()
      %add3A_342 = arith.constant 3 : i32
      %add3A_343 = arith.addi %add3A_329, %add3A_342 : i32
      %lt3A_344 = arith.constant 25 : i32
      %lt3A_345 = arith.cmpi slt, %add3A_343, %lt3A_344 : i32
      %convert_element_type3A_346 = arith.extui %lt3A_345 : i1 to i32
      %cond3A_347 = arith.constant 0 : i32
      %cond3A_348 = arith.cmpi ne, %convert_element_type3A_346, %cond3A_347 : i32
      scf.if %cond3A_348 {
        %add3A_372 = arith.constant 3 : i32
        %add3A_373 = arith.addi %add3A_329, %add3A_372 : i32
        %dma_start3A_374 = arith.constant 1 : i32
        %dma_start3A_375 = arith.constant 0 : i32
        %dma_start3A_376 = arith.constant 0 : i32
        %dma_start3A_377 = tpu.memref_slice %arg8[%dma_start3A_374, %dma_start3A_375, %dma_start3A_376] : memref<3x80x128xf32, #tpu.memory_space<vmem>> -> memref<1x80x128xf32, #tpu.memory_space<vmem>>
        %dma_start3A_378 = tpu.memref_squeeze %dma_start3A_377 : memref<1x80x128xf32, #tpu.memory_space<vmem>> -> memref<80x128xf32, #tpu.memory_space<vmem>>
        %dma_start3A_379 = arith.constant 0 : i32
        %dma_start3A_380 = tpu.memref_slice %arg6[%add3A_373, %dma_start3A_379] : memref<25x80xi32, #tpu.memory_space<vmem>> -> memref<1x80xi32, #tpu.memory_space<vmem>>
        %dma_start3A_381 = tpu.memref_squeeze %dma_start3A_380 : memref<1x80xi32, #tpu.memory_space<vmem>> -> memref<80xi32, #tpu.memory_space<vmem>>
        %dma_start3A_382 = arith.constant 0 : i32
        %dma_start3A_383 = arith.constant 0 : i32
        %dma_start3A_384 = tpu.memref_slice %arg4[%dma_start3A_382, %dma_start3A_383] : memref<10000x128xf32, #tpu.memory_space<hbm>> -> memref<10000x128xf32, #tpu.memory_space<hbm>>
        tpu.enqueue_indirect_dma source(%dma_start3A_384 : memref<10000x128xf32, #tpu.memory_space<hbm>>) target(%dma_start3A_378 : memref<80x128xf32, #tpu.memory_space<vmem>>) offsets(%dma_start3A_381 : memref<80xi32, #tpu.memory_space<vmem>>) semaphore(%arg11 : memref<!tpu.dma_semaphore, #tpu.memory_space<semaphore_mem>>)
      } else {
      }
      %mul3A_349 = arith.constant 3 : i32
      %mul3A_350 = arith.muli %mul3A_349, %scan3A_305 : i32
      %add3A_351 = arith.constant 2 : i32
      %add3A_352 = arith.addi %mul3A_350, %add3A_351 : i32
      %dma_wait3A_353 = arith.constant 2 : i32
      %dma_wait3A_354 = arith.constant 0 : i32
      %dma_wait3A_355 = arith.constant 0 : i32
      %dma_wait3A_356 = tpu.memref_slice %arg8[%dma_wait3A_353, %dma_wait3A_354, %dma_wait3A_355] : memref<3x80x128xf32, #tpu.memory_space<vmem>> -> memref<1x80x128xf32, #tpu.memory_space<vmem>>
      %dma_wait3A_357 = tpu.memref_squeeze %dma_wait3A_356 : memref<1x80x128xf32, #tpu.memory_space<vmem>> -> memref<80x128xf32, #tpu.memory_space<vmem>>
      %dma_wait3A_358 = arith.constant 0 : i32
      %dma_wait3A_359 = tpu.memref_slice %arg6[%add3A_352, %dma_wait3A_358] : memref<25x80xi32, #tpu.memory_space<vmem>> -> memref<1x80xi32, #tpu.memory_space<vmem>>
      %dma_wait3A_360 = tpu.memref_squeeze %dma_wait3A_359 : memref<1x80xi32, #tpu.memory_space<vmem>> -> memref<80xi32, #tpu.memory_space<vmem>>
      %dma_wait3A_361 = arith.constant 0 : i32
      %dma_wait3A_362 = arith.constant 0 : i32
      %dma_wait3A_363 = tpu.memref_slice %arg4[%dma_wait3A_361, %dma_wait3A_362] : memref<10000x128xf32, #tpu.memory_space<hbm>> -> memref<10000x128xf32, #tpu.memory_space<hbm>>
      tpu.wait_indirect_dma semaphore(%arg12 : memref<!tpu.dma_semaphore, #tpu.memory_space<semaphore_mem>>) src(%dma_wait3A_363 : memref<10000x128xf32, #tpu.memory_space<hbm>>) dst(%dma_wait3A_357 : memref<80x128xf32, #tpu.memory_space<vmem>>)
      %run_scoped3A_364 = arith.constant 2 : i32
      "tpu.region"() ({
        %run_scoped3A_372 = tpu.sem_alloc : memref<!tpu.dma_semaphore, #tpu.memory_space<semaphore_mem>>
        %dma_start3A_373 = arith.constant 0 : i32
        %dma_start3A_374 = arith.constant 0 : i32
        %dma_start3A_375 = tpu.memref_slice %arg8[%run_scoped3A_364, %dma_start3A_373, %dma_start3A_374] : memref<3x80x128xf32, #tpu.memory_space<vmem>> -> memref<1x80x128xf32, #tpu.memory_space<vmem>>
        %dma_start3A_376 = tpu.memref_squeeze %dma_start3A_375 : memref<1x80x128xf32, #tpu.memory_space<vmem>> -> memref<80x128xf32, #tpu.memory_space<vmem>>
        %dma_start3A_377 = arith.constant 0 : i32
        %dma_start3A_378 = tpu.memref_slice %arg7[%add3A_352, %dma_start3A_377] : memref<25x80xi32, #tpu.memory_space<vmem>> -> memref<1x80xi32, #tpu.memory_space<vmem>>
        %dma_start3A_379 = tpu.memref_squeeze %dma_start3A_378 : memref<1x80xi32, #tpu.memory_space<vmem>> -> memref<80xi32, #tpu.memory_space<vmem>>
        %dma_start3A_380 = arith.constant 0 : i32
        %dma_start3A_381 = arith.constant 0 : i32
        %dma_start3A_382 = tpu.memref_slice %arg9[%dma_start3A_380, %dma_start3A_381] : memref<10240x128xf32, #tpu.memory_space<vmem_shared>> -> memref<10240x128xf32, #tpu.memory_space<vmem_shared>>
        tpu.enqueue_indirect_dma source(%dma_start3A_376 : memref<80x128xf32, #tpu.memory_space<vmem>>) target(%dma_start3A_382 : memref<10240x128xf32, #tpu.memory_space<vmem_shared>>) offsets(%dma_start3A_379 : memref<80xi32, #tpu.memory_space<vmem>>) semaphore(%run_scoped3A_372 : memref<!tpu.dma_semaphore, #tpu.memory_space<semaphore_mem>>) {add = true}
        %dma_wait3A_383 = arith.constant 0 : i32
        %dma_wait3A_384 = arith.constant 0 : i32
        %dma_wait3A_385 = tpu.memref_slice %arg8[%run_scoped3A_364, %dma_wait3A_383, %dma_wait3A_384] : memref<3x80x128xf32, #tpu.memory_space<vmem>> -> memref<1x80x128xf32, #tpu.memory_space<vmem>>
        %dma_wait3A_386 = tpu.memref_squeeze %dma_wait3A_385 : memref<1x80x128xf32, #tpu.memory_space<vmem>> -> memref<80x128xf32, #tpu.memory_space<vmem>>
        %dma_wait3A_387 = arith.constant 0 : i32
        %dma_wait3A_388 = tpu.memref_slice %arg7[%add3A_352, %dma_wait3A_387] : memref<25x80xi32, #tpu.memory_space<vmem>> -> memref<1x80xi32, #tpu.memory_space<vmem>>
        %dma_wait3A_389 = tpu.memref_squeeze %dma_wait3A_388 : memref<1x80xi32, #tpu.memory_space<vmem>> -> memref<80xi32, #tpu.memory_space<vmem>>
        %dma_wait3A_390 = arith.constant 0 : i32
        %dma_wait3A_391 = arith.constant 0 : i32
        %dma_wait3A_392 = tpu.memref_slice %arg9[%dma_wait3A_390, %dma_wait3A_391] : memref<10240x128xf32, #tpu.memory_space<vmem_shared>> -> memref<10240x128xf32, #tpu.memory_space<vmem_shared>>
        tpu.wait_indirect_dma semaphore(%run_scoped3A_372 : memref<!tpu.dma_semaphore, #tpu.memory_space<semaphore_mem>>) src(%dma_wait3A_386 : memref<80x128xf32, #tpu.memory_space<vmem>>) dst(%dma_wait3A_392 : memref<10240x128xf32, #tpu.memory_space<vmem_shared>>)
        tpu.yield
      }) : () -> ()
      %add3A_365 = arith.constant 3 : i32
      %add3A_366 = arith.addi %add3A_352, %add3A_365 : i32
      %lt3A_367 = arith.constant 25 : i32
      %lt3A_368 = arith.cmpi slt, %add3A_366, %lt3A_367 : i32
      %convert_element_type3A_369 = arith.extui %lt3A_368 : i1 to i32
      %cond3A_370 = arith.constant 0 : i32
      %cond3A_371 = arith.cmpi ne, %convert_element_type3A_369, %cond3A_370 : i32
      scf.if %cond3A_371 {
        %add3A_372 = arith.constant 3 : i32
        %add3A_373 = arith.addi %add3A_352, %add3A_372 : i32
        %dma_start3A_374 = arith.constant 2 : i32
        %dma_start3A_375 = arith.constant 0 : i32
        %dma_start3A_376 = arith.constant 0 : i32
        %dma_start3A_377 = tpu.memref_slice %arg8[%dma_start3A_374, %dma_start3A_375, %dma_start3A_376] : memref<3x80x128xf32, #tpu.memory_space<vmem>> -> memref<1x80x128xf32, #tpu.memory_space<vmem>>
        %dma_start3A_378 = tpu.memref_squeeze %dma_start3A_377 : memref<1x80x128xf32, #tpu.memory_space<vmem>> -> memref<80x128xf32, #tpu.memory_space<vmem>>
        %dma_start3A_379 = arith.constant 0 : i32
        %dma_start3A_380 = tpu.memref_slice %arg6[%add3A_373, %dma_start3A_379] : memref<25x80xi32, #tpu.memory_space<vmem>> -> memref<1x80xi32, #tpu.memory_space<vmem>>
        %dma_start3A_381 = tpu.memref_squeeze %dma_start3A_380 : memref<1x80xi32, #tpu.memory_space<vmem>> -> memref<80xi32, #tpu.memory_space<vmem>>
        %dma_start3A_382 = arith.constant 0 : i32
        %dma_start3A_383 = arith.constant 0 : i32
        %dma_start3A_384 = tpu.memref_slice %arg4[%dma_start3A_382, %dma_start3A_383] : memref<10000x128xf32, #tpu.memory_space<hbm>> -> memref<10000x128xf32, #tpu.memory_space<hbm>>
        tpu.enqueue_indirect_dma source(%dma_start3A_384 : memref<10000x128xf32, #tpu.memory_space<hbm>>) target(%dma_start3A_378 : memref<80x128xf32, #tpu.memory_space<vmem>>) offsets(%dma_start3A_381 : memref<80xi32, #tpu.memory_space<vmem>>) semaphore(%arg12 : memref<!tpu.dma_semaphore, #tpu.memory_space<semaphore_mem>>)
      } else {
      }
    }
    %scan3A_169 = arith.constant 8 : i32
    %dma_wait3A_170 = arith.constant 24 : i32
    %dma_wait3A_171 = arith.constant 0 : i32
    %dma_wait3A_172 = arith.constant 0 : i32
    %dma_wait3A_173 = arith.constant 0 : i32
    %dma_wait3A_174 = tpu.memref_slice %arg8[%dma_wait3A_171, %dma_wait3A_172, %dma_wait3A_173] : memref<3x80x128xf32, #tpu.memory_space<vmem>> -> memref<1x80x128xf32, #tpu.memory_space<vmem>>
    %dma_wait3A_175 = tpu.memref_squeeze %dma_wait3A_174 : memref<1x80x128xf32, #tpu.memory_space<vmem>> -> memref<80x128xf32, #tpu.memory_space<vmem>>
    %dma_wait3A_176 = arith.constant 0 : i32
    %dma_wait3A_177 = tpu.memref_slice %arg6[%dma_wait3A_170, %dma_wait3A_176] : memref<25x80xi32, #tpu.memory_space<vmem>> -> memref<1x80xi32, #tpu.memory_space<vmem>>
    %dma_wait3A_178 = tpu.memref_squeeze %dma_wait3A_177 : memref<1x80xi32, #tpu.memory_space<vmem>> -> memref<80xi32, #tpu.memory_space<vmem>>
    %dma_wait3A_179 = arith.constant 0 : i32
    %dma_wait3A_180 = arith.constant 0 : i32
    %dma_wait3A_181 = tpu.memref_slice %arg4[%dma_wait3A_179, %dma_wait3A_180] : memref<10000x128xf32, #tpu.memory_space<hbm>> -> memref<10000x128xf32, #tpu.memory_space<hbm>>
    tpu.wait_indirect_dma semaphore(%arg10 : memref<!tpu.dma_semaphore, #tpu.memory_space<semaphore_mem>>) src(%dma_wait3A_181 : memref<10000x128xf32, #tpu.memory_space<hbm>>) dst(%dma_wait3A_175 : memref<80x128xf32, #tpu.memory_space<vmem>>)
    %run_scoped3A_182 = arith.constant 0 : i32
    %run_scoped3A_183 = arith.constant 24 : i32
    "tpu.region"() ({
      %run_scoped3A_305 = tpu.sem_alloc : memref<!tpu.dma_semaphore, #tpu.memory_space<semaphore_mem>>
      %dma_start3A_306 = arith.constant 0 : i32
      %dma_start3A_307 = arith.constant 0 : i32
      %dma_start3A_308 = tpu.memref_slice %arg8[%run_scoped3A_182, %dma_start3A_306, %dma_start3A_307] : memref<3x80x128xf32, #tpu.memory_space<vmem>> -> memref<1x80x128xf32, #tpu.memory_space<vmem>>
      %dma_start3A_309 = tpu.memref_squeeze %dma_start3A_308 : memref<1x80x128xf32, #tpu.memory_space<vmem>> -> memref<80x128xf32, #tpu.memory_space<vmem>>
      %dma_start3A_310 = arith.constant 0 : i32
      %dma_start3A_311 = tpu.memref_slice %arg7[%run_scoped3A_183, %dma_start3A_310] : memref<25x80xi32, #tpu.memory_space<vmem>> -> memref<1x80xi32, #tpu.memory_space<vmem>>
      %dma_start3A_312 = tpu.memref_squeeze %dma_start3A_311 : memref<1x80xi32, #tpu.memory_space<vmem>> -> memref<80xi32, #tpu.memory_space<vmem>>
      %dma_start3A_313 = arith.constant 0 : i32
      %dma_start3A_314 = arith.constant 0 : i32
      %dma_start3A_315 = tpu.memref_slice %arg9[%dma_start3A_313, %dma_start3A_314] : memref<10240x128xf32, #tpu.memory_space<vmem_shared>> -> memref<10240x128xf32, #tpu.memory_space<vmem_shared>>
      tpu.enqueue_indirect_dma source(%dma_start3A_309 : memref<80x128xf32, #tpu.memory_space<vmem>>) target(%dma_start3A_315 : memref<10240x128xf32, #tpu.memory_space<vmem_shared>>) offsets(%dma_start3A_312 : memref<80xi32, #tpu.memory_space<vmem>>) semaphore(%run_scoped3A_305 : memref<!tpu.dma_semaphore, #tpu.memory_space<semaphore_mem>>) {add = true}
      %dma_wait3A_316 = arith.constant 0 : i32
      %dma_wait3A_317 = arith.constant 0 : i32
      %dma_wait3A_318 = tpu.memref_slice %arg8[%run_scoped3A_182, %dma_wait3A_316, %dma_wait3A_317] : memref<3x80x128xf32, #tpu.memory_space<vmem>> -> memref<1x80x128xf32, #tpu.memory_space<vmem>>
      %dma_wait3A_319 = tpu.memref_squeeze %dma_wait3A_318 : memref<1x80x128xf32, #tpu.memory_space<vmem>> -> memref<80x128xf32, #tpu.memory_space<vmem>>
      %dma_wait3A_320 = arith.constant 0 : i32
      %dma_wait3A_321 = tpu.memref_slice %arg7[%run_scoped3A_183, %dma_wait3A_320] : memref<25x80xi32, #tpu.memory_space<vmem>> -> memref<1x80xi32, #tpu.memory_space<vmem>>
      %dma_wait3A_322 = tpu.memref_squeeze %dma_wait3A_321 : memref<1x80xi32, #tpu.memory_space<vmem>> -> memref<80xi32, #tpu.memory_space<vmem>>
      %dma_wait3A_323 = arith.constant 0 : i32
      %dma_wait3A_324 = arith.constant 0 : i32
      %dma_wait3A_325 = tpu.memref_slice %arg9[%dma_wait3A_323, %dma_wait3A_324] : memref<10240x128xf32, #tpu.memory_space<vmem_shared>> -> memref<10240x128xf32, #tpu.memory_space<vmem_shared>>
      tpu.wait_indirect_dma semaphore(%run_scoped3A_305 : memref<!tpu.dma_semaphore, #tpu.memory_space<semaphore_mem>>) src(%dma_wait3A_319 : memref<80x128xf32, #tpu.memory_space<vmem>>) dst(%dma_wait3A_325 : memref<10240x128xf32, #tpu.memory_space<vmem_shared>>)
      tpu.yield
    }) : () -> ()
    %run_scoped3A_184 = arith.constant 3 : i32
    "tpu.region"() ({
      %run_scoped3A_305 = tpu.sem_alloc : memref<!tpu.dma_semaphore, #tpu.memory_space<semaphore_mem>>
      %dma_start3A_306 = arith.constant 0 : i32
      %dma_start3A_307 = arith.constant 0 : i32
      %dma_start3A_308 = tpu.memref_slice %arg2[%add3A, %run_scoped3A_184, %dma_start3A_306, %dma_start3A_307] : memref<32x5x25x80xi32, #tpu.memory_space<hbm>> -> memref<1x1x25x80xi32, #tpu.memory_space<hbm>>
      %dma_start3A_309 = tpu.memref_squeeze %dma_start3A_308 : memref<1x1x25x80xi32, #tpu.memory_space<hbm>> -> memref<25x80xi32, #tpu.memory_space<hbm>>
      %dma_start3A_310 = arith.constant 0 : i32
      %dma_start3A_311 = arith.constant 0 : i32
      %dma_start3A_312 = tpu.memref_slice %arg2[%add3A, %run_scoped3A_184, %dma_start3A_310, %dma_start3A_311] : memref<32x5x25x80xi32, #tpu.memory_space<hbm>> -> memref<1x1x25x80xi32, #tpu.memory_space<hbm>>
      %dma_start3A_313 = tpu.memref_squeeze %dma_start3A_312 : memref<1x1x25x80xi32, #tpu.memory_space<hbm>> -> memref<25x80xi32, #tpu.memory_space<hbm>>
      tpu.enqueue_dma source(%dma_start3A_313 : memref<25x80xi32, #tpu.memory_space<hbm>>) target(%arg6 : memref<25x80xi32, #tpu.memory_space<vmem>>) target_semaphore(%run_scoped3A_305 : memref<!tpu.dma_semaphore, #tpu.memory_space<semaphore_mem>>)
      %dma_wait3A_314 = arith.constant 0 : i32
      %dma_wait3A_315 = arith.constant 0 : i32
      %dma_wait3A_316 = tpu.memref_slice %arg2[%add3A, %run_scoped3A_184, %dma_wait3A_314, %dma_wait3A_315] : memref<32x5x25x80xi32, #tpu.memory_space<hbm>> -> memref<1x1x25x80xi32, #tpu.memory_space<hbm>>
      %dma_wait3A_317 = tpu.memref_squeeze %dma_wait3A_316 : memref<1x1x25x80xi32, #tpu.memory_space<hbm>> -> memref<25x80xi32, #tpu.memory_space<hbm>>
      %dma_wait3A_318 = arith.constant 0 : i32
      %dma_wait3A_319 = arith.constant 0 : i32
      %dma_wait3A_320 = tpu.memref_slice %arg2[%add3A, %run_scoped3A_184, %dma_wait3A_318, %dma_wait3A_319] : memref<32x5x25x80xi32, #tpu.memory_space<hbm>> -> memref<1x1x25x80xi32, #tpu.memory_space<hbm>>
      %dma_wait3A_321 = tpu.memref_squeeze %dma_wait3A_320 : memref<1x1x25x80xi32, #tpu.memory_space<hbm>> -> memref<25x80xi32, #tpu.memory_space<hbm>>
      tpu.wait_dma2 semaphore(%run_scoped3A_305 : memref<!tpu.dma_semaphore, #tpu.memory_space<semaphore_mem>>) src(%dma_wait3A_321 : memref<25x80xi32, #tpu.memory_space<hbm>>) dst(%arg6 : memref<25x80xi32, #tpu.memory_space<vmem>>)
      tpu.yield
    }) : () -> ()
    %run_scoped3A_185 = arith.constant 3 : i32
    "tpu.region"() ({
      %run_scoped3A_305 = tpu.sem_alloc : memref<!tpu.dma_semaphore, #tpu.memory_space<semaphore_mem>>
      %dma_start3A_306 = arith.constant 0 : i32
      %dma_start3A_307 = arith.constant 0 : i32
      %dma_start3A_308 = tpu.memref_slice %arg3[%add3A, %run_scoped3A_185, %dma_start3A_306, %dma_start3A_307] : memref<32x5x25x80xi32, #tpu.memory_space<hbm>> -> memref<1x1x25x80xi32, #tpu.memory_space<hbm>>
      %dma_start3A_309 = tpu.memref_squeeze %dma_start3A_308 : memref<1x1x25x80xi32, #tpu.memory_space<hbm>> -> memref<25x80xi32, #tpu.memory_space<hbm>>
      %dma_start3A_310 = arith.constant 0 : i32
      %dma_start3A_311 = arith.constant 0 : i32
      %dma_start3A_312 = tpu.memref_slice %arg3[%add3A, %run_scoped3A_185, %dma_start3A_310, %dma_start3A_311] : memref<32x5x25x80xi32, #tpu.memory_space<hbm>> -> memref<1x1x25x80xi32, #tpu.memory_space<hbm>>
      %dma_start3A_313 = tpu.memref_squeeze %dma_start3A_312 : memref<1x1x25x80xi32, #tpu.memory_space<hbm>> -> memref<25x80xi32, #tpu.memory_space<hbm>>
      tpu.enqueue_dma source(%dma_start3A_313 : memref<25x80xi32, #tpu.memory_space<hbm>>) target(%arg7 : memref<25x80xi32, #tpu.memory_space<vmem>>) target_semaphore(%run_scoped3A_305 : memref<!tpu.dma_semaphore, #tpu.memory_space<semaphore_mem>>)
      %dma_wait3A_314 = arith.constant 0 : i32
      %dma_wait3A_315 = arith.constant 0 : i32
      %dma_wait3A_316 = tpu.memref_slice %arg3[%add3A, %run_scoped3A_185, %dma_wait3A_314, %dma_wait3A_315] : memref<32x5x25x80xi32, #tpu.memory_space<hbm>> -> memref<1x1x25x80xi32, #tpu.memory_space<hbm>>
      %dma_wait3A_317 = tpu.memref_squeeze %dma_wait3A_316 : memref<1x1x25x80xi32, #tpu.memory_space<hbm>> -> memref<25x80xi32, #tpu.memory_space<hbm>>
      %dma_wait3A_318 = arith.constant 0 : i32
      %dma_wait3A_319 = arith.constant 0 : i32
      %dma_wait3A_320 = tpu.memref_slice %arg3[%add3A, %run_scoped3A_185, %dma_wait3A_318, %dma_wait3A_319] : memref<32x5x25x80xi32, #tpu.memory_space<hbm>> -> memref<1x1x25x80xi32, #tpu.memory_space<hbm>>
      %dma_wait3A_321 = tpu.memref_squeeze %dma_wait3A_320 : memref<1x1x25x80xi32, #tpu.memory_space<hbm>> -> memref<25x80xi32, #tpu.memory_space<hbm>>
      tpu.wait_dma2 semaphore(%run_scoped3A_305 : memref<!tpu.dma_semaphore, #tpu.memory_space<semaphore_mem>>) src(%dma_wait3A_321 : memref<25x80xi32, #tpu.memory_space<hbm>>) dst(%arg7 : memref<25x80xi32, #tpu.memory_space<vmem>>)
      tpu.yield
    }) : () -> ()
    %dma_start3A_186 = arith.constant 0 : i32
    %dma_start3A_187 = arith.constant 0 : i32
    %dma_start3A_188 = arith.constant 0 : i32
    %dma_start3A_189 = arith.constant 0 : i32
    %dma_start3A_190 = tpu.memref_slice %arg8[%dma_start3A_187, %dma_start3A_188, %dma_start3A_189] : memref<3x80x128xf32, #tpu.memory_space<vmem>> -> memref<1x80x128xf32, #tpu.memory_space<vmem>>
    %dma_start3A_191 = tpu.memref_squeeze %dma_start3A_190 : memref<1x80x128xf32, #tpu.memory_space<vmem>> -> memref<80x128xf32, #tpu.memory_space<vmem>>
    %dma_start3A_192 = arith.constant 0 : i32
    %dma_start3A_193 = tpu.memref_slice %arg6[%dma_start3A_186, %dma_start3A_192] : memref<25x80xi32, #tpu.memory_space<vmem>> -> memref<1x80xi32, #tpu.memory_space<vmem>>
    %dma_start3A_194 = tpu.memref_squeeze %dma_start3A_193 : memref<1x80xi32, #tpu.memory_space<vmem>> -> memref<80xi32, #tpu.memory_space<vmem>>
    %dma_start3A_195 = arith.constant 0 : i32
    %dma_start3A_196 = arith.constant 0 : i32
    %dma_start3A_197 = tpu.memref_slice %arg4[%dma_start3A_195, %dma_start3A_196] : memref<10000x128xf32, #tpu.memory_space<hbm>> -> memref<10000x128xf32, #tpu.memory_space<hbm>>
    tpu.enqueue_indirect_dma source(%dma_start3A_197 : memref<10000x128xf32, #tpu.memory_space<hbm>>) target(%dma_start3A_191 : memref<80x128xf32, #tpu.memory_space<vmem>>) offsets(%dma_start3A_194 : memref<80xi32, #tpu.memory_space<vmem>>) semaphore(%arg10 : memref<!tpu.dma_semaphore, #tpu.memory_space<semaphore_mem>>)
    %dma_start3A_198 = arith.constant 1 : i32
    %dma_start3A_199 = arith.constant 1 : i32
    %dma_start3A_200 = arith.constant 0 : i32
    %dma_start3A_201 = arith.constant 0 : i32
    %dma_start3A_202 = tpu.memref_slice %arg8[%dma_start3A_199, %dma_start3A_200, %dma_start3A_201] : memref<3x80x128xf32, #tpu.memory_space<vmem>> -> memref<1x80x128xf32, #tpu.memory_space<vmem>>
    %dma_start3A_203 = tpu.memref_squeeze %dma_start3A_202 : memref<1x80x128xf32, #tpu.memory_space<vmem>> -> memref<80x128xf32, #tpu.memory_space<vmem>>
    %dma_start3A_204 = arith.constant 0 : i32
    %dma_start3A_205 = tpu.memref_slice %arg6[%dma_start3A_198, %dma_start3A_204] : memref<25x80xi32, #tpu.memory_space<vmem>> -> memref<1x80xi32, #tpu.memory_space<vmem>>
    %dma_start3A_206 = tpu.memref_squeeze %dma_start3A_205 : memref<1x80xi32, #tpu.memory_space<vmem>> -> memref<80xi32, #tpu.memory_space<vmem>>
    %dma_start3A_207 = arith.constant 0 : i32
    %dma_start3A_208 = arith.constant 0 : i32
    %dma_start3A_209 = tpu.memref_slice %arg4[%dma_start3A_207, %dma_start3A_208] : memref<10000x128xf32, #tpu.memory_space<hbm>> -> memref<10000x128xf32, #tpu.memory_space<hbm>>
    tpu.enqueue_indirect_dma source(%dma_start3A_209 : memref<10000x128xf32, #tpu.memory_space<hbm>>) target(%dma_start3A_203 : memref<80x128xf32, #tpu.memory_space<vmem>>) offsets(%dma_start3A_206 : memref<80xi32, #tpu.memory_space<vmem>>) semaphore(%arg11 : memref<!tpu.dma_semaphore, #tpu.memory_space<semaphore_mem>>)
    %dma_start3A_210 = arith.constant 2 : i32
    %dma_start3A_211 = arith.constant 2 : i32
    %dma_start3A_212 = arith.constant 0 : i32
    %dma_start3A_213 = arith.constant 0 : i32
    %dma_start3A_214 = tpu.memref_slice %arg8[%dma_start3A_211, %dma_start3A_212, %dma_start3A_213] : memref<3x80x128xf32, #tpu.memory_space<vmem>> -> memref<1x80x128xf32, #tpu.memory_space<vmem>>
    %dma_start3A_215 = tpu.memref_squeeze %dma_start3A_214 : memref<1x80x128xf32, #tpu.memory_space<vmem>> -> memref<80x128xf32, #tpu.memory_space<vmem>>
    %dma_start3A_216 = arith.constant 0 : i32
    %dma_start3A_217 = tpu.memref_slice %arg6[%dma_start3A_210, %dma_start3A_216] : memref<25x80xi32, #tpu.memory_space<vmem>> -> memref<1x80xi32, #tpu.memory_space<vmem>>
    %dma_start3A_218 = tpu.memref_squeeze %dma_start3A_217 : memref<1x80xi32, #tpu.memory_space<vmem>> -> memref<80xi32, #tpu.memory_space<vmem>>
    %dma_start3A_219 = arith.constant 0 : i32
    %dma_start3A_220 = arith.constant 0 : i32
    %dma_start3A_221 = tpu.memref_slice %arg4[%dma_start3A_219, %dma_start3A_220] : memref<10000x128xf32, #tpu.memory_space<hbm>> -> memref<10000x128xf32, #tpu.memory_space<hbm>>
    tpu.enqueue_indirect_dma source(%dma_start3A_221 : memref<10000x128xf32, #tpu.memory_space<hbm>>) target(%dma_start3A_215 : memref<80x128xf32, #tpu.memory_space<vmem>>) offsets(%dma_start3A_218 : memref<80xi32, #tpu.memory_space<vmem>>) semaphore(%arg12 : memref<!tpu.dma_semaphore, #tpu.memory_space<semaphore_mem>>)
    %scan3A_222 = arith.constant 0 : i32
    %scan3A_223 = arith.constant 0 : i32
    %scan3A_224 = arith.constant 8 : i32
    %scan3A_225 = arith.addi %scan3A_223, %scan3A_224 : i32
    %scan3A_226 = arith.constant 1 : i32
    scf.for %scan3A_305 = %scan3A_223 to %scan3A_225 step %scan3A_226  : i32 {
      %mul3A_306 = arith.constant 3 : i32
      %mul3A_307 = arith.muli %mul3A_306, %scan3A_305 : i32
      %add3A_308 = arith.constant 0 : i32
      %add3A_309 = arith.addi %mul3A_307, %add3A_308 : i32
      %dma_wait3A_310 = arith.constant 0 : i32
      %dma_wait3A_311 = arith.constant 0 : i32
      %dma_wait3A_312 = arith.constant 0 : i32
      %dma_wait3A_313 = tpu.memref_slice %arg8[%dma_wait3A_310, %dma_wait3A_311, %dma_wait3A_312] : memref<3x80x128xf32, #tpu.memory_space<vmem>> -> memref<1x80x128xf32, #tpu.memory_space<vmem>>
      %dma_wait3A_314 = tpu.memref_squeeze %dma_wait3A_313 : memref<1x80x128xf32, #tpu.memory_space<vmem>> -> memref<80x128xf32, #tpu.memory_space<vmem>>
      %dma_wait3A_315 = arith.constant 0 : i32
      %dma_wait3A_316 = tpu.memref_slice %arg6[%add3A_309, %dma_wait3A_315] : memref<25x80xi32, #tpu.memory_space<vmem>> -> memref<1x80xi32, #tpu.memory_space<vmem>>
      %dma_wait3A_317 = tpu.memref_squeeze %dma_wait3A_316 : memref<1x80xi32, #tpu.memory_space<vmem>> -> memref<80xi32, #tpu.memory_space<vmem>>
      %dma_wait3A_318 = arith.constant 0 : i32
      %dma_wait3A_319 = arith.constant 0 : i32
      %dma_wait3A_320 = tpu.memref_slice %arg4[%dma_wait3A_318, %dma_wait3A_319] : memref<10000x128xf32, #tpu.memory_space<hbm>> -> memref<10000x128xf32, #tpu.memory_space<hbm>>
      tpu.wait_indirect_dma semaphore(%arg10 : memref<!tpu.dma_semaphore, #tpu.memory_space<semaphore_mem>>) src(%dma_wait3A_320 : memref<10000x128xf32, #tpu.memory_space<hbm>>) dst(%dma_wait3A_314 : memref<80x128xf32, #tpu.memory_space<vmem>>)
      %run_scoped3A_321 = arith.constant 0 : i32
      "tpu.region"() ({
        %run_scoped3A_372 = tpu.sem_alloc : memref<!tpu.dma_semaphore, #tpu.memory_space<semaphore_mem>>
        %dma_start3A_373 = arith.constant 0 : i32
        %dma_start3A_374 = arith.constant 0 : i32
        %dma_start3A_375 = tpu.memref_slice %arg8[%run_scoped3A_321, %dma_start3A_373, %dma_start3A_374] : memref<3x80x128xf32, #tpu.memory_space<vmem>> -> memref<1x80x128xf32, #tpu.memory_space<vmem>>
        %dma_start3A_376 = tpu.memref_squeeze %dma_start3A_375 : memref<1x80x128xf32, #tpu.memory_space<vmem>> -> memref<80x128xf32, #tpu.memory_space<vmem>>
        %dma_start3A_377 = arith.constant 0 : i32
        %dma_start3A_378 = tpu.memref_slice %arg7[%add3A_309, %dma_start3A_377] : memref<25x80xi32, #tpu.memory_space<vmem>> -> memref<1x80xi32, #tpu.memory_space<vmem>>
        %dma_start3A_379 = tpu.memref_squeeze %dma_start3A_378 : memref<1x80xi32, #tpu.memory_space<vmem>> -> memref<80xi32, #tpu.memory_space<vmem>>
        %dma_start3A_380 = arith.constant 0 : i32
        %dma_start3A_381 = arith.constant 0 : i32
        %dma_start3A_382 = tpu.memref_slice %arg9[%dma_start3A_380, %dma_start3A_381] : memref<10240x128xf32, #tpu.memory_space<vmem_shared>> -> memref<10240x128xf32, #tpu.memory_space<vmem_shared>>
        tpu.enqueue_indirect_dma source(%dma_start3A_376 : memref<80x128xf32, #tpu.memory_space<vmem>>) target(%dma_start3A_382 : memref<10240x128xf32, #tpu.memory_space<vmem_shared>>) offsets(%dma_start3A_379 : memref<80xi32, #tpu.memory_space<vmem>>) semaphore(%run_scoped3A_372 : memref<!tpu.dma_semaphore, #tpu.memory_space<semaphore_mem>>) {add = true}
        %dma_wait3A_383 = arith.constant 0 : i32
        %dma_wait3A_384 = arith.constant 0 : i32
        %dma_wait3A_385 = tpu.memref_slice %arg8[%run_scoped3A_321, %dma_wait3A_383, %dma_wait3A_384] : memref<3x80x128xf32, #tpu.memory_space<vmem>> -> memref<1x80x128xf32, #tpu.memory_space<vmem>>
        %dma_wait3A_386 = tpu.memref_squeeze %dma_wait3A_385 : memref<1x80x128xf32, #tpu.memory_space<vmem>> -> memref<80x128xf32, #tpu.memory_space<vmem>>
        %dma_wait3A_387 = arith.constant 0 : i32
        %dma_wait3A_388 = tpu.memref_slice %arg7[%add3A_309, %dma_wait3A_387] : memref<25x80xi32, #tpu.memory_space<vmem>> -> memref<1x80xi32, #tpu.memory_space<vmem>>
        %dma_wait3A_389 = tpu.memref_squeeze %dma_wait3A_388 : memref<1x80xi32, #tpu.memory_space<vmem>> -> memref<80xi32, #tpu.memory_space<vmem>>
        %dma_wait3A_390 = arith.constant 0 : i32
        %dma_wait3A_391 = arith.constant 0 : i32
        %dma_wait3A_392 = tpu.memref_slice %arg9[%dma_wait3A_390, %dma_wait3A_391] : memref<10240x128xf32, #tpu.memory_space<vmem_shared>> -> memref<10240x128xf32, #tpu.memory_space<vmem_shared>>
        tpu.wait_indirect_dma semaphore(%run_scoped3A_372 : memref<!tpu.dma_semaphore, #tpu.memory_space<semaphore_mem>>) src(%dma_wait3A_386 : memref<80x128xf32, #tpu.memory_space<vmem>>) dst(%dma_wait3A_392 : memref<10240x128xf32, #tpu.memory_space<vmem_shared>>)
        tpu.yield
      }) : () -> ()
      %add3A_322 = arith.constant 3 : i32
      %add3A_323 = arith.addi %add3A_309, %add3A_322 : i32
      %lt3A = arith.constant 25 : i32
      %lt3A_324 = arith.cmpi slt, %add3A_323, %lt3A : i32
      %convert_element_type3A = arith.extui %lt3A_324 : i1 to i32
      %cond3A = arith.constant 0 : i32
      %cond3A_325 = arith.cmpi ne, %convert_element_type3A, %cond3A : i32
      scf.if %cond3A_325 {
        %add3A_372 = arith.constant 3 : i32
        %add3A_373 = arith.addi %add3A_309, %add3A_372 : i32
        %dma_start3A_374 = arith.constant 0 : i32
        %dma_start3A_375 = arith.constant 0 : i32
        %dma_start3A_376 = arith.constant 0 : i32
        %dma_start3A_377 = tpu.memref_slice %arg8[%dma_start3A_374, %dma_start3A_375, %dma_start3A_376] : memref<3x80x128xf32, #tpu.memory_space<vmem>> -> memref<1x80x128xf32, #tpu.memory_space<vmem>>
        %dma_start3A_378 = tpu.memref_squeeze %dma_start3A_377 : memref<1x80x128xf32, #tpu.memory_space<vmem>> -> memref<80x128xf32, #tpu.memory_space<vmem>>
        %dma_start3A_379 = arith.constant 0 : i32
        %dma_start3A_380 = tpu.memref_slice %arg6[%add3A_373, %dma_start3A_379] : memref<25x80xi32, #tpu.memory_space<vmem>> -> memref<1x80xi32, #tpu.memory_space<vmem>>
        %dma_start3A_381 = tpu.memref_squeeze %dma_start3A_380 : memref<1x80xi32, #tpu.memory_space<vmem>> -> memref<80xi32, #tpu.memory_space<vmem>>
        %dma_start3A_382 = arith.constant 0 : i32
        %dma_start3A_383 = arith.constant 0 : i32
        %dma_start3A_384 = tpu.memref_slice %arg4[%dma_start3A_382, %dma_start3A_383] : memref<10000x128xf32, #tpu.memory_space<hbm>> -> memref<10000x128xf32, #tpu.memory_space<hbm>>
        tpu.enqueue_indirect_dma source(%dma_start3A_384 : memref<10000x128xf32, #tpu.memory_space<hbm>>) target(%dma_start3A_378 : memref<80x128xf32, #tpu.memory_space<vmem>>) offsets(%dma_start3A_381 : memref<80xi32, #tpu.memory_space<vmem>>) semaphore(%arg10 : memref<!tpu.dma_semaphore, #tpu.memory_space<semaphore_mem>>)
      } else {
      }
      %mul3A_326 = arith.constant 3 : i32
      %mul3A_327 = arith.muli %mul3A_326, %scan3A_305 : i32
      %add3A_328 = arith.constant 1 : i32
      %add3A_329 = arith.addi %mul3A_327, %add3A_328 : i32
      %dma_wait3A_330 = arith.constant 1 : i32
      %dma_wait3A_331 = arith.constant 0 : i32
      %dma_wait3A_332 = arith.constant 0 : i32
      %dma_wait3A_333 = tpu.memref_slice %arg8[%dma_wait3A_330, %dma_wait3A_331, %dma_wait3A_332] : memref<3x80x128xf32, #tpu.memory_space<vmem>> -> memref<1x80x128xf32, #tpu.memory_space<vmem>>
      %dma_wait3A_334 = tpu.memref_squeeze %dma_wait3A_333 : memref<1x80x128xf32, #tpu.memory_space<vmem>> -> memref<80x128xf32, #tpu.memory_space<vmem>>
      %dma_wait3A_335 = arith.constant 0 : i32
      %dma_wait3A_336 = tpu.memref_slice %arg6[%add3A_329, %dma_wait3A_335] : memref<25x80xi32, #tpu.memory_space<vmem>> -> memref<1x80xi32, #tpu.memory_space<vmem>>
      %dma_wait3A_337 = tpu.memref_squeeze %dma_wait3A_336 : memref<1x80xi32, #tpu.memory_space<vmem>> -> memref<80xi32, #tpu.memory_space<vmem>>
      %dma_wait3A_338 = arith.constant 0 : i32
      %dma_wait3A_339 = arith.constant 0 : i32
      %dma_wait3A_340 = tpu.memref_slice %arg4[%dma_wait3A_338, %dma_wait3A_339] : memref<10000x128xf32, #tpu.memory_space<hbm>> -> memref<10000x128xf32, #tpu.memory_space<hbm>>
      tpu.wait_indirect_dma semaphore(%arg11 : memref<!tpu.dma_semaphore, #tpu.memory_space<semaphore_mem>>) src(%dma_wait3A_340 : memref<10000x128xf32, #tpu.memory_space<hbm>>) dst(%dma_wait3A_334 : memref<80x128xf32, #tpu.memory_space<vmem>>)
      %run_scoped3A_341 = arith.constant 1 : i32
      "tpu.region"() ({
        %run_scoped3A_372 = tpu.sem_alloc : memref<!tpu.dma_semaphore, #tpu.memory_space<semaphore_mem>>
        %dma_start3A_373 = arith.constant 0 : i32
        %dma_start3A_374 = arith.constant 0 : i32
        %dma_start3A_375 = tpu.memref_slice %arg8[%run_scoped3A_341, %dma_start3A_373, %dma_start3A_374] : memref<3x80x128xf32, #tpu.memory_space<vmem>> -> memref<1x80x128xf32, #tpu.memory_space<vmem>>
        %dma_start3A_376 = tpu.memref_squeeze %dma_start3A_375 : memref<1x80x128xf32, #tpu.memory_space<vmem>> -> memref<80x128xf32, #tpu.memory_space<vmem>>
        %dma_start3A_377 = arith.constant 0 : i32
        %dma_start3A_378 = tpu.memref_slice %arg7[%add3A_329, %dma_start3A_377] : memref<25x80xi32, #tpu.memory_space<vmem>> -> memref<1x80xi32, #tpu.memory_space<vmem>>
        %dma_start3A_379 = tpu.memref_squeeze %dma_start3A_378 : memref<1x80xi32, #tpu.memory_space<vmem>> -> memref<80xi32, #tpu.memory_space<vmem>>
        %dma_start3A_380 = arith.constant 0 : i32
        %dma_start3A_381 = arith.constant 0 : i32
        %dma_start3A_382 = tpu.memref_slice %arg9[%dma_start3A_380, %dma_start3A_381] : memref<10240x128xf32, #tpu.memory_space<vmem_shared>> -> memref<10240x128xf32, #tpu.memory_space<vmem_shared>>
        tpu.enqueue_indirect_dma source(%dma_start3A_376 : memref<80x128xf32, #tpu.memory_space<vmem>>) target(%dma_start3A_382 : memref<10240x128xf32, #tpu.memory_space<vmem_shared>>) offsets(%dma_start3A_379 : memref<80xi32, #tpu.memory_space<vmem>>) semaphore(%run_scoped3A_372 : memref<!tpu.dma_semaphore, #tpu.memory_space<semaphore_mem>>) {add = true}
        %dma_wait3A_383 = arith.constant 0 : i32
        %dma_wait3A_384 = arith.constant 0 : i32
        %dma_wait3A_385 = tpu.memref_slice %arg8[%run_scoped3A_341, %dma_wait3A_383, %dma_wait3A_384] : memref<3x80x128xf32, #tpu.memory_space<vmem>> -> memref<1x80x128xf32, #tpu.memory_space<vmem>>
        %dma_wait3A_386 = tpu.memref_squeeze %dma_wait3A_385 : memref<1x80x128xf32, #tpu.memory_space<vmem>> -> memref<80x128xf32, #tpu.memory_space<vmem>>
        %dma_wait3A_387 = arith.constant 0 : i32
        %dma_wait3A_388 = tpu.memref_slice %arg7[%add3A_329, %dma_wait3A_387] : memref<25x80xi32, #tpu.memory_space<vmem>> -> memref<1x80xi32, #tpu.memory_space<vmem>>
        %dma_wait3A_389 = tpu.memref_squeeze %dma_wait3A_388 : memref<1x80xi32, #tpu.memory_space<vmem>> -> memref<80xi32, #tpu.memory_space<vmem>>
        %dma_wait3A_390 = arith.constant 0 : i32
        %dma_wait3A_391 = arith.constant 0 : i32
        %dma_wait3A_392 = tpu.memref_slice %arg9[%dma_wait3A_390, %dma_wait3A_391] : memref<10240x128xf32, #tpu.memory_space<vmem_shared>> -> memref<10240x128xf32, #tpu.memory_space<vmem_shared>>
        tpu.wait_indirect_dma semaphore(%run_scoped3A_372 : memref<!tpu.dma_semaphore, #tpu.memory_space<semaphore_mem>>) src(%dma_wait3A_386 : memref<80x128xf32, #tpu.memory_space<vmem>>) dst(%dma_wait3A_392 : memref<10240x128xf32, #tpu.memory_space<vmem_shared>>)
        tpu.yield
      }) : () -> ()
      %add3A_342 = arith.constant 3 : i32
      %add3A_343 = arith.addi %add3A_329, %add3A_342 : i32
      %lt3A_344 = arith.constant 25 : i32
      %lt3A_345 = arith.cmpi slt, %add3A_343, %lt3A_344 : i32
      %convert_element_type3A_346 = arith.extui %lt3A_345 : i1 to i32
      %cond3A_347 = arith.constant 0 : i32
      %cond3A_348 = arith.cmpi ne, %convert_element_type3A_346, %cond3A_347 : i32
      scf.if %cond3A_348 {
        %add3A_372 = arith.constant 3 : i32
        %add3A_373 = arith.addi %add3A_329, %add3A_372 : i32
        %dma_start3A_374 = arith.constant 1 : i32
        %dma_start3A_375 = arith.constant 0 : i32
        %dma_start3A_376 = arith.constant 0 : i32
        %dma_start3A_377 = tpu.memref_slice %arg8[%dma_start3A_374, %dma_start3A_375, %dma_start3A_376] : memref<3x80x128xf32, #tpu.memory_space<vmem>> -> memref<1x80x128xf32, #tpu.memory_space<vmem>>
        %dma_start3A_378 = tpu.memref_squeeze %dma_start3A_377 : memref<1x80x128xf32, #tpu.memory_space<vmem>> -> memref<80x128xf32, #tpu.memory_space<vmem>>
        %dma_start3A_379 = arith.constant 0 : i32
        %dma_start3A_380 = tpu.memref_slice %arg6[%add3A_373, %dma_start3A_379] : memref<25x80xi32, #tpu.memory_space<vmem>> -> memref<1x80xi32, #tpu.memory_space<vmem>>
        %dma_start3A_381 = tpu.memref_squeeze %dma_start3A_380 : memref<1x80xi32, #tpu.memory_space<vmem>> -> memref<80xi32, #tpu.memory_space<vmem>>
        %dma_start3A_382 = arith.constant 0 : i32
        %dma_start3A_383 = arith.constant 0 : i32
        %dma_start3A_384 = tpu.memref_slice %arg4[%dma_start3A_382, %dma_start3A_383] : memref<10000x128xf32, #tpu.memory_space<hbm>> -> memref<10000x128xf32, #tpu.memory_space<hbm>>
        tpu.enqueue_indirect_dma source(%dma_start3A_384 : memref<10000x128xf32, #tpu.memory_space<hbm>>) target(%dma_start3A_378 : memref<80x128xf32, #tpu.memory_space<vmem>>) offsets(%dma_start3A_381 : memref<80xi32, #tpu.memory_space<vmem>>) semaphore(%arg11 : memref<!tpu.dma_semaphore, #tpu.memory_space<semaphore_mem>>)
      } else {
      }
      %mul3A_349 = arith.constant 3 : i32
      %mul3A_350 = arith.muli %mul3A_349, %scan3A_305 : i32
      %add3A_351 = arith.constant 2 : i32
      %add3A_352 = arith.addi %mul3A_350, %add3A_351 : i32
      %dma_wait3A_353 = arith.constant 2 : i32
      %dma_wait3A_354 = arith.constant 0 : i32
      %dma_wait3A_355 = arith.constant 0 : i32
      %dma_wait3A_356 = tpu.memref_slice %arg8[%dma_wait3A_353, %dma_wait3A_354, %dma_wait3A_355] : memref<3x80x128xf32, #tpu.memory_space<vmem>> -> memref<1x80x128xf32, #tpu.memory_space<vmem>>
      %dma_wait3A_357 = tpu.memref_squeeze %dma_wait3A_356 : memref<1x80x128xf32, #tpu.memory_space<vmem>> -> memref<80x128xf32, #tpu.memory_space<vmem>>
      %dma_wait3A_358 = arith.constant 0 : i32
      %dma_wait3A_359 = tpu.memref_slice %arg6[%add3A_352, %dma_wait3A_358] : memref<25x80xi32, #tpu.memory_space<vmem>> -> memref<1x80xi32, #tpu.memory_space<vmem>>
      %dma_wait3A_360 = tpu.memref_squeeze %dma_wait3A_359 : memref<1x80xi32, #tpu.memory_space<vmem>> -> memref<80xi32, #tpu.memory_space<vmem>>
      %dma_wait3A_361 = arith.constant 0 : i32
      %dma_wait3A_362 = arith.constant 0 : i32
      %dma_wait3A_363 = tpu.memref_slice %arg4[%dma_wait3A_361, %dma_wait3A_362] : memref<10000x128xf32, #tpu.memory_space<hbm>> -> memref<10000x128xf32, #tpu.memory_space<hbm>>
      tpu.wait_indirect_dma semaphore(%arg12 : memref<!tpu.dma_semaphore, #tpu.memory_space<semaphore_mem>>) src(%dma_wait3A_363 : memref<10000x128xf32, #tpu.memory_space<hbm>>) dst(%dma_wait3A_357 : memref<80x128xf32, #tpu.memory_space<vmem>>)
      %run_scoped3A_364 = arith.constant 2 : i32
      "tpu.region"() ({
        %run_scoped3A_372 = tpu.sem_alloc : memref<!tpu.dma_semaphore, #tpu.memory_space<semaphore_mem>>
        %dma_start3A_373 = arith.constant 0 : i32
        %dma_start3A_374 = arith.constant 0 : i32
        %dma_start3A_375 = tpu.memref_slice %arg8[%run_scoped3A_364, %dma_start3A_373, %dma_start3A_374] : memref<3x80x128xf32, #tpu.memory_space<vmem>> -> memref<1x80x128xf32, #tpu.memory_space<vmem>>
        %dma_start3A_376 = tpu.memref_squeeze %dma_start3A_375 : memref<1x80x128xf32, #tpu.memory_space<vmem>> -> memref<80x128xf32, #tpu.memory_space<vmem>>
        %dma_start3A_377 = arith.constant 0 : i32
        %dma_start3A_378 = tpu.memref_slice %arg7[%add3A_352, %dma_start3A_377] : memref<25x80xi32, #tpu.memory_space<vmem>> -> memref<1x80xi32, #tpu.memory_space<vmem>>
        %dma_start3A_379 = tpu.memref_squeeze %dma_start3A_378 : memref<1x80xi32, #tpu.memory_space<vmem>> -> memref<80xi32, #tpu.memory_space<vmem>>
        %dma_start3A_380 = arith.constant 0 : i32
        %dma_start3A_381 = arith.constant 0 : i32
        %dma_start3A_382 = tpu.memref_slice %arg9[%dma_start3A_380, %dma_start3A_381] : memref<10240x128xf32, #tpu.memory_space<vmem_shared>> -> memref<10240x128xf32, #tpu.memory_space<vmem_shared>>
        tpu.enqueue_indirect_dma source(%dma_start3A_376 : memref<80x128xf32, #tpu.memory_space<vmem>>) target(%dma_start3A_382 : memref<10240x128xf32, #tpu.memory_space<vmem_shared>>) offsets(%dma_start3A_379 : memref<80xi32, #tpu.memory_space<vmem>>) semaphore(%run_scoped3A_372 : memref<!tpu.dma_semaphore, #tpu.memory_space<semaphore_mem>>) {add = true}
        %dma_wait3A_383 = arith.constant 0 : i32
        %dma_wait3A_384 = arith.constant 0 : i32
        %dma_wait3A_385 = tpu.memref_slice %arg8[%run_scoped3A_364, %dma_wait3A_383, %dma_wait3A_384] : memref<3x80x128xf32, #tpu.memory_space<vmem>> -> memref<1x80x128xf32, #tpu.memory_space<vmem>>
        %dma_wait3A_386 = tpu.memref_squeeze %dma_wait3A_385 : memref<1x80x128xf32, #tpu.memory_space<vmem>> -> memref<80x128xf32, #tpu.memory_space<vmem>>
        %dma_wait3A_387 = arith.constant 0 : i32
        %dma_wait3A_388 = tpu.memref_slice %arg7[%add3A_352, %dma_wait3A_387] : memref<25x80xi32, #tpu.memory_space<vmem>> -> memref<1x80xi32, #tpu.memory_space<vmem>>
        %dma_wait3A_389 = tpu.memref_squeeze %dma_wait3A_388 : memref<1x80xi32, #tpu.memory_space<vmem>> -> memref<80xi32, #tpu.memory_space<vmem>>
        %dma_wait3A_390 = arith.constant 0 : i32
        %dma_wait3A_391 = arith.constant 0 : i32
        %dma_wait3A_392 = tpu.memref_slice %arg9[%dma_wait3A_390, %dma_wait3A_391] : memref<10240x128xf32, #tpu.memory_space<vmem_shared>> -> memref<10240x128xf32, #tpu.memory_space<vmem_shared>>
        tpu.wait_indirect_dma semaphore(%run_scoped3A_372 : memref<!tpu.dma_semaphore, #tpu.memory_space<semaphore_mem>>) src(%dma_wait3A_386 : memref<80x128xf32, #tpu.memory_space<vmem>>) dst(%dma_wait3A_392 : memref<10240x128xf32, #tpu.memory_space<vmem_shared>>)
        tpu.yield
      }) : () -> ()
      %add3A_365 = arith.constant 3 : i32
      %add3A_366 = arith.addi %add3A_352, %add3A_365 : i32
      %lt3A_367 = arith.constant 25 : i32
      %lt3A_368 = arith.cmpi slt, %add3A_366, %lt3A_367 : i32
      %convert_element_type3A_369 = arith.extui %lt3A_368 : i1 to i32
      %cond3A_370 = arith.constant 0 : i32
      %cond3A_371 = arith.cmpi ne, %convert_element_type3A_369, %cond3A_370 : i32
      scf.if %cond3A_371 {
        %add3A_372 = arith.constant 3 : i32
        %add3A_373 = arith.addi %add3A_352, %add3A_372 : i32
        %dma_start3A_374 = arith.constant 2 : i32
        %dma_start3A_375 = arith.constant 0 : i32
        %dma_start3A_376 = arith.constant 0 : i32
        %dma_start3A_377 = tpu.memref_slice %arg8[%dma_start3A_374, %dma_start3A_375, %dma_start3A_376] : memref<3x80x128xf32, #tpu.memory_space<vmem>> -> memref<1x80x128xf32, #tpu.memory_space<vmem>>
        %dma_start3A_378 = tpu.memref_squeeze %dma_start3A_377 : memref<1x80x128xf32, #tpu.memory_space<vmem>> -> memref<80x128xf32, #tpu.memory_space<vmem>>
        %dma_start3A_379 = arith.constant 0 : i32
        %dma_start3A_380 = tpu.memref_slice %arg6[%add3A_373, %dma_start3A_379] : memref<25x80xi32, #tpu.memory_space<vmem>> -> memref<1x80xi32, #tpu.memory_space<vmem>>
        %dma_start3A_381 = tpu.memref_squeeze %dma_start3A_380 : memref<1x80xi32, #tpu.memory_space<vmem>> -> memref<80xi32, #tpu.memory_space<vmem>>
        %dma_start3A_382 = arith.constant 0 : i32
        %dma_start3A_383 = arith.constant 0 : i32
        %dma_start3A_384 = tpu.memref_slice %arg4[%dma_start3A_382, %dma_start3A_383] : memref<10000x128xf32, #tpu.memory_space<hbm>> -> memref<10000x128xf32, #tpu.memory_space<hbm>>
        tpu.enqueue_indirect_dma source(%dma_start3A_384 : memref<10000x128xf32, #tpu.memory_space<hbm>>) target(%dma_start3A_378 : memref<80x128xf32, #tpu.memory_space<vmem>>) offsets(%dma_start3A_381 : memref<80xi32, #tpu.memory_space<vmem>>) semaphore(%arg12 : memref<!tpu.dma_semaphore, #tpu.memory_space<semaphore_mem>>)
      } else {
      }
    }
    %scan3A_227 = arith.constant 8 : i32
    %dma_wait3A_228 = arith.constant 24 : i32
    %dma_wait3A_229 = arith.constant 0 : i32
    %dma_wait3A_230 = arith.constant 0 : i32
    %dma_wait3A_231 = arith.constant 0 : i32
    %dma_wait3A_232 = tpu.memref_slice %arg8[%dma_wait3A_229, %dma_wait3A_230, %dma_wait3A_231] : memref<3x80x128xf32, #tpu.memory_space<vmem>> -> memref<1x80x128xf32, #tpu.memory_space<vmem>>
    %dma_wait3A_233 = tpu.memref_squeeze %dma_wait3A_232 : memref<1x80x128xf32, #tpu.memory_space<vmem>> -> memref<80x128xf32, #tpu.memory_space<vmem>>
    %dma_wait3A_234 = arith.constant 0 : i32
    %dma_wait3A_235 = tpu.memref_slice %arg6[%dma_wait3A_228, %dma_wait3A_234] : memref<25x80xi32, #tpu.memory_space<vmem>> -> memref<1x80xi32, #tpu.memory_space<vmem>>
    %dma_wait3A_236 = tpu.memref_squeeze %dma_wait3A_235 : memref<1x80xi32, #tpu.memory_space<vmem>> -> memref<80xi32, #tpu.memory_space<vmem>>
    %dma_wait3A_237 = arith.constant 0 : i32
    %dma_wait3A_238 = arith.constant 0 : i32
    %dma_wait3A_239 = tpu.memref_slice %arg4[%dma_wait3A_237, %dma_wait3A_238] : memref<10000x128xf32, #tpu.memory_space<hbm>> -> memref<10000x128xf32, #tpu.memory_space<hbm>>
    tpu.wait_indirect_dma semaphore(%arg10 : memref<!tpu.dma_semaphore, #tpu.memory_space<semaphore_mem>>) src(%dma_wait3A_239 : memref<10000x128xf32, #tpu.memory_space<hbm>>) dst(%dma_wait3A_233 : memref<80x128xf32, #tpu.memory_space<vmem>>)
    %run_scoped3A_240 = arith.constant 0 : i32
    %run_scoped3A_241 = arith.constant 24 : i32
    "tpu.region"() ({
      %run_scoped3A_305 = tpu.sem_alloc : memref<!tpu.dma_semaphore, #tpu.memory_space<semaphore_mem>>
      %dma_start3A_306 = arith.constant 0 : i32
      %dma_start3A_307 = arith.constant 0 : i32
      %dma_start3A_308 = tpu.memref_slice %arg8[%run_scoped3A_240, %dma_start3A_306, %dma_start3A_307] : memref<3x80x128xf32, #tpu.memory_space<vmem>> -> memref<1x80x128xf32, #tpu.memory_space<vmem>>
      %dma_start3A_309 = tpu.memref_squeeze %dma_start3A_308 : memref<1x80x128xf32, #tpu.memory_space<vmem>> -> memref<80x128xf32, #tpu.memory_space<vmem>>
      %dma_start3A_310 = arith.constant 0 : i32
      %dma_start3A_311 = tpu.memref_slice %arg7[%run_scoped3A_241, %dma_start3A_310] : memref<25x80xi32, #tpu.memory_space<vmem>> -> memref<1x80xi32, #tpu.memory_space<vmem>>
      %dma_start3A_312 = tpu.memref_squeeze %dma_start3A_311 : memref<1x80xi32, #tpu.memory_space<vmem>> -> memref<80xi32, #tpu.memory_space<vmem>>
      %dma_start3A_313 = arith.constant 0 : i32
      %dma_start3A_314 = arith.constant 0 : i32
      %dma_start3A_315 = tpu.memref_slice %arg9[%dma_start3A_313, %dma_start3A_314] : memref<10240x128xf32, #tpu.memory_space<vmem_shared>> -> memref<10240x128xf32, #tpu.memory_space<vmem_shared>>
      tpu.enqueue_indirect_dma source(%dma_start3A_309 : memref<80x128xf32, #tpu.memory_space<vmem>>) target(%dma_start3A_315 : memref<10240x128xf32, #tpu.memory_space<vmem_shared>>) offsets(%dma_start3A_312 : memref<80xi32, #tpu.memory_space<vmem>>) semaphore(%run_scoped3A_305 : memref<!tpu.dma_semaphore, #tpu.memory_space<semaphore_mem>>) {add = true}
      %dma_wait3A_316 = arith.constant 0 : i32
      %dma_wait3A_317 = arith.constant 0 : i32
      %dma_wait3A_318 = tpu.memref_slice %arg8[%run_scoped3A_240, %dma_wait3A_316, %dma_wait3A_317] : memref<3x80x128xf32, #tpu.memory_space<vmem>> -> memref<1x80x128xf32, #tpu.memory_space<vmem>>
      %dma_wait3A_319 = tpu.memref_squeeze %dma_wait3A_318 : memref<1x80x128xf32, #tpu.memory_space<vmem>> -> memref<80x128xf32, #tpu.memory_space<vmem>>
      %dma_wait3A_320 = arith.constant 0 : i32
      %dma_wait3A_321 = tpu.memref_slice %arg7[%run_scoped3A_241, %dma_wait3A_320] : memref<25x80xi32, #tpu.memory_space<vmem>> -> memref<1x80xi32, #tpu.memory_space<vmem>>
      %dma_wait3A_322 = tpu.memref_squeeze %dma_wait3A_321 : memref<1x80xi32, #tpu.memory_space<vmem>> -> memref<80xi32, #tpu.memory_space<vmem>>
      %dma_wait3A_323 = arith.constant 0 : i32
      %dma_wait3A_324 = arith.constant 0 : i32
      %dma_wait3A_325 = tpu.memref_slice %arg9[%dma_wait3A_323, %dma_wait3A_324] : memref<10240x128xf32, #tpu.memory_space<vmem_shared>> -> memref<10240x128xf32, #tpu.memory_space<vmem_shared>>
      tpu.wait_indirect_dma semaphore(%run_scoped3A_305 : memref<!tpu.dma_semaphore, #tpu.memory_space<semaphore_mem>>) src(%dma_wait3A_319 : memref<80x128xf32, #tpu.memory_space<vmem>>) dst(%dma_wait3A_325 : memref<10240x128xf32, #tpu.memory_space<vmem_shared>>)
      tpu.yield
    }) : () -> ()
    %run_scoped3A_242 = arith.constant 4 : i32
    "tpu.region"() ({
      %run_scoped3A_305 = tpu.sem_alloc : memref<!tpu.dma_semaphore, #tpu.memory_space<semaphore_mem>>
      %dma_start3A_306 = arith.constant 0 : i32
      %dma_start3A_307 = arith.constant 0 : i32
      %dma_start3A_308 = tpu.memref_slice %arg2[%add3A, %run_scoped3A_242, %dma_start3A_306, %dma_start3A_307] : memref<32x5x25x80xi32, #tpu.memory_space<hbm>> -> memref<1x1x25x80xi32, #tpu.memory_space<hbm>>
      %dma_start3A_309 = tpu.memref_squeeze %dma_start3A_308 : memref<1x1x25x80xi32, #tpu.memory_space<hbm>> -> memref<25x80xi32, #tpu.memory_space<hbm>>
      %dma_start3A_310 = arith.constant 0 : i32
      %dma_start3A_311 = arith.constant 0 : i32
      %dma_start3A_312 = tpu.memref_slice %arg2[%add3A, %run_scoped3A_242, %dma_start3A_310, %dma_start3A_311] : memref<32x5x25x80xi32, #tpu.memory_space<hbm>> -> memref<1x1x25x80xi32, #tpu.memory_space<hbm>>
      %dma_start3A_313 = tpu.memref_squeeze %dma_start3A_312 : memref<1x1x25x80xi32, #tpu.memory_space<hbm>> -> memref<25x80xi32, #tpu.memory_space<hbm>>
      tpu.enqueue_dma source(%dma_start3A_313 : memref<25x80xi32, #tpu.memory_space<hbm>>) target(%arg6 : memref<25x80xi32, #tpu.memory_space<vmem>>) target_semaphore(%run_scoped3A_305 : memref<!tpu.dma_semaphore, #tpu.memory_space<semaphore_mem>>)
      %dma_wait3A_314 = arith.constant 0 : i32
      %dma_wait3A_315 = arith.constant 0 : i32
      %dma_wait3A_316 = tpu.memref_slice %arg2[%add3A, %run_scoped3A_242, %dma_wait3A_314, %dma_wait3A_315] : memref<32x5x25x80xi32, #tpu.memory_space<hbm>> -> memref<1x1x25x80xi32, #tpu.memory_space<hbm>>
      %dma_wait3A_317 = tpu.memref_squeeze %dma_wait3A_316 : memref<1x1x25x80xi32, #tpu.memory_space<hbm>> -> memref<25x80xi32, #tpu.memory_space<hbm>>
      %dma_wait3A_318 = arith.constant 0 : i32
      %dma_wait3A_319 = arith.constant 0 : i32
      %dma_wait3A_320 = tpu.memref_slice %arg2[%add3A, %run_scoped3A_242, %dma_wait3A_318, %dma_wait3A_319] : memref<32x5x25x80xi32, #tpu.memory_space<hbm>> -> memref<1x1x25x80xi32, #tpu.memory_space<hbm>>
      %dma_wait3A_321 = tpu.memref_squeeze %dma_wait3A_320 : memref<1x1x25x80xi32, #tpu.memory_space<hbm>> -> memref<25x80xi32, #tpu.memory_space<hbm>>
      tpu.wait_dma2 semaphore(%run_scoped3A_305 : memref<!tpu.dma_semaphore, #tpu.memory_space<semaphore_mem>>) src(%dma_wait3A_321 : memref<25x80xi32, #tpu.memory_space<hbm>>) dst(%arg6 : memref<25x80xi32, #tpu.memory_space<vmem>>)
      tpu.yield
    }) : () -> ()
    %run_scoped3A_243 = arith.constant 4 : i32
    "tpu.region"() ({
      %run_scoped3A_305 = tpu.sem_alloc : memref<!tpu.dma_semaphore, #tpu.memory_space<semaphore_mem>>
      %dma_start3A_306 = arith.constant 0 : i32
      %dma_start3A_307 = arith.constant 0 : i32
      %dma_start3A_308 = tpu.memref_slice %arg3[%add3A, %run_scoped3A_243, %dma_start3A_306, %dma_start3A_307] : memref<32x5x25x80xi32, #tpu.memory_space<hbm>> -> memref<1x1x25x80xi32, #tpu.memory_space<hbm>>
      %dma_start3A_309 = tpu.memref_squeeze %dma_start3A_308 : memref<1x1x25x80xi32, #tpu.memory_space<hbm>> -> memref<25x80xi32, #tpu.memory_space<hbm>>
      %dma_start3A_310 = arith.constant 0 : i32
      %dma_start3A_311 = arith.constant 0 : i32
      %dma_start3A_312 = tpu.memref_slice %arg3[%add3A, %run_scoped3A_243, %dma_start3A_310, %dma_start3A_311] : memref<32x5x25x80xi32, #tpu.memory_space<hbm>> -> memref<1x1x25x80xi32, #tpu.memory_space<hbm>>
      %dma_start3A_313 = tpu.memref_squeeze %dma_start3A_312 : memref<1x1x25x80xi32, #tpu.memory_space<hbm>> -> memref<25x80xi32, #tpu.memory_space<hbm>>
      tpu.enqueue_dma source(%dma_start3A_313 : memref<25x80xi32, #tpu.memory_space<hbm>>) target(%arg7 : memref<25x80xi32, #tpu.memory_space<vmem>>) target_semaphore(%run_scoped3A_305 : memref<!tpu.dma_semaphore, #tpu.memory_space<semaphore_mem>>)
      %dma_wait3A_314 = arith.constant 0 : i32
      %dma_wait3A_315 = arith.constant 0 : i32
      %dma_wait3A_316 = tpu.memref_slice %arg3[%add3A, %run_scoped3A_243, %dma_wait3A_314, %dma_wait3A_315] : memref<32x5x25x80xi32, #tpu.memory_space<hbm>> -> memref<1x1x25x80xi32, #tpu.memory_space<hbm>>
      %dma_wait3A_317 = tpu.memref_squeeze %dma_wait3A_316 : memref<1x1x25x80xi32, #tpu.memory_space<hbm>> -> memref<25x80xi32, #tpu.memory_space<hbm>>
      %dma_wait3A_318 = arith.constant 0 : i32
      %dma_wait3A_319 = arith.constant 0 : i32
      %dma_wait3A_320 = tpu.memref_slice %arg3[%add3A, %run_scoped3A_243, %dma_wait3A_318, %dma_wait3A_319] : memref<32x5x25x80xi32, #tpu.memory_space<hbm>> -> memref<1x1x25x80xi32, #tpu.memory_space<hbm>>
      %dma_wait3A_321 = tpu.memref_squeeze %dma_wait3A_320 : memref<1x1x25x80xi32, #tpu.memory_space<hbm>> -> memref<25x80xi32, #tpu.memory_space<hbm>>
      tpu.wait_dma2 semaphore(%run_scoped3A_305 : memref<!tpu.dma_semaphore, #tpu.memory_space<semaphore_mem>>) src(%dma_wait3A_321 : memref<25x80xi32, #tpu.memory_space<hbm>>) dst(%arg7 : memref<25x80xi32, #tpu.memory_space<vmem>>)
      tpu.yield
    }) : () -> ()
    %dma_start3A_244 = arith.constant 0 : i32
    %dma_start3A_245 = arith.constant 0 : i32
    %dma_start3A_246 = arith.constant 0 : i32
    %dma_start3A_247 = arith.constant 0 : i32
    %dma_start3A_248 = tpu.memref_slice %arg8[%dma_start3A_245, %dma_start3A_246, %dma_start3A_247] : memref<3x80x128xf32, #tpu.memory_space<vmem>> -> memref<1x80x128xf32, #tpu.memory_space<vmem>>
    %dma_start3A_249 = tpu.memref_squeeze %dma_start3A_248 : memref<1x80x128xf32, #tpu.memory_space<vmem>> -> memref<80x128xf32, #tpu.memory_space<vmem>>
    %dma_start3A_250 = arith.constant 0 : i32
    %dma_start3A_251 = tpu.memref_slice %arg6[%dma_start3A_244, %dma_start3A_250] : memref<25x80xi32, #tpu.memory_space<vmem>> -> memref<1x80xi32, #tpu.memory_space<vmem>>
    %dma_start3A_252 = tpu.memref_squeeze %dma_start3A_251 : memref<1x80xi32, #tpu.memory_space<vmem>> -> memref<80xi32, #tpu.memory_space<vmem>>
    %dma_start3A_253 = arith.constant 0 : i32
    %dma_start3A_254 = arith.constant 0 : i32
    %dma_start3A_255 = tpu.memref_slice %arg4[%dma_start3A_253, %dma_start3A_254] : memref<10000x128xf32, #tpu.memory_space<hbm>> -> memref<10000x128xf32, #tpu.memory_space<hbm>>
    tpu.enqueue_indirect_dma source(%dma_start3A_255 : memref<10000x128xf32, #tpu.memory_space<hbm>>) target(%dma_start3A_249 : memref<80x128xf32, #tpu.memory_space<vmem>>) offsets(%dma_start3A_252 : memref<80xi32, #tpu.memory_space<vmem>>) semaphore(%arg10 : memref<!tpu.dma_semaphore, #tpu.memory_space<semaphore_mem>>)
    %dma_start3A_256 = arith.constant 1 : i32
    %dma_start3A_257 = arith.constant 1 : i32
    %dma_start3A_258 = arith.constant 0 : i32
    %dma_start3A_259 = arith.constant 0 : i32
    %dma_start3A_260 = tpu.memref_slice %arg8[%dma_start3A_257, %dma_start3A_258, %dma_start3A_259] : memref<3x80x128xf32, #tpu.memory_space<vmem>> -> memref<1x80x128xf32, #tpu.memory_space<vmem>>
    %dma_start3A_261 = tpu.memref_squeeze %dma_start3A_260 : memref<1x80x128xf32, #tpu.memory_space<vmem>> -> memref<80x128xf32, #tpu.memory_space<vmem>>
    %dma_start3A_262 = arith.constant 0 : i32
    %dma_start3A_263 = tpu.memref_slice %arg6[%dma_start3A_256, %dma_start3A_262] : memref<25x80xi32, #tpu.memory_space<vmem>> -> memref<1x80xi32, #tpu.memory_space<vmem>>
    %dma_start3A_264 = tpu.memref_squeeze %dma_start3A_263 : memref<1x80xi32, #tpu.memory_space<vmem>> -> memref<80xi32, #tpu.memory_space<vmem>>
    %dma_start3A_265 = arith.constant 0 : i32
    %dma_start3A_266 = arith.constant 0 : i32
    %dma_start3A_267 = tpu.memref_slice %arg4[%dma_start3A_265, %dma_start3A_266] : memref<10000x128xf32, #tpu.memory_space<hbm>> -> memref<10000x128xf32, #tpu.memory_space<hbm>>
    tpu.enqueue_indirect_dma source(%dma_start3A_267 : memref<10000x128xf32, #tpu.memory_space<hbm>>) target(%dma_start3A_261 : memref<80x128xf32, #tpu.memory_space<vmem>>) offsets(%dma_start3A_264 : memref<80xi32, #tpu.memory_space<vmem>>) semaphore(%arg11 : memref<!tpu.dma_semaphore, #tpu.memory_space<semaphore_mem>>)
    %dma_start3A_268 = arith.constant 2 : i32
    %dma_start3A_269 = arith.constant 2 : i32
    %dma_start3A_270 = arith.constant 0 : i32
    %dma_start3A_271 = arith.constant 0 : i32
    %dma_start3A_272 = tpu.memref_slice %arg8[%dma_start3A_269, %dma_start3A_270, %dma_start3A_271] : memref<3x80x128xf32, #tpu.memory_space<vmem>> -> memref<1x80x128xf32, #tpu.memory_space<vmem>>
    %dma_start3A_273 = tpu.memref_squeeze %dma_start3A_272 : memref<1x80x128xf32, #tpu.memory_space<vmem>> -> memref<80x128xf32, #tpu.memory_space<vmem>>
    %dma_start3A_274 = arith.constant 0 : i32
    %dma_start3A_275 = tpu.memref_slice %arg6[%dma_start3A_268, %dma_start3A_274] : memref<25x80xi32, #tpu.memory_space<vmem>> -> memref<1x80xi32, #tpu.memory_space<vmem>>
    %dma_start3A_276 = tpu.memref_squeeze %dma_start3A_275 : memref<1x80xi32, #tpu.memory_space<vmem>> -> memref<80xi32, #tpu.memory_space<vmem>>
    %dma_start3A_277 = arith.constant 0 : i32
    %dma_start3A_278 = arith.constant 0 : i32
    %dma_start3A_279 = tpu.memref_slice %arg4[%dma_start3A_277, %dma_start3A_278] : memref<10000x128xf32, #tpu.memory_space<hbm>> -> memref<10000x128xf32, #tpu.memory_space<hbm>>
    tpu.enqueue_indirect_dma source(%dma_start3A_279 : memref<10000x128xf32, #tpu.memory_space<hbm>>) target(%dma_start3A_273 : memref<80x128xf32, #tpu.memory_space<vmem>>) offsets(%dma_start3A_276 : memref<80xi32, #tpu.memory_space<vmem>>) semaphore(%arg12 : memref<!tpu.dma_semaphore, #tpu.memory_space<semaphore_mem>>)
    %scan3A_280 = arith.constant 0 : i32
    %scan3A_281 = arith.constant 0 : i32
    %scan3A_282 = arith.constant 8 : i32
    %scan3A_283 = arith.addi %scan3A_281, %scan3A_282 : i32
    %scan3A_284 = arith.constant 1 : i32
    scf.for %scan3A_305 = %scan3A_281 to %scan3A_283 step %scan3A_284  : i32 {
      %mul3A_306 = arith.constant 3 : i32
      %mul3A_307 = arith.muli %mul3A_306, %scan3A_305 : i32
      %add3A_308 = arith.constant 0 : i32
      %add3A_309 = arith.addi %mul3A_307, %add3A_308 : i32
      %dma_wait3A_310 = arith.constant 0 : i32
      %dma_wait3A_311 = arith.constant 0 : i32
      %dma_wait3A_312 = arith.constant 0 : i32
      %dma_wait3A_313 = tpu.memref_slice %arg8[%dma_wait3A_310, %dma_wait3A_311, %dma_wait3A_312] : memref<3x80x128xf32, #tpu.memory_space<vmem>> -> memref<1x80x128xf32, #tpu.memory_space<vmem>>
      %dma_wait3A_314 = tpu.memref_squeeze %dma_wait3A_313 : memref<1x80x128xf32, #tpu.memory_space<vmem>> -> memref<80x128xf32, #tpu.memory_space<vmem>>
      %dma_wait3A_315 = arith.constant 0 : i32
      %dma_wait3A_316 = tpu.memref_slice %arg6[%add3A_309, %dma_wait3A_315] : memref<25x80xi32, #tpu.memory_space<vmem>> -> memref<1x80xi32, #tpu.memory_space<vmem>>
      %dma_wait3A_317 = tpu.memref_squeeze %dma_wait3A_316 : memref<1x80xi32, #tpu.memory_space<vmem>> -> memref<80xi32, #tpu.memory_space<vmem>>
      %dma_wait3A_318 = arith.constant 0 : i32
      %dma_wait3A_319 = arith.constant 0 : i32
      %dma_wait3A_320 = tpu.memref_slice %arg4[%dma_wait3A_318, %dma_wait3A_319] : memref<10000x128xf32, #tpu.memory_space<hbm>> -> memref<10000x128xf32, #tpu.memory_space<hbm>>
      tpu.wait_indirect_dma semaphore(%arg10 : memref<!tpu.dma_semaphore, #tpu.memory_space<semaphore_mem>>) src(%dma_wait3A_320 : memref<10000x128xf32, #tpu.memory_space<hbm>>) dst(%dma_wait3A_314 : memref<80x128xf32, #tpu.memory_space<vmem>>)
      %run_scoped3A_321 = arith.constant 0 : i32
      "tpu.region"() ({
        %run_scoped3A_372 = tpu.sem_alloc : memref<!tpu.dma_semaphore, #tpu.memory_space<semaphore_mem>>
        %dma_start3A_373 = arith.constant 0 : i32
        %dma_start3A_374 = arith.constant 0 : i32
        %dma_start3A_375 = tpu.memref_slice %arg8[%run_scoped3A_321, %dma_start3A_373, %dma_start3A_374] : memref<3x80x128xf32, #tpu.memory_space<vmem>> -> memref<1x80x128xf32, #tpu.memory_space<vmem>>
        %dma_start3A_376 = tpu.memref_squeeze %dma_start3A_375 : memref<1x80x128xf32, #tpu.memory_space<vmem>> -> memref<80x128xf32, #tpu.memory_space<vmem>>
        %dma_start3A_377 = arith.constant 0 : i32
        %dma_start3A_378 = tpu.memref_slice %arg7[%add3A_309, %dma_start3A_377] : memref<25x80xi32, #tpu.memory_space<vmem>> -> memref<1x80xi32, #tpu.memory_space<vmem>>
        %dma_start3A_379 = tpu.memref_squeeze %dma_start3A_378 : memref<1x80xi32, #tpu.memory_space<vmem>> -> memref<80xi32, #tpu.memory_space<vmem>>
        %dma_start3A_380 = arith.constant 0 : i32
        %dma_start3A_381 = arith.constant 0 : i32
        %dma_start3A_382 = tpu.memref_slice %arg9[%dma_start3A_380, %dma_start3A_381] : memref<10240x128xf32, #tpu.memory_space<vmem_shared>> -> memref<10240x128xf32, #tpu.memory_space<vmem_shared>>
        tpu.enqueue_indirect_dma source(%dma_start3A_376 : memref<80x128xf32, #tpu.memory_space<vmem>>) target(%dma_start3A_382 : memref<10240x128xf32, #tpu.memory_space<vmem_shared>>) offsets(%dma_start3A_379 : memref<80xi32, #tpu.memory_space<vmem>>) semaphore(%run_scoped3A_372 : memref<!tpu.dma_semaphore, #tpu.memory_space<semaphore_mem>>) {add = true}
        %dma_wait3A_383 = arith.constant 0 : i32
        %dma_wait3A_384 = arith.constant 0 : i32
        %dma_wait3A_385 = tpu.memref_slice %arg8[%run_scoped3A_321, %dma_wait3A_383, %dma_wait3A_384] : memref<3x80x128xf32, #tpu.memory_space<vmem>> -> memref<1x80x128xf32, #tpu.memory_space<vmem>>
        %dma_wait3A_386 = tpu.memref_squeeze %dma_wait3A_385 : memref<1x80x128xf32, #tpu.memory_space<vmem>> -> memref<80x128xf32, #tpu.memory_space<vmem>>
        %dma_wait3A_387 = arith.constant 0 : i32
        %dma_wait3A_388 = tpu.memref_slice %arg7[%add3A_309, %dma_wait3A_387] : memref<25x80xi32, #tpu.memory_space<vmem>> -> memref<1x80xi32, #tpu.memory_space<vmem>>
        %dma_wait3A_389 = tpu.memref_squeeze %dma_wait3A_388 : memref<1x80xi32, #tpu.memory_space<vmem>> -> memref<80xi32, #tpu.memory_space<vmem>>
        %dma_wait3A_390 = arith.constant 0 : i32
        %dma_wait3A_391 = arith.constant 0 : i32
        %dma_wait3A_392 = tpu.memref_slice %arg9[%dma_wait3A_390, %dma_wait3A_391] : memref<10240x128xf32, #tpu.memory_space<vmem_shared>> -> memref<10240x128xf32, #tpu.memory_space<vmem_shared>>
        tpu.wait_indirect_dma semaphore(%run_scoped3A_372 : memref<!tpu.dma_semaphore, #tpu.memory_space<semaphore_mem>>) src(%dma_wait3A_386 : memref<80x128xf32, #tpu.memory_space<vmem>>) dst(%dma_wait3A_392 : memref<10240x128xf32, #tpu.memory_space<vmem_shared>>)
        tpu.yield
      }) : () -> ()
      %add3A_322 = arith.constant 3 : i32
      %add3A_323 = arith.addi %add3A_309, %add3A_322 : i32
      %lt3A = arith.constant 25 : i32
      %lt3A_324 = arith.cmpi slt, %add3A_323, %lt3A : i32
      %convert_element_type3A = arith.extui %lt3A_324 : i1 to i32
      %cond3A = arith.constant 0 : i32
      %cond3A_325 = arith.cmpi ne, %convert_element_type3A, %cond3A : i32
      scf.if %cond3A_325 {
        %add3A_372 = arith.constant 3 : i32
        %add3A_373 = arith.addi %add3A_309, %add3A_372 : i32
        %dma_start3A_374 = arith.constant 0 : i32
        %dma_start3A_375 = arith.constant 0 : i32
        %dma_start3A_376 = arith.constant 0 : i32
        %dma_start3A_377 = tpu.memref_slice %arg8[%dma_start3A_374, %dma_start3A_375, %dma_start3A_376] : memref<3x80x128xf32, #tpu.memory_space<vmem>> -> memref<1x80x128xf32, #tpu.memory_space<vmem>>
        %dma_start3A_378 = tpu.memref_squeeze %dma_start3A_377 : memref<1x80x128xf32, #tpu.memory_space<vmem>> -> memref<80x128xf32, #tpu.memory_space<vmem>>
        %dma_start3A_379 = arith.constant 0 : i32
        %dma_start3A_380 = tpu.memref_slice %arg6[%add3A_373, %dma_start3A_379] : memref<25x80xi32, #tpu.memory_space<vmem>> -> memref<1x80xi32, #tpu.memory_space<vmem>>
        %dma_start3A_381 = tpu.memref_squeeze %dma_start3A_380 : memref<1x80xi32, #tpu.memory_space<vmem>> -> memref<80xi32, #tpu.memory_space<vmem>>
        %dma_start3A_382 = arith.constant 0 : i32
        %dma_start3A_383 = arith.constant 0 : i32
        %dma_start3A_384 = tpu.memref_slice %arg4[%dma_start3A_382, %dma_start3A_383] : memref<10000x128xf32, #tpu.memory_space<hbm>> -> memref<10000x128xf32, #tpu.memory_space<hbm>>
        tpu.enqueue_indirect_dma source(%dma_start3A_384 : memref<10000x128xf32, #tpu.memory_space<hbm>>) target(%dma_start3A_378 : memref<80x128xf32, #tpu.memory_space<vmem>>) offsets(%dma_start3A_381 : memref<80xi32, #tpu.memory_space<vmem>>) semaphore(%arg10 : memref<!tpu.dma_semaphore, #tpu.memory_space<semaphore_mem>>)
      } else {
      }
      %mul3A_326 = arith.constant 3 : i32
      %mul3A_327 = arith.muli %mul3A_326, %scan3A_305 : i32
      %add3A_328 = arith.constant 1 : i32
      %add3A_329 = arith.addi %mul3A_327, %add3A_328 : i32
      %dma_wait3A_330 = arith.constant 1 : i32
      %dma_wait3A_331 = arith.constant 0 : i32
      %dma_wait3A_332 = arith.constant 0 : i32
      %dma_wait3A_333 = tpu.memref_slice %arg8[%dma_wait3A_330, %dma_wait3A_331, %dma_wait3A_332] : memref<3x80x128xf32, #tpu.memory_space<vmem>> -> memref<1x80x128xf32, #tpu.memory_space<vmem>>
      %dma_wait3A_334 = tpu.memref_squeeze %dma_wait3A_333 : memref<1x80x128xf32, #tpu.memory_space<vmem>> -> memref<80x128xf32, #tpu.memory_space<vmem>>
      %dma_wait3A_335 = arith.constant 0 : i32
      %dma_wait3A_336 = tpu.memref_slice %arg6[%add3A_329, %dma_wait3A_335] : memref<25x80xi32, #tpu.memory_space<vmem>> -> memref<1x80xi32, #tpu.memory_space<vmem>>
      %dma_wait3A_337 = tpu.memref_squeeze %dma_wait3A_336 : memref<1x80xi32, #tpu.memory_space<vmem>> -> memref<80xi32, #tpu.memory_space<vmem>>
      %dma_wait3A_338 = arith.constant 0 : i32
      %dma_wait3A_339 = arith.constant 0 : i32
      %dma_wait3A_340 = tpu.memref_slice %arg4[%dma_wait3A_338, %dma_wait3A_339] : memref<10000x128xf32, #tpu.memory_space<hbm>> -> memref<10000x128xf32, #tpu.memory_space<hbm>>
      tpu.wait_indirect_dma semaphore(%arg11 : memref<!tpu.dma_semaphore, #tpu.memory_space<semaphore_mem>>) src(%dma_wait3A_340 : memref<10000x128xf32, #tpu.memory_space<hbm>>) dst(%dma_wait3A_334 : memref<80x128xf32, #tpu.memory_space<vmem>>)
      %run_scoped3A_341 = arith.constant 1 : i32
      "tpu.region"() ({
        %run_scoped3A_372 = tpu.sem_alloc : memref<!tpu.dma_semaphore, #tpu.memory_space<semaphore_mem>>
        %dma_start3A_373 = arith.constant 0 : i32
        %dma_start3A_374 = arith.constant 0 : i32
        %dma_start3A_375 = tpu.memref_slice %arg8[%run_scoped3A_341, %dma_start3A_373, %dma_start3A_374] : memref<3x80x128xf32, #tpu.memory_space<vmem>> -> memref<1x80x128xf32, #tpu.memory_space<vmem>>
        %dma_start3A_376 = tpu.memref_squeeze %dma_start3A_375 : memref<1x80x128xf32, #tpu.memory_space<vmem>> -> memref<80x128xf32, #tpu.memory_space<vmem>>
        %dma_start3A_377 = arith.constant 0 : i32
        %dma_start3A_378 = tpu.memref_slice %arg7[%add3A_329, %dma_start3A_377] : memref<25x80xi32, #tpu.memory_space<vmem>> -> memref<1x80xi32, #tpu.memory_space<vmem>>
        %dma_start3A_379 = tpu.memref_squeeze %dma_start3A_378 : memref<1x80xi32, #tpu.memory_space<vmem>> -> memref<80xi32, #tpu.memory_space<vmem>>
        %dma_start3A_380 = arith.constant 0 : i32
        %dma_start3A_381 = arith.constant 0 : i32
        %dma_start3A_382 = tpu.memref_slice %arg9[%dma_start3A_380, %dma_start3A_381] : memref<10240x128xf32, #tpu.memory_space<vmem_shared>> -> memref<10240x128xf32, #tpu.memory_space<vmem_shared>>
        tpu.enqueue_indirect_dma source(%dma_start3A_376 : memref<80x128xf32, #tpu.memory_space<vmem>>) target(%dma_start3A_382 : memref<10240x128xf32, #tpu.memory_space<vmem_shared>>) offsets(%dma_start3A_379 : memref<80xi32, #tpu.memory_space<vmem>>) semaphore(%run_scoped3A_372 : memref<!tpu.dma_semaphore, #tpu.memory_space<semaphore_mem>>) {add = true}
        %dma_wait3A_383 = arith.constant 0 : i32
        %dma_wait3A_384 = arith.constant 0 : i32
        %dma_wait3A_385 = tpu.memref_slice %arg8[%run_scoped3A_341, %dma_wait3A_383, %dma_wait3A_384] : memref<3x80x128xf32, #tpu.memory_space<vmem>> -> memref<1x80x128xf32, #tpu.memory_space<vmem>>
        %dma_wait3A_386 = tpu.memref_squeeze %dma_wait3A_385 : memref<1x80x128xf32, #tpu.memory_space<vmem>> -> memref<80x128xf32, #tpu.memory_space<vmem>>
        %dma_wait3A_387 = arith.constant 0 : i32
        %dma_wait3A_388 = tpu.memref_slice %arg7[%add3A_329, %dma_wait3A_387] : memref<25x80xi32, #tpu.memory_space<vmem>> -> memref<1x80xi32, #tpu.memory_space<vmem>>
        %dma_wait3A_389 = tpu.memref_squeeze %dma_wait3A_388 : memref<1x80xi32, #tpu.memory_space<vmem>> -> memref<80xi32, #tpu.memory_space<vmem>>
        %dma_wait3A_390 = arith.constant 0 : i32
        %dma_wait3A_391 = arith.constant 0 : i32
        %dma_wait3A_392 = tpu.memref_slice %arg9[%dma_wait3A_390, %dma_wait3A_391] : memref<10240x128xf32, #tpu.memory_space<vmem_shared>> -> memref<10240x128xf32, #tpu.memory_space<vmem_shared>>
        tpu.wait_indirect_dma semaphore(%run_scoped3A_372 : memref<!tpu.dma_semaphore, #tpu.memory_space<semaphore_mem>>) src(%dma_wait3A_386 : memref<80x128xf32, #tpu.memory_space<vmem>>) dst(%dma_wait3A_392 : memref<10240x128xf32, #tpu.memory_space<vmem_shared>>)
        tpu.yield
      }) : () -> ()
      %add3A_342 = arith.constant 3 : i32
      %add3A_343 = arith.addi %add3A_329, %add3A_342 : i32
      %lt3A_344 = arith.constant 25 : i32
      %lt3A_345 = arith.cmpi slt, %add3A_343, %lt3A_344 : i32
      %convert_element_type3A_346 = arith.extui %lt3A_345 : i1 to i32
      %cond3A_347 = arith.constant 0 : i32
      %cond3A_348 = arith.cmpi ne, %convert_element_type3A_346, %cond3A_347 : i32
      scf.if %cond3A_348 {
        %add3A_372 = arith.constant 3 : i32
        %add3A_373 = arith.addi %add3A_329, %add3A_372 : i32
        %dma_start3A_374 = arith.constant 1 : i32
        %dma_start3A_375 = arith.constant 0 : i32
        %dma_start3A_376 = arith.constant 0 : i32
        %dma_start3A_377 = tpu.memref_slice %arg8[%dma_start3A_374, %dma_start3A_375, %dma_start3A_376] : memref<3x80x128xf32, #tpu.memory_space<vmem>> -> memref<1x80x128xf32, #tpu.memory_space<vmem>>
        %dma_start3A_378 = tpu.memref_squeeze %dma_start3A_377 : memref<1x80x128xf32, #tpu.memory_space<vmem>> -> memref<80x128xf32, #tpu.memory_space<vmem>>
        %dma_start3A_379 = arith.constant 0 : i32
        %dma_start3A_380 = tpu.memref_slice %arg6[%add3A_373, %dma_start3A_379] : memref<25x80xi32, #tpu.memory_space<vmem>> -> memref<1x80xi32, #tpu.memory_space<vmem>>
        %dma_start3A_381 = tpu.memref_squeeze %dma_start3A_380 : memref<1x80xi32, #tpu.memory_space<vmem>> -> memref<80xi32, #tpu.memory_space<vmem>>
        %dma_start3A_382 = arith.constant 0 : i32
        %dma_start3A_383 = arith.constant 0 : i32
        %dma_start3A_384 = tpu.memref_slice %arg4[%dma_start3A_382, %dma_start3A_383] : memref<10000x128xf32, #tpu.memory_space<hbm>> -> memref<10000x128xf32, #tpu.memory_space<hbm>>
        tpu.enqueue_indirect_dma source(%dma_start3A_384 : memref<10000x128xf32, #tpu.memory_space<hbm>>) target(%dma_start3A_378 : memref<80x128xf32, #tpu.memory_space<vmem>>) offsets(%dma_start3A_381 : memref<80xi32, #tpu.memory_space<vmem>>) semaphore(%arg11 : memref<!tpu.dma_semaphore, #tpu.memory_space<semaphore_mem>>)
      } else {
      }
      %mul3A_349 = arith.constant 3 : i32
      %mul3A_350 = arith.muli %mul3A_349, %scan3A_305 : i32
      %add3A_351 = arith.constant 2 : i32
      %add3A_352 = arith.addi %mul3A_350, %add3A_351 : i32
      %dma_wait3A_353 = arith.constant 2 : i32
      %dma_wait3A_354 = arith.constant 0 : i32
      %dma_wait3A_355 = arith.constant 0 : i32
      %dma_wait3A_356 = tpu.memref_slice %arg8[%dma_wait3A_353, %dma_wait3A_354, %dma_wait3A_355] : memref<3x80x128xf32, #tpu.memory_space<vmem>> -> memref<1x80x128xf32, #tpu.memory_space<vmem>>
      %dma_wait3A_357 = tpu.memref_squeeze %dma_wait3A_356 : memref<1x80x128xf32, #tpu.memory_space<vmem>> -> memref<80x128xf32, #tpu.memory_space<vmem>>
      %dma_wait3A_358 = arith.constant 0 : i32
      %dma_wait3A_359 = tpu.memref_slice %arg6[%add3A_352, %dma_wait3A_358] : memref<25x80xi32, #tpu.memory_space<vmem>> -> memref<1x80xi32, #tpu.memory_space<vmem>>
      %dma_wait3A_360 = tpu.memref_squeeze %dma_wait3A_359 : memref<1x80xi32, #tpu.memory_space<vmem>> -> memref<80xi32, #tpu.memory_space<vmem>>
      %dma_wait3A_361 = arith.constant 0 : i32
      %dma_wait3A_362 = arith.constant 0 : i32
      %dma_wait3A_363 = tpu.memref_slice %arg4[%dma_wait3A_361, %dma_wait3A_362] : memref<10000x128xf32, #tpu.memory_space<hbm>> -> memref<10000x128xf32, #tpu.memory_space<hbm>>
      tpu.wait_indirect_dma semaphore(%arg12 : memref<!tpu.dma_semaphore, #tpu.memory_space<semaphore_mem>>) src(%dma_wait3A_363 : memref<10000x128xf32, #tpu.memory_space<hbm>>) dst(%dma_wait3A_357 : memref<80x128xf32, #tpu.memory_space<vmem>>)
      %run_scoped3A_364 = arith.constant 2 : i32
      "tpu.region"() ({
        %run_scoped3A_372 = tpu.sem_alloc : memref<!tpu.dma_semaphore, #tpu.memory_space<semaphore_mem>>
        %dma_start3A_373 = arith.constant 0 : i32
        %dma_start3A_374 = arith.constant 0 : i32
        %dma_start3A_375 = tpu.memref_slice %arg8[%run_scoped3A_364, %dma_start3A_373, %dma_start3A_374] : memref<3x80x128xf32, #tpu.memory_space<vmem>> -> memref<1x80x128xf32, #tpu.memory_space<vmem>>
        %dma_start3A_376 = tpu.memref_squeeze %dma_start3A_375 : memref<1x80x128xf32, #tpu.memory_space<vmem>> -> memref<80x128xf32, #tpu.memory_space<vmem>>
        %dma_start3A_377 = arith.constant 0 : i32
        %dma_start3A_378 = tpu.memref_slice %arg7[%add3A_352, %dma_start3A_377] : memref<25x80xi32, #tpu.memory_space<vmem>> -> memref<1x80xi32, #tpu.memory_space<vmem>>
        %dma_start3A_379 = tpu.memref_squeeze %dma_start3A_378 : memref<1x80xi32, #tpu.memory_space<vmem>> -> memref<80xi32, #tpu.memory_space<vmem>>
        %dma_start3A_380 = arith.constant 0 : i32
        %dma_start3A_381 = arith.constant 0 : i32
        %dma_start3A_382 = tpu.memref_slice %arg9[%dma_start3A_380, %dma_start3A_381] : memref<10240x128xf32, #tpu.memory_space<vmem_shared>> -> memref<10240x128xf32, #tpu.memory_space<vmem_shared>>
        tpu.enqueue_indirect_dma source(%dma_start3A_376 : memref<80x128xf32, #tpu.memory_space<vmem>>) target(%dma_start3A_382 : memref<10240x128xf32, #tpu.memory_space<vmem_shared>>) offsets(%dma_start3A_379 : memref<80xi32, #tpu.memory_space<vmem>>) semaphore(%run_scoped3A_372 : memref<!tpu.dma_semaphore, #tpu.memory_space<semaphore_mem>>) {add = true}
        %dma_wait3A_383 = arith.constant 0 : i32
        %dma_wait3A_384 = arith.constant 0 : i32
        %dma_wait3A_385 = tpu.memref_slice %arg8[%run_scoped3A_364, %dma_wait3A_383, %dma_wait3A_384] : memref<3x80x128xf32, #tpu.memory_space<vmem>> -> memref<1x80x128xf32, #tpu.memory_space<vmem>>
        %dma_wait3A_386 = tpu.memref_squeeze %dma_wait3A_385 : memref<1x80x128xf32, #tpu.memory_space<vmem>> -> memref<80x128xf32, #tpu.memory_space<vmem>>
        %dma_wait3A_387 = arith.constant 0 : i32
        %dma_wait3A_388 = tpu.memref_slice %arg7[%add3A_352, %dma_wait3A_387] : memref<25x80xi32, #tpu.memory_space<vmem>> -> memref<1x80xi32, #tpu.memory_space<vmem>>
        %dma_wait3A_389 = tpu.memref_squeeze %dma_wait3A_388 : memref<1x80xi32, #tpu.memory_space<vmem>> -> memref<80xi32, #tpu.memory_space<vmem>>
        %dma_wait3A_390 = arith.constant 0 : i32
        %dma_wait3A_391 = arith.constant 0 : i32
        %dma_wait3A_392 = tpu.memref_slice %arg9[%dma_wait3A_390, %dma_wait3A_391] : memref<10240x128xf32, #tpu.memory_space<vmem_shared>> -> memref<10240x128xf32, #tpu.memory_space<vmem_shared>>
        tpu.wait_indirect_dma semaphore(%run_scoped3A_372 : memref<!tpu.dma_semaphore, #tpu.memory_space<semaphore_mem>>) src(%dma_wait3A_386 : memref<80x128xf32, #tpu.memory_space<vmem>>) dst(%dma_wait3A_392 : memref<10240x128xf32, #tpu.memory_space<vmem_shared>>)
        tpu.yield
      }) : () -> ()
      %add3A_365 = arith.constant 3 : i32
      %add3A_366 = arith.addi %add3A_352, %add3A_365 : i32
      %lt3A_367 = arith.constant 25 : i32
      %lt3A_368 = arith.cmpi slt, %add3A_366, %lt3A_367 : i32
      %convert_element_type3A_369 = arith.extui %lt3A_368 : i1 to i32
      %cond3A_370 = arith.constant 0 : i32
      %cond3A_371 = arith.cmpi ne, %convert_element_type3A_369, %cond3A_370 : i32
      scf.if %cond3A_371 {
        %add3A_372 = arith.constant 3 : i32
        %add3A_373 = arith.addi %add3A_352, %add3A_372 : i32
        %dma_start3A_374 = arith.constant 2 : i32
        %dma_start3A_375 = arith.constant 0 : i32
        %dma_start3A_376 = arith.constant 0 : i32
        %dma_start3A_377 = tpu.memref_slice %arg8[%dma_start3A_374, %dma_start3A_375, %dma_start3A_376] : memref<3x80x128xf32, #tpu.memory_space<vmem>> -> memref<1x80x128xf32, #tpu.memory_space<vmem>>
        %dma_start3A_378 = tpu.memref_squeeze %dma_start3A_377 : memref<1x80x128xf32, #tpu.memory_space<vmem>> -> memref<80x128xf32, #tpu.memory_space<vmem>>
        %dma_start3A_379 = arith.constant 0 : i32
        %dma_start3A_380 = tpu.memref_slice %arg6[%add3A_373, %dma_start3A_379] : memref<25x80xi32, #tpu.memory_space<vmem>> -> memref<1x80xi32, #tpu.memory_space<vmem>>
        %dma_start3A_381 = tpu.memref_squeeze %dma_start3A_380 : memref<1x80xi32, #tpu.memory_space<vmem>> -> memref<80xi32, #tpu.memory_space<vmem>>
        %dma_start3A_382 = arith.constant 0 : i32
        %dma_start3A_383 = arith.constant 0 : i32
        %dma_start3A_384 = tpu.memref_slice %arg4[%dma_start3A_382, %dma_start3A_383] : memref<10000x128xf32, #tpu.memory_space<hbm>> -> memref<10000x128xf32, #tpu.memory_space<hbm>>
        tpu.enqueue_indirect_dma source(%dma_start3A_384 : memref<10000x128xf32, #tpu.memory_space<hbm>>) target(%dma_start3A_378 : memref<80x128xf32, #tpu.memory_space<vmem>>) offsets(%dma_start3A_381 : memref<80xi32, #tpu.memory_space<vmem>>) semaphore(%arg12 : memref<!tpu.dma_semaphore, #tpu.memory_space<semaphore_mem>>)
      } else {
      }
    }
    %scan3A_285 = arith.constant 8 : i32
    %dma_wait3A_286 = arith.constant 24 : i32
    %dma_wait3A_287 = arith.constant 0 : i32
    %dma_wait3A_288 = arith.constant 0 : i32
    %dma_wait3A_289 = arith.constant 0 : i32
    %dma_wait3A_290 = tpu.memref_slice %arg8[%dma_wait3A_287, %dma_wait3A_288, %dma_wait3A_289] : memref<3x80x128xf32, #tpu.memory_space<vmem>> -> memref<1x80x128xf32, #tpu.memory_space<vmem>>
    %dma_wait3A_291 = tpu.memref_squeeze %dma_wait3A_290 : memref<1x80x128xf32, #tpu.memory_space<vmem>> -> memref<80x128xf32, #tpu.memory_space<vmem>>
    %dma_wait3A_292 = arith.constant 0 : i32
    %dma_wait3A_293 = tpu.memref_slice %arg6[%dma_wait3A_286, %dma_wait3A_292] : memref<25x80xi32, #tpu.memory_space<vmem>> -> memref<1x80xi32, #tpu.memory_space<vmem>>
    %dma_wait3A_294 = tpu.memref_squeeze %dma_wait3A_293 : memref<1x80xi32, #tpu.memory_space<vmem>> -> memref<80xi32, #tpu.memory_space<vmem>>
    %dma_wait3A_295 = arith.constant 0 : i32
    %dma_wait3A_296 = arith.constant 0 : i32
    %dma_wait3A_297 = tpu.memref_slice %arg4[%dma_wait3A_295, %dma_wait3A_296] : memref<10000x128xf32, #tpu.memory_space<hbm>> -> memref<10000x128xf32, #tpu.memory_space<hbm>>
    tpu.wait_indirect_dma semaphore(%arg10 : memref<!tpu.dma_semaphore, #tpu.memory_space<semaphore_mem>>) src(%dma_wait3A_297 : memref<10000x128xf32, #tpu.memory_space<hbm>>) dst(%dma_wait3A_291 : memref<80x128xf32, #tpu.memory_space<vmem>>)
    %run_scoped3A_298 = arith.constant 0 : i32
    %run_scoped3A_299 = arith.constant 24 : i32
    "tpu.region"() ({
      %run_scoped3A_305 = tpu.sem_alloc : memref<!tpu.dma_semaphore, #tpu.memory_space<semaphore_mem>>
      %dma_start3A_306 = arith.constant 0 : i32
      %dma_start3A_307 = arith.constant 0 : i32
      %dma_start3A_308 = tpu.memref_slice %arg8[%run_scoped3A_298, %dma_start3A_306, %dma_start3A_307] : memref<3x80x128xf32, #tpu.memory_space<vmem>> -> memref<1x80x128xf32, #tpu.memory_space<vmem>>
      %dma_start3A_309 = tpu.memref_squeeze %dma_start3A_308 : memref<1x80x128xf32, #tpu.memory_space<vmem>> -> memref<80x128xf32, #tpu.memory_space<vmem>>
      %dma_start3A_310 = arith.constant 0 : i32
      %dma_start3A_311 = tpu.memref_slice %arg7[%run_scoped3A_299, %dma_start3A_310] : memref<25x80xi32, #tpu.memory_space<vmem>> -> memref<1x80xi32, #tpu.memory_space<vmem>>
      %dma_start3A_312 = tpu.memref_squeeze %dma_start3A_311 : memref<1x80xi32, #tpu.memory_space<vmem>> -> memref<80xi32, #tpu.memory_space<vmem>>
      %dma_start3A_313 = arith.constant 0 : i32
      %dma_start3A_314 = arith.constant 0 : i32
      %dma_start3A_315 = tpu.memref_slice %arg9[%dma_start3A_313, %dma_start3A_314] : memref<10240x128xf32, #tpu.memory_space<vmem_shared>> -> memref<10240x128xf32, #tpu.memory_space<vmem_shared>>
      tpu.enqueue_indirect_dma source(%dma_start3A_309 : memref<80x128xf32, #tpu.memory_space<vmem>>) target(%dma_start3A_315 : memref<10240x128xf32, #tpu.memory_space<vmem_shared>>) offsets(%dma_start3A_312 : memref<80xi32, #tpu.memory_space<vmem>>) semaphore(%run_scoped3A_305 : memref<!tpu.dma_semaphore, #tpu.memory_space<semaphore_mem>>) {add = true}
      %dma_wait3A_316 = arith.constant 0 : i32
      %dma_wait3A_317 = arith.constant 0 : i32
      %dma_wait3A_318 = tpu.memref_slice %arg8[%run_scoped3A_298, %dma_wait3A_316, %dma_wait3A_317] : memref<3x80x128xf32, #tpu.memory_space<vmem>> -> memref<1x80x128xf32, #tpu.memory_space<vmem>>
      %dma_wait3A_319 = tpu.memref_squeeze %dma_wait3A_318 : memref<1x80x128xf32, #tpu.memory_space<vmem>> -> memref<80x128xf32, #tpu.memory_space<vmem>>
      %dma_wait3A_320 = arith.constant 0 : i32
      %dma_wait3A_321 = tpu.memref_slice %arg7[%run_scoped3A_299, %dma_wait3A_320] : memref<25x80xi32, #tpu.memory_space<vmem>> -> memref<1x80xi32, #tpu.memory_space<vmem>>
      %dma_wait3A_322 = tpu.memref_squeeze %dma_wait3A_321 : memref<1x80xi32, #tpu.memory_space<vmem>> -> memref<80xi32, #tpu.memory_space<vmem>>
      %dma_wait3A_323 = arith.constant 0 : i32
      %dma_wait3A_324 = arith.constant 0 : i32
      %dma_wait3A_325 = tpu.memref_slice %arg9[%dma_wait3A_323, %dma_wait3A_324] : memref<10240x128xf32, #tpu.memory_space<vmem_shared>> -> memref<10240x128xf32, #tpu.memory_space<vmem_shared>>
      tpu.wait_indirect_dma semaphore(%run_scoped3A_305 : memref<!tpu.dma_semaphore, #tpu.memory_space<semaphore_mem>>) src(%dma_wait3A_319 : memref<80x128xf32, #tpu.memory_space<vmem>>) dst(%dma_wait3A_325 : memref<10240x128xf32, #tpu.memory_space<vmem_shared>>)
      tpu.yield
    }) : () -> ()
    %barrier3A_300 = arith.constant 0 : index
    tpu.barrier barrier_id(%barrier3A_300)
    %mul3A_301 = arith.constant 640 : i32
    %mul3A_302 = arith.muli %arg1, %mul3A_301 : i32
    %mul3A_303 = arith.constant 640 : i32
    %mul3A_304 = arith.muli %arg1, %mul3A_303 : i32
    "tpu.region"() ({
      %run_scoped3A_305 = tpu.sem_alloc : memref<!tpu.dma_semaphore, #tpu.memory_space<semaphore_mem>>
      %dma_start3A_306 = arith.constant 0 : i32
      %dma_start3A_307 = tpu.memref_slice %arg5[%arg0, %mul3A_304, %dma_start3A_306] : memref<2x10240x128xf32, #tpu.memory_space<hbm>> -> memref<1x640x128xf32, #tpu.memory_space<hbm>>
      %dma_start3A_308 = tpu.memref_squeeze %dma_start3A_307 : memref<1x640x128xf32, #tpu.memory_space<hbm>> -> memref<640x128xf32, #tpu.memory_space<hbm>>
      %dma_start3A_309 = arith.constant 0 : i32
      %dma_start3A_310 = tpu.memref_slice %arg9[%mul3A_302, %dma_start3A_309] : memref<10240x128xf32, #tpu.memory_space<vmem_shared>> -> memref<640x128xf32, #tpu.memory_space<vmem_shared>>
      tpu.enqueue_dma source(%dma_start3A_310 : memref<640x128xf32, #tpu.memory_space<vmem_shared>>) target(%dma_start3A_308 : memref<640x128xf32, #tpu.memory_space<hbm>>) target_semaphore(%run_scoped3A_305 : memref<!tpu.dma_semaphore, #tpu.memory_space<semaphore_mem>>)
      %dma_wait3A_311 = arith.constant 0 : i32
      %dma_wait3A_312 = tpu.memref_slice %arg5[%arg0, %mul3A_304, %dma_wait3A_311] : memref<2x10240x128xf32, #tpu.memory_space<hbm>> -> memref<1x640x128xf32, #tpu.memory_space<hbm>>
      %dma_wait3A_313 = tpu.memref_squeeze %dma_wait3A_312 : memref<1x640x128xf32, #tpu.memory_space<hbm>> -> memref<640x128xf32, #tpu.memory_space<hbm>>
      %dma_wait3A_314 = arith.constant 0 : i32
      %dma_wait3A_315 = tpu.memref_slice %arg9[%mul3A_302, %dma_wait3A_314] : memref<10240x128xf32, #tpu.memory_space<vmem_shared>> -> memref<640x128xf32, #tpu.memory_space<vmem_shared>>
      tpu.wait_dma2 semaphore(%run_scoped3A_305 : memref<!tpu.dma_semaphore, #tpu.memory_space<semaphore_mem>>) src(%dma_wait3A_315 : memref<640x128xf32, #tpu.memory_space<vmem_shared>>) dst(%dma_wait3A_313 : memref<640x128xf32, #tpu.memory_space<hbm>>)
      tpu.yield
    }) : () -> ()
    return
  }
}

module attributes {stable_mosaic.version = 14 : i64} {
  func.func @_tc1_body(%arg0: memref<10000x128xf32, #tpu.memory_space<vmem>>, %arg1: memref<128x128xf32, #tpu.memory_space<vmem>>, %arg2: memref<32x10000xf32, #tpu.memory_space<vmem>>, %arg3: memref<10000x128xf32, #tpu.memory_space<vmem>>) attributes {dimension_semantics = [], scalar_prefetch = 0 : i64, scratch_operands = 0 : i64, tpu.core_type = #tpu.core_type<tc>} {
    %get3A = arith.constant 0 : index
    %get3A_0 = arith.constant 0 : index
    %get3A_1 = vector.load %arg2[%get3A, %get3A_0] : memref<32x10000xf32, #tpu.memory_space<vmem>>, vector<32x10000xf32>
    %reduce_sum3A = arith.constant dense<0.000000e+00> : vector<10000xf32>
    %reduce_sum3A_2 = vector.multi_reduction <add>, %get3A_1, %reduce_sum3A [0] : vector<32x10000xf32> to vector<10000xf32>
    %max3A = arith.constant 1.000000e+00 : f32
    %max3A_3 = vector.broadcast %max3A : f32 to vector<10000xf32>
    %max3A_4 = arith.maximumf %reduce_sum3A_2, %max3A_3 : vector<10000xf32>
    %rsqrt3A = math.rsqrt %max3A_4 : vector<10000xf32>
    %get3A_5 = arith.constant 0 : index
    %get3A_6 = arith.constant 0 : index
    %get3A_7 = vector.load %arg0[%get3A_5, %get3A_6] : memref<10000x128xf32, #tpu.memory_space<vmem>>, vector<10000x128xf32>
    %get3A_8 = arith.constant 0 : index
    %get3A_9 = arith.constant 0 : index
    %get3A_10 = vector.load %arg1[%get3A_8, %get3A_9] : memref<128x128xf32, #tpu.memory_space<vmem>>, vector<128x128xf32>
    %dot_general3A = arith.constant dense<0.000000e+00> : vector<10000x128xf32>
    %dot_general3A_11 = tpu.matmul %get3A_7, %get3A_10, %dot_general3A {dimension_numbers = #tpu.dot_dimension_numbers<[1], [1], [0], [0], [0, 0, 1, 0], [], []>, transpose_lhs_hint = false} : vector<10000x128xf32>, vector<128x128xf32>, vector<10000x128xf32> -> vector<10000x128xf32>
    %broadcast_in_dim3A = vector.shape_cast %rsqrt3A : vector<10000xf32> to vector<10000x1xf32>
    %mul3A = vector.broadcast %broadcast_in_dim3A : vector<10000x1xf32> to vector<10000x128xf32>
    %mul3A_12 = arith.mulf %dot_general3A_11, %mul3A : vector<10000x128xf32>
    %swap3A = arith.constant 0 : index
    %swap3A_13 = arith.constant 0 : index
    %swap3A_14 = vector.load %arg3[%swap3A, %swap3A_13] : memref<10000x128xf32, #tpu.memory_space<vmem>>, vector<10000x128xf32>
    tpu.vector_store %arg3[%swap3A, %swap3A_13], %mul3A_12 {strides = array<i32>} : memref<10000x128xf32, #tpu.memory_space<vmem>>, vector<10000x128xf32>,
    return
  }
}

module attributes {stable_mosaic.version = 14 : i64} {
  func.func @_tc2_body(%arg0: memref<2x10240x128xf32, #tpu.memory_space<vmem>>, %arg1: memref<32x10000xf32, #tpu.memory_space<vmem>>, %arg2: memref<10000x128xf32, #tpu.memory_space<vmem>>) attributes {dimension_semantics = [], scalar_prefetch = 0 : i64, scratch_operands = 0 : i64, tpu.core_type = #tpu.core_type<tc>} {
    %get3A = arith.constant 0 : index
    %get3A_0 = arith.constant 0 : index
    %get3A_1 = vector.load %arg1[%get3A, %get3A_0] : memref<32x10000xf32, #tpu.memory_space<vmem>>, vector<32x10000xf32>
    %reduce_sum3A = arith.constant dense<0.000000e+00> : vector<10000xf32>
    %reduce_sum3A_2 = vector.multi_reduction <add>, %get3A_1, %reduce_sum3A [0] : vector<32x10000xf32> to vector<10000xf32>
    %max3A = arith.constant 1.000000e+00 : f32
    %max3A_3 = vector.broadcast %max3A : f32 to vector<10000xf32>
    %max3A_4 = arith.maximumf %reduce_sum3A_2, %max3A_3 : vector<10000xf32>
    %rsqrt3A = math.rsqrt %max3A_4 : vector<10000xf32>
    %get3A_5 = arith.constant 0 : index
    %get3A_6 = arith.constant 0 : index
    %get3A_7 = arith.constant 0 : index
    %get3A_8 = vector.load %arg0[%get3A_5, %get3A_6, %get3A_7] : memref<2x10240x128xf32, #tpu.memory_space<vmem>>, vector<1x10000x128xf32>
    %get3A_9 = vector.shape_cast %get3A_8 : vector<1x10000x128xf32> to vector<10000x128xf32>
    %get3A_10 = arith.constant 1 : index
    %get3A_11 = arith.constant 0 : index
    %get3A_12 = arith.constant 0 : index
    %get3A_13 = vector.load %arg0[%get3A_10, %get3A_11, %get3A_12] : memref<2x10240x128xf32, #tpu.memory_space<vmem>>, vector<1x10000x128xf32>
    %get3A_14 = vector.shape_cast %get3A_13 : vector<1x10000x128xf32> to vector<10000x128xf32>
    %add3A = arith.addf %get3A_9, %get3A_14 : vector<10000x128xf32>
    %broadcast_in_dim3A = vector.shape_cast %rsqrt3A : vector<10000xf32> to vector<10000x1xf32>
    %mul3A = vector.broadcast %broadcast_in_dim3A : vector<10000x1xf32> to vector<10000x128xf32>
    %mul3A_15 = arith.mulf %add3A, %mul3A : vector<10000x128xf32>
    %swap3A = arith.constant 0 : index
    %swap3A_16 = arith.constant 0 : index
    %swap3A_17 = vector.load %arg2[%swap3A, %swap3A_16] : memref<10000x128xf32, #tpu.memory_space<vmem>>, vector<10000x128xf32>
    tpu.vector_store %arg2[%swap3A, %swap3A_16], %mul3A_15 {strides = array<i32>} : memref<10000x128xf32, #tpu.memory_space<vmem>>, vector<10000x128xf32>,
    return
  }
}

</mosaic_0001>

<sc_bundles>
// kernel: kernel.6.cloned.1.call-start
scs
__scs_entry_jumppad:
0x0: {  	(pc) =	sbr.rel $0x88, $3  }
0x1: {  	(tag) =	ssettag $0x0;
	lr =	simm.s32 $0x1  }
0x2: {  	[smem:$0x3F9E] =	sst lr;
	_ =	strace $0xD0000000  }
0x3: {  	_ = 	snop  }
0x4: {  	_ = 	snop  }
0x5: {  	_ = 	snop  }
0x6: {  	_ = 	snop  }
0x7: {  	_ = 	snop  }
__scs_overlays_trampoline_lowered:
0x8: {  	[smem:$0x3FAD] =	sst s0  }
0x9: {  	[smem:$0x3FAE] =	sst s1  }
0xa: {  	[smem:$0x3FAF] =	sst s2  }
0xb: {  	[smem:$0x3FB0] =	sst s3  }
0xc: {  	[smem:$0x3FB1] =	sst s4  }
0xd: {  	[smem:$0x3FB2] =	sst s5  }
0xe: {  	[smem:$0x3FB3] =	sst s6  }
0xf: {  	[smem:$0x3FB4] =	sst s7  }
0x10: {  	[smem:$0x3FB5] =	sst s8  }
0x11: {  	[smem:$0x3FB6] =	sst s9;
	s0 =	simm.s32 @!p0 $0x0  }
0x12: {  	s1 =	sld [smem:$0x3F9C];
	s0 =	simm.s32 @p0 $0x1  }
0x13: {  	[smem:$0x3FB7] =	sst s0;
	s0 =	simm.s32 @!p1 $0x0  }
0x14: {  	s2 =	sld [smem:$0x3F9B];
	s0 =	simm.s32 @p1 $0x1  }
0x15: {  	[smem:$0x3FB8] =	sst s0;
	s0 =	simm.s32 @!p2 $0x0  }
0x16: {  	s3 =	sld [smem:$0x3FDB];
	s0 =	simm.s32 @p2 $0x1  }
0x17: {  	s4 =	simm.s32 $0x1BF5;
	[smem:$0x3FBA] =	sst s0  }
0x18: {  	s0 =	sld [smem:$0x3F9D];
	_ =	swait.ge [sflag:s4], $0x0  }
0x19: {  	s7 =	sld [smem:$0x3F9E]  }
0x1a: {  	s8 =	sadd.s32 $0xFFFFE003, lr  }
0x1b: {  	s9 =	sadd.s32 $0xFFFFFEF7, lr;
	s5 =	simm.s32 $0xFFFFFFFF;
	p2 =	slt.u32 s8, $0xFFFFF086  }
0x1c: {  	p1 =	slt.u32 s9, $0xF7A;
	s5 =	simm.s32 @!p2 $0x0  }
0x1d: {  	s5 =	simm.s32 @p1 $0x1;
	p0 =	seq.s32 s7, s2  }
0x1e: {  	s7 =	smul.u32 @!p0 $0xF7A, s2;
	p2 =	seq.s32 @!p0 s5, $0x0  }
0x1f: {  	s9 =	smul.u32 $0xF7A, s1;
	s8 =	simm.s32 @!p0 $0x1BF5;
	p2 =	por !p2, p0  }
0x20: {  	[sflag:s8] =	ssyncset.s32 @!p0 $0xFFFFF086;
	s6 =	sadd.s32 @!p0 s3, s7;
	s7 =	simm.s32 @!p0 $0x108  }
0x21: {  	s3 =	sadd.s32 s3, s9;
	s6 =	sadd.s32 @!p0 $0x88, s6;
	s7 =	simm.s32 @p2 $0x1082  }
0x22: {  	[simem:s7], [sflag:s8] =	dma.local @!p0 [hbm:s6], $0xF7A  }
0x23: {  	s9 =	sor.u32 $0xD0000000, s2;
	s6 =	simm.s32 $0x108;
	_ =	swait.ge @!p0 [sflag:s8], $0x0  }
0x24: {  	s3 =	sadd.s32 $0x88, s3;
	s6 =	simm.s32 @!p1 $0x1082;
	[sflag:s4] =	ssyncset.s32 $0xFFFFF086  }
0x25: {  	[simem:s6], [sflag:s4] =	dma.local [hbm:s3], $0xF7A  }
0x26: {  	[smem:$0x3F9E] =	sst s1;
	(tag) =	ssettag s2;
	_ =	strace s9  }
0x27: {  	s1 =	sld [smem:$0x3FAE]  }
0x28: {  	s2 =	sld [smem:$0x3FAF]  }
0x29: {  	s4 =	sld [smem:$0x3FB1]  }
0x2a: {  	p0 =	seq.s32 s5, $0x0;
	s5 =	sld [smem:$0x3FB2]  }
0x2b: {  	s6 =	sld [smem:$0x3FB3]  }
0x2c: {  	s7 =	sld [smem:$0x3FB4]  }
0x2d: {  	s3 =	simm.s32 $0x108;
	s8 =	sld [smem:$0x3FB5]  }
0x2e: {  	s3 =	simm.s32 @!p0 $0x1082;
	s9 =	sld [smem:$0x3FB6]  }
0x2f: {  	lr =	sadd.s32 s0, s3;
	s0 =	sld [smem:$0x3FAD]  }
0x30: {  	s3 =	sld [smem:$0x3FB0]  }
0x31: {  	[smem:$0x3FB9] =	sst s10  }
0x32: {  	s10 =	sld [smem:$0x3FB7];
	_ =	sdelay $0x3  }
0x33: {  	p0 =	seq.s32 s10, $0x1;
	s10 =	sld [smem:$0x3FB9];
	_ =	sdelay $0x3  }
0x34: {  	[smem:$0x3FB9] =	sst s10  }
0x35: {  	s10 =	sld [smem:$0x3FB8];
	_ =	sdelay $0x3  }
0x36: {  	p1 =	seq.s32 s10, $0x1;
	s10 =	sld [smem:$0x3FB9];
	_ =	sdelay $0x3  }
0x37: {  	[smem:$0x3FB9] =	sst s10  }
0x38: {  	s10 =	sld [smem:$0x3FBA]  }
0x39: {  	_ = 	snop;
	(pc) =	sbr.ind lr, $3  }
0x3a: {  	_ = 	snop  }
0x3b: {  	_ = 	snop  }
0x3c: {  	p2 =	seq.s32 s10, $0x1;
	s10 =	sld [smem:$0x3FB9]  }
0x3d: {  	_ =	shalt  }
0x3e: {  	_ =	shalt  }
0x3f: {  	_ =	shalt  }
0x40: {  	_ =	shalt  }
0x41: {  	_ =	shalt  }
0x42: {  	_ =	shalt  }
0x43: {  	_ =	shalt  }
0x44: {  	_ =	shalt  }
0x45: {  	_ =	shalt  }
0x46: {  	_ =	shalt  }
0x47: {  	_ =	shalt  }
0x48: {  	_ =	shalt  }
0x49: {  	_ =	shalt  }
0x4a: {  	_ =	shalt  }
0x4b: {  	_ =	shalt  }
0x4c: {  	_ =	shalt  }
0x4d: {  	_ =	shalt  }
0x4e: {  	_ =	shalt  }
0x4f: {  	_ =	shalt  }
0x50: {  	_ =	shalt  }
0x51: {  	_ =	shalt  }
0x52: {  	_ =	shalt  }
0x53: {  	_ =	shalt  }
0x54: {  	_ =	shalt  }
0x55: {  	_ =	shalt  }
0x56: {  	_ =	shalt  }
0x57: {  	_ =	shalt  }
0x58: {  	_ =	shalt  }
0x59: {  	_ =	shalt  }
0x5a: {  	_ =	shalt  }
0x5b: {  	_ =	shalt  }
0x5c: {  	_ =	shalt  }
0x5d: {  	_ =	shalt  }
0x5e: {  	_ =	shalt  }
0x5f: {  	_ =	shalt  }
0x60: {  	_ =	shalt  }
0x61: {  	_ =	shalt  }
0x62: {  	_ =	shalt  }
0x63: {  	_ =	shalt  }
0x64: {  	_ =	shalt  }
0x65: {  	_ =	shalt  }
0x66: {  	_ =	shalt  }
0x67: {  	_ =	shalt  }
0x68: {  	_ =	shalt  }
0x69: {  	_ =	shalt  }
0x6a: {  	_ =	shalt  }
0x6b: {  	_ =	shalt  }
0x6c: {  	_ =	shalt  }
0x6d: {  	_ =	shalt  }
0x6e: {  	_ =	shalt  }
0x6f: {  	_ =	shalt  }
0x70: {  	_ =	shalt  }
0x71: {  	_ =	shalt  }
0x72: {  	_ =	shalt  }
0x73: {  	_ =	shalt  }
0x74: {  	_ =	shalt  }
0x75: {  	_ =	shalt  }
0x76: {  	_ =	shalt  }
0x77: {  	_ =	shalt  }
0x78: {  	_ =	shalt  }
0x79: {  	_ =	shalt  }
0x7a: {  	_ =	shalt  }
0x7b: {  	_ =	shalt  }
0x7c: {  	_ =	shalt  }
0x7d: {  	_ =	shalt  }
0x7e: {  	_ =	shalt  }
0x7f: {  	_ =	shalt  }
0x80: {  	_ =	shalt  }
0x81: {  	_ =	shalt  }
0x82: {  	_ =	shalt  }
0x83: {  	_ =	shalt  }
0x84: {  	_ =	shalt  }
0x85: {  	_ =	shalt  }
0x86: {  	_ =	shalt  }
0x87: {  	_ =	shalt  }
.Lfunc_end0:
.L_simem_size_0:
called_computation_lowered:
.L_overlay_start_0:
0x88: {  	s2 =	sld [smem:$0x3FD9]  }
0x89: {  	s3 =	sld [smem:$0x3FFE];
	_ =	sdelay $0x1  }
0x8a: {  	s1 =	srdreg.scid  }
0x8b: {  	s0 =	sand.u32 $0x1, s1  }
0x8c: {  	s17 =	sshll.u32 s0, $0xA;
	s2 =	sadd.s32 s3, s2  }
0x8d: {  	s2 =	sadd.s32 s2, s17  }
0x8e: {  	[smem:$0x3FC5] =	sst s2  }
0x8f: {  	_ = 	snop  }
0x90: {  	s2 =	sld [smem:$0x3FD0];
	(tm) =	ssettm $0x1  }
0x91: {  	s18 =	sld [smem:$0x3FFB];
	_ =	sdelay $0x3  }
0x92: {  	_ =	strace s18  }
0x93: {  	s3 =	sld [smem:$0x3FFC];
	_ =	sdelay $0x3  }
0x94: {  	_ =	strace s3  }
0x95: {  	s3 =	sld [smem:$0x3FFD];
	_ =	sdelay $0x3  }
0x96: {  	_ =	strace s3  }
0x97: {  	_ =	strace $0x8FFFFFFF  }
0x98: {  	s19 =	sld [smem:$0x3FDB];
	_ =	sdelay $0x1  }
0x99: {  	s4 =	simm.s32 $_scs_section_size  }
0x9a: {  	s5 =	simm.s32 $_size__tile_overlayer_lowered;
	s6 =	simm.s32 $_tile_overlayer_lowered  }
0x9b: {  	s22 =	simm.s32 $0x1BFF;
	s21 =	sshll.u32 s6, $0x1;
	s3 =	sadd.s32 s4, s19  }
0x9c: {  	s7 =	simm.s32 $0x0;
	s20 =	sshll.u32 s5, $0x1;
	s5 =	sadd.s32 s21, s3  }
0x9d: {  	[timem:s7], [sflag:s22] =	dma.local [hbm:s5], s20  }
0x9e: {  	_ =	swait.ge [sflag:s22], s20  }
0x9f: {  	s4 =	ssub.s32 $0x0, s20;
	[sflag:s22] =	ssyncset.done $0x0  }
0xa0: {  	[sflag:s22] =	ssyncadd.s32 s4;
	_ =	sdelay $0x1  }
0xa1: {  	s23 =	simm.s32 $0x1B8B  }
0xa2: {  	_ =	swait.ge [sflag:s23], $0x1  }
0xa3: {  	[sflag:s23] =	ssyncset.done $0x0  }
0xa4: {  	s25 =	simm.s32 $0x1B8E;
	s24 =	sld [smem:$0x3FFE];
	[sflag:s23] =	ssyncadd.s32 $0xFFFFFFFF  }
0xa5: {  	s26 =	simm.s32 $execute0_lowered;
	[smem:$0x3FD2] =	sst s25  }
0xa6: {  	s5 =	sshll.u32 s26, $0x1;
	_ =	strace $0x80000046;
	[dreg:$0x1] =	wrdreg $0xFFFFFFFF  }
0xa7: {  	s28 =	simm.s32 $_size_execute0_lowered;
	s3 =	sadd.s32 s3, s5;
	[dreg:$0x0] =	wrdreg $0x0  }
0xa8: {  	s5 =	sshll.u32 s28, $0x1;
	[dreg:$0x2] =	wrdreg s3  }
0xa9: {  	[dreg:$0x3] =	wrdreg s5  }
0xaa: {  	[dreg:$0x4] =	wrdreg $0xC0  }
0xab: {  	_ =	task [dreg:s7], $0x5FFFF  }
0xac: {  	[dreg:$0x1] =	wrdreg $0xFFFFFFFF  }
0xad: {  	[dreg:$0x0] =	wrdreg $0x60  }
0xae: {  	[dreg:$0x2] =	wrdreg s2  }
0xaf: {  	[dreg:$0x3] =	wrdreg s24  }
0xb0: {  	[dreg:$0x4] =	wrdreg $0x9  }
0xb1: {  	_ =	task.clear_ibuf [dreg:s7], $0x5FFFF;
	_ =	strace $0x90000046  }
0xb2: {  	s29 =	simm.s32 $0x9;
	_ =	strace $0x80000048  }
0xb3: {  	_ =	swait.ge [sflag:s29], $0x1  }
0xb4: {  	[sflag:s29] =	ssyncadd.s32 $0xFFFFFFFF  }
0xb5: {  	_ =	strace $0x90000048  }
0xb6: {  	_ =	sfence  }
0xb7: {  	s30 =	sld [smem:$0x0];
	_ =	sdelay $0x2  }
0xb8: {  	s31 =	sshll.u32 s1, $0xD;
	s1 =	sshrl.u32 s1, $0x2  }
0xb9: {  	s3 =	sand.u32 $0x4000, s31;
	s1 =	sadd.s32 s1, s30  }
0xba: {  	s0 =	sor.u32 s3, s0;
	s1 =	sshll.u32 s1, $0x11  }
0xbb: {  	s0 =	sor.u32 s1, s0  }
0xbc: {  	s0 =	sadd.s32 $0x8F2B, s0  }
0xbd: {  	[sflag:s0] =	ssyncadd.remote.s32 $0x1  }
0xbe: {  	_ =	sfence.sel $0xFFFF  }
0xbf: {  	[dreg:$0x0] =	wrdreg $0xFFFFFFFF;
	(pc) =	sbr.abs _section_cstart, $3  }
0xc0: {  	[dreg:$0x1] =	wrdreg $0xFFFFFFFF  }
0xc1: {  	_ =	task.clear_ibuf [dreg:s7], $0x2FFFF;
	_ =	strace $0x9FFFFFFF  }
0xc2: {  	(tm) =	ssettm $0x7FFFFFFF  }
0xc3: {  	_ =	shalt  }
tec
execute0_lowered:
.L_overlay_start_1:
0x0: {  	(tag) =	ssettag $0x1  }
0x1: {  	s0 =	srdreg.scid  }
0x2: {  	s3 =	sand.u32 $0x1, s0  }
0x3: {  	s4 =	rddreg [dreg:$0x0];
	s0 =	stileid.u32;
	s1 =	sshll.u32 s3, $0x4  }
0x4: {  	s6 =	rddreg [dreg:$0x1];
	s2 =	simm.s32 $0x0;
	s1 =	sor.u32 s0, s1  }
0x5: {  	s8 =	simm.s32 $0x1;
	s9 =	simm.s32 $0x2780;
	s1 =	sshrl.u32 s1, $0x3  }
0x6: {  	s10 =	simm.s32 $0x0;
	s30 =	sshll.u32 s0, $0x7;
	s5 =	smul.u32 $0x13C00, s1  }
0x7: {  	[smem:$0x7FF] =	sst s2;
	s3 =	ssub.s32 $0x2, s3;
	s7 =	sand.u32 $0x380, s30  }
0x8: {  	s31 =	sshrl.u32 s3, $0x1;
	s1 =	rddreg [dreg:$0x2];
	s5 =	sor.u32 s7, s5  }
0x9: {  	_ =	strace $0x80000047;
	s7 =	ssub.s32 s3, s31;
	s5 =	sshrl.u32 s5, $0x3  }
0xa: {  	s6 =	sadd.s32 s5, s6;
	s3 =	sadd.s32 s4, s5;
	s5 =	smax.u32 s7, $0x1  }
0xb: {  	v0 =	vimm.f32 $0.0e+00;
	v1 =	vimm.f32 $1.000000000e+00;
	s7 =	simm.s32 $0x400;
	s4 =	sadd.s32 $0x1000, s6;
	s6 =	simm.s32 $0x80  }
.LBB2_1:
0xc: {  	[tilespmem:s2], [sflag:$0x1] =	stream.strided.gather [hbm4b:s3+s6], $0x2780, s7, s6, $0x38;
	[tilespmem:$0x4F00] =	vst v63  }
0xd: {  	_ =	swait.ge [sflag:s8], $0x2780  }
0xe: {  	[sflag:s8] =	ssyncset.done $0x0  }
0xf: {  	s11 =	simm.s32 $0x0;
	[sflag:s8] =	ssyncadd.s32 $0xFFFFD880  }
.LBB2_2:
0x10: {  	p0 =	sne.s32 s11, $0x9C00  }
.Ltmp0:
0x11: {  	_ = 	snop;
	(pc) =	sbr.rel @p0 .LBB2_2-.Ltmp0, $3  }
0x12: {  	_ =	sdelay $0x1  }
0x13: {  	s12 =	sshra.s32 s11, $0x2  }
0x14: {  	s11 =	sadd.s32 $0x40, s11;
	[tilespmem:s12+$0x2780] =	vst v0  }
0x15: {  	s12 =	simm.s32 $0x0;
	s11 =	simm.s32 $0x40  }
.LBB2_4:
0x16: {  	p0 =	sne.s32 s11, $0x9C00;
	v2 =	vld [tilespmem:s12+$0x0];
	_ =	sdelay $0x3  }
.Ltmp1:
0x17: {  	(pc) =	sbr.rel @p0 .LBB2_4-.Ltmp1, $2  }
0x18: {  	_ =	sdelay $0x2  }
0x19: {  	s12 =	sshra.s32 s11, $0x2;
	s11 =	sadd.s32 $0x40, s11;
	[tilespmem:v2+s9+$0x0] =	vst.idx.add.f32.msk $0xffff, v1  }
0x1a: {  	v2 =	vld [tilespmem:s12+$0x0];
	_ =	sdelay $0x5  }
0x1b: {  	s10 =	sadd.s32 $0x1, s10  }
0x1c: {  	p0 =	sne.s32 s10, s5  }
.Ltmp2:
0x1d: {  	[tilespmem:v2+s9+$0x0] =	vst.idx.add.f32.msk $0xffff, v1;
	(pc) =	sbr.rel @p0 .LBB2_1-.Ltmp2, $4  }
0x1e: {  	[hbm4b:s4+s6] =	stream.strided.scatter [tilespmem:s9], [sflag:$0x1], $0x2780, s7, s6, $0x38;
	[tilespmem:$0x4F00] =	vst v63  }
0x1f: {  	_ =	swait.ge [sflag:s8], $0x2780  }
0x20: {  	[sflag:s8] =	ssyncset.done $0x0  }
0x21: {  	[sflag:s8] =	ssyncadd.s32 $0xFFFFD880  }
0x22: {  	_ =	sfence.sel $0x180000  }
0x23: {  	[bflag:$0x0] =	sbarrier.arrive $0xFFFF  }
0x24: {  	p0 =	sne.s32 s0, $0x0;
	_ =	strace $0x90000047  }
0x25: {  	s0 =	sadd.s32 @!p0 $0x100000, s1;
	[bflag:$0x2] =	sbarrier.arrive $0xFFFF  }
0x26: {  	[sflag:s0] =	ssyncadd.tile.s32 @!p0 $0x1;
	_ =	shalt  }
.Lfunc_end2:
_tile_overlayer_lowered:
.L_overlay_start_2:
0x27: {  	(tag) =	ssettag $0x2  }
0x28: {  	s0 =	rddreg [dreg:$0x0];
	s2 =	stileid.u32  }
0x29: {  	s1 =	rddreg [dreg:$0x1];
	p0 =	sne.s32 s2, $0x0  }
0x2a: {  	s3 =	rddreg [dreg:$0x2];
	[bflag:$0x3] =	sbarrier.arrive $0xFFFF;
	s2 =	simm.s32 @!p0 $0x1C01  }
0x2b: {  	[timem:s3], [sflag:s2] =	dma.local @!p0 [hbm:s0], s1  }
0x2c: {  	s0 =	simm.s32 @!p0 $0x1  }
0x2d: {  	_ =	swait.ge @!p0 [sflag:s0], s1  }
0x2e: {  	s1 =	ssub.s32 @!p0 $0x0, s1;
	[sflag:s0] =	ssyncset.done @!p0 $0x0  }
0x2f: {  	[sflag:s0] =	ssyncadd.s32 @!p0 s1  }
0x30: {  	[bflag:$0x3] =	sbarrier.arrive $0xFFFF  }
0x31: {  	_ =	shalt  }

// kernel: kernel.9.cloned.1.call-start
scs
__scs_entry_jumppad:
0x0: {  	(pc) =	sbr.rel $0x88, $3  }
0x1: {  	(tag) =	ssettag $0x0;
	lr =	simm.s32 $0x1  }
0x2: {  	[smem:$0x3F9E] =	sst lr;
	_ =	strace $0xD0000000  }
0x3: {  	_ = 	snop  }
0x4: {  	_ = 	snop  }
0x5: {  	_ = 	snop  }
0x6: {  	_ = 	snop  }
0x7: {  	_ = 	snop  }
__scs_overlays_trampoline_lowered:
0x8: {  	[smem:$0x3FAD] =	sst s0  }
0x9: {  	[smem:$0x3FAE] =	sst s1  }
0xa: {  	[smem:$0x3FAF] =	sst s2  }
0xb: {  	[smem:$0x3FB0] =	sst s3  }
0xc: {  	[smem:$0x3FB1] =	sst s4  }
0xd: {  	[smem:$0x3FB2] =	sst s5  }
0xe: {  	[smem:$0x3FB3] =	sst s6  }
0xf: {  	[smem:$0x3FB4] =	sst s7  }
0x10: {  	[smem:$0x3FB5] =	sst s8  }
0x11: {  	[smem:$0x3FB6] =	sst s9;
	s0 =	simm.s32 @!p0 $0x0  }
0x12: {  	s1 =	sld [smem:$0x3F9C];
	s0 =	simm.s32 @p0 $0x1  }
0x13: {  	[smem:$0x3FB7] =	sst s0;
	s0 =	simm.s32 @!p1 $0x0  }
0x14: {  	s2 =	sld [smem:$0x3F9B];
	s0 =	simm.s32 @p1 $0x1  }
0x15: {  	[smem:$0x3FB8] =	sst s0;
	s0 =	simm.s32 @!p2 $0x0  }
0x16: {  	s3 =	sld [smem:$0x3FDB];
	s0 =	simm.s32 @p2 $0x1  }
0x17: {  	s4 =	simm.s32 $0x1BF5;
	[smem:$0x3FBA] =	sst s0  }
0x18: {  	s0 =	sld [smem:$0x3F9D];
	_ =	swait.ge [sflag:s4], $0x0  }
0x19: {  	s7 =	sld [smem:$0x3F9E]  }
0x1a: {  	s8 =	sadd.s32 $0xFFFFE003, lr  }
0x1b: {  	s9 =	sadd.s32 $0xFFFFFEF7, lr;
	s5 =	simm.s32 $0xFFFFFFFF;
	p2 =	slt.u32 s8, $0xFFFFF086  }
0x1c: {  	p1 =	slt.u32 s9, $0xF7A;
	s5 =	simm.s32 @!p2 $0x0  }
0x1d: {  	s5 =	simm.s32 @p1 $0x1;
	p0 =	seq.s32 s7, s2  }
0x1e: {  	s7 =	smul.u32 @!p0 $0xF7A, s2;
	p2 =	seq.s32 @!p0 s5, $0x0  }
0x1f: {  	s9 =	smul.u32 $0xF7A, s1;
	s8 =	simm.s32 @!p0 $0x1BF5;
	p2 =	por !p2, p0  }
0x20: {  	[sflag:s8] =	ssyncset.s32 @!p0 $0xFFFFF086;
	s6 =	sadd.s32 @!p0 s3, s7;
	s7 =	simm.s32 @!p0 $0x108  }
0x21: {  	s3 =	sadd.s32 s3, s9;
	s6 =	sadd.s32 @!p0 $0x88, s6;
	s7 =	simm.s32 @p2 $0x1082  }
0x22: {  	[simem:s7], [sflag:s8] =	dma.local @!p0 [hbm:s6], $0xF7A  }
0x23: {  	s9 =	sor.u32 $0xD0000000, s2;
	s6 =	simm.s32 $0x108;
	_ =	swait.ge @!p0 [sflag:s8], $0x0  }
0x24: {  	s3 =	sadd.s32 $0x88, s3;
	s6 =	simm.s32 @!p1 $0x1082;
	[sflag:s4] =	ssyncset.s32 $0xFFFFF086  }
0x25: {  	[simem:s6], [sflag:s4] =	dma.local [hbm:s3], $0xF7A  }
0x26: {  	[smem:$0x3F9E] =	sst s1;
	(tag) =	ssettag s2;
	_ =	strace s9  }
0x27: {  	s1 =	sld [smem:$0x3FAE]  }
0x28: {  	s2 =	sld [smem:$0x3FAF]  }
0x29: {  	s4 =	sld [smem:$0x3FB1]  }
0x2a: {  	p0 =	seq.s32 s5, $0x0;
	s5 =	sld [smem:$0x3FB2]  }
0x2b: {  	s6 =	sld [smem:$0x3FB3]  }
0x2c: {  	s7 =	sld [smem:$0x3FB4]  }
0x2d: {  	s3 =	simm.s32 $0x108;
	s8 =	sld [smem:$0x3FB5]  }
0x2e: {  	s3 =	simm.s32 @!p0 $0x1082;
	s9 =	sld [smem:$0x3FB6]  }
0x2f: {  	lr =	sadd.s32 s0, s3;
	s0 =	sld [smem:$0x3FAD]  }
0x30: {  	s3 =	sld [smem:$0x3FB0]  }
0x31: {  	[smem:$0x3FB9] =	sst s10  }
0x32: {  	s10 =	sld [smem:$0x3FB7];
	_ =	sdelay $0x3  }
0x33: {  	p0 =	seq.s32 s10, $0x1;
	s10 =	sld [smem:$0x3FB9];
	_ =	sdelay $0x3  }
0x34: {  	[smem:$0x3FB9] =	sst s10  }
0x35: {  	s10 =	sld [smem:$0x3FB8];
	_ =	sdelay $0x3  }
0x36: {  	p1 =	seq.s32 s10, $0x1;
	s10 =	sld [smem:$0x3FB9];
	_ =	sdelay $0x3  }
0x37: {  	[smem:$0x3FB9] =	sst s10  }
0x38: {  	s10 =	sld [smem:$0x3FBA]  }
0x39: {  	_ = 	snop;
	(pc) =	sbr.ind lr, $3  }
0x3a: {  	_ = 	snop  }
0x3b: {  	_ = 	snop  }
0x3c: {  	p2 =	seq.s32 s10, $0x1;
	s10 =	sld [smem:$0x3FB9]  }
0x3d: {  	_ =	shalt  }
0x3e: {  	_ =	shalt  }
0x3f: {  	_ =	shalt  }
0x40: {  	_ =	shalt  }
0x41: {  	_ =	shalt  }
0x42: {  	_ =	shalt  }
0x43: {  	_ =	shalt  }
0x44: {  	_ =	shalt  }
0x45: {  	_ =	shalt  }
0x46: {  	_ =	shalt  }
0x47: {  	_ =	shalt  }
0x48: {  	_ =	shalt  }
0x49: {  	_ =	shalt  }
0x4a: {  	_ =	shalt  }
0x4b: {  	_ =	shalt  }
0x4c: {  	_ =	shalt  }
0x4d: {  	_ =	shalt  }
0x4e: {  	_ =	shalt  }
0x4f: {  	_ =	shalt  }
0x50: {  	_ =	shalt  }
0x51: {  	_ =	shalt  }
0x52: {  	_ =	shalt  }
0x53: {  	_ =	shalt  }
0x54: {  	_ =	shalt  }
0x55: {  	_ =	shalt  }
0x56: {  	_ =	shalt  }
0x57: {  	_ =	shalt  }
0x58: {  	_ =	shalt  }
0x59: {  	_ =	shalt  }
0x5a: {  	_ =	shalt  }
0x5b: {  	_ =	shalt  }
0x5c: {  	_ =	shalt  }
0x5d: {  	_ =	shalt  }
0x5e: {  	_ =	shalt  }
0x5f: {  	_ =	shalt  }
0x60: {  	_ =	shalt  }
0x61: {  	_ =	shalt  }
0x62: {  	_ =	shalt  }
0x63: {  	_ =	shalt  }
0x64: {  	_ =	shalt  }
0x65: {  	_ =	shalt  }
0x66: {  	_ =	shalt  }
0x67: {  	_ =	shalt  }
0x68: {  	_ =	shalt  }
0x69: {  	_ =	shalt  }
0x6a: {  	_ =	shalt  }
0x6b: {  	_ =	shalt  }
0x6c: {  	_ =	shalt  }
0x6d: {  	_ =	shalt  }
0x6e: {  	_ =	shalt  }
0x6f: {  	_ =	shalt  }
0x70: {  	_ =	shalt  }
0x71: {  	_ =	shalt  }
0x72: {  	_ =	shalt  }
0x73: {  	_ =	shalt  }
0x74: {  	_ =	shalt  }
0x75: {  	_ =	shalt  }
0x76: {  	_ =	shalt  }
0x77: {  	_ =	shalt  }
0x78: {  	_ =	shalt  }
0x79: {  	_ =	shalt  }
0x7a: {  	_ =	shalt  }
0x7b: {  	_ =	shalt  }
0x7c: {  	_ =	shalt  }
0x7d: {  	_ =	shalt  }
0x7e: {  	_ =	shalt  }
0x7f: {  	_ =	shalt  }
0x80: {  	_ =	shalt  }
0x81: {  	_ =	shalt  }
0x82: {  	_ =	shalt  }
0x83: {  	_ =	shalt  }
0x84: {  	_ =	shalt  }
0x85: {  	_ =	shalt  }
0x86: {  	_ =	shalt  }
0x87: {  	_ =	shalt  }
.Lfunc_end0:
.L_simem_size_0:
called_computation.1_lowered:
.L_overlay_start_0:
0x88: {  	s2 =	sld [smem:$0x3FD9]  }
0x89: {  	s3 =	sld [smem:$0x3FFE];
	_ =	sdelay $0x1  }
0x8a: {  	s1 =	srdreg.scid  }
0x8b: {  	s0 =	sand.u32 $0x1, s1  }
0x8c: {  	s17 =	sshll.u32 s0, $0xA;
	s2 =	sadd.s32 s3, s2  }
0x8d: {  	s2 =	sadd.s32 s2, s17  }
0x8e: {  	[smem:$0x3FC5] =	sst s2  }
0x8f: {  	_ = 	snop  }
0x90: {  	s2 =	sld [smem:$0x3FD0];
	(tm) =	ssettm $0x1  }
0x91: {  	s18 =	sld [smem:$0x3FFB];
	_ =	sdelay $0x3  }
0x92: {  	_ =	strace s18  }
0x93: {  	s3 =	sld [smem:$0x3FFC];
	_ =	sdelay $0x3  }
0x94: {  	_ =	strace s3  }
0x95: {  	s3 =	sld [smem:$0x3FFD];
	_ =	sdelay $0x3  }
0x96: {  	_ =	strace s3  }
0x97: {  	_ =	strace $0x8FFFFFFF  }
0x98: {  	s19 =	sld [smem:$0x3FDB];
	_ =	sdelay $0x1  }
0x99: {  	s4 =	simm.s32 $_scs_section_size  }
0x9a: {  	s5 =	simm.s32 $_size__tile_overlayer_lowered;
	s6 =	simm.s32 $_tile_overlayer_lowered  }
0x9b: {  	s22 =	simm.s32 $0x1BFF;
	s21 =	sshll.u32 s6, $0x1;
	s3 =	sadd.s32 s4, s19  }
0x9c: {  	s7 =	simm.s32 $0x0;
	s20 =	sshll.u32 s5, $0x1;
	s5 =	sadd.s32 s21, s3  }
0x9d: {  	[timem:s7], [sflag:s22] =	dma.local [hbm:s5], s20  }
0x9e: {  	_ =	swait.ge [sflag:s22], s20  }
0x9f: {  	s4 =	ssub.s32 $0x0, s20;
	[sflag:s22] =	ssyncset.done $0x0  }
0xa0: {  	[sflag:s22] =	ssyncadd.s32 s4;
	_ =	sdelay $0x1  }
0xa1: {  	s23 =	simm.s32 $0x1B8B  }
0xa2: {  	_ =	swait.ge [sflag:s23], $0x1  }
0xa3: {  	[sflag:s23] =	ssyncset.done $0x0  }
0xa4: {  	s25 =	simm.s32 $0x1B8E;
	s24 =	sld [smem:$0x3FFE];
	[sflag:s23] =	ssyncadd.s32 $0xFFFFFFFF  }
0xa5: {  	s26 =	simm.s32 $execute0_lowered;
	[smem:$0x3FD2] =	sst s25  }
0xa6: {  	s5 =	sshll.u32 s26, $0x1;
	_ =	strace $0x80000049;
	[dreg:$0x1] =	wrdreg $0xFFFFFFFF  }
0xa7: {  	s28 =	simm.s32 $_size_execute0_lowered;
	s3 =	sadd.s32 s3, s5;
	[dreg:$0x0] =	wrdreg $0x0  }
0xa8: {  	s5 =	sshll.u32 s28, $0x1;
	[dreg:$0x2] =	wrdreg s3  }
0xa9: {  	[dreg:$0x3] =	wrdreg s5  }
0xaa: {  	[dreg:$0x4] =	wrdreg $0xC0  }
0xab: {  	_ =	task [dreg:s7], $0x5FFFF  }
0xac: {  	[dreg:$0x1] =	wrdreg $0xFFFFFFFF  }
0xad: {  	[dreg:$0x0] =	wrdreg $0x60  }
0xae: {  	[dreg:$0x2] =	wrdreg s24  }
0xaf: {  	[dreg:$0x3] =	wrdreg s2  }
0xb0: {  	[dreg:$0x4] =	wrdreg $0x98000  }
0xb1: {  	[dreg:$0x5] =	wrdreg $0x9  }
0xb2: {  	_ =	task.clear_ibuf [dreg:s7], $0x6FFFF;
	_ =	strace $0x90000049  }
0xb3: {  	s29 =	simm.s32 $0x9;
	_ =	strace $0x8000004B  }
0xb4: {  	_ =	swait.ge [sflag:s29], $0x1  }
0xb5: {  	[sflag:s29] =	ssyncadd.s32 $0xFFFFFFFF  }
0xb6: {  	_ =	strace $0x9000004B  }
0xb7: {  	_ =	sfence  }
0xb8: {  	s30 =	sld [smem:$0x0];
	_ =	sdelay $0x2  }
0xb9: {  	s31 =	sshll.u32 s1, $0xD;
	s1 =	sshrl.u32 s1, $0x2  }
0xba: {  	s3 =	sand.u32 $0x4000, s31;
	s1 =	sadd.s32 s1, s30  }
0xbb: {  	s0 =	sor.u32 s3, s0;
	s1 =	sshll.u32 s1, $0x11  }
0xbc: {  	s0 =	sor.u32 s1, s0  }
0xbd: {  	s0 =	sadd.s32 $0x8F2B, s0  }
0xbe: {  	[sflag:s0] =	ssyncadd.remote.s32 $0x1  }
0xbf: {  	_ =	sfence.sel $0xFFFF  }
0xc0: {  	[dreg:$0x0] =	wrdreg $0xFFFFFFFF;
	(pc) =	sbr.abs _section_cstart, $3  }
0xc1: {  	[dreg:$0x1] =	wrdreg $0xFFFFFFFF  }
0xc2: {  	_ =	task.clear_ibuf [dreg:s7], $0x2FFFF;
	_ =	strace $0x9FFFFFFF  }
0xc3: {  	(tm) =	ssettm $0x7FFFFFFF  }
tec
execute0_lowered:
.L_overlay_start_1:
0x0: {  	(tag) =	ssettag $0x1  }
0x1: {  	s0 =	rddreg [dreg:$0x0]  }
0x2: {  	s1 =	rddreg [dreg:$0x1]  }
0x3: {  	s2 =	rddreg [dreg:$0x2];
	s3 =	srdreg.scid;
	s4 =	simm.s32 $0x0  }
0x4: {  	s10 =	stileid.u32;
	s3 =	sand.u32 $0x1, s3;
	[smem:$0x7FF] =	sst s4  }
0x5: {  	s6 =	smul.u32 $0x14000, s10;
	s8 =	sadd.s32 $0x1EE00, s0;
	s30 =	sadd.s32 $0xAE00, s0  }
0x6: {  	s5 =	smul.u32 $0x140000, s3;
	s7 =	sshll.u32 s3, $0x4;
	s3 =	ssub.s32 $0x2, s3  }
0x7: {  	s7 =	sor.u32 s10, s7;
	s9 =	sshrl.u32 s3, $0x1;
	s10 =	smul.u32 $0x50000, s10  }
0x8: {  	_ =	strace $0x8000004A;
	s28 =	smul.u32 $0x5000, s7;
	s3 =	ssub.s32 s3, s9  }
0x9: {  	s5 =	sadd.s32 s6, s5;
	s21 =	sshrl.u32 s10, $0x2;
	s3 =	smax.u32 s3, $0x1  }
0xa: {  	s11 =	sshrl.u32 s28, $0x3;
	s22 =	sadd.s32 s21, s2;
	[dreg:$0x10] =	wrdreg s3  }
0xb: {  	s5 =	sshrl.u32 s5, $0x3;
	s6 =	sadd.s32 s8, s11;
	[dreg:$0xf] =	wrdreg s22  }
0xc: {  	s0 =	sadd.s32 s5, s0;
	s12 =	sadd.s32 s30, s11;
	[dreg:$0x4] =	wrdreg s6  }
0xd: {  	s0 =	sadd.s32 $0x32E00, s0;
	[dreg:$0x5] =	wrdreg s12  }
0xe: {  	s23 =	sadd.s32 $0x2800, s22;
	[dreg:$0xe] =	wrdreg s0  }
0xf: {  	s24 =	sadd.s32 $0x5000, s22;
	[dreg:$0x11] =	wrdreg s23  }
0x10: {  	s25 =	sadd.s32 $0x7800, s22;
	[dreg:$0x12] =	wrdreg s24  }
0x11: {  	s29 =	simm.s32 $0x50;
	s26 =	sadd.s32 $0xA000, s22;
	[dreg:$0x13] =	wrdreg s25  }
0x12: {  	s13 =	sadd.s32 $0x200, s11;
	s28 =	sadd.s32 $0xC800, s22;
	[dreg:$0x14] =	wrdreg s26  }
0x13: {  	s31 =	simm.s32 $0x4800;
	s14 =	sadd.s32 s8, s13;
	[dreg:$0x15] =	wrdreg s28  }
0x14: {  	s15 =	sadd.s32 $0x400, s11;
	s6 =	sadd.s32 s30, s13;
	[dreg:$0x6] =	wrdreg s14  }
0x15: {  	s17 =	sadd.s32 $0x600, s11;
	s16 =	sadd.s32 s8, s15;
	[dreg:$0x7] =	wrdreg s6  }
0x16: {  	s7 =	simm.s32 $0x2;
	s18 =	sadd.s32 s8, s17;
	[dreg:$0x8] =	wrdreg s16  }
0x17: {  	s5 =	sadd.s32 $0x800, s11;
	s19 =	sadd.s32 s30, s17;
	[dreg:$0xa] =	wrdreg s18  }
0x18: {  	s10 =	simm.s32 $0x3;
	s20 =	sadd.s32 s8, s5;
	[dreg:$0xb] =	wrdreg s19  }
0x19: {  	s3 =	simm.s32 $0x7000;
	s5 =	sadd.s32 s30, s5;
	[dreg:$0xc] =	wrdreg s20  }
0x1a: {  	s0 =	sadd.s32 $0x11800, s22;
	s25 =	simm.s32 $0x2000;
	[dreg:$0xd] =	wrdreg s5  }
0x1b: {  	s26 =	simm.s32 $0x4;
	s6 =	sadd.s32 s30, s15;
	[dreg:$0x17] =	wrdreg s0  }
0x1c: {  	s30 =	sadd.s32 $0xF000, s22;
	s5 =	simm.s32 $0x1;
	[dreg:$0x9] =	wrdreg s6  }
0x1d: {  	v0 =	vimm.f32 $0.0e+00;
	s16 =	simm.s32 $0x0;
	[dreg:$0x16] =	wrdreg s30;
	s6 =	simm.s32 $0x1000  }
.LBB2_1:
0x1e: {  	s18 =	sand.u32 $0xFE00, s4  }
0x1f: {  	s19 =	sand.u32 $0x70, s4;
	s20 =	sshrl.u32 s18, $0x2  }
0x20: {  	s18 =	simm.s32 $0x40;
	s20 =	sor.u32 s19, s20;
	s19 =	simm.s32 $0x0  }
.LBB2_2:
0x21: {  	p0 =	sne.s32 s18, $0x9FC0  }
0x22: {  	[tilespmem:s20+$0x2000] =	vst v0;
	s19 =	sadd.s32 $0x10, s19;
	s20 =	smov.u32 s18;
	s18 =	sadd.s32 $0x40, s18  }
.Ltmp0:
0x23: {  	(pc) =	sbr.rel @p0 .LBB2_2-.Ltmp0, $4  }
0x24: {  	_ = 	snop  }
0x25: {  	s20 =	sand.u32 $0xFE00, s20  }
0x26: {  	s21 =	sand.u32 $0x70, s19;
	s20 =	sshrl.u32 s20, $0x2  }
0x27: {  	s20 =	sor.u32 s21, s20  }
0x28: {  	[tilespmem:s20+$0x2000] =	vst v0;
	s0 =	rddreg [dreg:$0xf]  }
0x29: {  	[spmem:s0] =	stream.linear.scatter [tilespmem:s25], [sflag:$0x4], $0x2800, $0x38;
	[tilespmem:$0x1D800] =	vst v63  }
0x2a: {  	_ =	swait.ge [sflag:s26], $0x2800  }
0x2b: {  	[sflag:s26] =	ssyncset.done $0x0  }
0x2c: {  	s18 =	rddreg [dreg:$0x11];
	[sflag:s26] =	ssyncadd.s32 $0xFFFFD800  }
0x2d: {  	[spmem:s18] =	stream.linear.scatter [tilespmem:s25], [sflag:$0x4], $0x2800, $0x38;
	[tilespmem:$0x1D800] =	vst v63  }
0x2e: {  	_ =	swait.ge [sflag:s26], $0x2800  }
0x2f: {  	[sflag:s26] =	ssyncset.done $0x0  }
0x30: {  	s30 =	rddreg [dreg:$0x12];
	[sflag:s26] =	ssyncadd.s32 $0xFFFFD800  }
0x31: {  	[spmem:s30] =	stream.linear.scatter [tilespmem:s25], [sflag:$0x4], $0x2800, $0x38;
	[tilespmem:$0x1D800] =	vst v63  }
0x32: {  	_ =	swait.ge [sflag:s26], $0x2800  }
0x33: {  	[sflag:s26] =	ssyncset.done $0x0  }
0x34: {  	s0 =	rddreg [dreg:$0x13];
	[sflag:s26] =	ssyncadd.s32 $0xFFFFD800  }
0x35: {  	[spmem:s0] =	stream.linear.scatter [tilespmem:s25], [sflag:$0x4], $0x2800, $0x38;
	[tilespmem:$0x1D800] =	vst v63  }
0x36: {  	_ =	swait.ge [sflag:s26], $0x2800  }
0x37: {  	[sflag:s26] =	ssyncset.done $0x0  }
0x38: {  	s8 =	rddreg [dreg:$0x14];
	[sflag:s26] =	ssyncadd.s32 $0xFFFFD800  }
0x39: {  	[spmem:s8] =	stream.linear.scatter [tilespmem:s25], [sflag:$0x4], $0x2800, $0x38;
	[tilespmem:$0x1D800] =	vst v63  }
0x3a: {  	_ =	swait.ge [sflag:s26], $0x2800  }
0x3b: {  	[sflag:s26] =	ssyncset.done $0x0  }
0x3c: {  	s9 =	rddreg [dreg:$0x15];
	[sflag:s26] =	ssyncadd.s32 $0xFFFFD800  }
0x3d: {  	[spmem:s9] =	stream.linear.scatter [tilespmem:s25], [sflag:$0x4], $0x2800, $0x38;
	[tilespmem:$0x1D800] =	vst v63  }
0x3e: {  	_ =	swait.ge [sflag:s26], $0x2800  }
0x3f: {  	[sflag:s26] =	ssyncset.done $0x0  }
0x40: {  	s11 =	rddreg [dreg:$0x16];
	[sflag:s26] =	ssyncadd.s32 $0xFFFFD800  }
0x41: {  	[spmem:s11] =	stream.linear.scatter [tilespmem:s25], [sflag:$0x4], $0x2800, $0x38;
	[tilespmem:$0x1D800] =	vst v63  }
0x42: {  	_ =	swait.ge [sflag:s26], $0x2800  }
0x43: {  	[sflag:s26] =	ssyncset.done $0x0  }
0x44: {  	s12 =	rddreg [dreg:$0x17];
	[sflag:s26] =	ssyncadd.s32 $0xFFFFD800  }
0x45: {  	[spmem:s12] =	stream.linear.scatter [tilespmem:s25], [sflag:$0x4], $0x2800, $0x38;
	[tilespmem:$0x1D800] =	vst v63  }
0x46: {  	_ =	swait.ge [sflag:s26], $0x2800  }
0x47: {  	[sflag:s26] =	ssyncset.done $0x0  }
0x48: {  	[sflag:s26] =	ssyncadd.s32 $0xFFFFD800  }
0x49: {  	[bflag:$0x0] =	sbarrier.arrive $0xFFFF  }
0x4a: {  	s13 =	rddreg [dreg:$0x4]  }
0x4b: {  	[tilespmem:s4], [sflag:$0x4] =	stream.linear.gather [hbm4b:s13+s4], $0xC80, $0x38;
	[tilespmem:$0x1D800] =	vst v63  }
0x4c: {  	_ =	swait.ge [sflag:s26], $0xC80  }
0x4d: {  	[sflag:s26] =	ssyncset.done $0x0  }
0x4e: {  	s14 =	rddreg [dreg:$0x5];
	[sflag:s26] =	ssyncadd.s32 $0xFFFFF380  }
0x4f: {  	[tilespmem:s6], [sflag:$0x4] =	stream.linear.gather [hbm4b:s14+s4], $0xC80, $0x38;
	[tilespmem:$0x1D800] =	vst v63  }
0x50: {  	_ =	swait.ge [sflag:s26], $0xC80  }
0x51: {  	[sflag:s26] =	ssyncset.done $0x0  }
0x52: {  	[sflag:s26] =	ssyncadd.s32 $0xFFFFF380  }
0x53: {  	[tilespmem:s25], [sflag:$0x1] =	stream.indirect.gather [hbm4b:s1+s29], $0x80, s4, s29, $0xb8;
	[tilespmem:$0x1D800] =	vst v63  }
0x54: {  	s15 =	simm.s32 $0x80  }
0x55: {  	[tilespmem:s31], [sflag:$0x2] =	stream.indirect.gather [hbm4b:s1+s29], $0x80, s15, s29, $0xb8;
	[tilespmem:$0x1D800] =	vst v63  }
0x56: {  	s17 =	simm.s32 $0x100  }
0x57: {  	[tilespmem:s3], [sflag:$0x3] =	stream.indirect.gather [hbm4b:s1+s29], $0x80, s17, s29, $0xb8;
	[tilespmem:$0x1D800] =	vst v63  }
0x58: {  	_ =	swait.ge [sflag:s5], $0x2800  }
0x59: {  	[sflag:s5] =	ssyncset.done $0x0  }
0x5a: {  	[sflag:s5] =	ssyncadd.s32 $0xFFFFD800  }
0x5b: {  	[spmem:s2] =	stream.indirect.scatter.add.f32 [tilespmem:s25], [sflag:$0x4], $0x80, s6, s29, $0xb8;
	[tilespmem:$0x1D800] =	vst v63  }
0x5c: {  	_ =	swait.ge [sflag:s26], $0x2800  }
0x5d: {  	[sflag:s26] =	ssyncset.done $0x0  }
0x5e: {  	s18 =	simm.s32 $0x180;
	[sflag:s26] =	ssyncadd.s32 $0xFFFFD800  }
0x5f: {  	[tilespmem:s25], [sflag:$0x1] =	stream.indirect.gather [hbm4b:s1+s29], $0x80, s18, s29, $0xb8;
	[tilespmem:$0x1D800] =	vst v63  }
0x60: {  	_ =	swait.ge [sflag:s7], $0x2800  }
0x61: {  	[sflag:s7] =	ssyncset.done $0x0  }
0x62: {  	s19 =	simm.s32 $0x1080;
	[sflag:s7] =	ssyncadd.s32 $0xFFFFD800  }
0x63: {  	[spmem:s2] =	stream.indirect.scatter.add.f32 [tilespmem:s31], [sflag:$0x4], $0x80, s19, s29, $0xb8;
	[tilespmem:$0x1D800] =	vst v63  }
0x64: {  	_ =	swait.ge [sflag:s26], $0x2800  }
0x65: {  	[sflag:s26] =	ssyncset.done $0x0  }
0x66: {  	s20 =	simm.s32 $0x200;
	[sflag:s26] =	ssyncadd.s32 $0xFFFFD800  }
0x67: {  	[tilespmem:s31], [sflag:$0x2] =	stream.indirect.gather [hbm4b:s1+s29], $0x80, s20, s29, $0xb8;
	[tilespmem:$0x1D800] =	vst v63  }
0x68: {  	_ =	swait.ge [sflag:s10], $0x2800  }
0x69: {  	[sflag:s10] =	ssyncset.done $0x0  }
0x6a: {  	s21 =	simm.s32 $0x1100;
	[sflag:s10] =	ssyncadd.s32 $0xFFFFD800  }
0x6b: {  	[spmem:s2] =	stream.indirect.scatter.add.f32 [tilespmem:s3], [sflag:$0x4], $0x80, s21, s29, $0xb8;
	[tilespmem:$0x1D800] =	vst v63  }
0x6c: {  	_ =	swait.ge [sflag:s26], $0x2800  }
0x6d: {  	[sflag:s26] =	ssyncset.done $0x0  }
0x6e: {  	s22 =	simm.s32 $0x280;
	[sflag:s26] =	ssyncadd.s32 $0xFFFFD800  }
0x6f: {  	[tilespmem:s3], [sflag:$0x3] =	stream.indirect.gather [hbm4b:s1+s29], $0x80, s22, s29, $0xb8;
	[tilespmem:$0x1D800] =	vst v63  }
0x70: {  	_ =	swait.ge [sflag:s5], $0x2800  }
0x71: {  	[sflag:s5] =	ssyncset.done $0x0  }
0x72: {  	s23 =	simm.s32 $0x1180;
	[sflag:s5] =	ssyncadd.s32 $0xFFFFD800  }
0x73: {  	[spmem:s2] =	stream.indirect.scatter.add.f32 [tilespmem:s25], [sflag:$0x4], $0x80, s23, s29, $0xb8;
	[tilespmem:$0x1D800] =	vst v63  }
0x74: {  	_ =	swait.ge [sflag:s26], $0x2800  }
0x75: {  	[sflag:s26] =	ssyncset.done $0x0  }
0x76: {  	s24 =	simm.s32 $0x300;
	[sflag:s26] =	ssyncadd.s32 $0xFFFFD800  }
0x77: {  	[tilespmem:s25], [sflag:$0x1] =	stream.indirect.gather [hbm4b:s1+s29], $0x80, s24, s29, $0xb8;
	[tilespmem:$0x1D800] =	vst v63  }
0x78: {  	_ =	swait.ge [sflag:s7], $0x2800  }
0x79: {  	[sflag:s7] =	ssyncset.done $0x0  }
0x7a: {  	s28 =	simm.s32 $0x1200;
	[sflag:s7] =	ssyncadd.s32 $0xFFFFD800  }
0x7b: {  	[spmem:s2] =	stream.indirect.scatter.add.f32 [tilespmem:s31], [sflag:$0x4], $0x80, s28, s29, $0xb8;
	[tilespmem:$0x1D800] =	vst v63  }
0x7c: {  	_ =	swait.ge [sflag:s26], $0x2800  }
0x7d: {  	[sflag:s26] =	ssyncset.done $0x0  }
0x7e: {  	s30 =	simm.s32 $0x380;
	[sflag:s26] =	ssyncadd.s32 $0xFFFFD800  }
0x7f: {  	[tilespmem:s31], [sflag:$0x2] =	stream.indirect.gather [hbm4b:s1+s29], $0x80, s30, s29, $0xb8;
	[tilespmem:$0x1D800] =	vst v63  }
0x80: {  	_ =	swait.ge [sflag:s10], $0x2800  }
0x81: {  	[sflag:s10] =	ssyncset.done $0x0  }
0x82: {  	s15 =	simm.s32 $0x1280;
	[sflag:s10] =	ssyncadd.s32 $0xFFFFD800  }
0x83: {  	[spmem:s2] =	stream.indirect.scatter.add.f32 [tilespmem:s3], [sflag:$0x4], $0x80, s15, s29, $0xb8;
	[tilespmem:$0x1D800] =	vst v63  }
0x84: {  	_ =	swait.ge [sflag:s26], $0x2800  }
0x85: {  	[sflag:s26] =	ssyncset.done $0x0  }
0x86: {  	s17 =	simm.s32 $0x400;
	[sflag:s26] =	ssyncadd.s32 $0xFFFFD800  }
0x87: {  	[tilespmem:s3], [sflag:$0x3] =	stream.indirect.gather [hbm4b:s1+s29], $0x80, s17, s29, $0xb8;
	[tilespmem:$0x1D800] =	vst v63  }
0x88: {  	_ =	swait.ge [sflag:s5], $0x2800  }
0x89: {  	[sflag:s5] =	ssyncset.done $0x0  }
0x8a: {  	s18 =	simm.s32 $0x1300;
	[sflag:s5] =	ssyncadd.s32 $0xFFFFD800  }
0x8b: {  	[spmem:s2] =	stream.indirect.scatter.add.f32 [tilespmem:s25], [sflag:$0x4], $0x80, s18, s29, $0xb8;
	[tilespmem:$0x1D800] =	vst v63  }
0x8c: {  	_ =	swait.ge [sflag:s26], $0x2800  }
0x8d: {  	[sflag:s26] =	ssyncset.done $0x0  }
0x8e: {  	s19 =	simm.s32 $0x480;
	[sflag:s26] =	ssyncadd.s32 $0xFFFFD800  }
0x8f: {  	[tilespmem:s25], [sflag:$0x1] =	stream.indirect.gather [hbm4b:s1+s29], $0x80, s19, s29, $0xb8;
	[tilespmem:$0x1D800] =	vst v63  }
0x90: {  	_ =	swait.ge [sflag:s7], $0x2800  }
0x91: {  	[sflag:s7] =	ssyncset.done $0x0  }
0x92: {  	s20 =	simm.s32 $0x1380;
	[sflag:s7] =	ssyncadd.s32 $0xFFFFD800  }
0x93: {  	[spmem:s2] =	stream.indirect.scatter.add.f32 [tilespmem:s31], [sflag:$0x4], $0x80, s20, s29, $0xb8;
	[tilespmem:$0x1D800] =	vst v63  }
0x94: {  	_ =	swait.ge [sflag:s26], $0x2800  }
0x95: {  	[sflag:s26] =	ssyncset.done $0x0  }
0x96: {  	s21 =	simm.s32 $0x500;
	[sflag:s26] =	ssyncadd.s32 $0xFFFFD800  }
0x97: {  	[tilespmem:s31], [sflag:$0x2] =	stream.indirect.gather [hbm4b:s1+s29], $0x80, s21, s29, $0xb8;
	[tilespmem:$0x1D800] =	vst v63  }
0x98: {  	_ =	swait.ge [sflag:s10], $0x2800  }
0x99: {  	[sflag:s10] =	ssyncset.done $0x0  }
0x9a: {  	s22 =	simm.s32 $0x1400;
	[sflag:s10] =	ssyncadd.s32 $0xFFFFD800  }
0x9b: {  	[spmem:s2] =	stream.indirect.scatter.add.f32 [tilespmem:s3], [sflag:$0x4], $0x80, s22, s29, $0xb8;
	[tilespmem:$0x1D800] =	vst v63  }
0x9c: {  	_ =	swait.ge [sflag:s26], $0x2800  }
0x9d: {  	[sflag:s26] =	ssyncset.done $0x0  }
0x9e: {  	s23 =	simm.s32 $0x580;
	[sflag:s26] =	ssyncadd.s32 $0xFFFFD800  }
0x9f: {  	[tilespmem:s3], [sflag:$0x3] =	stream.indirect.gather [hbm4b:s1+s29], $0x80, s23, s29, $0xb8;
	[tilespmem:$0x1D800] =	vst v63  }
0xa0: {  	_ =	swait.ge [sflag:s5], $0x2800  }
0xa1: {  	[sflag:s5] =	ssyncset.done $0x0  }
0xa2: {  	s24 =	simm.s32 $0x1480;
	[sflag:s5] =	ssyncadd.s32 $0xFFFFD800  }
0xa3: {  	[spmem:s2] =	stream.indirect.scatter.add.f32 [tilespmem:s25], [sflag:$0x4], $0x80, s24, s29, $0xb8;
	[tilespmem:$0x1D800] =	vst v63  }
0xa4: {  	_ =	swait.ge [sflag:s26], $0x2800  }
0xa5: {  	[sflag:s26] =	ssyncset.done $0x0  }
0xa6: {  	s28 =	simm.s32 $0x600;
	[sflag:s26] =	ssyncadd.s32 $0xFFFFD800  }
0xa7: {  	[tilespmem:s25], [sflag:$0x1] =	stream.indirect.gather [hbm4b:s1+s29], $0x80, s28, s29, $0xb8;
	[tilespmem:$0x1D800] =	vst v63  }
0xa8: {  	_ =	swait.ge [sflag:s7], $0x2800  }
0xa9: {  	[sflag:s7] =	ssyncset.done $0x0  }
0xaa: {  	s30 =	simm.s32 $0x1500;
	[sflag:s7] =	ssyncadd.s32 $0xFFFFD800  }
0xab: {  	[spmem:s2] =	stream.indirect.scatter.add.f32 [tilespmem:s31], [sflag:$0x4], $0x80, s30, s29, $0xb8;
	[tilespmem:$0x1D800] =	vst v63  }
0xac: {  	_ =	swait.ge [sflag:s26], $0x2800  }
0xad: {  	[sflag:s26] =	ssyncset.done $0x0  }
0xae: {  	s0 =	simm.s32 $0x680;
	[sflag:s26] =	ssyncadd.s32 $0xFFFFD800  }
0xaf: {  	[tilespmem:s31], [sflag:$0x2] =	stream.indirect.gather [hbm4b:s1+s29], $0x80, s0, s29, $0xb8;
	[tilespmem:$0x1D800] =	vst v63  }
0xb0: {  	_ =	swait.ge [sflag:s10], $0x2800  }
0xb1: {  	[sflag:s10] =	ssyncset.done $0x0  }
0xb2: {  	s15 =	simm.s32 $0x1580;
	[sflag:s10] =	ssyncadd.s32 $0xFFFFD800  }
0xb3: {  	[spmem:s2] =	stream.indirect.scatter.add.f32 [tilespmem:s3], [sflag:$0x4], $0x80, s15, s29, $0xb8;
	[tilespmem:$0x1D800] =	vst v63  }
0xb4: {  	_ =	swait.ge [sflag:s26], $0x2800  }
0xb5: {  	[sflag:s26] =	ssyncset.done $0x0  }
0xb6: {  	s17 =	simm.s32 $0x700;
	[sflag:s26] =	ssyncadd.s32 $0xFFFFD800  }
0xb7: {  	[tilespmem:s3], [sflag:$0x3] =	stream.indirect.gather [hbm4b:s1+s29], $0x80, s17, s29, $0xb8;
	[tilespmem:$0x1D800] =	vst v63  }
0xb8: {  	_ =	swait.ge [sflag:s5], $0x2800  }
0xb9: {  	[sflag:s5] =	ssyncset.done $0x0  }
0xba: {  	s19 =	simm.s32 $0x1600;
	[sflag:s5] =	ssyncadd.s32 $0xFFFFD800  }
0xbb: {  	[spmem:s2] =	stream.indirect.scatter.add.f32 [tilespmem:s25], [sflag:$0x4], $0x80, s19, s29, $0xb8;
	[tilespmem:$0x1D800] =	vst v63  }
0xbc: {  	_ =	swait.ge [sflag:s26], $0x2800  }
0xbd: {  	[sflag:s26] =	ssyncset.done $0x0  }
0xbe: {  	s20 =	simm.s32 $0x780;
	[sflag:s26] =	ssyncadd.s32 $0xFFFFD800  }
0xbf: {  	[tilespmem:s25], [sflag:$0x1] =	stream.indirect.gather [hbm4b:s1+s29], $0x80, s20, s29, $0xb8;
	[tilespmem:$0x1D800] =	vst v63  }
0xc0: {  	_ =	swait.ge [sflag:s7], $0x2800  }
0xc1: {  	[sflag:s7] =	ssyncset.done $0x0  }
0xc2: {  	s21 =	simm.s32 $0x1680;
	[sflag:s7] =	ssyncadd.s32 $0xFFFFD800  }
0xc3: {  	[spmem:s2] =	stream.indirect.scatter.add.f32 [tilespmem:s31], [sflag:$0x4], $0x80, s21, s29, $0xb8;
	[tilespmem:$0x1D800] =	vst v63  }
0xc4: {  	_ =	swait.ge [sflag:s26], $0x2800  }
0xc5: {  	[sflag:s26] =	ssyncset.done $0x0  }
0xc6: {  	s22 =	simm.s32 $0x800;
	[sflag:s26] =	ssyncadd.s32 $0xFFFFD800  }
0xc7: {  	[tilespmem:s31], [sflag:$0x2] =	stream.indirect.gather [hbm4b:s1+s29], $0x80, s22, s29, $0xb8;
	[tilespmem:$0x1D800] =	vst v63  }
0xc8: {  	_ =	swait.ge [sflag:s10], $0x2800  }
0xc9: {  	[sflag:s10] =	ssyncset.done $0x0  }
0xca: {  	s23 =	simm.s32 $0x1700;
	[sflag:s10] =	ssyncadd.s32 $0xFFFFD800  }
0xcb: {  	[spmem:s2] =	stream.indirect.scatter.add.f32 [tilespmem:s3], [sflag:$0x4], $0x80, s23, s29, $0xb8;
	[tilespmem:$0x1D800] =	vst v63  }
0xcc: {  	_ =	swait.ge [sflag:s26], $0x2800  }
0xcd: {  	[sflag:s26] =	ssyncset.done $0x0  }
0xce: {  	s24 =	simm.s32 $0x880;
	[sflag:s26] =	ssyncadd.s32 $0xFFFFD800  }
0xcf: {  	[tilespmem:s3], [sflag:$0x3] =	stream.indirect.gather [hbm4b:s1+s29], $0x80, s24, s29, $0xb8;
	[tilespmem:$0x1D800] =	vst v63  }
0xd0: {  	_ =	swait.ge [sflag:s5], $0x2800  }
0xd1: {  	[sflag:s5] =	ssyncset.done $0x0  }
0xd2: {  	s28 =	simm.s32 $0x1780;
	[sflag:s5] =	ssyncadd.s32 $0xFFFFD800  }
0xd3: {  	[spmem:s2] =	stream.indirect.scatter.add.f32 [tilespmem:s25], [sflag:$0x4], $0x80, s28, s29, $0xb8;
	[tilespmem:$0x1D800] =	vst v63  }
0xd4: {  	_ =	swait.ge [sflag:s26], $0x2800  }
0xd5: {  	[sflag:s26] =	ssyncset.done $0x0  }
0xd6: {  	s30 =	simm.s32 $0x900;
	[sflag:s26] =	ssyncadd.s32 $0xFFFFD800  }
0xd7: {  	[tilespmem:s25], [sflag:$0x1] =	stream.indirect.gather [hbm4b:s1+s29], $0x80, s30, s29, $0xb8;
	[tilespmem:$0x1D800] =	vst v63  }
0xd8: {  	_ =	swait.ge [sflag:s7], $0x2800  }
0xd9: {  	[sflag:s7] =	ssyncset.done $0x0  }
0xda: {  	s0 =	simm.s32 $0x1800;
	[sflag:s7] =	ssyncadd.s32 $0xFFFFD800  }
0xdb: {  	[spmem:s2] =	stream.indirect.scatter.add.f32 [tilespmem:s31], [sflag:$0x4], $0x80, s0, s29, $0xb8;
	[tilespmem:$0x1D800] =	vst v63  }
0xdc: {  	_ =	swait.ge [sflag:s26], $0x2800  }
0xdd: {  	[sflag:s26] =	ssyncset.done $0x0  }
0xde: {  	s15 =	simm.s32 $0x980;
	[sflag:s26] =	ssyncadd.s32 $0xFFFFD800  }
0xdf: {  	[tilespmem:s31], [sflag:$0x2] =	stream.indirect.gather [hbm4b:s1+s29], $0x80, s15, s29, $0xb8;
	[tilespmem:$0x1D800] =	vst v63  }
0xe0: {  	_ =	swait.ge [sflag:s10], $0x2800  }
0xe1: {  	[sflag:s10] =	ssyncset.done $0x0  }
0xe2: {  	s17 =	simm.s32 $0x1880;
	[sflag:s10] =	ssyncadd.s32 $0xFFFFD800  }
0xe3: {  	[spmem:s2] =	stream.indirect.scatter.add.f32 [tilespmem:s3], [sflag:$0x4], $0x80, s17, s29, $0xb8;
	[tilespmem:$0x1D800] =	vst v63  }
0xe4: {  	_ =	swait.ge [sflag:s26], $0x2800  }
0xe5: {  	[sflag:s26] =	ssyncset.done $0x0  }
0xe6: {  	s28 =	simm.s32 $0xA00;
	[sflag:s26] =	ssyncadd.s32 $0xFFFFD800  }
0xe7: {  	[tilespmem:s3], [sflag:$0x3] =	stream.indirect.gather [hbm4b:s1+s29], $0x80, s28, s29, $0xb8;
	[tilespmem:$0x1D800] =	vst v63  }
0xe8: {  	_ =	swait.ge [sflag:s5], $0x2800  }
0xe9: {  	[sflag:s5] =	ssyncset.done $0x0  }
0xea: {  	s0 =	simm.s32 $0x1900;
	[sflag:s5] =	ssyncadd.s32 $0xFFFFD800  }
0xeb: {  	[spmem:s2] =	stream.indirect.scatter.add.f32 [tilespmem:s25], [sflag:$0x4], $0x80, s0, s29, $0xb8;
	[tilespmem:$0x1D800] =	vst v63  }
0xec: {  	_ =	swait.ge [sflag:s26], $0x2800  }
0xed: {  	[sflag:s26] =	ssyncset.done $0x0  }
0xee: {  	s15 =	simm.s32 $0xA80;
	[sflag:s26] =	ssyncadd.s32 $0xFFFFD800  }
0xef: {  	[tilespmem:s25], [sflag:$0x1] =	stream.indirect.gather [hbm4b:s1+s29], $0x80, s15, s29, $0xb8;
	[tilespmem:$0x1D800] =	vst v63  }
0xf0: {  	_ =	swait.ge [sflag:s7], $0x2800  }
0xf1: {  	[sflag:s7] =	ssyncset.done $0x0  }
0xf2: {  	s17 =	simm.s32 $0x1980;
	[sflag:s7] =	ssyncadd.s32 $0xFFFFD800  }
0xf3: {  	[spmem:s2] =	stream.indirect.scatter.add.f32 [tilespmem:s31], [sflag:$0x4], $0x80, s17, s29, $0xb8;
	[tilespmem:$0x1D800] =	vst v63  }
0xf4: {  	_ =	swait.ge [sflag:s26], $0x2800  }
0xf5: {  	[sflag:s26] =	ssyncset.done $0x0  }
0xf6: {  	s28 =	simm.s32 $0xB00;
	[sflag:s26] =	ssyncadd.s32 $0xFFFFD800  }
0xf7: {  	[tilespmem:s31], [sflag:$0x2] =	stream.indirect.gather [hbm4b:s1+s29], $0x80, s28, s29, $0xb8;
	[tilespmem:$0x1D800] =	vst v63  }
0xf8: {  	_ =	swait.ge [sflag:s10], $0x2800  }
0xf9: {  	[sflag:s10] =	ssyncset.done $0x0  }
0xfa: {  	s0 =	simm.s32 $0x1A00;
	[sflag:s10] =	ssyncadd.s32 $0xFFFFD800  }
0xfb: {  	[spmem:s2] =	stream.indirect.scatter.add.f32 [tilespmem:s3], [sflag:$0x4], $0x80, s0, s29, $0xb8;
	[tilespmem:$0x1D800] =	vst v63  }
0xfc: {  	_ =	swait.ge [sflag:s26], $0x2800  }
0xfd: {  	[sflag:s26] =	ssyncset.done $0x0  }
0xfe: {  	s15 =	simm.s32 $0xB80;
	[sflag:s26] =	ssyncadd.s32 $0xFFFFD800  }
0xff: {  	[tilespmem:s3], [sflag:$0x3] =	stream.indirect.gather [hbm4b:s1+s29], $0x80, s15, s29, $0xb8;
	[tilespmem:$0x1D800] =	vst v63  }
0x100: {  	_ =	swait.ge [sflag:s5], $0x2800  }
0x101: {  	[sflag:s5] =	ssyncset.done $0x0  }
0x102: {  	s17 =	simm.s32 $0x1A80;
	[sflag:s5] =	ssyncadd.s32 $0xFFFFD800  }
0x103: {  	[spmem:s2] =	stream.indirect.scatter.add.f32 [tilespmem:s25], [sflag:$0x4], $0x80, s17, s29, $0xb8;
	[tilespmem:$0x1D800] =	vst v63  }
0x104: {  	_ =	swait.ge [sflag:s26], $0x2800  }
0x105: {  	[sflag:s26] =	ssyncset.done $0x0  }
0x106: {  	s28 =	simm.s32 $0xC00;
	[sflag:s26] =	ssyncadd.s32 $0xFFFFD800  }
0x107: {  	[tilespmem:s25], [sflag:$0x1] =	stream.indirect.gather [hbm4b:s1+s29], $0x80, s28, s29, $0xb8;
	[tilespmem:$0x1D800] =	vst v63  }
0x108: {  	_ =	swait.ge [sflag:s7], $0x2800  }
0x109: {  	[sflag:s7] =	ssyncset.done $0x0  }
0x10a: {  	s0 =	simm.s32 $0x1B00;
	[sflag:s7] =	ssyncadd.s32 $0xFFFFD800  }
0x10b: {  	[spmem:s2] =	stream.indirect.scatter.add.f32 [tilespmem:s31], [sflag:$0x4], $0x80, s0, s29, $0xb8;
	[tilespmem:$0x1D800] =	vst v63  }
0x10c: {  	_ =	swait.ge [sflag:s26], $0x2800  }
0x10d: {  	[sflag:s26] =	ssyncset.done $0x0  }
0x10e: {  	[sflag:s26] =	ssyncadd.s32 $0xFFFFD800  }
0x10f: {  	_ =	swait.ge [sflag:s10], $0x2800  }
0x110: {  	[sflag:s10] =	ssyncset.done $0x0  }
0x111: {  	s15 =	simm.s32 $0x1B80;
	[sflag:s10] =	ssyncadd.s32 $0xFFFFD800  }
0x112: {  	[spmem:s2] =	stream.indirect.scatter.add.f32 [tilespmem:s3], [sflag:$0x4], $0x80, s15, s29, $0xb8;
	[tilespmem:$0x1D800] =	vst v63  }
0x113: {  	_ =	swait.ge [sflag:s26], $0x2800  }
0x114: {  	[sflag:s26] =	ssyncset.done $0x0  }
0x115: {  	[sflag:s26] =	ssyncadd.s32 $0xFFFFD800  }
0x116: {  	_ =	swait.ge [sflag:s5], $0x2800  }
0x117: {  	[sflag:s5] =	ssyncset.done $0x0  }
0x118: {  	s17 =	simm.s32 $0x1C00;
	[sflag:s5] =	ssyncadd.s32 $0xFFFFD800  }
0x119: {  	[spmem:s2] =	stream.indirect.scatter.add.f32 [tilespmem:s25], [sflag:$0x4], $0x80, s17, s29, $0xb8;
	[tilespmem:$0x1D800] =	vst v63  }
0x11a: {  	_ =	swait.ge [sflag:s26], $0x2800  }
0x11b: {  	[sflag:s26] =	ssyncset.done $0x0  }
0x11c: {  	s28 =	rddreg [dreg:$0x6];
	[sflag:s26] =	ssyncadd.s32 $0xFFFFD800  }
0x11d: {  	[tilespmem:s4], [sflag:$0x4] =	stream.linear.gather [hbm4b:s28+s4], $0xC80, $0x38;
	[tilespmem:$0x1D800] =	vst v63  }
0x11e: {  	_ =	swait.ge [sflag:s26], $0xC80  }
0x11f: {  	[sflag:s26] =	ssyncset.done $0x0  }
0x120: {  	s0 =	rddreg [dreg:$0x7];
	[sflag:s26] =	ssyncadd.s32 $0xFFFFF380  }
0x121: {  	[tilespmem:s6], [sflag:$0x4] =	stream.linear.gather [hbm4b:s0+s4], $0xC80, $0x38;
	[tilespmem:$0x1D800] =	vst v63  }
0x122: {  	_ =	swait.ge [sflag:s26], $0xC80  }
0x123: {  	[sflag:s26] =	ssyncset.done $0x0  }
0x124: {  	[sflag:s26] =	ssyncadd.s32 $0xFFFFF380  }
0x125: {  	[tilespmem:s25], [sflag:$0x1] =	stream.indirect.gather [hbm4b:s1+s29], $0x80, s4, s29, $0xb8;
	[tilespmem:$0x1D800] =	vst v63  }
0x126: {  	s28 =	simm.s32 $0x80  }
0x127: {  	[tilespmem:s31], [sflag:$0x2] =	stream.indirect.gather [hbm4b:s1+s29], $0x80, s28, s29, $0xb8;
	[tilespmem:$0x1D800] =	vst v63  }
0x128: {  	s11 =	simm.s32 $0x100  }
0x129: {  	[tilespmem:s3], [sflag:$0x3] =	stream.indirect.gather [hbm4b:s1+s29], $0x80, s11, s29, $0xb8;
	[tilespmem:$0x1D800] =	vst v63  }
0x12a: {  	_ =	swait.ge [sflag:s5], $0x2800  }
0x12b: {  	[sflag:s5] =	ssyncset.done $0x0  }
0x12c: {  	[sflag:s5] =	ssyncadd.s32 $0xFFFFD800  }
0x12d: {  	[spmem:s2] =	stream.indirect.scatter.add.f32 [tilespmem:s25], [sflag:$0x4], $0x80, s6, s29, $0xb8;
	[tilespmem:$0x1D800] =	vst v63  }
0x12e: {  	_ =	swait.ge [sflag:s26], $0x2800  }
0x12f: {  	[sflag:s26] =	ssyncset.done $0x0  }
0x130: {  	s9 =	simm.s32 $0x180;
	[sflag:s26] =	ssyncadd.s32 $0xFFFFD800  }
0x131: {  	[tilespmem:s25], [sflag:$0x1] =	stream.indirect.gather [hbm4b:s1+s29], $0x80, s9, s29, $0xb8;
	[tilespmem:$0x1D800] =	vst v63  }
0x132: {  	_ =	swait.ge [sflag:s7], $0x2800  }
0x133: {  	[sflag:s7] =	ssyncset.done $0x0  }
0x134: {  	s12 =	simm.s32 $0x1080;
	[sflag:s7] =	ssyncadd.s32 $0xFFFFD800  }
0x135: {  	[spmem:s2] =	stream.indirect.scatter.add.f32 [tilespmem:s31], [sflag:$0x4], $0x80, s12, s29, $0xb8;
	[tilespmem:$0x1D800] =	vst v63  }
0x136: {  	_ =	swait.ge [sflag:s26], $0x2800  }
0x137: {  	[sflag:s26] =	ssyncset.done $0x0  }
0x138: {  	s13 =	simm.s32 $0x200;
	[sflag:s26] =	ssyncadd.s32 $0xFFFFD800  }
0x139: {  	[tilespmem:s31], [sflag:$0x2] =	stream.indirect.gather [hbm4b:s1+s29], $0x80, s13, s29, $0xb8;
	[tilespmem:$0x1D800] =	vst v63  }
0x13a: {  	_ =	swait.ge [sflag:s10], $0x2800  }
0x13b: {  	[sflag:s10] =	ssyncset.done $0x0  }
0x13c: {  	s8 =	simm.s32 $0x1100;
	[sflag:s10] =	ssyncadd.s32 $0xFFFFD800  }
0x13d: {  	[spmem:s2] =	stream.indirect.scatter.add.f32 [tilespmem:s3], [sflag:$0x4], $0x80, s8, s29, $0xb8;
	[tilespmem:$0x1D800] =	vst v63  }
0x13e: {  	_ =	swait.ge [sflag:s26], $0x2800  }
0x13f: {  	[sflag:s26] =	ssyncset.done $0x0  }
0x140: {  	s14 =	simm.s32 $0x280;
	[sflag:s26] =	ssyncadd.s32 $0xFFFFD800  }
0x141: {  	[tilespmem:s3], [sflag:$0x3] =	stream.indirect.gather [hbm4b:s1+s29], $0x80, s14, s29, $0xb8;
	[tilespmem:$0x1D800] =	vst v63  }
0x142: {  	_ =	swait.ge [sflag:s5], $0x2800  }
0x143: {  	[sflag:s5] =	ssyncset.done $0x0  }
0x144: {  	s0 =	simm.s32 $0x1180;
	[sflag:s5] =	ssyncadd.s32 $0xFFFFD800  }
0x145: {  	[spmem:s2] =	stream.indirect.scatter.add.f32 [tilespmem:s25], [sflag:$0x4], $0x80, s0, s29, $0xb8;
	[tilespmem:$0x1D800] =	vst v63  }
0x146: {  	_ =	swait.ge [sflag:s26], $0x2800  }
0x147: {  	[sflag:s26] =	ssyncset.done $0x0  }
0x148: {  	s17 =	simm.s32 $0x300;
	[sflag:s26] =	ssyncadd.s32 $0xFFFFD800  }
0x149: {  	[tilespmem:s25], [sflag:$0x1] =	stream.indirect.gather [hbm4b:s1+s29], $0x80, s17, s29, $0xb8;
	[tilespmem:$0x1D800] =	vst v63  }
0x14a: {  	_ =	swait.ge [sflag:s7], $0x2800  }
0x14b: {  	[sflag:s7] =	ssyncset.done $0x0  }
0x14c: {  	s8 =	simm.s32 $0x1200;
	[sflag:s7] =	ssyncadd.s32 $0xFFFFD800  }
0x14d: {  	[spmem:s2] =	stream.indirect.scatter.add.f32 [tilespmem:s31], [sflag:$0x4], $0x80, s8, s29, $0xb8;
	[tilespmem:$0x1D800] =	vst v63  }
0x14e: {  	_ =	swait.ge [sflag:s26], $0x2800  }
0x14f: {  	[sflag:s26] =	ssyncset.done $0x0  }
0x150: {  	s9 =	simm.s32 $0x380;
	[sflag:s26] =	ssyncadd.s32 $0xFFFFD800  }
0x151: {  	[tilespmem:s31], [sflag:$0x2] =	stream.indirect.gather [hbm4b:s1+s29], $0x80, s9, s29, $0xb8;
	[tilespmem:$0x1D800] =	vst v63  }
0x152: {  	_ =	swait.ge [sflag:s10], $0x2800  }
0x153: {  	[sflag:s10] =	ssyncset.done $0x0  }
0x154: {  	s11 =	simm.s32 $0x1280;
	[sflag:s10] =	ssyncadd.s32 $0xFFFFD800  }
0x155: {  	[spmem:s2] =	stream.indirect.scatter.add.f32 [tilespmem:s3], [sflag:$0x4], $0x80, s11, s29, $0xb8;
	[tilespmem:$0x1D800] =	vst v63  }
0x156: {  	_ =	swait.ge [sflag:s26], $0x2800  }
0x157: {  	[sflag:s26] =	ssyncset.done $0x0  }
0x158: {  	s12 =	simm.s32 $0x400;
	[sflag:s26] =	ssyncadd.s32 $0xFFFFD800  }
0x159: {  	[tilespmem:s3], [sflag:$0x3] =	stream.indirect.gather [hbm4b:s1+s29], $0x80, s12, s29, $0xb8;
	[tilespmem:$0x1D800] =	vst v63  }
0x15a: {  	_ =	swait.ge [sflag:s5], $0x2800  }
0x15b: {  	[sflag:s5] =	ssyncset.done $0x0  }
0x15c: {  	s13 =	simm.s32 $0x1300;
	[sflag:s5] =	ssyncadd.s32 $0xFFFFD800  }
0x15d: {  	[spmem:s2] =	stream.indirect.scatter.add.f32 [tilespmem:s25], [sflag:$0x4], $0x80, s13, s29, $0xb8;
	[tilespmem:$0x1D800] =	vst v63  }
0x15e: {  	_ =	swait.ge [sflag:s26], $0x2800  }
0x15f: {  	[sflag:s26] =	ssyncset.done $0x0  }
0x160: {  	s14 =	simm.s32 $0x480;
	[sflag:s26] =	ssyncadd.s32 $0xFFFFD800  }
0x161: {  	[tilespmem:s25], [sflag:$0x1] =	stream.indirect.gather [hbm4b:s1+s29], $0x80, s14, s29, $0xb8;
	[tilespmem:$0x1D800] =	vst v63  }
0x162: {  	_ =	swait.ge [sflag:s7], $0x2800  }
0x163: {  	[sflag:s7] =	ssyncset.done $0x0  }
0x164: {  	s15 =	simm.s32 $0x1380;
	[sflag:s7] =	ssyncadd.s32 $0xFFFFD800  }
0x165: {  	[spmem:s2] =	stream.indirect.scatter.add.f32 [tilespmem:s31], [sflag:$0x4], $0x80, s15, s29, $0xb8;
	[tilespmem:$0x1D800] =	vst v63  }
0x166: {  	_ =	swait.ge [sflag:s26], $0x2800  }
0x167: {  	[sflag:s26] =	ssyncset.done $0x0  }
0x168: {  	s18 =	simm.s32 $0x500;
	[sflag:s26] =	ssyncadd.s32 $0xFFFFD800  }
0x169: {  	[tilespmem:s31], [sflag:$0x2] =	stream.indirect.gather [hbm4b:s1+s29], $0x80, s18, s29, $0xb8;
	[tilespmem:$0x1D800] =	vst v63  }
0x16a: {  	_ =	swait.ge [sflag:s10], $0x2800  }
0x16b: {  	[sflag:s10] =	ssyncset.done $0x0  }
0x16c: {  	s18 =	simm.s32 $0x1400;
	[sflag:s10] =	ssyncadd.s32 $0xFFFFD800  }
0x16d: {  	[spmem:s2] =	stream.indirect.scatter.add.f32 [tilespmem:s3], [sflag:$0x4], $0x80, s18, s29, $0xb8;
	[tilespmem:$0x1D800] =	vst v63  }
0x16e: {  	_ =	swait.ge [sflag:s26], $0x2800  }
0x16f: {  	[sflag:s26] =	ssyncset.done $0x0  }
0x170: {  	s18 =	simm.s32 $0x580;
	[sflag:s26] =	ssyncadd.s32 $0xFFFFD800  }
0x171: {  	[tilespmem:s3], [sflag:$0x3] =	stream.indirect.gather [hbm4b:s1+s29], $0x80, s18, s29, $0xb8;
	[tilespmem:$0x1D800] =	vst v63  }
0x172: {  	_ =	swait.ge [sflag:s5], $0x2800  }
0x173: {  	[sflag:s5] =	ssyncset.done $0x0  }
0x174: {  	s18 =	simm.s32 $0x1480;
	[sflag:s5] =	ssyncadd.s32 $0xFFFFD800  }
0x175: {  	[spmem:s2] =	stream.indirect.scatter.add.f32 [tilespmem:s25], [sflag:$0x4], $0x80, s18, s29, $0xb8;
	[tilespmem:$0x1D800] =	vst v63  }
0x176: {  	_ =	swait.ge [sflag:s26], $0x2800  }
0x177: {  	[sflag:s26] =	ssyncset.done $0x0  }
0x178: {  	s18 =	simm.s32 $0x600;
	[sflag:s26] =	ssyncadd.s32 $0xFFFFD800  }
0x179: {  	[tilespmem:s25], [sflag:$0x1] =	stream.indirect.gather [hbm4b:s1+s29], $0x80, s18, s29, $0xb8;
	[tilespmem:$0x1D800] =	vst v63  }
0x17a: {  	_ =	swait.ge [sflag:s7], $0x2800  }
0x17b: {  	[sflag:s7] =	ssyncset.done $0x0  }
0x17c: {  	s18 =	simm.s32 $0x1500;
	[sflag:s7] =	ssyncadd.s32 $0xFFFFD800  }
0x17d: {  	[spmem:s2] =	stream.indirect.scatter.add.f32 [tilespmem:s31], [sflag:$0x4], $0x80, s18, s29, $0xb8;
	[tilespmem:$0x1D800] =	vst v63  }
0x17e: {  	_ =	swait.ge [sflag:s26], $0x2800  }
0x17f: {  	[sflag:s26] =	ssyncset.done $0x0  }
0x180: {  	s18 =	simm.s32 $0x680;
	[sflag:s26] =	ssyncadd.s32 $0xFFFFD800  }
0x181: {  	[tilespmem:s31], [sflag:$0x2] =	stream.indirect.gather [hbm4b:s1+s29], $0x80, s18, s29, $0xb8;
	[tilespmem:$0x1D800] =	vst v63  }
0x182: {  	_ =	swait.ge [sflag:s10], $0x2800  }
0x183: {  	[sflag:s10] =	ssyncset.done $0x0  }
0x184: {  	s18 =	simm.s32 $0x1580;
	[sflag:s10] =	ssyncadd.s32 $0xFFFFD800  }
0x185: {  	[spmem:s2] =	stream.indirect.scatter.add.f32 [tilespmem:s3], [sflag:$0x4], $0x80, s18, s29, $0xb8;
	[tilespmem:$0x1D800] =	vst v63  }
0x186: {  	_ =	swait.ge [sflag:s26], $0x2800  }
0x187: {  	[sflag:s26] =	ssyncset.done $0x0  }
0x188: {  	s18 =	simm.s32 $0x700;
	[sflag:s26] =	ssyncadd.s32 $0xFFFFD800  }
0x189: {  	[tilespmem:s3], [sflag:$0x3] =	stream.indirect.gather [hbm4b:s1+s29], $0x80, s18, s29, $0xb8;
	[tilespmem:$0x1D800] =	vst v63  }
0x18a: {  	_ =	swait.ge [sflag:s5], $0x2800  }
0x18b: {  	[sflag:s5] =	ssyncset.done $0x0  }
0x18c: {  	s18 =	simm.s32 $0x1600;
	[sflag:s5] =	ssyncadd.s32 $0xFFFFD800  }
0x18d: {  	[spmem:s2] =	stream.indirect.scatter.add.f32 [tilespmem:s25], [sflag:$0x4], $0x80, s18, s29, $0xb8;
	[tilespmem:$0x1D800] =	vst v63  }
0x18e: {  	_ =	swait.ge [sflag:s26], $0x2800  }
0x18f: {  	[sflag:s26] =	ssyncset.done $0x0  }
0x190: {  	s18 =	simm.s32 $0x780;
	[sflag:s26] =	ssyncadd.s32 $0xFFFFD800  }
0x191: {  	[tilespmem:s25], [sflag:$0x1] =	stream.indirect.gather [hbm4b:s1+s29], $0x80, s18, s29, $0xb8;
	[tilespmem:$0x1D800] =	vst v63  }
0x192: {  	_ =	swait.ge [sflag:s7], $0x2800  }
0x193: {  	[sflag:s7] =	ssyncset.done $0x0  }
0x194: {  	s19 =	simm.s32 $0x1680;
	[sflag:s7] =	ssyncadd.s32 $0xFFFFD800  }
0x195: {  	[spmem:s2] =	stream.indirect.scatter.add.f32 [tilespmem:s31], [sflag:$0x4], $0x80, s19, s29, $0xb8;
	[tilespmem:$0x1D800] =	vst v63  }
0x196: {  	_ =	swait.ge [sflag:s26], $0x2800  }
0x197: {  	[sflag:s26] =	ssyncset.done $0x0  }
0x198: {  	s20 =	simm.s32 $0x800;
	[sflag:s26] =	ssyncadd.s32 $0xFFFFD800  }
0x199: {  	[tilespmem:s31], [sflag:$0x2] =	stream.indirect.gather [hbm4b:s1+s29], $0x80, s20, s29, $0xb8;
	[tilespmem:$0x1D800] =	vst v63  }
0x19a: {  	_ =	swait.ge [sflag:s10], $0x2800  }
0x19b: {  	[sflag:s10] =	ssyncset.done $0x0  }
0x19c: {  	s21 =	simm.s32 $0x1700;
	[sflag:s10] =	ssyncadd.s32 $0xFFFFD800  }
0x19d: {  	[spmem:s2] =	stream.indirect.scatter.add.f32 [tilespmem:s3], [sflag:$0x4], $0x80, s21, s29, $0xb8;
	[tilespmem:$0x1D800] =	vst v63  }
0x19e: {  	_ =	swait.ge [sflag:s26], $0x2800  }
0x19f: {  	[sflag:s26] =	ssyncset.done $0x0  }
0x1a0: {  	s22 =	simm.s32 $0x880;
	[sflag:s26] =	ssyncadd.s32 $0xFFFFD800  }
0x1a1: {  	[tilespmem:s3], [sflag:$0x3] =	stream.indirect.gather [hbm4b:s1+s29], $0x80, s22, s29, $0xb8;
	[tilespmem:$0x1D800] =	vst v63  }
0x1a2: {  	_ =	swait.ge [sflag:s5], $0x2800  }
0x1a3: {  	[sflag:s5] =	ssyncset.done $0x0  }
0x1a4: {  	s23 =	simm.s32 $0x1780;
	[sflag:s5] =	ssyncadd.s32 $0xFFFFD800  }
0x1a5: {  	[spmem:s2] =	stream.indirect.scatter.add.f32 [tilespmem:s25], [sflag:$0x4], $0x80, s23, s29, $0xb8;
	[tilespmem:$0x1D800] =	vst v63  }
0x1a6: {  	_ =	swait.ge [sflag:s26], $0x2800  }
0x1a7: {  	[sflag:s26] =	ssyncset.done $0x0  }
0x1a8: {  	s24 =	simm.s32 $0x900;
	[sflag:s26] =	ssyncadd.s32 $0xFFFFD800  }
0x1a9: {  	[tilespmem:s25], [sflag:$0x1] =	stream.indirect.gather [hbm4b:s1+s29], $0x80, s24, s29, $0xb8;
	[tilespmem:$0x1D800] =	vst v63  }
0x1aa: {  	_ =	swait.ge [sflag:s7], $0x2800  }
0x1ab: {  	[sflag:s7] =	ssyncset.done $0x0  }
0x1ac: {  	s30 =	simm.s32 $0x1800;
	[sflag:s7] =	ssyncadd.s32 $0xFFFFD800  }
0x1ad: {  	[spmem:s2] =	stream.indirect.scatter.add.f32 [tilespmem:s31], [sflag:$0x4], $0x80, s30, s29, $0xb8;
	[tilespmem:$0x1D800] =	vst v63  }
0x1ae: {  	_ =	swait.ge [sflag:s26], $0x2800  }
0x1af: {  	[sflag:s26] =	ssyncset.done $0x0  }
0x1b0: {  	s18 =	simm.s32 $0x980;
	[sflag:s26] =	ssyncadd.s32 $0xFFFFD800  }
0x1b1: {  	[tilespmem:s31], [sflag:$0x2] =	stream.indirect.gather [hbm4b:s1+s29], $0x80, s18, s29, $0xb8;
	[tilespmem:$0x1D800] =	vst v63  }
0x1b2: {  	_ =	swait.ge [sflag:s10], $0x2800  }
0x1b3: {  	[sflag:s10] =	ssyncset.done $0x0  }
0x1b4: {  	s18 =	simm.s32 $0x1880;
	[sflag:s10] =	ssyncadd.s32 $0xFFFFD800  }
0x1b5: {  	[spmem:s2] =	stream.indirect.scatter.add.f32 [tilespmem:s3], [sflag:$0x4], $0x80, s18, s29, $0xb8;
	[tilespmem:$0x1D800] =	vst v63  }
0x1b6: {  	_ =	swait.ge [sflag:s26], $0x2800  }
0x1b7: {  	[sflag:s26] =	ssyncset.done $0x0  }
0x1b8: {  	s18 =	simm.s32 $0xA00;
	[sflag:s26] =	ssyncadd.s32 $0xFFFFD800  }
0x1b9: {  	[tilespmem:s3], [sflag:$0x3] =	stream.indirect.gather [hbm4b:s1+s29], $0x80, s18, s29, $0xb8;
	[tilespmem:$0x1D800] =	vst v63  }
0x1ba: {  	_ =	swait.ge [sflag:s5], $0x2800  }
0x1bb: {  	[sflag:s5] =	ssyncset.done $0x0  }
0x1bc: {  	s18 =	simm.s32 $0x1900;
	[sflag:s5] =	ssyncadd.s32 $0xFFFFD800  }
0x1bd: {  	[spmem:s2] =	stream.indirect.scatter.add.f32 [tilespmem:s25], [sflag:$0x4], $0x80, s18, s29, $0xb8;
	[tilespmem:$0x1D800] =	vst v63  }
0x1be: {  	_ =	swait.ge [sflag:s26], $0x2800  }
0x1bf: {  	[sflag:s26] =	ssyncset.done $0x0  }
0x1c0: {  	s18 =	simm.s32 $0xA80;
	[sflag:s26] =	ssyncadd.s32 $0xFFFFD800  }
0x1c1: {  	[tilespmem:s25], [sflag:$0x1] =	stream.indirect.gather [hbm4b:s1+s29], $0x80, s18, s29, $0xb8;
	[tilespmem:$0x1D800] =	vst v63  }
0x1c2: {  	_ =	swait.ge [sflag:s7], $0x2800  }
0x1c3: {  	[sflag:s7] =	ssyncset.done $0x0  }
0x1c4: {  	s18 =	simm.s32 $0x1980;
	[sflag:s7] =	ssyncadd.s32 $0xFFFFD800  }
0x1c5: {  	[spmem:s2] =	stream.indirect.scatter.add.f32 [tilespmem:s31], [sflag:$0x4], $0x80, s18, s29, $0xb8;
	[tilespmem:$0x1D800] =	vst v63  }
0x1c6: {  	_ =	swait.ge [sflag:s26], $0x2800  }
0x1c7: {  	[sflag:s26] =	ssyncset.done $0x0  }
0x1c8: {  	s18 =	simm.s32 $0xB00;
	[sflag:s26] =	ssyncadd.s32 $0xFFFFD800  }
0x1c9: {  	[tilespmem:s31], [sflag:$0x2] =	stream.indirect.gather [hbm4b:s1+s29], $0x80, s18, s29, $0xb8;
	[tilespmem:$0x1D800] =	vst v63  }
0x1ca: {  	_ =	swait.ge [sflag:s10], $0x2800  }
0x1cb: {  	[sflag:s10] =	ssyncset.done $0x0  }
0x1cc: {  	s18 =	simm.s32 $0x1A00;
	[sflag:s10] =	ssyncadd.s32 $0xFFFFD800  }
0x1cd: {  	[spmem:s2] =	stream.indirect.scatter.add.f32 [tilespmem:s3], [sflag:$0x4], $0x80, s18, s29, $0xb8;
	[tilespmem:$0x1D800] =	vst v63  }
0x1ce: {  	_ =	swait.ge [sflag:s26], $0x2800  }
0x1cf: {  	[sflag:s26] =	ssyncset.done $0x0  }
0x1d0: {  	s18 =	simm.s32 $0xB80;
	[sflag:s26] =	ssyncadd.s32 $0xFFFFD800  }
0x1d1: {  	[tilespmem:s3], [sflag:$0x3] =	stream.indirect.gather [hbm4b:s1+s29], $0x80, s18, s29, $0xb8;
	[tilespmem:$0x1D800] =	vst v63  }
0x1d2: {  	_ =	swait.ge [sflag:s5], $0x2800  }
0x1d3: {  	[sflag:s5] =	ssyncset.done $0x0  }
0x1d4: {  	s18 =	simm.s32 $0x1A80;
	[sflag:s5] =	ssyncadd.s32 $0xFFFFD800  }
0x1d5: {  	[spmem:s2] =	stream.indirect.scatter.add.f32 [tilespmem:s25], [sflag:$0x4], $0x80, s18, s29, $0xb8;
	[tilespmem:$0x1D800] =	vst v63  }
0x1d6: {  	_ =	swait.ge [sflag:s26], $0x2800  }
0x1d7: {  	[sflag:s26] =	ssyncset.done $0x0  }
0x1d8: {  	s18 =	simm.s32 $0xC00;
	[sflag:s26] =	ssyncadd.s32 $0xFFFFD800  }
0x1d9: {  	[tilespmem:s25], [sflag:$0x1] =	stream.indirect.gather [hbm4b:s1+s29], $0x80, s18, s29, $0xb8;
	[tilespmem:$0x1D800] =	vst v63  }
0x1da: {  	_ =	swait.ge [sflag:s7], $0x2800  }
0x1db: {  	[sflag:s7] =	ssyncset.done $0x0  }
0x1dc: {  	s18 =	simm.s32 $0x1B00;
	[sflag:s7] =	ssyncadd.s32 $0xFFFFD800  }
0x1dd: {  	[spmem:s2] =	stream.indirect.scatter.add.f32 [tilespmem:s31], [sflag:$0x4], $0x80, s18, s29, $0xb8;
	[tilespmem:$0x1D800] =	vst v63  }
0x1de: {  	_ =	swait.ge [sflag:s26], $0x2800  }
0x1df: {  	[sflag:s26] =	ssyncset.done $0x0  }
0x1e0: {  	[sflag:s26] =	ssyncadd.s32 $0xFFFFD800  }
0x1e1: {  	_ =	swait.ge [sflag:s10], $0x2800  }
0x1e2: {  	[sflag:s10] =	ssyncset.done $0x0  }
0x1e3: {  	s18 =	simm.s32 $0x1B80;
	[sflag:s10] =	ssyncadd.s32 $0xFFFFD800  }
0x1e4: {  	[spmem:s2] =	stream.indirect.scatter.add.f32 [tilespmem:s3], [sflag:$0x4], $0x80, s18, s29, $0xb8;
	[tilespmem:$0x1D800] =	vst v63  }
0x1e5: {  	_ =	swait.ge [sflag:s26], $0x2800  }
0x1e6: {  	[sflag:s26] =	ssyncset.done $0x0  }
0x1e7: {  	[sflag:s26] =	ssyncadd.s32 $0xFFFFD800  }
0x1e8: {  	_ =	swait.ge [sflag:s5], $0x2800  }
0x1e9: {  	[sflag:s5] =	ssyncset.done $0x0  }
0x1ea: {  	s18 =	simm.s32 $0x1C00;
	[sflag:s5] =	ssyncadd.s32 $0xFFFFD800  }
0x1eb: {  	[spmem:s2] =	stream.indirect.scatter.add.f32 [tilespmem:s25], [sflag:$0x4], $0x80, s18, s29, $0xb8;
	[tilespmem:$0x1D800] =	vst v63  }
0x1ec: {  	_ =	swait.ge [sflag:s26], $0x2800  }
0x1ed: {  	[sflag:s26] =	ssyncset.done $0x0  }
0x1ee: {  	s18 =	rddreg [dreg:$0x8];
	[sflag:s26] =	ssyncadd.s32 $0xFFFFD800  }
0x1ef: {  	[tilespmem:s4], [sflag:$0x4] =	stream.linear.gather [hbm4b:s18+s4], $0xC80, $0x38;
	[tilespmem:$0x1D800] =	vst v63  }
0x1f0: {  	_ =	swait.ge [sflag:s26], $0xC80  }
0x1f1: {  	[sflag:s26] =	ssyncset.done $0x0  }
0x1f2: {  	s18 =	rddreg [dreg:$0x9];
	[sflag:s26] =	ssyncadd.s32 $0xFFFFF380  }
0x1f3: {  	[tilespmem:s6], [sflag:$0x4] =	stream.linear.gather [hbm4b:s18+s4], $0xC80, $0x38;
	[tilespmem:$0x1D800] =	vst v63  }
0x1f4: {  	_ =	swait.ge [sflag:s26], $0xC80  }
0x1f5: {  	[sflag:s26] =	ssyncset.done $0x0  }
0x1f6: {  	[sflag:s26] =	ssyncadd.s32 $0xFFFFF380  }
0x1f7: {  	[tilespmem:s25], [sflag:$0x1] =	stream.indirect.gather [hbm4b:s1+s29], $0x80, s4, s29, $0xb8;
	[tilespmem:$0x1D800] =	vst v63  }
0x1f8: {  	_ = 	snop  }
0x1f9: {  	[tilespmem:s31], [sflag:$0x2] =	stream.indirect.gather [hbm4b:s1+s29], $0x80, s28, s29, $0xb8;
	[tilespmem:$0x1D800] =	vst v63  }
0x1fa: {  	s18 =	simm.s32 $0x100  }
0x1fb: {  	[tilespmem:s3], [sflag:$0x3] =	stream.indirect.gather [hbm4b:s1+s29], $0x80, s18, s29, $0xb8;
	[tilespmem:$0x1D800] =	vst v63  }
0x1fc: {  	_ =	swait.ge [sflag:s5], $0x2800  }
0x1fd: {  	[sflag:s5] =	ssyncset.done $0x0  }
0x1fe: {  	[sflag:s5] =	ssyncadd.s32 $0xFFFFD800  }
0x1ff: {  	[spmem:s2] =	stream.indirect.scatter.add.f32 [tilespmem:s25], [sflag:$0x4], $0x80, s6, s29, $0xb8;
	[tilespmem:$0x1D800] =	vst v63  }
0x200: {  	_ =	swait.ge [sflag:s26], $0x2800  }
0x201: {  	[sflag:s26] =	ssyncset.done $0x0  }
0x202: {  	s18 =	simm.s32 $0x180;
	[sflag:s26] =	ssyncadd.s32 $0xFFFFD800  }
0x203: {  	[tilespmem:s25], [sflag:$0x1] =	stream.indirect.gather [hbm4b:s1+s29], $0x80, s18, s29, $0xb8;
	[tilespmem:$0x1D800] =	vst v63  }
0x204: {  	_ =	swait.ge [sflag:s7], $0x2800  }
0x205: {  	[sflag:s7] =	ssyncset.done $0x0  }
0x206: {  	s18 =	simm.s32 $0x1080;
	[sflag:s7] =	ssyncadd.s32 $0xFFFFD800  }
0x207: {  	[spmem:s2] =	stream.indirect.scatter.add.f32 [tilespmem:s31], [sflag:$0x4], $0x80, s18, s29, $0xb8;
	[tilespmem:$0x1D800] =	vst v63  }
0x208: {  	_ =	swait.ge [sflag:s26], $0x2800  }
0x209: {  	[sflag:s26] =	ssyncset.done $0x0  }
0x20a: {  	s18 =	simm.s32 $0x200;
	[sflag:s26] =	ssyncadd.s32 $0xFFFFD800  }
0x20b: {  	[tilespmem:s31], [sflag:$0x2] =	stream.indirect.gather [hbm4b:s1+s29], $0x80, s18, s29, $0xb8;
	[tilespmem:$0x1D800] =	vst v63  }
0x20c: {  	_ =	swait.ge [sflag:s10], $0x2800  }
0x20d: {  	[sflag:s10] =	ssyncset.done $0x0  }
0x20e: {  	s18 =	simm.s32 $0x1100;
	[sflag:s10] =	ssyncadd.s32 $0xFFFFD800  }
0x20f: {  	[spmem:s2] =	stream.indirect.scatter.add.f32 [tilespmem:s3], [sflag:$0x4], $0x80, s18, s29, $0xb8;
	[tilespmem:$0x1D800] =	vst v63  }
0x210: {  	_ =	swait.ge [sflag:s26], $0x2800  }
0x211: {  	[sflag:s26] =	ssyncset.done $0x0  }
0x212: {  	s18 =	simm.s32 $0x280;
	[sflag:s26] =	ssyncadd.s32 $0xFFFFD800  }
0x213: {  	[tilespmem:s3], [sflag:$0x3] =	stream.indirect.gather [hbm4b:s1+s29], $0x80, s18, s29, $0xb8;
	[tilespmem:$0x1D800] =	vst v63  }
0x214: {  	_ =	swait.ge [sflag:s5], $0x2800  }
0x215: {  	[sflag:s5] =	ssyncset.done $0x0  }
0x216: {  	[sflag:s5] =	ssyncadd.s32 $0xFFFFD800  }
0x217: {  	[spmem:s2] =	stream.indirect.scatter.add.f32 [tilespmem:s25], [sflag:$0x4], $0x80, s0, s29, $0xb8;
	[tilespmem:$0x1D800] =	vst v63  }
0x218: {  	_ =	swait.ge [sflag:s26], $0x2800  }
0x219: {  	[sflag:s26] =	ssyncset.done $0x0  }
0x21a: {  	[sflag:s26] =	ssyncadd.s32 $0xFFFFD800  }
0x21b: {  	[tilespmem:s25], [sflag:$0x1] =	stream.indirect.gather [hbm4b:s1+s29], $0x80, s17, s29, $0xb8;
	[tilespmem:$0x1D800] =	vst v63  }
0x21c: {  	_ =	swait.ge [sflag:s7], $0x2800  }
0x21d: {  	[sflag:s7] =	ssyncset.done $0x0  }
0x21e: {  	[sflag:s7] =	ssyncadd.s32 $0xFFFFD800  }
0x21f: {  	[spmem:s2] =	stream.indirect.scatter.add.f32 [tilespmem:s31], [sflag:$0x4], $0x80, s8, s29, $0xb8;
	[tilespmem:$0x1D800] =	vst v63  }
0x220: {  	_ =	swait.ge [sflag:s26], $0x2800  }
0x221: {  	[sflag:s26] =	ssyncset.done $0x0  }
0x222: {  	[sflag:s26] =	ssyncadd.s32 $0xFFFFD800  }
0x223: {  	[tilespmem:s31], [sflag:$0x2] =	stream.indirect.gather [hbm4b:s1+s29], $0x80, s9, s29, $0xb8;
	[tilespmem:$0x1D800] =	vst v63  }
0x224: {  	_ =	swait.ge [sflag:s10], $0x2800  }
0x225: {  	[sflag:s10] =	ssyncset.done $0x0  }
0x226: {  	[sflag:s10] =	ssyncadd.s32 $0xFFFFD800  }
0x227: {  	[spmem:s2] =	stream.indirect.scatter.add.f32 [tilespmem:s3], [sflag:$0x4], $0x80, s11, s29, $0xb8;
	[tilespmem:$0x1D800] =	vst v63  }
0x228: {  	_ =	swait.ge [sflag:s26], $0x2800  }
0x229: {  	[sflag:s26] =	ssyncset.done $0x0  }
0x22a: {  	[sflag:s26] =	ssyncadd.s32 $0xFFFFD800  }
0x22b: {  	[tilespmem:s3], [sflag:$0x3] =	stream.indirect.gather [hbm4b:s1+s29], $0x80, s12, s29, $0xb8;
	[tilespmem:$0x1D800] =	vst v63  }
0x22c: {  	_ =	swait.ge [sflag:s5], $0x2800  }
0x22d: {  	[sflag:s5] =	ssyncset.done $0x0  }
0x22e: {  	[sflag:s5] =	ssyncadd.s32 $0xFFFFD800  }
0x22f: {  	[spmem:s2] =	stream.indirect.scatter.add.f32 [tilespmem:s25], [sflag:$0x4], $0x80, s13, s29, $0xb8;
	[tilespmem:$0x1D800] =	vst v63  }
0x230: {  	_ =	swait.ge [sflag:s26], $0x2800  }
0x231: {  	[sflag:s26] =	ssyncset.done $0x0  }
0x232: {  	[sflag:s26] =	ssyncadd.s32 $0xFFFFD800  }
0x233: {  	[tilespmem:s25], [sflag:$0x1] =	stream.indirect.gather [hbm4b:s1+s29], $0x80, s14, s29, $0xb8;
	[tilespmem:$0x1D800] =	vst v63  }
0x234: {  	_ =	swait.ge [sflag:s7], $0x2800  }
0x235: {  	[sflag:s7] =	ssyncset.done $0x0  }
0x236: {  	[sflag:s7] =	ssyncadd.s32 $0xFFFFD800  }
0x237: {  	[spmem:s2] =	stream.indirect.scatter.add.f32 [tilespmem:s31], [sflag:$0x4], $0x80, s15, s29, $0xb8;
	[tilespmem:$0x1D800] =	vst v63  }
0x238: {  	_ =	swait.ge [sflag:s26], $0x2800  }
0x239: {  	[sflag:s26] =	ssyncset.done $0x0  }
0x23a: {  	s8 =	simm.s32 $0x500;
	[sflag:s26] =	ssyncadd.s32 $0xFFFFD800  }
0x23b: {  	[tilespmem:s31], [sflag:$0x2] =	stream.indirect.gather [hbm4b:s1+s29], $0x80, s8, s29, $0xb8;
	[tilespmem:$0x1D800] =	vst v63  }
0x23c: {  	_ =	swait.ge [sflag:s10], $0x2800  }
0x23d: {  	[sflag:s10] =	ssyncset.done $0x0  }
0x23e: {  	s18 =	simm.s32 $0x1400;
	[sflag:s10] =	ssyncadd.s32 $0xFFFFD800  }
0x23f: {  	[spmem:s2] =	stream.indirect.scatter.add.f32 [tilespmem:s3], [sflag:$0x4], $0x80, s18, s29, $0xb8;
	[tilespmem:$0x1D800] =	vst v63  }
0x240: {  	_ =	swait.ge [sflag:s26], $0x2800  }
0x241: {  	[sflag:s26] =	ssyncset.done $0x0  }
0x242: {  	s8 =	simm.s32 $0x580;
	[sflag:s26] =	ssyncadd.s32 $0xFFFFD800  }
0x243: {  	[tilespmem:s3], [sflag:$0x3] =	stream.indirect.gather [hbm4b:s1+s29], $0x80, s8, s29, $0xb8;
	[tilespmem:$0x1D800] =	vst v63  }
0x244: {  	_ =	swait.ge [sflag:s5], $0x2800  }
0x245: {  	[sflag:s5] =	ssyncset.done $0x0  }
0x246: {  	s18 =	simm.s32 $0x1480;
	[sflag:s5] =	ssyncadd.s32 $0xFFFFD800  }
0x247: {  	[spmem:s2] =	stream.indirect.scatter.add.f32 [tilespmem:s25], [sflag:$0x4], $0x80, s18, s29, $0xb8;
	[tilespmem:$0x1D800] =	vst v63  }
0x248: {  	_ =	swait.ge [sflag:s26], $0x2800  }
0x249: {  	[sflag:s26] =	ssyncset.done $0x0  }
0x24a: {  	s8 =	simm.s32 $0x600;
	[sflag:s26] =	ssyncadd.s32 $0xFFFFD800  }
0x24b: {  	[tilespmem:s25], [sflag:$0x1] =	stream.indirect.gather [hbm4b:s1+s29], $0x80, s8, s29, $0xb8;
	[tilespmem:$0x1D800] =	vst v63  }
0x24c: {  	_ =	swait.ge [sflag:s7], $0x2800  }
0x24d: {  	[sflag:s7] =	ssyncset.done $0x0  }
0x24e: {  	s18 =	simm.s32 $0x1500;
	[sflag:s7] =	ssyncadd.s32 $0xFFFFD800  }
0x24f: {  	[spmem:s2] =	stream.indirect.scatter.add.f32 [tilespmem:s31], [sflag:$0x4], $0x80, s18, s29, $0xb8;
	[tilespmem:$0x1D800] =	vst v63  }
0x250: {  	_ =	swait.ge [sflag:s26], $0x2800  }
0x251: {  	[sflag:s26] =	ssyncset.done $0x0  }
0x252: {  	s8 =	simm.s32 $0x680;
	[sflag:s26] =	ssyncadd.s32 $0xFFFFD800  }
0x253: {  	[tilespmem:s31], [sflag:$0x2] =	stream.indirect.gather [hbm4b:s1+s29], $0x80, s8, s29, $0xb8;
	[tilespmem:$0x1D800] =	vst v63  }
0x254: {  	_ =	swait.ge [sflag:s10], $0x2800  }
0x255: {  	[sflag:s10] =	ssyncset.done $0x0  }
0x256: {  	s18 =	simm.s32 $0x1580;
	[sflag:s10] =	ssyncadd.s32 $0xFFFFD800  }
0x257: {  	[spmem:s2] =	stream.indirect.scatter.add.f32 [tilespmem:s3], [sflag:$0x4], $0x80, s18, s29, $0xb8;
	[tilespmem:$0x1D800] =	vst v63  }
0x258: {  	_ =	swait.ge [sflag:s26], $0x2800  }
0x259: {  	[sflag:s26] =	ssyncset.done $0x0  }
0x25a: {  	s8 =	simm.s32 $0x700;
	[sflag:s26] =	ssyncadd.s32 $0xFFFFD800  }
0x25b: {  	[tilespmem:s3], [sflag:$0x3] =	stream.indirect.gather [hbm4b:s1+s29], $0x80, s8, s29, $0xb8;
	[tilespmem:$0x1D800] =	vst v63  }
0x25c: {  	_ =	swait.ge [sflag:s5], $0x2800  }
0x25d: {  	[sflag:s5] =	ssyncset.done $0x0  }
0x25e: {  	s18 =	simm.s32 $0x1600;
	[sflag:s5] =	ssyncadd.s32 $0xFFFFD800  }
0x25f: {  	[spmem:s2] =	stream.indirect.scatter.add.f32 [tilespmem:s25], [sflag:$0x4], $0x80, s18, s29, $0xb8;
	[tilespmem:$0x1D800] =	vst v63  }
0x260: {  	_ =	swait.ge [sflag:s26], $0x2800  }
0x261: {  	[sflag:s26] =	ssyncset.done $0x0  }
0x262: {  	s8 =	simm.s32 $0x780;
	[sflag:s26] =	ssyncadd.s32 $0xFFFFD800  }
0x263: {  	[tilespmem:s25], [sflag:$0x1] =	stream.indirect.gather [hbm4b:s1+s29], $0x80, s8, s29, $0xb8;
	[tilespmem:$0x1D800] =	vst v63  }
0x264: {  	_ =	swait.ge [sflag:s7], $0x2800  }
0x265: {  	[sflag:s7] =	ssyncset.done $0x0  }
0x266: {  	s19 =	simm.s32 $0x1680;
	[sflag:s7] =	ssyncadd.s32 $0xFFFFD800  }
0x267: {  	[spmem:s2] =	stream.indirect.scatter.add.f32 [tilespmem:s31], [sflag:$0x4], $0x80, s19, s29, $0xb8;
	[tilespmem:$0x1D800] =	vst v63  }
0x268: {  	_ =	swait.ge [sflag:s26], $0x2800  }
0x269: {  	[sflag:s26] =	ssyncset.done $0x0  }
0x26a: {  	s20 =	simm.s32 $0x800;
	[sflag:s26] =	ssyncadd.s32 $0xFFFFD800  }
0x26b: {  	[tilespmem:s31], [sflag:$0x2] =	stream.indirect.gather [hbm4b:s1+s29], $0x80, s20, s29, $0xb8;
	[tilespmem:$0x1D800] =	vst v63  }
0x26c: {  	_ =	swait.ge [sflag:s10], $0x2800  }
0x26d: {  	[sflag:s10] =	ssyncset.done $0x0  }
0x26e: {  	s21 =	simm.s32 $0x1700;
	[sflag:s10] =	ssyncadd.s32 $0xFFFFD800  }
0x26f: {  	[spmem:s2] =	stream.indirect.scatter.add.f32 [tilespmem:s3], [sflag:$0x4], $0x80, s21, s29, $0xb8;
	[tilespmem:$0x1D800] =	vst v63  }
0x270: {  	_ =	swait.ge [sflag:s26], $0x2800  }
0x271: {  	[sflag:s26] =	ssyncset.done $0x0  }
0x272: {  	s22 =	simm.s32 $0x880;
	[sflag:s26] =	ssyncadd.s32 $0xFFFFD800  }
0x273: {  	[tilespmem:s3], [sflag:$0x3] =	stream.indirect.gather [hbm4b:s1+s29], $0x80, s22, s29, $0xb8;
	[tilespmem:$0x1D800] =	vst v63  }
0x274: {  	_ =	swait.ge [sflag:s5], $0x2800  }
0x275: {  	[sflag:s5] =	ssyncset.done $0x0  }
0x276: {  	s23 =	simm.s32 $0x1780;
	[sflag:s5] =	ssyncadd.s32 $0xFFFFD800  }
0x277: {  	[spmem:s2] =	stream.indirect.scatter.add.f32 [tilespmem:s25], [sflag:$0x4], $0x80, s23, s29, $0xb8;
	[tilespmem:$0x1D800] =	vst v63  }
0x278: {  	_ =	swait.ge [sflag:s26], $0x2800  }
0x279: {  	[sflag:s26] =	ssyncset.done $0x0  }
0x27a: {  	s24 =	simm.s32 $0x900;
	[sflag:s26] =	ssyncadd.s32 $0xFFFFD800  }
0x27b: {  	[tilespmem:s25], [sflag:$0x1] =	stream.indirect.gather [hbm4b:s1+s29], $0x80, s24, s29, $0xb8;
	[tilespmem:$0x1D800] =	vst v63  }
0x27c: {  	_ =	swait.ge [sflag:s7], $0x2800  }
0x27d: {  	[sflag:s7] =	ssyncset.done $0x0  }
0x27e: {  	s30 =	simm.s32 $0x1800;
	[sflag:s7] =	ssyncadd.s32 $0xFFFFD800  }
0x27f: {  	[spmem:s2] =	stream.indirect.scatter.add.f32 [tilespmem:s31], [sflag:$0x4], $0x80, s30, s29, $0xb8;
	[tilespmem:$0x1D800] =	vst v63  }
0x280: {  	_ =	swait.ge [sflag:s26], $0x2800  }
0x281: {  	[sflag:s26] =	ssyncset.done $0x0  }
0x282: {  	s18 =	simm.s32 $0x980;
	[sflag:s26] =	ssyncadd.s32 $0xFFFFD800  }
0x283: {  	[tilespmem:s31], [sflag:$0x2] =	stream.indirect.gather [hbm4b:s1+s29], $0x80, s18, s29, $0xb8;
	[tilespmem:$0x1D800] =	vst v63  }
0x284: {  	_ =	swait.ge [sflag:s10], $0x2800  }
0x285: {  	[sflag:s10] =	ssyncset.done $0x0  }
0x286: {  	s19 =	simm.s32 $0x1880;
	[sflag:s10] =	ssyncadd.s32 $0xFFFFD800  }
0x287: {  	[spmem:s2] =	stream.indirect.scatter.add.f32 [tilespmem:s3], [sflag:$0x4], $0x80, s19, s29, $0xb8;
	[tilespmem:$0x1D800] =	vst v63  }
0x288: {  	_ =	swait.ge [sflag:s26], $0x2800  }
0x289: {  	[sflag:s26] =	ssyncset.done $0x0  }
0x28a: {  	s20 =	simm.s32 $0xA00;
	[sflag:s26] =	ssyncadd.s32 $0xFFFFD800  }
0x28b: {  	[tilespmem:s3], [sflag:$0x3] =	stream.indirect.gather [hbm4b:s1+s29], $0x80, s20, s29, $0xb8;
	[tilespmem:$0x1D800] =	vst v63  }
0x28c: {  	_ =	swait.ge [sflag:s5], $0x2800  }
0x28d: {  	[sflag:s5] =	ssyncset.done $0x0  }
0x28e: {  	s21 =	simm.s32 $0x1900;
	[sflag:s5] =	ssyncadd.s32 $0xFFFFD800  }
0x28f: {  	[spmem:s2] =	stream.indirect.scatter.add.f32 [tilespmem:s25], [sflag:$0x4], $0x80, s21, s29, $0xb8;
	[tilespmem:$0x1D800] =	vst v63  }
0x290: {  	_ =	swait.ge [sflag:s26], $0x2800  }
0x291: {  	[sflag:s26] =	ssyncset.done $0x0  }
0x292: {  	s22 =	simm.s32 $0xA80;
	[sflag:s26] =	ssyncadd.s32 $0xFFFFD800  }
0x293: {  	[tilespmem:s25], [sflag:$0x1] =	stream.indirect.gather [hbm4b:s1+s29], $0x80, s22, s29, $0xb8;
	[tilespmem:$0x1D800] =	vst v63  }
0x294: {  	_ =	swait.ge [sflag:s7], $0x2800  }
0x295: {  	[sflag:s7] =	ssyncset.done $0x0  }
0x296: {  	s23 =	simm.s32 $0x1980;
	[sflag:s7] =	ssyncadd.s32 $0xFFFFD800  }
0x297: {  	[spmem:s2] =	stream.indirect.scatter.add.f32 [tilespmem:s31], [sflag:$0x4], $0x80, s23, s29, $0xb8;
	[tilespmem:$0x1D800] =	vst v63  }
0x298: {  	_ =	swait.ge [sflag:s26], $0x2800  }
0x299: {  	[sflag:s26] =	ssyncset.done $0x0  }
0x29a: {  	s24 =	simm.s32 $0xB00;
	[sflag:s26] =	ssyncadd.s32 $0xFFFFD800  }
0x29b: {  	[tilespmem:s31], [sflag:$0x2] =	stream.indirect.gather [hbm4b:s1+s29], $0x80, s24, s29, $0xb8;
	[tilespmem:$0x1D800] =	vst v63  }
0x29c: {  	_ =	swait.ge [sflag:s10], $0x2800  }
0x29d: {  	[sflag:s10] =	ssyncset.done $0x0  }
0x29e: {  	s30 =	simm.s32 $0x1A00;
	[sflag:s10] =	ssyncadd.s32 $0xFFFFD800  }
0x29f: {  	[spmem:s2] =	stream.indirect.scatter.add.f32 [tilespmem:s3], [sflag:$0x4], $0x80, s30, s29, $0xb8;
	[tilespmem:$0x1D800] =	vst v63  }
0x2a0: {  	_ =	swait.ge [sflag:s26], $0x2800  }
0x2a1: {  	[sflag:s26] =	ssyncset.done $0x0  }
0x2a2: {  	s8 =	simm.s32 $0xB80;
	[sflag:s26] =	ssyncadd.s32 $0xFFFFD800  }
0x2a3: {  	[tilespmem:s3], [sflag:$0x3] =	stream.indirect.gather [hbm4b:s1+s29], $0x80, s8, s29, $0xb8;
	[tilespmem:$0x1D800] =	vst v63  }
0x2a4: {  	_ =	swait.ge [sflag:s5], $0x2800  }
0x2a5: {  	[sflag:s5] =	ssyncset.done $0x0  }
0x2a6: {  	s18 =	simm.s32 $0x1A80;
	[sflag:s5] =	ssyncadd.s32 $0xFFFFD800  }
0x2a7: {  	[spmem:s2] =	stream.indirect.scatter.add.f32 [tilespmem:s25], [sflag:$0x4], $0x80, s18, s29, $0xb8;
	[tilespmem:$0x1D800] =	vst v63  }
0x2a8: {  	_ =	swait.ge [sflag:s26], $0x2800  }
0x2a9: {  	[sflag:s26] =	ssyncset.done $0x0  }
0x2aa: {  	s19 =	simm.s32 $0xC00;
	[sflag:s26] =	ssyncadd.s32 $0xFFFFD800  }
0x2ab: {  	[tilespmem:s25], [sflag:$0x1] =	stream.indirect.gather [hbm4b:s1+s29], $0x80, s19, s29, $0xb8;
	[tilespmem:$0x1D800] =	vst v63  }
0x2ac: {  	_ =	swait.ge [sflag:s7], $0x2800  }
0x2ad: {  	[sflag:s7] =	ssyncset.done $0x0  }
0x2ae: {  	s20 =	simm.s32 $0x1B00;
	[sflag:s7] =	ssyncadd.s32 $0xFFFFD800  }
0x2af: {  	[spmem:s2] =	stream.indirect.scatter.add.f32 [tilespmem:s31], [sflag:$0x4], $0x80, s20, s29, $0xb8;
	[tilespmem:$0x1D800] =	vst v63  }
0x2b0: {  	_ =	swait.ge [sflag:s26], $0x2800  }
0x2b1: {  	[sflag:s26] =	ssyncset.done $0x0  }
0x2b2: {  	[sflag:s26] =	ssyncadd.s32 $0xFFFFD800  }
0x2b3: {  	_ =	swait.ge [sflag:s10], $0x2800  }
0x2b4: {  	[sflag:s10] =	ssyncset.done $0x0  }
0x2b5: {  	s21 =	simm.s32 $0x1B80;
	[sflag:s10] =	ssyncadd.s32 $0xFFFFD800  }
0x2b6: {  	[spmem:s2] =	stream.indirect.scatter.add.f32 [tilespmem:s3], [sflag:$0x4], $0x80, s21, s29, $0xb8;
	[tilespmem:$0x1D800] =	vst v63  }
0x2b7: {  	_ =	swait.ge [sflag:s26], $0x2800  }
0x2b8: {  	[sflag:s26] =	ssyncset.done $0x0  }
0x2b9: {  	[sflag:s26] =	ssyncadd.s32 $0xFFFFD800  }
0x2ba: {  	_ =	swait.ge [sflag:s5], $0x2800  }
0x2bb: {  	[sflag:s5] =	ssyncset.done $0x0  }
0x2bc: {  	s22 =	simm.s32 $0x1C00;
	[sflag:s5] =	ssyncadd.s32 $0xFFFFD800  }
0x2bd: {  	[spmem:s2] =	stream.indirect.scatter.add.f32 [tilespmem:s25], [sflag:$0x4], $0x80, s22, s29, $0xb8;
	[tilespmem:$0x1D800] =	vst v63  }
0x2be: {  	_ =	swait.ge [sflag:s26], $0x2800  }
0x2bf: {  	[sflag:s26] =	ssyncset.done $0x0  }
0x2c0: {  	s23 =	rddreg [dreg:$0xa];
	[sflag:s26] =	ssyncadd.s32 $0xFFFFD800  }
0x2c1: {  	[tilespmem:s4], [sflag:$0x4] =	stream.linear.gather [hbm4b:s23+s4], $0xC80, $0x38;
	[tilespmem:$0x1D800] =	vst v63  }
0x2c2: {  	_ =	swait.ge [sflag:s26], $0xC80  }
0x2c3: {  	[sflag:s26] =	ssyncset.done $0x0  }
0x2c4: {  	s24 =	rddreg [dreg:$0xb];
	[sflag:s26] =	ssyncadd.s32 $0xFFFFF380  }
0x2c5: {  	[tilespmem:s6], [sflag:$0x4] =	stream.linear.gather [hbm4b:s24+s4], $0xC80, $0x38;
	[tilespmem:$0x1D800] =	vst v63  }
0x2c6: {  	_ =	swait.ge [sflag:s26], $0xC80  }
0x2c7: {  	[sflag:s26] =	ssyncset.done $0x0  }
0x2c8: {  	[sflag:s26] =	ssyncadd.s32 $0xFFFFF380  }
0x2c9: {  	[tilespmem:s25], [sflag:$0x1] =	stream.indirect.gather [hbm4b:s1+s29], $0x80, s4, s29, $0xb8;
	[tilespmem:$0x1D800] =	vst v63  }
0x2ca: {  	s28 =	simm.s32 $0x80  }
0x2cb: {  	[tilespmem:s31], [sflag:$0x2] =	stream.indirect.gather [hbm4b:s1+s29], $0x80, s28, s29, $0xb8;
	[tilespmem:$0x1D800] =	vst v63  }
0x2cc: {  	s30 =	simm.s32 $0x100  }
0x2cd: {  	[tilespmem:s3], [sflag:$0x3] =	stream.indirect.gather [hbm4b:s1+s29], $0x80, s30, s29, $0xb8;
	[tilespmem:$0x1D800] =	vst v63  }
0x2ce: {  	_ =	swait.ge [sflag:s5], $0x2800  }
0x2cf: {  	[sflag:s5] =	ssyncset.done $0x0  }
0x2d0: {  	[sflag:s5] =	ssyncadd.s32 $0xFFFFD800  }
0x2d1: {  	[spmem:s2] =	stream.indirect.scatter.add.f32 [tilespmem:s25], [sflag:$0x4], $0x80, s6, s29, $0xb8;
	[tilespmem:$0x1D800] =	vst v63  }
0x2d2: {  	_ =	swait.ge [sflag:s26], $0x2800  }
0x2d3: {  	[sflag:s26] =	ssyncset.done $0x0  }
0x2d4: {  	s18 =	simm.s32 $0x180;
	[sflag:s26] =	ssyncadd.s32 $0xFFFFD800  }
0x2d5: {  	[tilespmem:s25], [sflag:$0x1] =	stream.indirect.gather [hbm4b:s1+s29], $0x80, s18, s29, $0xb8;
	[tilespmem:$0x1D800] =	vst v63  }
0x2d6: {  	_ =	swait.ge [sflag:s7], $0x2800  }
0x2d7: {  	[sflag:s7] =	ssyncset.done $0x0  }
0x2d8: {  	s19 =	simm.s32 $0x1080;
	[sflag:s7] =	ssyncadd.s32 $0xFFFFD800  }
0x2d9: {  	[spmem:s2] =	stream.indirect.scatter.add.f32 [tilespmem:s31], [sflag:$0x4], $0x80, s19, s29, $0xb8;
	[tilespmem:$0x1D800] =	vst v63  }
0x2da: {  	_ =	swait.ge [sflag:s26], $0x2800  }
0x2db: {  	[sflag:s26] =	ssyncset.done $0x0  }
0x2dc: {  	s20 =	simm.s32 $0x200;
	[sflag:s26] =	ssyncadd.s32 $0xFFFFD800  }
0x2dd: {  	[tilespmem:s31], [sflag:$0x2] =	stream.indirect.gather [hbm4b:s1+s29], $0x80, s20, s29, $0xb8;
	[tilespmem:$0x1D800] =	vst v63  }
0x2de: {  	_ =	swait.ge [sflag:s10], $0x2800  }
0x2df: {  	[sflag:s10] =	ssyncset.done $0x0  }
0x2e0: {  	s21 =	simm.s32 $0x1100;
	[sflag:s10] =	ssyncadd.s32 $0xFFFFD800  }
0x2e1: {  	[spmem:s2] =	stream.indirect.scatter.add.f32 [tilespmem:s3], [sflag:$0x4], $0x80, s21, s29, $0xb8;
	[tilespmem:$0x1D800] =	vst v63  }
0x2e2: {  	_ =	swait.ge [sflag:s26], $0x2800  }
0x2e3: {  	[sflag:s26] =	ssyncset.done $0x0  }
0x2e4: {  	s22 =	simm.s32 $0x280;
	[sflag:s26] =	ssyncadd.s32 $0xFFFFD800  }
0x2e5: {  	[tilespmem:s3], [sflag:$0x3] =	stream.indirect.gather [hbm4b:s1+s29], $0x80, s22, s29, $0xb8;
	[tilespmem:$0x1D800] =	vst v63  }
0x2e6: {  	_ =	swait.ge [sflag:s5], $0x2800  }
0x2e7: {  	[sflag:s5] =	ssyncset.done $0x0  }
0x2e8: {  	s23 =	simm.s32 $0x1180;
	[sflag:s5] =	ssyncadd.s32 $0xFFFFD800  }
0x2e9: {  	[spmem:s2] =	stream.indirect.scatter.add.f32 [tilespmem:s25], [sflag:$0x4], $0x80, s23, s29, $0xb8;
	[tilespmem:$0x1D800] =	vst v63  }
0x2ea: {  	_ =	swait.ge [sflag:s26], $0x2800  }
0x2eb: {  	[sflag:s26] =	ssyncset.done $0x0  }
0x2ec: {  	s17 =	simm.s32 $0x300;
	[sflag:s26] =	ssyncadd.s32 $0xFFFFD800  }
0x2ed: {  	[tilespmem:s25], [sflag:$0x1] =	stream.indirect.gather [hbm4b:s1+s29], $0x80, s17, s29, $0xb8;
	[tilespmem:$0x1D800] =	vst v63  }
0x2ee: {  	_ =	swait.ge [sflag:s7], $0x2800  }
0x2ef: {  	[sflag:s7] =	ssyncset.done $0x0  }
0x2f0: {  	s24 =	simm.s32 $0x1200;
	[sflag:s7] =	ssyncadd.s32 $0xFFFFD800  }
0x2f1: {  	[spmem:s2] =	stream.indirect.scatter.add.f32 [tilespmem:s31], [sflag:$0x4], $0x80, s24, s29, $0xb8;
	[tilespmem:$0x1D800] =	vst v63  }
0x2f2: {  	_ =	swait.ge [sflag:s26], $0x2800  }
0x2f3: {  	[sflag:s26] =	ssyncset.done $0x0  }
0x2f4: {  	s9 =	simm.s32 $0x380;
	[sflag:s26] =	ssyncadd.s32 $0xFFFFD800  }
0x2f5: {  	[tilespmem:s31], [sflag:$0x2] =	stream.indirect.gather [hbm4b:s1+s29], $0x80, s9, s29, $0xb8;
	[tilespmem:$0x1D800] =	vst v63  }
0x2f6: {  	_ =	swait.ge [sflag:s10], $0x2800  }
0x2f7: {  	[sflag:s10] =	ssyncset.done $0x0  }
0x2f8: {  	s11 =	simm.s32 $0x1280;
	[sflag:s10] =	ssyncadd.s32 $0xFFFFD800  }
0x2f9: {  	[spmem:s2] =	stream.indirect.scatter.add.f32 [tilespmem:s3], [sflag:$0x4], $0x80, s11, s29, $0xb8;
	[tilespmem:$0x1D800] =	vst v63  }
0x2fa: {  	_ =	swait.ge [sflag:s26], $0x2800  }
0x2fb: {  	[sflag:s26] =	ssyncset.done $0x0  }
0x2fc: {  	s12 =	simm.s32 $0x400;
	[sflag:s26] =	ssyncadd.s32 $0xFFFFD800  }
0x2fd: {  	[tilespmem:s3], [sflag:$0x3] =	stream.indirect.gather [hbm4b:s1+s29], $0x80, s12, s29, $0xb8;
	[tilespmem:$0x1D800] =	vst v63  }
0x2fe: {  	_ =	swait.ge [sflag:s5], $0x2800  }
0x2ff: {  	[sflag:s5] =	ssyncset.done $0x0  }
0x300: {  	s13 =	simm.s32 $0x1300;
	[sflag:s5] =	ssyncadd.s32 $0xFFFFD800  }
0x301: {  	[spmem:s2] =	stream.indirect.scatter.add.f32 [tilespmem:s25], [sflag:$0x4], $0x80, s13, s29, $0xb8;
	[tilespmem:$0x1D800] =	vst v63  }
0x302: {  	_ =	swait.ge [sflag:s26], $0x2800  }
0x303: {  	[sflag:s26] =	ssyncset.done $0x0  }
0x304: {  	s14 =	simm.s32 $0x480;
	[sflag:s26] =	ssyncadd.s32 $0xFFFFD800  }
0x305: {  	[tilespmem:s25], [sflag:$0x1] =	stream.indirect.gather [hbm4b:s1+s29], $0x80, s14, s29, $0xb8;
	[tilespmem:$0x1D800] =	vst v63  }
0x306: {  	_ =	swait.ge [sflag:s7], $0x2800  }
0x307: {  	[sflag:s7] =	ssyncset.done $0x0  }
0x308: {  	s15 =	simm.s32 $0x1380;
	[sflag:s7] =	ssyncadd.s32 $0xFFFFD800  }
0x309: {  	[spmem:s2] =	stream.indirect.scatter.add.f32 [tilespmem:s31], [sflag:$0x4], $0x80, s15, s29, $0xb8;
	[tilespmem:$0x1D800] =	vst v63  }
0x30a: {  	_ =	swait.ge [sflag:s26], $0x2800  }
0x30b: {  	[sflag:s26] =	ssyncset.done $0x0  }
0x30c: {  	s30 =	simm.s32 $0x500;
	[sflag:s26] =	ssyncadd.s32 $0xFFFFD800  }
0x30d: {  	[tilespmem:s31], [sflag:$0x2] =	stream.indirect.gather [hbm4b:s1+s29], $0x80, s30, s29, $0xb8;
	[tilespmem:$0x1D800] =	vst v63  }
0x30e: {  	_ =	swait.ge [sflag:s10], $0x2800  }
0x30f: {  	[sflag:s10] =	ssyncset.done $0x0  }
0x310: {  	s19 =	simm.s32 $0x1400;
	[sflag:s10] =	ssyncadd.s32 $0xFFFFD800  }
0x311: {  	[spmem:s2] =	stream.indirect.scatter.add.f32 [tilespmem:s3], [sflag:$0x4], $0x80, s19, s29, $0xb8;
	[tilespmem:$0x1D800] =	vst v63  }
0x312: {  	_ =	swait.ge [sflag:s26], $0x2800  }
0x313: {  	[sflag:s26] =	ssyncset.done $0x0  }
0x314: {  	s20 =	simm.s32 $0x580;
	[sflag:s26] =	ssyncadd.s32 $0xFFFFD800  }
0x315: {  	[tilespmem:s3], [sflag:$0x3] =	stream.indirect.gather [hbm4b:s1+s29], $0x80, s20, s29, $0xb8;
	[tilespmem:$0x1D800] =	vst v63  }
0x316: {  	_ =	swait.ge [sflag:s5], $0x2800  }
0x317: {  	[sflag:s5] =	ssyncset.done $0x0  }
0x318: {  	s21 =	simm.s32 $0x1480;
	[sflag:s5] =	ssyncadd.s32 $0xFFFFD800  }
0x319: {  	[spmem:s2] =	stream.indirect.scatter.add.f32 [tilespmem:s25], [sflag:$0x4], $0x80, s21, s29, $0xb8;
	[tilespmem:$0x1D800] =	vst v63  }
0x31a: {  	_ =	swait.ge [sflag:s26], $0x2800  }
0x31b: {  	[sflag:s26] =	ssyncset.done $0x0  }
0x31c: {  	s22 =	simm.s32 $0x600;
	[sflag:s26] =	ssyncadd.s32 $0xFFFFD800  }
0x31d: {  	[tilespmem:s25], [sflag:$0x1] =	stream.indirect.gather [hbm4b:s1+s29], $0x80, s22, s29, $0xb8;
	[tilespmem:$0x1D800] =	vst v63  }
0x31e: {  	_ =	swait.ge [sflag:s7], $0x2800  }
0x31f: {  	[sflag:s7] =	ssyncset.done $0x0  }
0x320: {  	s23 =	simm.s32 $0x1500;
	[sflag:s7] =	ssyncadd.s32 $0xFFFFD800  }
0x321: {  	[spmem:s2] =	stream.indirect.scatter.add.f32 [tilespmem:s31], [sflag:$0x4], $0x80, s23, s29, $0xb8;
	[tilespmem:$0x1D800] =	vst v63  }
0x322: {  	_ =	swait.ge [sflag:s26], $0x2800  }
0x323: {  	[sflag:s26] =	ssyncset.done $0x0  }
0x324: {  	s24 =	simm.s32 $0x680;
	[sflag:s26] =	ssyncadd.s32 $0xFFFFD800  }
0x325: {  	[tilespmem:s31], [sflag:$0x2] =	stream.indirect.gather [hbm4b:s1+s29], $0x80, s24, s29, $0xb8;
	[tilespmem:$0x1D800] =	vst v63  }
0x326: {  	_ =	swait.ge [sflag:s10], $0x2800  }
0x327: {  	[sflag:s10] =	ssyncset.done $0x0  }
0x328: {  	s30 =	simm.s32 $0x1580;
	[sflag:s10] =	ssyncadd.s32 $0xFFFFD800  }
0x329: {  	[spmem:s2] =	stream.indirect.scatter.add.f32 [tilespmem:s3], [sflag:$0x4], $0x80, s30, s29, $0xb8;
	[tilespmem:$0x1D800] =	vst v63  }
0x32a: {  	_ =	swait.ge [sflag:s26], $0x2800  }
0x32b: {  	[sflag:s26] =	ssyncset.done $0x0  }
0x32c: {  	s18 =	simm.s32 $0x700;
	[sflag:s26] =	ssyncadd.s32 $0xFFFFD800  }
0x32d: {  	[tilespmem:s3], [sflag:$0x3] =	stream.indirect.gather [hbm4b:s1+s29], $0x80, s18, s29, $0xb8;
	[tilespmem:$0x1D800] =	vst v63  }
0x32e: {  	_ =	swait.ge [sflag:s5], $0x2800  }
0x32f: {  	[sflag:s5] =	ssyncset.done $0x0  }
0x330: {  	s18 =	simm.s32 $0x1600;
	[sflag:s5] =	ssyncadd.s32 $0xFFFFD800  }
0x331: {  	[spmem:s2] =	stream.indirect.scatter.add.f32 [tilespmem:s25], [sflag:$0x4], $0x80, s18, s29, $0xb8;
	[tilespmem:$0x1D800] =	vst v63  }
0x332: {  	_ =	swait.ge [sflag:s26], $0x2800  }
0x333: {  	[sflag:s26] =	ssyncset.done $0x0  }
0x334: {  	s18 =	simm.s32 $0x780;
	[sflag:s26] =	ssyncadd.s32 $0xFFFFD800  }
0x335: {  	[tilespmem:s25], [sflag:$0x1] =	stream.indirect.gather [hbm4b:s1+s29], $0x80, s18, s29, $0xb8;
	[tilespmem:$0x1D800] =	vst v63  }
0x336: {  	_ =	swait.ge [sflag:s7], $0x2800  }
0x337: {  	[sflag:s7] =	ssyncset.done $0x0  }
0x338: {  	s18 =	simm.s32 $0x1680;
	[sflag:s7] =	ssyncadd.s32 $0xFFFFD800  }
0x339: {  	[spmem:s2] =	stream.indirect.scatter.add.f32 [tilespmem:s31], [sflag:$0x4], $0x80, s18, s29, $0xb8;
	[tilespmem:$0x1D800] =	vst v63  }
0x33a: {  	_ =	swait.ge [sflag:s26], $0x2800  }
0x33b: {  	[sflag:s26] =	ssyncset.done $0x0  }
0x33c: {  	s18 =	simm.s32 $0x800;
	[sflag:s26] =	ssyncadd.s32 $0xFFFFD800  }
0x33d: {  	[tilespmem:s31], [sflag:$0x2] =	stream.indirect.gather [hbm4b:s1+s29], $0x80, s18, s29, $0xb8;
	[tilespmem:$0x1D800] =	vst v63  }
0x33e: {  	_ =	swait.ge [sflag:s10], $0x2800  }
0x33f: {  	[sflag:s10] =	ssyncset.done $0x0  }
0x340: {  	s18 =	simm.s32 $0x1700;
	[sflag:s10] =	ssyncadd.s32 $0xFFFFD800  }
0x341: {  	[spmem:s2] =	stream.indirect.scatter.add.f32 [tilespmem:s3], [sflag:$0x4], $0x80, s18, s29, $0xb8;
	[tilespmem:$0x1D800] =	vst v63  }
0x342: {  	_ =	swait.ge [sflag:s26], $0x2800  }
0x343: {  	[sflag:s26] =	ssyncset.done $0x0  }
0x344: {  	s18 =	simm.s32 $0x880;
	[sflag:s26] =	ssyncadd.s32 $0xFFFFD800  }
0x345: {  	[tilespmem:s3], [sflag:$0x3] =	stream.indirect.gather [hbm4b:s1+s29], $0x80, s18, s29, $0xb8;
	[tilespmem:$0x1D800] =	vst v63  }
0x346: {  	_ =	swait.ge [sflag:s5], $0x2800  }
0x347: {  	[sflag:s5] =	ssyncset.done $0x0  }
0x348: {  	s18 =	simm.s32 $0x1780;
	[sflag:s5] =	ssyncadd.s32 $0xFFFFD800  }
0x349: {  	[spmem:s2] =	stream.indirect.scatter.add.f32 [tilespmem:s25], [sflag:$0x4], $0x80, s18, s29, $0xb8;
	[tilespmem:$0x1D800] =	vst v63  }
0x34a: {  	_ =	swait.ge [sflag:s26], $0x2800  }
0x34b: {  	[sflag:s26] =	ssyncset.done $0x0  }
0x34c: {  	s18 =	simm.s32 $0x900;
	[sflag:s26] =	ssyncadd.s32 $0xFFFFD800  }
0x34d: {  	[tilespmem:s25], [sflag:$0x1] =	stream.indirect.gather [hbm4b:s1+s29], $0x80, s18, s29, $0xb8;
	[tilespmem:$0x1D800] =	vst v63  }
0x34e: {  	_ =	swait.ge [sflag:s7], $0x2800  }
0x34f: {  	[sflag:s7] =	ssyncset.done $0x0  }
0x350: {  	s18 =	simm.s32 $0x1800;
	[sflag:s7] =	ssyncadd.s32 $0xFFFFD800  }
0x351: {  	[spmem:s2] =	stream.indirect.scatter.add.f32 [tilespmem:s31], [sflag:$0x4], $0x80, s18, s29, $0xb8;
	[tilespmem:$0x1D800] =	vst v63  }
0x352: {  	_ =	swait.ge [sflag:s26], $0x2800  }
0x353: {  	[sflag:s26] =	ssyncset.done $0x0  }
0x354: {  	s18 =	simm.s32 $0x980;
	[sflag:s26] =	ssyncadd.s32 $0xFFFFD800  }
0x355: {  	[tilespmem:s31], [sflag:$0x2] =	stream.indirect.gather [hbm4b:s1+s29], $0x80, s18, s29, $0xb8;
	[tilespmem:$0x1D800] =	vst v63  }
0x356: {  	_ =	swait.ge [sflag:s10], $0x2800  }
0x357: {  	[sflag:s10] =	ssyncset.done $0x0  }
0x358: {  	s18 =	simm.s32 $0x1880;
	[sflag:s10] =	ssyncadd.s32 $0xFFFFD800  }
0x359: {  	[spmem:s2] =	stream.indirect.scatter.add.f32 [tilespmem:s3], [sflag:$0x4], $0x80, s18, s29, $0xb8;
	[tilespmem:$0x1D800] =	vst v63  }
0x35a: {  	_ =	swait.ge [sflag:s26], $0x2800  }
0x35b: {  	[sflag:s26] =	ssyncset.done $0x0  }
0x35c: {  	s18 =	simm.s32 $0xA00;
	[sflag:s26] =	ssyncadd.s32 $0xFFFFD800  }
0x35d: {  	[tilespmem:s3], [sflag:$0x3] =	stream.indirect.gather [hbm4b:s1+s29], $0x80, s18, s29, $0xb8;
	[tilespmem:$0x1D800] =	vst v63  }
0x35e: {  	_ =	swait.ge [sflag:s5], $0x2800  }
0x35f: {  	[sflag:s5] =	ssyncset.done $0x0  }
0x360: {  	s18 =	simm.s32 $0x1900;
	[sflag:s5] =	ssyncadd.s32 $0xFFFFD800  }
0x361: {  	[spmem:s2] =	stream.indirect.scatter.add.f32 [tilespmem:s25], [sflag:$0x4], $0x80, s18, s29, $0xb8;
	[tilespmem:$0x1D800] =	vst v63  }
0x362: {  	_ =	swait.ge [sflag:s26], $0x2800  }
0x363: {  	[sflag:s26] =	ssyncset.done $0x0  }
0x364: {  	s18 =	simm.s32 $0xA80;
	[sflag:s26] =	ssyncadd.s32 $0xFFFFD800  }
0x365: {  	[tilespmem:s25], [sflag:$0x1] =	stream.indirect.gather [hbm4b:s1+s29], $0x80, s18, s29, $0xb8;
	[tilespmem:$0x1D800] =	vst v63  }
0x366: {  	_ =	swait.ge [sflag:s7], $0x2800  }
0x367: {  	[sflag:s7] =	ssyncset.done $0x0  }
0x368: {  	s18 =	simm.s32 $0x1980;
	[sflag:s7] =	ssyncadd.s32 $0xFFFFD800  }
0x369: {  	[spmem:s2] =	stream.indirect.scatter.add.f32 [tilespmem:s31], [sflag:$0x4], $0x80, s18, s29, $0xb8;
	[tilespmem:$0x1D800] =	vst v63  }
0x36a: {  	_ =	swait.ge [sflag:s26], $0x2800  }
0x36b: {  	[sflag:s26] =	ssyncset.done $0x0  }
0x36c: {  	s18 =	simm.s32 $0xB00;
	[sflag:s26] =	ssyncadd.s32 $0xFFFFD800  }
0x36d: {  	[tilespmem:s31], [sflag:$0x2] =	stream.indirect.gather [hbm4b:s1+s29], $0x80, s18, s29, $0xb8;
	[tilespmem:$0x1D800] =	vst v63  }
0x36e: {  	_ =	swait.ge [sflag:s10], $0x2800  }
0x36f: {  	[sflag:s10] =	ssyncset.done $0x0  }
0x370: {  	s18 =	simm.s32 $0x1A00;
	[sflag:s10] =	ssyncadd.s32 $0xFFFFD800  }
0x371: {  	[spmem:s2] =	stream.indirect.scatter.add.f32 [tilespmem:s3], [sflag:$0x4], $0x80, s18, s29, $0xb8;
	[tilespmem:$0x1D800] =	vst v63  }
0x372: {  	_ =	swait.ge [sflag:s26], $0x2800  }
0x373: {  	[sflag:s26] =	ssyncset.done $0x0  }
0x374: {  	s18 =	simm.s32 $0xB80;
	[sflag:s26] =	ssyncadd.s32 $0xFFFFD800  }
0x375: {  	[tilespmem:s3], [sflag:$0x3] =	stream.indirect.gather [hbm4b:s1+s29], $0x80, s18, s29, $0xb8;
	[tilespmem:$0x1D800] =	vst v63  }
0x376: {  	_ =	swait.ge [sflag:s5], $0x2800  }
0x377: {  	[sflag:s5] =	ssyncset.done $0x0  }
0x378: {  	s18 =	simm.s32 $0x1A80;
	[sflag:s5] =	ssyncadd.s32 $0xFFFFD800  }
0x379: {  	[spmem:s2] =	stream.indirect.scatter.add.f32 [tilespmem:s25], [sflag:$0x4], $0x80, s18, s29, $0xb8;
	[tilespmem:$0x1D800] =	vst v63  }
0x37a: {  	_ =	swait.ge [sflag:s26], $0x2800  }
0x37b: {  	[sflag:s26] =	ssyncset.done $0x0  }
0x37c: {  	s18 =	simm.s32 $0xC00;
	[sflag:s26] =	ssyncadd.s32 $0xFFFFD800  }
0x37d: {  	[tilespmem:s25], [sflag:$0x1] =	stream.indirect.gather [hbm4b:s1+s29], $0x80, s18, s29, $0xb8;
	[tilespmem:$0x1D800] =	vst v63  }
0x37e: {  	_ =	swait.ge [sflag:s7], $0x2800  }
0x37f: {  	[sflag:s7] =	ssyncset.done $0x0  }
0x380: {  	s18 =	simm.s32 $0x1B00;
	[sflag:s7] =	ssyncadd.s32 $0xFFFFD800  }
0x381: {  	[spmem:s2] =	stream.indirect.scatter.add.f32 [tilespmem:s31], [sflag:$0x4], $0x80, s18, s29, $0xb8;
	[tilespmem:$0x1D800] =	vst v63  }
0x382: {  	_ =	swait.ge [sflag:s26], $0x2800  }
0x383: {  	[sflag:s26] =	ssyncset.done $0x0  }
0x384: {  	[sflag:s26] =	ssyncadd.s32 $0xFFFFD800  }
0x385: {  	_ =	swait.ge [sflag:s10], $0x2800  }
0x386: {  	[sflag:s10] =	ssyncset.done $0x0  }
0x387: {  	s18 =	simm.s32 $0x1B80;
	[sflag:s10] =	ssyncadd.s32 $0xFFFFD800  }
0x388: {  	[spmem:s2] =	stream.indirect.scatter.add.f32 [tilespmem:s3], [sflag:$0x4], $0x80, s18, s29, $0xb8;
	[tilespmem:$0x1D800] =	vst v63  }
0x389: {  	_ =	swait.ge [sflag:s26], $0x2800  }
0x38a: {  	[sflag:s26] =	ssyncset.done $0x0  }
0x38b: {  	[sflag:s26] =	ssyncadd.s32 $0xFFFFD800  }
0x38c: {  	_ =	swait.ge [sflag:s5], $0x2800  }
0x38d: {  	[sflag:s5] =	ssyncset.done $0x0  }
0x38e: {  	s18 =	simm.s32 $0x1C00;
	[sflag:s5] =	ssyncadd.s32 $0xFFFFD800  }
0x38f: {  	[spmem:s2] =	stream.indirect.scatter.add.f32 [tilespmem:s25], [sflag:$0x4], $0x80, s18, s29, $0xb8;
	[tilespmem:$0x1D800] =	vst v63  }
0x390: {  	_ =	swait.ge [sflag:s26], $0x2800  }
0x391: {  	[sflag:s26] =	ssyncset.done $0x0  }
0x392: {  	s18 =	rddreg [dreg:$0xc];
	[sflag:s26] =	ssyncadd.s32 $0xFFFFD800  }
0x393: {  	[tilespmem:s4], [sflag:$0x4] =	stream.linear.gather [hbm4b:s18+s4], $0xC80, $0x38;
	[tilespmem:$0x1D800] =	vst v63  }
0x394: {  	_ =	swait.ge [sflag:s26], $0xC80  }
0x395: {  	[sflag:s26] =	ssyncset.done $0x0  }
0x396: {  	s18 =	rddreg [dreg:$0xd];
	[sflag:s26] =	ssyncadd.s32 $0xFFFFF380  }
0x397: {  	[tilespmem:s6], [sflag:$0x4] =	stream.linear.gather [hbm4b:s18+s4], $0xC80, $0x38;
	[tilespmem:$0x1D800] =	vst v63  }
0x398: {  	_ =	swait.ge [sflag:s26], $0xC80  }
0x399: {  	[sflag:s26] =	ssyncset.done $0x0  }
0x39a: {  	[sflag:s26] =	ssyncadd.s32 $0xFFFFF380  }
0x39b: {  	[tilespmem:s25], [sflag:$0x1] =	stream.indirect.gather [hbm4b:s1+s29], $0x80, s4, s29, $0xb8;
	[tilespmem:$0x1D800] =	vst v63  }
0x39c: {  	s0 =	simm.s32 $0x80  }
0x39d: {  	[tilespmem:s31], [sflag:$0x2] =	stream.indirect.gather [hbm4b:s1+s29], $0x80, s0, s29, $0xb8;
	[tilespmem:$0x1D800] =	vst v63  }
0x39e: {  	s18 =	simm.s32 $0x100  }
0x39f: {  	[tilespmem:s3], [sflag:$0x3] =	stream.indirect.gather [hbm4b:s1+s29], $0x80, s18, s29, $0xb8;
	[tilespmem:$0x1D800] =	vst v63  }
0x3a0: {  	_ =	swait.ge [sflag:s5], $0x2800  }
0x3a1: {  	[sflag:s5] =	ssyncset.done $0x0  }
0x3a2: {  	[sflag:s5] =	ssyncadd.s32 $0xFFFFD800  }
0x3a3: {  	[spmem:s2] =	stream.indirect.scatter.add.f32 [tilespmem:s25], [sflag:$0x4], $0x80, s6, s29, $0xb8;
	[tilespmem:$0x1D800] =	vst v63  }
0x3a4: {  	_ =	swait.ge [sflag:s26], $0x2800  }
0x3a5: {  	[sflag:s26] =	ssyncset.done $0x0  }
0x3a6: {  	s18 =	simm.s32 $0x180;
	[sflag:s26] =	ssyncadd.s32 $0xFFFFD800  }
0x3a7: {  	[tilespmem:s25], [sflag:$0x1] =	stream.indirect.gather [hbm4b:s1+s29], $0x80, s18, s29, $0xb8;
	[tilespmem:$0x1D800] =	vst v63  }
0x3a8: {  	_ =	swait.ge [sflag:s7], $0x2800  }
0x3a9: {  	[sflag:s7] =	ssyncset.done $0x0  }
0x3aa: {  	s18 =	simm.s32 $0x1080;
	[sflag:s7] =	ssyncadd.s32 $0xFFFFD800  }
0x3ab: {  	[spmem:s2] =	stream.indirect.scatter.add.f32 [tilespmem:s31], [sflag:$0x4], $0x80, s18, s29, $0xb8;
	[tilespmem:$0x1D800] =	vst v63  }
0x3ac: {  	_ =	swait.ge [sflag:s26], $0x2800  }
0x3ad: {  	[sflag:s26] =	ssyncset.done $0x0  }
0x3ae: {  	s18 =	simm.s32 $0x200;
	[sflag:s26] =	ssyncadd.s32 $0xFFFFD800  }
0x3af: {  	[tilespmem:s31], [sflag:$0x2] =	stream.indirect.gather [hbm4b:s1+s29], $0x80, s18, s29, $0xb8;
	[tilespmem:$0x1D800] =	vst v63  }
0x3b0: {  	_ =	swait.ge [sflag:s10], $0x2800  }
0x3b1: {  	[sflag:s10] =	ssyncset.done $0x0  }
0x3b2: {  	s18 =	simm.s32 $0x1100;
	[sflag:s10] =	ssyncadd.s32 $0xFFFFD800  }
0x3b3: {  	[spmem:s2] =	stream.indirect.scatter.add.f32 [tilespmem:s3], [sflag:$0x4], $0x80, s18, s29, $0xb8;
	[tilespmem:$0x1D800] =	vst v63  }
0x3b4: {  	_ =	swait.ge [sflag:s26], $0x2800  }
0x3b5: {  	[sflag:s26] =	ssyncset.done $0x0  }
0x3b6: {  	s18 =	simm.s32 $0x280;
	[sflag:s26] =	ssyncadd.s32 $0xFFFFD800  }
0x3b7: {  	[tilespmem:s3], [sflag:$0x3] =	stream.indirect.gather [hbm4b:s1+s29], $0x80, s18, s29, $0xb8;
	[tilespmem:$0x1D800] =	vst v63  }
0x3b8: {  	_ =	swait.ge [sflag:s5], $0x2800  }
0x3b9: {  	[sflag:s5] =	ssyncset.done $0x0  }
0x3ba: {  	s28 =	simm.s32 $0x1180;
	[sflag:s5] =	ssyncadd.s32 $0xFFFFD800  }
0x3bb: {  	[spmem:s2] =	stream.indirect.scatter.add.f32 [tilespmem:s25], [sflag:$0x4], $0x80, s28, s29, $0xb8;
	[tilespmem:$0x1D800] =	vst v63  }
0x3bc: {  	_ =	swait.ge [sflag:s26], $0x2800  }
0x3bd: {  	[sflag:s26] =	ssyncset.done $0x0  }
0x3be: {  	s8 =	simm.s32 $0x300;
	[sflag:s26] =	ssyncadd.s32 $0xFFFFD800  }
0x3bf: {  	[tilespmem:s25], [sflag:$0x1] =	stream.indirect.gather [hbm4b:s1+s29], $0x80, s8, s29, $0xb8;
	[tilespmem:$0x1D800] =	vst v63  }
0x3c0: {  	_ =	swait.ge [sflag:s7], $0x2800  }
0x3c1: {  	[sflag:s7] =	ssyncset.done $0x0  }
0x3c2: {  	s17 =	simm.s32 $0x1200;
	[sflag:s7] =	ssyncadd.s32 $0xFFFFD800  }
0x3c3: {  	[spmem:s2] =	stream.indirect.scatter.add.f32 [tilespmem:s31], [sflag:$0x4], $0x80, s17, s29, $0xb8;
	[tilespmem:$0x1D800] =	vst v63  }
0x3c4: {  	_ =	swait.ge [sflag:s26], $0x2800  }
0x3c5: {  	[sflag:s26] =	ssyncset.done $0x0  }
0x3c6: {  	s9 =	simm.s32 $0x380;
	[sflag:s26] =	ssyncadd.s32 $0xFFFFD800  }
0x3c7: {  	[tilespmem:s31], [sflag:$0x2] =	stream.indirect.gather [hbm4b:s1+s29], $0x80, s9, s29, $0xb8;
	[tilespmem:$0x1D800] =	vst v63  }
0x3c8: {  	_ =	swait.ge [sflag:s10], $0x2800  }
0x3c9: {  	[sflag:s10] =	ssyncset.done $0x0  }
0x3ca: {  	s11 =	simm.s32 $0x1280;
	[sflag:s10] =	ssyncadd.s32 $0xFFFFD800  }
0x3cb: {  	[spmem:s2] =	stream.indirect.scatter.add.f32 [tilespmem:s3], [sflag:$0x4], $0x80, s11, s29, $0xb8;
	[tilespmem:$0x1D800] =	vst v63  }
0x3cc: {  	_ =	swait.ge [sflag:s26], $0x2800  }
0x3cd: {  	[sflag:s26] =	ssyncset.done $0x0  }
0x3ce: {  	s12 =	simm.s32 $0x400;
	[sflag:s26] =	ssyncadd.s32 $0xFFFFD800  }
0x3cf: {  	[tilespmem:s3], [sflag:$0x3] =	stream.indirect.gather [hbm4b:s1+s29], $0x80, s12, s29, $0xb8;
	[tilespmem:$0x1D800] =	vst v63  }
0x3d0: {  	_ =	swait.ge [sflag:s5], $0x2800  }
0x3d1: {  	[sflag:s5] =	ssyncset.done $0x0  }
0x3d2: {  	s13 =	simm.s32 $0x1300;
	[sflag:s5] =	ssyncadd.s32 $0xFFFFD800  }
0x3d3: {  	[spmem:s2] =	stream.indirect.scatter.add.f32 [tilespmem:s25], [sflag:$0x4], $0x80, s13, s29, $0xb8;
	[tilespmem:$0x1D800] =	vst v63  }
0x3d4: {  	_ =	swait.ge [sflag:s26], $0x2800  }
0x3d5: {  	[sflag:s26] =	ssyncset.done $0x0  }
0x3d6: {  	s14 =	simm.s32 $0x480;
	[sflag:s26] =	ssyncadd.s32 $0xFFFFD800  }
0x3d7: {  	[tilespmem:s25], [sflag:$0x1] =	stream.indirect.gather [hbm4b:s1+s29], $0x80, s14, s29, $0xb8;
	[tilespmem:$0x1D800] =	vst v63  }
0x3d8: {  	_ =	swait.ge [sflag:s7], $0x2800  }
0x3d9: {  	[sflag:s7] =	ssyncset.done $0x0  }
0x3da: {  	s15 =	simm.s32 $0x1380;
	[sflag:s7] =	ssyncadd.s32 $0xFFFFD800  }
0x3db: {  	[spmem:s2] =	stream.indirect.scatter.add.f32 [tilespmem:s31], [sflag:$0x4], $0x80, s15, s29, $0xb8;
	[tilespmem:$0x1D800] =	vst v63  }
0x3dc: {  	_ =	swait.ge [sflag:s26], $0x2800  }
0x3dd: {  	[sflag:s26] =	ssyncset.done $0x0  }
0x3de: {  	s13 =	simm.s32 $0x500;
	[sflag:s26] =	ssyncadd.s32 $0xFFFFD800  }
0x3df: {  	[tilespmem:s31], [sflag:$0x2] =	stream.indirect.gather [hbm4b:s1+s29], $0x80, s13, s29, $0xb8;
	[tilespmem:$0x1D800] =	vst v63  }
0x3e0: {  	_ =	swait.ge [sflag:s10], $0x2800  }
0x3e1: {  	[sflag:s10] =	ssyncset.done $0x0  }
0x3e2: {  	s19 =	simm.s32 $0x1400;
	[sflag:s10] =	ssyncadd.s32 $0xFFFFD800  }
0x3e3: {  	[spmem:s2] =	stream.indirect.scatter.add.f32 [tilespmem:s3], [sflag:$0x4], $0x80, s19, s29, $0xb8;
	[tilespmem:$0x1D800] =	vst v63  }
0x3e4: {  	_ =	swait.ge [sflag:s26], $0x2800  }
0x3e5: {  	[sflag:s26] =	ssyncset.done $0x0  }
0x3e6: {  	s20 =	simm.s32 $0x580;
	[sflag:s26] =	ssyncadd.s32 $0xFFFFD800  }
0x3e7: {  	[tilespmem:s3], [sflag:$0x3] =	stream.indirect.gather [hbm4b:s1+s29], $0x80, s20, s29, $0xb8;
	[tilespmem:$0x1D800] =	vst v63  }
0x3e8: {  	_ =	swait.ge [sflag:s5], $0x2800  }
0x3e9: {  	[sflag:s5] =	ssyncset.done $0x0  }
0x3ea: {  	s21 =	simm.s32 $0x1480;
	[sflag:s5] =	ssyncadd.s32 $0xFFFFD800  }
0x3eb: {  	[spmem:s2] =	stream.indirect.scatter.add.f32 [tilespmem:s25], [sflag:$0x4], $0x80, s21, s29, $0xb8;
	[tilespmem:$0x1D800] =	vst v63  }
0x3ec: {  	_ =	swait.ge [sflag:s26], $0x2800  }
0x3ed: {  	[sflag:s26] =	ssyncset.done $0x0  }
0x3ee: {  	s22 =	simm.s32 $0x600;
	[sflag:s26] =	ssyncadd.s32 $0xFFFFD800  }
0x3ef: {  	[tilespmem:s25], [sflag:$0x1] =	stream.indirect.gather [hbm4b:s1+s29], $0x80, s22, s29, $0xb8;
	[tilespmem:$0x1D800] =	vst v63  }
0x3f0: {  	_ =	swait.ge [sflag:s7], $0x2800  }
0x3f1: {  	[sflag:s7] =	ssyncset.done $0x0  }
0x3f2: {  	s23 =	simm.s32 $0x1500;
	[sflag:s7] =	ssyncadd.s32 $0xFFFFD800  }
0x3f3: {  	[spmem:s2] =	stream.indirect.scatter.add.f32 [tilespmem:s31], [sflag:$0x4], $0x80, s23, s29, $0xb8;
	[tilespmem:$0x1D800] =	vst v63  }
0x3f4: {  	_ =	swait.ge [sflag:s26], $0x2800  }
0x3f5: {  	[sflag:s26] =	ssyncset.done $0x0  }
0x3f6: {  	s24 =	simm.s32 $0x680;
	[sflag:s26] =	ssyncadd.s32 $0xFFFFD800  }
0x3f7: {  	[tilespmem:s31], [sflag:$0x2] =	stream.indirect.gather [hbm4b:s1+s29], $0x80, s24, s29, $0xb8;
	[tilespmem:$0x1D800] =	vst v63  }
0x3f8: {  	_ =	swait.ge [sflag:s10], $0x2800  }
0x3f9: {  	[sflag:s10] =	ssyncset.done $0x0  }
0x3fa: {  	s30 =	simm.s32 $0x1580;
	[sflag:s10] =	ssyncadd.s32 $0xFFFFD800  }
0x3fb: {  	[spmem:s2] =	stream.indirect.scatter.add.f32 [tilespmem:s3], [sflag:$0x4], $0x80, s30, s29, $0xb8;
	[tilespmem:$0x1D800] =	vst v63  }
0x3fc: {  	_ =	swait.ge [sflag:s26], $0x2800  }
0x3fd: {  	[sflag:s26] =	ssyncset.done $0x0  }
0x3fe: {  	s14 =	simm.s32 $0x700;
	[sflag:s26] =	ssyncadd.s32 $0xFFFFD800  }
0x3ff: {  	[tilespmem:s3], [sflag:$0x3] =	stream.indirect.gather [hbm4b:s1+s29], $0x80, s14, s29, $0xb8;
	[tilespmem:$0x1D800] =	vst v63  }
0x400: {  	_ =	swait.ge [sflag:s5], $0x2800  }
0x401: {  	[sflag:s5] =	ssyncset.done $0x0  }
0x402: {  	s15 =	simm.s32 $0x1600;
	[sflag:s5] =	ssyncadd.s32 $0xFFFFD800  }
0x403: {  	[spmem:s2] =	stream.indirect.scatter.add.f32 [tilespmem:s25], [sflag:$0x4], $0x80, s15, s29, $0xb8;
	[tilespmem:$0x1D800] =	vst v63  }
0x404: {  	_ =	swait.ge [sflag:s26], $0x2800  }
0x405: {  	[sflag:s26] =	ssyncset.done $0x0  }
0x406: {  	s17 =	simm.s32 $0x780;
	[sflag:s26] =	ssyncadd.s32 $0xFFFFD800  }
0x407: {  	[tilespmem:s25], [sflag:$0x1] =	stream.indirect.gather [hbm4b:s1+s29], $0x80, s17, s29, $0xb8;
	[tilespmem:$0x1D800] =	vst v63  }
0x408: {  	_ =	swait.ge [sflag:s7], $0x2800  }
0x409: {  	[sflag:s7] =	ssyncset.done $0x0  }
0x40a: {  	s18 =	simm.s32 $0x1680;
	[sflag:s7] =	ssyncadd.s32 $0xFFFFD800  }
0x40b: {  	[spmem:s2] =	stream.indirect.scatter.add.f32 [tilespmem:s31], [sflag:$0x4], $0x80, s18, s29, $0xb8;
	[tilespmem:$0x1D800] =	vst v63  }
0x40c: {  	_ =	swait.ge [sflag:s26], $0x2800  }
0x40d: {  	[sflag:s26] =	ssyncset.done $0x0  }
0x40e: {  	s19 =	simm.s32 $0x800;
	[sflag:s26] =	ssyncadd.s32 $0xFFFFD800  }
0x40f: {  	[tilespmem:s31], [sflag:$0x2] =	stream.indirect.gather [hbm4b:s1+s29], $0x80, s19, s29, $0xb8;
	[tilespmem:$0x1D800] =	vst v63  }
0x410: {  	_ =	swait.ge [sflag:s10], $0x2800  }
0x411: {  	[sflag:s10] =	ssyncset.done $0x0  }
0x412: {  	s20 =	simm.s32 $0x1700;
	[sflag:s10] =	ssyncadd.s32 $0xFFFFD800  }
0x413: {  	[spmem:s2] =	stream.indirect.scatter.add.f32 [tilespmem:s3], [sflag:$0x4], $0x80, s20, s29, $0xb8;
	[tilespmem:$0x1D800] =	vst v63  }
0x414: {  	_ =	swait.ge [sflag:s26], $0x2800  }
0x415: {  	[sflag:s26] =	ssyncset.done $0x0  }
0x416: {  	s21 =	simm.s32 $0x880;
	[sflag:s26] =	ssyncadd.s32 $0xFFFFD800  }
0x417: {  	[tilespmem:s3], [sflag:$0x3] =	stream.indirect.gather [hbm4b:s1+s29], $0x80, s21, s29, $0xb8;
	[tilespmem:$0x1D800] =	vst v63  }
0x418: {  	_ =	swait.ge [sflag:s5], $0x2800  }
0x419: {  	[sflag:s5] =	ssyncset.done $0x0  }
0x41a: {  	s22 =	simm.s32 $0x1780;
	[sflag:s5] =	ssyncadd.s32 $0xFFFFD800  }
0x41b: {  	[spmem:s2] =	stream.indirect.scatter.add.f32 [tilespmem:s25], [sflag:$0x4], $0x80, s22, s29, $0xb8;
	[tilespmem:$0x1D800] =	vst v63  }
0x41c: {  	_ =	swait.ge [sflag:s26], $0x2800  }
0x41d: {  	[sflag:s26] =	ssyncset.done $0x0  }
0x41e: {  	s23 =	simm.s32 $0x900;
	[sflag:s26] =	ssyncadd.s32 $0xFFFFD800  }
0x41f: {  	[tilespmem:s25], [sflag:$0x1] =	stream.indirect.gather [hbm4b:s1+s29], $0x80, s23, s29, $0xb8;
	[tilespmem:$0x1D800] =	vst v63  }
0x420: {  	_ =	swait.ge [sflag:s7], $0x2800  }
0x421: {  	[sflag:s7] =	ssyncset.done $0x0  }
0x422: {  	s24 =	simm.s32 $0x1800;
	[sflag:s7] =	ssyncadd.s32 $0xFFFFD800  }
0x423: {  	[spmem:s2] =	stream.indirect.scatter.add.f32 [tilespmem:s31], [sflag:$0x4], $0x80, s24, s29, $0xb8;
	[tilespmem:$0x1D800] =	vst v63  }
0x424: {  	_ =	swait.ge [sflag:s26], $0x2800  }
0x425: {  	[sflag:s26] =	ssyncset.done $0x0  }
0x426: {  	s28 =	simm.s32 $0x980;
	[sflag:s26] =	ssyncadd.s32 $0xFFFFD800  }
0x427: {  	[tilespmem:s31], [sflag:$0x2] =	stream.indirect.gather [hbm4b:s1+s29], $0x80, s28, s29, $0xb8;
	[tilespmem:$0x1D800] =	vst v63  }
0x428: {  	_ =	swait.ge [sflag:s10], $0x2800  }
0x429: {  	[sflag:s10] =	ssyncset.done $0x0  }
0x42a: {  	s30 =	simm.s32 $0x1880;
	[sflag:s10] =	ssyncadd.s32 $0xFFFFD800  }
0x42b: {  	[spmem:s2] =	stream.indirect.scatter.add.f32 [tilespmem:s3], [sflag:$0x4], $0x80, s30, s29, $0xb8;
	[tilespmem:$0x1D800] =	vst v63  }
0x42c: {  	_ =	swait.ge [sflag:s26], $0x2800  }
0x42d: {  	[sflag:s26] =	ssyncset.done $0x0  }
0x42e: {  	s8 =	simm.s32 $0xA00;
	[sflag:s26] =	ssyncadd.s32 $0xFFFFD800  }
0x42f: {  	[tilespmem:s3], [sflag:$0x3] =	stream.indirect.gather [hbm4b:s1+s29], $0x80, s8, s29, $0xb8;
	[tilespmem:$0x1D800] =	vst v63  }
0x430: {  	_ =	swait.ge [sflag:s5], $0x2800  }
0x431: {  	[sflag:s5] =	ssyncset.done $0x0  }
0x432: {  	s9 =	simm.s32 $0x1900;
	[sflag:s5] =	ssyncadd.s32 $0xFFFFD800  }
0x433: {  	[spmem:s2] =	stream.indirect.scatter.add.f32 [tilespmem:s25], [sflag:$0x4], $0x80, s9, s29, $0xb8;
	[tilespmem:$0x1D800] =	vst v63  }
0x434: {  	_ =	swait.ge [sflag:s26], $0x2800  }
0x435: {  	[sflag:s26] =	ssyncset.done $0x0  }
0x436: {  	s11 =	simm.s32 $0xA80;
	[sflag:s26] =	ssyncadd.s32 $0xFFFFD800  }
0x437: {  	[tilespmem:s25], [sflag:$0x1] =	stream.indirect.gather [hbm4b:s1+s29], $0x80, s11, s29, $0xb8;
	[tilespmem:$0x1D800] =	vst v63  }
0x438: {  	_ =	swait.ge [sflag:s7], $0x2800  }
0x439: {  	[sflag:s7] =	ssyncset.done $0x0  }
0x43a: {  	s12 =	simm.s32 $0x1980;
	[sflag:s7] =	ssyncadd.s32 $0xFFFFD800  }
0x43b: {  	[spmem:s2] =	stream.indirect.scatter.add.f32 [tilespmem:s31], [sflag:$0x4], $0x80, s12, s29, $0xb8;
	[tilespmem:$0x1D800] =	vst v63  }
0x43c: {  	_ =	swait.ge [sflag:s26], $0x2800  }
0x43d: {  	[sflag:s26] =	ssyncset.done $0x0  }
0x43e: {  	s13 =	simm.s32 $0xB00;
	[sflag:s26] =	ssyncadd.s32 $0xFFFFD800  }
0x43f: {  	[tilespmem:s31], [sflag:$0x2] =	stream.indirect.gather [hbm4b:s1+s29], $0x80, s13, s29, $0xb8;
	[tilespmem:$0x1D800] =	vst v63  }
0x440: {  	_ =	swait.ge [sflag:s10], $0x2800  }
0x441: {  	[sflag:s10] =	ssyncset.done $0x0  }
0x442: {  	s14 =	simm.s32 $0x1A00;
	[sflag:s10] =	ssyncadd.s32 $0xFFFFD800  }
0x443: {  	[spmem:s2] =	stream.indirect.scatter.add.f32 [tilespmem:s3], [sflag:$0x4], $0x80, s14, s29, $0xb8;
	[tilespmem:$0x1D800] =	vst v63  }
0x444: {  	_ =	swait.ge [sflag:s26], $0x2800  }
0x445: {  	[sflag:s26] =	ssyncset.done $0x0  }
0x446: {  	s15 =	simm.s32 $0xB80;
	[sflag:s26] =	ssyncadd.s32 $0xFFFFD800  }
0x447: {  	[tilespmem:s3], [sflag:$0x3] =	stream.indirect.gather [hbm4b:s1+s29], $0x80, s15, s29, $0xb8;
	[tilespmem:$0x1D800] =	vst v63  }
0x448: {  	_ =	swait.ge [sflag:s5], $0x2800  }
0x449: {  	[sflag:s5] =	ssyncset.done $0x0  }
0x44a: {  	s17 =	simm.s32 $0x1A80;
	[sflag:s5] =	ssyncadd.s32 $0xFFFFD800  }
0x44b: {  	[spmem:s2] =	stream.indirect.scatter.add.f32 [tilespmem:s25], [sflag:$0x4], $0x80, s17, s29, $0xb8;
	[tilespmem:$0x1D800] =	vst v63  }
0x44c: {  	_ =	swait.ge [sflag:s26], $0x2800  }
0x44d: {  	[sflag:s26] =	ssyncset.done $0x0  }
0x44e: {  	s18 =	simm.s32 $0xC00;
	[sflag:s26] =	ssyncadd.s32 $0xFFFFD800  }
0x44f: {  	[tilespmem:s25], [sflag:$0x1] =	stream.indirect.gather [hbm4b:s1+s29], $0x80, s18, s29, $0xb8;
	[tilespmem:$0x1D800] =	vst v63  }
0x450: {  	_ =	swait.ge [sflag:s7], $0x2800  }
0x451: {  	[sflag:s7] =	ssyncset.done $0x0  }
0x452: {  	s19 =	simm.s32 $0x1B00;
	[sflag:s7] =	ssyncadd.s32 $0xFFFFD800  }
0x453: {  	[spmem:s2] =	stream.indirect.scatter.add.f32 [tilespmem:s31], [sflag:$0x4], $0x80, s19, s29, $0xb8;
	[tilespmem:$0x1D800] =	vst v63  }
0x454: {  	_ =	swait.ge [sflag:s26], $0x2800  }
0x455: {  	[sflag:s26] =	ssyncset.done $0x0  }
0x456: {  	[sflag:s26] =	ssyncadd.s32 $0xFFFFD800  }
0x457: {  	_ =	swait.ge [sflag:s10], $0x2800  }
0x458: {  	[sflag:s10] =	ssyncset.done $0x0  }
0x459: {  	s20 =	simm.s32 $0x1B80;
	[sflag:s10] =	ssyncadd.s32 $0xFFFFD800  }
0x45a: {  	[spmem:s2] =	stream.indirect.scatter.add.f32 [tilespmem:s3], [sflag:$0x4], $0x80, s20, s29, $0xb8;
	[tilespmem:$0x1D800] =	vst v63  }
0x45b: {  	_ =	swait.ge [sflag:s26], $0x2800  }
0x45c: {  	[sflag:s26] =	ssyncset.done $0x0  }
0x45d: {  	[sflag:s26] =	ssyncadd.s32 $0xFFFFD800  }
0x45e: {  	_ =	swait.ge [sflag:s5], $0x2800  }
0x45f: {  	[sflag:s5] =	ssyncset.done $0x0  }
0x460: {  	s21 =	simm.s32 $0x1C00;
	[sflag:s5] =	ssyncadd.s32 $0xFFFFD800  }
0x461: {  	[spmem:s2] =	stream.indirect.scatter.add.f32 [tilespmem:s25], [sflag:$0x4], $0x80, s21, s29, $0xb8;
	[tilespmem:$0x1D800] =	vst v63  }
0x462: {  	_ =	swait.ge [sflag:s26], $0x2800  }
0x463: {  	[sflag:s26] =	ssyncset.done $0x0  }
0x464: {  	[sflag:s26] =	ssyncadd.s32 $0xFFFFD800  }
0x465: {  	s22 =	stileid.u32;
	[bflag:$0x0] =	sbarrier.arrive $0xFFFF  }
0x466: {  	s18 =	sshll.u32 s22, $0x6;
	s23 =	rddreg [dreg:$0xf]  }
0x467: {  	s18 =	sor.u32 $0x1C04, s18;
	s28 =	rddreg [dreg:$0xe];
	s24 =	sshrl.u32 s23, $0x3  }
0x468: {  	[hbm:s28], [sflag:s18] =	dma.local [spmem:s24], $0x2800  }
0x469: {  	_ =	swait.ge [sflag:s26], $0x2800  }
0x46a: {  	s16 =	sadd.s32 $0x1, s16;
	s30 =	rddreg [dreg:$0x10]  }
0x46b: {  	p0 =	sne.s32 s16, s30  }
.Ltmp1:
0x46c: {  	_ = 	snop;
	(pc) =	sbr.rel @p0 .LBB2_1-.Ltmp1, $3  }
0x46d: {  	_ =	sdelay $0x1  }
0x46e: {  	[sflag:s26] =	ssyncset.done $0x0  }
0x46f: {  	[sflag:s26] =	ssyncadd.s32 $0xFFFFD800  }
0x470: {  	_ =	sfence.sel $0x180000  }
0x471: {  	[bflag:$0x0] =	sbarrier.arrive $0xFFFF  }
0x472: {  	_ =	strace $0x9000004A  }
0x473: {  	s0 =	stileid.u32;
	[bflag:$0x2] =	sbarrier.arrive $0xFFFF  }
0x474: {  	p0 =	sne.s32 s0, $0x0;
	s0 =	rddreg [dreg:$0x3]  }
0x475: {  	s0 =	sadd.s32 @!p0 $0x100000, s0  }
0x476: {  	[sflag:s0] =	ssyncadd.tile.s32 @!p0 $0x1;
	_ =	shalt  }
.Lfunc_end2:
_tile_overlayer_lowered:
.L_overlay_start_2:
0x477: {  	(tag) =	ssettag $0x2  }
0x478: {  	s0 =	rddreg [dreg:$0x0];
	s2 =	stileid.u32  }
0x479: {  	s1 =	rddreg [dreg:$0x1];
	p0 =	sne.s32 s2, $0x0  }
0x47a: {  	s3 =	rddreg [dreg:$0x2];
	[bflag:$0x3] =	sbarrier.arrive $0xFFFF;
	s2 =	simm.s32 @!p0 $0x1C04  }
0x47b: {  	[timem:s3], [sflag:s2] =	dma.local @!p0 [hbm:s0], s1  }
0x47c: {  	s0 =	simm.s32 @!p0 $0x4  }
0x47d: {  	_ =	swait.ge @!p0 [sflag:s0], s1  }
0x47e: {  	s1 =	ssub.s32 @!p0 $0x0, s1;
	[sflag:s0] =	ssyncset.done @!p0 $0x0  }
0x47f: {  	[sflag:s0] =	ssyncadd.s32 @!p0 s1  }
0x480: {  	[bflag:$0x3] =	sbarrier.arrive $0xFFFF  }
0x481: {  	_ =	shalt  }

</sc_bundles>
